<compile_context>
chip_gen: v7x
topology: tpu7x:2x2x1
jax: 0.10.2.dev20260603
libtpu: 0.0.44.dev20260713+nightly
codegen_flags: <defaults>
</compile_context>

<pallas_src>
import functools

import jax
import jax.numpy as jnp
from jax import lax
from jax.experimental import pallas as pl
from jax.experimental.pallas import tpu as pltpu
from jax.experimental.pallas import tpu_sc as plsc

B, T, D, V = 8, 512, 256, 8192
N_POOL = 262144
MIN_K, MAX_K = 8, 64
LOOPS = 2
HALT_THRESHOLD = 0.99

NEG = -3.0e38


NW = 32
_BPW = (B * T) // NW


def _sc_embed(table, ids):
  mesh = plsc.VectorSubcoreMesh(core_axis_name="c", subcore_axis_name="s")

  @functools.partial(
      pl.kernel,
      out_type=jax.ShapeDtypeStruct((B * T, D), jnp.float32),
      mesh=mesh,
      scratch_types=[
          pltpu.VMEM((_BPW,), jnp.int32),
          pltpu.VMEM((_BPW, D), jnp.float32),
          pltpu.SemaphoreType.DMA,
      ],
      compiler_params=pltpu.CompilerParams(needs_layout_passes=False),
  )
  def k(table_hbm, idx_hbm, out_hbm, idx_v, rows_v, sem):
    wid = lax.axis_index("s") * 2 + lax.axis_index("c")
    base = wid * _BPW
    pltpu.sync_copy(idx_hbm.at[pl.ds(base, _BPW)], idx_v)
    pltpu.async_copy(table_hbm.at[idx_v], rows_v, sem).wait()
    pltpu.sync_copy(rows_v, out_hbm.at[pl.ds(base, _BPW)])

  return k(table, ids)



N_CHUNKS = 2
CHUNK = N_POOL // N_CHUNKS
STRIP = CHUNK // 4
NVREG = STRIP // 16
CAPL = 128
SEG = 16
NSEG = NVREG // (4 * SEG)


def _extract_top64(vals_ref, idx_ref, out_v_ref, out_i_ref, cnt_vec, hi):
  lane = lax.iota(jnp.int32, 16)
  lane0 = lane == 0

  def iter_k(k, _):
    def scan_j(jo, c):
      bv, bj = c
      for u in range(2):
        j = jo * 2 + u
        v = vals_ref[pl.ds(j * 16, 16)]
        v = jnp.where(j < cnt_vec, v, NEG)
        gt = v > bv
        bv = jnp.where(gt, v, bv)
        bj = jnp.where(gt, j, bj)
      return bv, bj

    bv, bj = lax.fori_loop(
        0, (hi + 1) // 2, scan_j,
        (jnp.full((16,), NEG, jnp.float32), jnp.zeros((16,), jnp.int32)))
    m = jnp.max(bv)
    pos_c = jnp.where(bv == m, bj * 16 + lane, jnp.int32(2**30))
    pos = jnp.min(pos_c)
    posv = jnp.zeros((16,), jnp.int32) + pos
    gi = plsc.load_gather(idx_ref, [posv])
    kv = jnp.zeros((16,), jnp.int32) + k
    plsc.store_scatter(out_v_ref, [kv], jnp.zeros((16,), jnp.float32) + m,
                       mask=lane0)
    plsc.store_scatter(out_i_ref, [kv], gi, mask=lane0)
    plsc.store_scatter(vals_ref, [posv],
                       jnp.full((16,), NEG, jnp.float32), mask=lane0)
    return m

  return lax.fori_loop(0, 64, iter_k, jnp.float32(0))


@functools.lru_cache(maxsize=None)
def _sc_topk_kernel(chunk_base):
  mesh = plsc.VectorSubcoreMesh(core_axis_name="c", subcore_axis_name="s")

  @functools.partial(
      pl.kernel,
      out_type=(jax.ShapeDtypeStruct((B * 4 * 64,), jnp.float32),
                jax.ShapeDtypeStruct((B * 4 * 64,), jnp.int32),
                jax.ShapeDtypeStruct((B * 4 * 64, D), jnp.float32)),
      mesh=mesh,
      scratch_types=[
          pltpu.VMEM((STRIP,), jnp.float32),
          pltpu.VMEM((CAPL * 16,), jnp.float32),
          pltpu.VMEM((CAPL * 16,), jnp.int32),
          pltpu.VMEM((64,), jnp.float32),
          pltpu.VMEM((64,), jnp.int32),
          pltpu.VMEM((64, D), jnp.float32),
          pltpu.SemaphoreType.DMA,
      ],
      compiler_params=pltpu.CompilerParams(needs_layout_passes=False,
                                           use_tc_tiling_on_sc=True),
  )
  def k(scores_hbm, pool_hbm, tv_hbm, ti_hbm, gr_hbm,
        buf, cvals, cidx, rvals, ridx, rows_v, sem):
    c = lax.axis_index("c")
    s = lax.axis_index("s")
    row = c * 4 + s // 4
    quarter = s % 4
    qbase = chunk_base + quarter * STRIP
    wslot = row * 4 + quarter
    lane = lax.iota(jnp.int32, 16)

    pltpu.sync_copy(
        scores_hbm.at[row, pl.ds(quarter * STRIP, STRIP)], buf)

    def pa_body(jb, ms):
      out = list(ms)
      for h in range(2):
        for u in range(4):
          v = buf[pl.ds((jb * 8 + h * 4 + u) * 16, 16)]
          out[u] = jnp.maximum(out[u], v)
      return tuple(out)

    negs = jnp.full((16,), NEG, jnp.float32)
    m0, m1, m2, m3 = lax.fori_loop(0, NVREG // 8, pa_body,
                                   (negs, negs, negs, negs))
    tau0 = jnp.min(jnp.minimum(jnp.minimum(m0, m1), jnp.minimum(m2, m3)))

    def scan_body(jo, carry):
      tau, cnt = carry
      for u in range(4):
        j = jo * 4 + u
        v = buf[pl.ds(j * 16, 16)]
        msk = v >= tau
        flat = cnt * 16 + lane
        plsc.store_scatter(cvals, [flat], v, mask=msk)
        gidx = (qbase + j * 16) + lane
        plsc.store_scatter(cidx, [flat], gidx, mask=msk)
        cnt = cnt + jnp.where(msk, 1, 0)
      return tau, cnt

    def do_rebuild(carry):
      _, cnt = carry
      hi = jnp.max(cnt)
      m64 = _extract_top64(cvals, cidx, rvals, ridx, cnt, hi)
      for u in range(4):
        cvals[pl.ds(u * 16, 16)] = rvals[pl.ds(u * 16, 16)]
        cidx[pl.ds(u * 16, 16)] = ridx[pl.ds(u * 16, 16)]
      return (jnp.zeros((16,), jnp.float32) + m64,
              jnp.full((16,), 4, jnp.int32))

    def seg_body(sg, carry):
      _, cnt = carry
      carry = lax.cond(jnp.max(cnt) > CAPL - 4 * SEG, do_rebuild,
                       lambda x: x, carry)
      return lax.fori_loop(sg * SEG, (sg + 1) * SEG, scan_body, carry)

    tau_v = jnp.zeros((16,), jnp.float32) + tau0
    cnt_v = jnp.zeros((16,), jnp.int32)
    _, cnt_v = lax.fori_loop(0, NSEG, seg_body, (tau_v, cnt_v))

    _extract_top64(cvals, cidx, rvals, ridx, cnt_v, jnp.max(cnt_v))
    pltpu.async_copy(pool_hbm.at[ridx], rows_v, sem).wait()
    pltpu.sync_copy(rvals, tv_hbm.at[pl.ds(wslot * 64, 64)])
    pltpu.sync_copy(ridx, ti_hbm.at[pl.ds(wslot * 64, 64)])
    pltpu.sync_copy(rows_v, gr_hbm.at[pl.ds(wslot * 64, 64)])

  return k


def _sc_topk(scores_chunk_flat, pool, chunk_base):
  return _sc_topk_kernel(chunk_base)(scores_chunk_flat, pool)




def _qk_aux(h, b, wk_ref, bk_ref, q_ref, aux_ref):
  qb = jnp.mean(h, axis=0, keepdims=True)
  kf = jax.nn.sigmoid(jnp.sum(qb * wk_ref[...]) + bk_ref[0, 0])
  kd = MIN_K + jnp.floor(kf * (MAX_K - MIN_K))
  q_ref[pl.ds(b, 1), :] = qb
  onehot = (lax.broadcasted_iota(jnp.int32, (B, 128), 0) == b)
  @pl.when(b == 0)
  def _():
    aux_ref[...] = jnp.zeros((B, 128), jnp.float32)
  aux_ref[...] = jnp.where(onehot, kd, aux_ref[...])


def _encode_body(rows_ref, we_ref, be_ref, wk_ref, bk_ref,
                 out_ref, q_ref, aux_ref):
  b = pl.program_id(0)
  h = jnp.dot(rows_ref[...], we_ref[...],
              preferred_element_type=jnp.float32) + be_ref[...]
  h = jax.nn.gelu(h)
  out_ref[0] = h
  _qk_aux(h, b, wk_ref, bk_ref, q_ref, aux_ref)


def _tc_encode(rows, W_enc, b_enc, W_khead, b_khead):
  return pl.pallas_call(
      _encode_body,
      grid=(B,),
      in_specs=[
          pl.BlockSpec((T, D), lambda b: (b, 0)),
          pl.BlockSpec((D, D), lambda b: (0, 0)),
          pl.BlockSpec((1, D), lambda b: (0, 0)),
          pl.BlockSpec((1, D), lambda b: (0, 0)),
          pl.BlockSpec((1, 128), lambda b: (0, 0)),
      ],
      out_specs=[
          pl.BlockSpec((1, T, D), lambda b: (b, 0, 0)),
          pl.BlockSpec((B, D), lambda b: (0, 0)),
          pl.BlockSpec((B, 128), lambda b: (0, 0)),
      ],
      out_shape=[
          jax.ShapeDtypeStruct((B, T, D), jnp.float32),
          jax.ShapeDtypeStruct((B, D), jnp.float32),
          jax.ShapeDtypeStruct((B, 128), jnp.float32),
      ],
  )(rows, W_enc, b_enc.reshape(1, D), W_khead.reshape(1, D),
    jnp.pad(b_khead, (0, 127)).reshape(1, 128))


_SCORE_BLK = 8192


def _scores_body(q_ref, pool_ref, scores_ref):
  scores_ref[...] = lax.dot_general(
      q_ref[...], pool_ref[...], (((1,), (1,)), ((), ())),
      preferred_element_type=jnp.float32)


def _tc_scores(q, pool, chunk_idx):
  off = chunk_idx * (CHUNK // _SCORE_BLK)
  return pl.pallas_call(
      _scores_body,
      grid=(CHUNK // _SCORE_BLK,),
      in_specs=[
          pl.BlockSpec((B, D), lambda j: (0, 0)),
          pl.BlockSpec((_SCORE_BLK, D), lambda j: (j + off, 0)),
      ],
      out_specs=pl.BlockSpec((B, _SCORE_BLK), lambda j: (0, j)),
      out_shape=jax.ShapeDtypeStruct((B, CHUNK), jnp.float32),
  )(q, pool)


_NCC = 4 * 64
_NC = N_CHUNKS * _NCC


def _integrate_body(state_ref, tv1_ref, ti1_ref, gr1_ref, tv2_ref, ti2_ref,
                    gr2_ref, aux_ref, halt_ref,
                    mask_ref, w1a_ref, w1b_ref, b1_ref, w2_ref, b2_ref,
                    g_ref, beta_ref, wh_ref, bh_ref, wk_ref, bk_ref,
                    nstate_ref, nhalt_ref, nmask_ref, q_ref, naux_ref):
  b = pl.program_id(0)
  st = state_ref[0]
  tv = jnp.concatenate(
      [tv1_ref[pl.ds(b, 1), :], tv2_ref[pl.ds(b, 1), :]], axis=1)
  pos_row = jnp.concatenate(
      [ti1_ref[pl.ds(b, 1), :], ti2_ref[pl.ds(b, 1), :]],
      axis=1).astype(jnp.float32)
  eye = (lax.broadcasted_iota(jnp.int32, (_NC, _NC), 0) ==
         lax.broadcasted_iota(jnp.int32, (_NC, _NC), 1)).astype(jnp.float32)
  v_col = lax.dot_general(eye, tv, (((1,), (1,)), ((), ())),
                          preferred_element_type=jnp.float32)
  pos_col = lax.dot_general(eye, pos_row, (((1,), (1,)), ((), ())),
                            preferred_element_type=jnp.float32)
  beats = (tv > v_col) | ((tv == v_col) & (pos_row < pos_col))
  rank = jnp.sum(beats.astype(jnp.float32), axis=1, keepdims=True)
  kd = aux_ref[pl.ds(b, 1), 0:1]
  ml = jnp.where(rank < kd, v_col, jnp.float32(-1e9))
  m0 = jnp.max(ml, axis=0, keepdims=True)
  e = jnp.exp(ml - m0)
  w = e / jnp.sum(e, axis=0, keepdims=True)
  rv = (lax.dot_general(w[0:_NCC, :], gr1_ref[0], (((0,), (0,)), ((), ())),
                        preferred_element_type=jnp.float32) +
        lax.dot_general(w[_NCC:_NC, :], gr2_ref[0], (((0,), (0,)), ((), ())),
                        preferred_element_type=jnp.float32))

  h = jnp.dot(st, w1a_ref[...], preferred_element_type=jnp.float32)
  h = h + jnp.dot(rv, w1b_ref[...], preferred_element_type=jnp.float32)
  h = jax.nn.gelu(h + b1_ref[...])
  h = jnp.dot(h, w2_ref[...], preferred_element_type=jnp.float32)
  h = h + b2_ref[...]
  mu = jnp.mean(h, axis=1, keepdims=True)
  var = jnp.mean((h - mu) * (h - mu), axis=1, keepdims=True)
  ln = (h - mu) / jnp.sqrt(var + 1e-6) * g_ref[...] + beta_ref[...]

  cand = st + ln
  p = jax.nn.sigmoid(
      jnp.sum(cand * wh_ref[...], axis=1, keepdims=True) + bh_ref[0, 0])
  onehot = (lax.broadcasted_iota(jnp.int32, (1, B), 1) == b)
  oh_f = onehot.astype(jnp.float32)
  hm8 = mask_ref[...]
  hp8 = halt_ref[...]
  hm = jnp.sum(hm8 * oh_f, axis=1, keepdims=True)
  hp = jnp.sum(hp8 * oh_f, axis=1, keepdims=True)
  nh = hp + p * (1.0 - hm)
  nst = (1.0 - hm) * cand + hm * st
  nstate_ref[0] = nst
  _qk_aux(nst, b, wk_ref, bk_ref, q_ref, naux_ref)

  @pl.when(b == 0)
  def _():
    nhalt_ref[...] = hp8
    nmask_ref[...] = hm8

  nhb = jnp.broadcast_to(nh, (T, B))
  nmb = (nhb >= HALT_THRESHOLD).astype(jnp.float32)
  oh8 = jnp.broadcast_to(onehot, (T, B))
  nhalt_ref[...] = jnp.where(oh8, nhb, nhalt_ref[...])
  nmask_ref[...] = jnp.where(oh8, nmb, nmask_ref[...])


def _tc_integrate(state, chunks, aux, halt, mask,
                  W_i1, b_i1, W_i2, b_i2, ln_g, ln_b, W_halt, b_halt,
                  W_khead, b_khead):
  (tv1, ti1, gr1), (tv2, ti2, gr2) = chunks
  full = lambda *shape: pl.BlockSpec(shape, lambda b: (0,) * len(shape))
  return pl.pallas_call(
      _integrate_body,
      grid=(B,),
      in_specs=[
          pl.BlockSpec((1, T, D), lambda b: (b, 0, 0)),
          full(B, _NCC),
          full(B, _NCC),
          pl.BlockSpec((1, _NCC, D), lambda b: (b, 0, 0)),
          full(B, _NCC),
          full(B, _NCC),
          pl.BlockSpec((1, _NCC, D), lambda b: (b, 0, 0)),
          full(B, 128),
          full(T, B),
          full(T, B),
          full(D, D),
          full(D, D),
          full(1, D),
          full(D, D),
          full(1, D),
          full(1, D),
          full(1, D),
          full(1, D),
          full(1, 128),
          full(1, D),
          full(1, 128),
      ],
      out_specs=[
          pl.BlockSpec((1, T, D), lambda b: (b, 0, 0)),
          full(T, B),
          full(T, B),
          full(B, D),
          full(B, 128),
      ],
      out_shape=[
          jax.ShapeDtypeStruct((B, T, D), jnp.float32),
          jax.ShapeDtypeStruct((T, B), jnp.float32),
          jax.ShapeDtypeStruct((T, B), jnp.float32),
          jax.ShapeDtypeStruct((B, D), jnp.float32),
          jax.ShapeDtypeStruct((B, 128), jnp.float32),
      ],
  )(state, tv1.reshape(B, _NCC), ti1.reshape(B, _NCC),
    gr1.reshape(B, _NCC, D), tv2.reshape(B, _NCC), ti2.reshape(B, _NCC),
    gr2.reshape(B, _NCC, D), aux, halt, mask,
    W_i1[:D], W_i1[D:], b_i1.reshape(1, D), W_i2, b_i2.reshape(1, D),
    ln_g.reshape(1, D), ln_b.reshape(1, D), W_halt.reshape(1, D),
    jnp.pad(b_halt, (0, 127)).reshape(1, 128), W_khead.reshape(1, D),
    jnp.pad(b_khead, (0, 127)).reshape(1, 128))


def _decode_body(state_ref, wd_ref, bd_ref, out_ref):
  out_ref[0] = jnp.dot(state_ref[0], wd_ref[...],
                       preferred_element_type=jnp.float32) + bd_ref[...]


def _tc_decode(state, W_dec, b_dec):
  return pl.pallas_call(
      _decode_body,
      grid=(B,),
      in_specs=[
          pl.BlockSpec((1, T, D), lambda b: (b, 0, 0)),
          pl.BlockSpec((D, V), lambda b: (0, 0)),
          pl.BlockSpec((1, V), lambda b: (0, 0)),
      ],
      out_specs=pl.BlockSpec((1, T, V), lambda b: (b, 0, 0)),
      out_shape=jax.ShapeDtypeStruct((B, T, V), jnp.float32),
  )(state.astype(jnp.bfloat16), W_dec.astype(jnp.bfloat16),
    b_dec.reshape(1, V))




def kernel(input_ids, embed_table, W_enc, b_enc, pool_vectors, W_q, b_q,
           W_khead, b_khead, W_i1, b_i1, W_i2, b_i2, ln_g, ln_b,
           W_halt, b_halt, W_dec, b_dec):
  ids = input_ids.reshape(-1).astype(jnp.int32)
  rows = _sc_embed(embed_table, ids)
  state, q, aux = _tc_encode(rows, W_enc, b_enc, W_khead, b_khead)
  halt = jnp.zeros((T, B), jnp.float32)
  mask = jnp.zeros((T, B), jnp.float32)
  for _ in range(LOOPS):
    chunks = []
    for ci in range(N_CHUNKS):
      scores_c = _tc_scores(q, pool_vectors, ci)
      chunks.append(_sc_topk(scores_c, pool_vectors, ci * CHUNK))
    state, halt, mask, q, aux = _tc_integrate(
        state, chunks, aux, halt, mask, W_i1, b_i1, W_i2, b_i2,
        ln_g, ln_b, W_halt, b_halt, W_khead, b_khead)
  logits = _tc_decode(state, W_dec, b_dec)
  return (logits, LOOPS)

# --- scband reference (transcript-rebuilt; emitter-appended) ---
"""Pipeline reference for scband-dpsnr-86431921865011 (READ-ONLY COPY).

The authoritative reference and input builder live on the scoring server;
editing this copy changes nothing except your own understanding.
"""

import jax, jax.numpy as jnp
import numpy as np

B, T, D, V = 8, 512, 256, 8192
N_POOL = 262144
MIN_K, MAX_K = 8, 64
LOOPS = 2
HALT_THRESHOLD = 0.99


def _layer_norm(x, g, b, eps=1e-6):
    mu = jnp.mean(x, axis=-1, keepdims=True)
    var = jnp.var(x, axis=-1, keepdims=True)
    return (x - mu) / jnp.sqrt(var + eps) * g + b


def setup_inputs(seed: int = 0) -> dict:
    key = jax.random.key(seed)
    ks = jax.random.split(key, 24)
    s = 0.02
    inp = {}
    inp['input_ids'] = jax.random.randint(ks[0], (B, T), 0, V)
    inp['embed_table'] = jax.random.normal(ks[1], (V, D), dtype=jnp.float32) * s
    inp['W_enc'] = jax.random.normal(ks[2], (D, D), dtype=jnp.float32) * s
    inp['b_enc'] = jnp.zeros((D,), jnp.float32)
    inp['pool_vectors'] = jax.random.normal(ks[3], (N_POOL, D), dtype=jnp.float32) * s
    inp['W_q'] = jax.random.normal(ks[4], (D, D), dtype=jnp.float32) * s
    inp['b_q'] = jnp.zeros((D,), jnp.float32)
    inp['W_khead'] = jax.random.normal(ks[5], (D, 1), dtype=jnp.float32) * s
    inp['b_khead'] = jnp.zeros((1,), jnp.float32)
    inp['W_i1'] = jax.random.normal(ks[6], (2 * D, D), dtype=jnp.float32) * s
    inp['b_i1'] = jnp.zeros((D,), jnp.float32)
    inp['W_i2'] = jax.random.normal(ks[7], (D, D), dtype=jnp.float32) * s
    inp['b_i2'] = jnp.zeros((D,), jnp.float32)
    inp['ln_g'] = jnp.ones((D,), jnp.float32)
    inp['ln_b'] = jnp.zeros((D,), jnp.float32)
    inp['W_halt'] = jax.random.normal(ks[8], (D, 1), dtype=jnp.float32) * s
    inp['b_halt'] = jnp.zeros((1,), jnp.float32)
    inp['W_dec'] = jax.random.normal(ks[9], (D, V), dtype=jnp.float32) * s
    inp['b_dec'] = jnp.zeros((V,), jnp.float32)
    return inp


def _forward(input_ids, embed_table, W_enc, b_enc, pool_vectors, W_q, b_q,
             W_khead, b_khead, W_i1, b_i1, W_i2, b_i2, ln_g, ln_b,
             W_halt, b_halt, W_dec, b_dec):
    # TinyController.encode: embedding lookup + projection
    hidden = jnp.take(embed_table, input_ids, axis=0)
    hidden = jax.nn.gelu(hidden @ W_enc + b_enc)
    state_hidden = hidden
    halt_prob = jnp.zeros((B, T, 1), jnp.float32)
    halted_mask = jnp.zeros((B, T, 1), jnp.float32)
    for i in range(LOOPS):
        prev_state_hidden = state_hidden
        # RetrievalRouter: query projection + dynamic-k head
        query = state_hidden @ W_q + b_q  # computed but unused downstream, matching original
        pooled = jnp.mean(state_hidden, axis=1)  # [B, D]
        k_frac = jax.nn.sigmoid(pooled @ W_khead + b_khead)  # [B, 1]
        k_dynamic = MIN_K + jnp.floor(k_frac * (MAX_K - MIN_K))  # [B, 1]
        # HierarchicalMassivePool: dot-product scoring over the full pool + top-k gather
        q_pool = jnp.mean(state_hidden, axis=1)  # [B, D]
        scores = q_pool @ pool_vectors.T  # [B, N_POOL]
        top_vals, top_idx = jax.lax.top_k(scores, MAX_K)  # [B, MAX_K]
        slot_mask = (jnp.arange(MAX_K)[None, :] < k_dynamic).astype(jnp.float32)  # [B, MAX_K]
        masked_logits = jnp.where(slot_mask > 0, top_vals, jnp.full_like(top_vals, -1e9))
        w = jax.nn.softmax(masked_logits, axis=-1)
        gathered = jnp.take(pool_vectors, top_idx, axis=0)  # [B, MAX_K, D]
        retrieved = jnp.sum(w[..., None] * gathered, axis=1)  # [B, D]
        retrieved_expanded = jnp.broadcast_to(retrieved[:, None, :], (B, T, D))
        combined = jnp.concatenate([state_hidden, retrieved_expanded], axis=-1)
        # retrieval_integrator: Dense -> gelu -> Dense -> LayerNorm
        integrated = jax.nn.gelu(combined @ W_i1 + b_i1) @ W_i2 + b_i2
        integrated = _layer_norm(integrated, ln_g, ln_b)
        # AdaptiveComputeController
        candidate = state_hidden + integrated
        p = jax.nn.sigmoid(candidate @ W_halt + b_halt)  # [B, T, 1]
        new_halt_prob = halt_prob + p * (1.0 - halted_mask)
        new_halted_mask = (new_halt_prob >= HALT_THRESHOLD).astype(jnp.float32)
        update_mask = 1.0 - halted_mask
        state_hidden = update_mask * candidate + halted_mask * prev_state_hidden
        halt_prob = new_halt_prob
        halted_mask = new_halted_mask
    # TinyController.decode
    logits = state_hidden @ W_dec + b_dec
    return logits


def reference(input_ids, embed_table, W_enc, b_enc, pool_vectors, W_q, b_q,
              W_khead, b_khead, W_i1, b_i1, W_i2, b_i2, ln_g, ln_b,
              W_halt, b_halt, W_dec, b_dec):
    logits = _forward(input_ids, embed_table, W_enc, b_enc, pool_vectors, W_q, b_q,
                      W_khead, b_khead, W_i1, b_i1, W_i2, b_i2, ln_g, ln_b,
                      W_halt, b_halt, W_dec, b_dec)
    return (logits, LOOPS)

if __name__ == "__main__":
    import jax
    _d = setup_inputs()
    print(jax.jit(kernel)(*tuple(_d.values())))

</pallas_src>

<mosaic_0001>
#map = affine_map<(d0, d1) -> (0, 0)>
#map1 = affine_map<(d0, d1) -> (0)>
module attributes {stable_mosaic.version = 14 : i64} {
  func.func @k(%arg0: i32, %arg1: i32, %arg2: memref<8x131072xf32, #tpu.memory_space<hbm>>, %arg3: memref<262144x256xf32, #tpu.memory_space<hbm>>, %arg4: memref<2048xf32, #tpu.memory_space<hbm>>, %arg5: memref<2048xi32, #tpu.memory_space<hbm>>, %arg6: memref<2048x256xf32, #tpu.memory_space<hbm>>, %arg7: memref<32768xf32, #tpu.memory_space<vmem>>, %arg8: memref<2048xf32, #tpu.memory_space<vmem>>, %arg9: memref<2048xi32, #tpu.memory_space<vmem>>, %arg10: memref<64xf32, #tpu.memory_space<vmem>>, %arg11: memref<64xi32, #tpu.memory_space<vmem>>, %arg12: memref<64x256xf32, #tpu.memory_space<vmem>>, %arg13: memref<!tpu.dma_semaphore, #tpu.memory_space<semaphore_mem>>) attributes {dimension_semantics = [#tpu.dimension_semantics<core_parallel>, #tpu.dimension_semantics<subcore_parallel>], iteration_bounds = array<i64: 2, 16>, scalar_prefetch = 0 : i64, scratch_operands = 7 : i64, tpu.core_type = #tpu.core_type<sc_vector_subcore>, window_params = [{transform_indices = #map}, {transform_indices = #map}, {transform_indices = #map1}, {transform_indices = #map1}, {transform_indices = #map}]} {
    %mul3A = arith.constant 4 : i32
    %mul3A_0 = arith.muli %arg0, %mul3A : i32
    %jit3A = arith.constant 4 : i32
    %div3A = arith.divsi %arg1, %jit3A : i32
    %sign3A = arith.constant 0 : i32
    %sign3A_1 = arith.cmpi sgt, %arg1, %sign3A : i32
    %sign3A_2 = arith.extui %sign3A_1 : i1 to i32
    %sign3A_3 = arith.constant 0 : i32
    %sign3A_4 = arith.cmpi slt, %arg1, %sign3A_3 : i32
    %sign3A_5 = arith.extui %sign3A_4 : i1 to i32
    %sign3A_6 = arith.subi %sign3A_2, %sign3A_5 : i32
    %sign3A_7 = arith.constant 0 : i32
    %sign3A_8 = arith.cmpi sgt, %jit3A, %sign3A_7 : i32
    %sign3A_9 = arith.extui %sign3A_8 : i1 to i32
    %sign3A_10 = arith.constant 0 : i32
    %sign3A_11 = arith.cmpi slt, %jit3A, %sign3A_10 : i32
    %sign3A_12 = arith.extui %sign3A_11 : i1 to i32
    %sign3A_13 = arith.subi %sign3A_9, %sign3A_12 : i32
    %ne3A = arith.cmpi ne, %sign3A_6, %sign3A_13 : i32
    %rem3A = arith.remsi %arg1, %jit3A : i32
    %ne3A_14 = arith.constant 0 : i32
    %ne3A_15 = arith.cmpi ne, %rem3A, %ne3A_14 : i32
    %and3A = arith.andi %ne3A, %ne3A_15 : i1
    %sub3A = arith.constant 1 : i32
    %sub3A_16 = arith.subi %div3A, %sub3A : i32
    %select_n3A = arith.select %and3A, %sub3A_16, %div3A : i32
    %add3A = arith.addi %mul3A_0, %select_n3A : i32
    %jit3A_17 = arith.constant 4 : i32
    %eq3A = arith.constant 0 : i32
    %eq3A_18 = arith.cmpi eq, %jit3A_17, %eq3A : i32
    %jit3A_19 = arith.constant 1 : i32
    %select_n3A_20 = arith.select %eq3A_18, %jit3A_19, %jit3A_17 : i32
    %rem3A_21 = arith.remsi %arg1, %select_n3A_20 : i32
    %ne3A_22 = arith.constant 0 : i32
    %ne3A_23 = arith.cmpi ne, %rem3A_21, %ne3A_22 : i32
    %lt3A = arith.constant 0 : i32
    %lt3A_24 = arith.cmpi slt, %rem3A_21, %lt3A : i32
    %lt3A_25 = arith.constant 0 : i32
    %lt3A_26 = arith.cmpi slt, %select_n3A_20, %lt3A_25 : i32
    %ne3A_27 = arith.xori %lt3A_24, %lt3A_26 : i1
    %and3A_28 = arith.andi %ne3A_27, %ne3A_23 : i1
    %add3A_29 = arith.addi %rem3A_21, %select_n3A_20 : i32
    %select_n3A_30 = arith.select %and3A_28, %add3A_29, %rem3A_21 : i32
    %mul3A_31 = arith.constant 32768 : i32
    %mul3A_32 = arith.muli %select_n3A_30, %mul3A_31 : i32
    %add3A_33 = arith.constant 0 : i32
    %add3A_34 = arith.addi %add3A_33, %mul3A_32 : i32
    %mul3A_35 = arith.constant 4 : i32
    %mul3A_36 = arith.muli %add3A, %mul3A_35 : i32
    %add3A_37 = arith.addi %mul3A_36, %select_n3A_30 : i32
    %iota3A = tpu.iota {dimensions = array<i32: 0>} : vector<16xi32>
    %mul3A_38 = arith.constant 32768 : i32
    %mul3A_39 = arith.muli %select_n3A_30, %mul3A_38 : i32
    "tpu.region"() ({
      %run_scoped3A = tpu.sem_alloc : memref<!tpu.dma_semaphore, #tpu.memory_space<semaphore_mem>>
      %dma_start3A_91 = tpu.memref_slice %arg2[%add3A, %mul3A_39] : memref<8x131072xf32, #tpu.memory_space<hbm>> -> memref<1x32768xf32, #tpu.memory_space<hbm>>
      %dma_start3A_92 = tpu.memref_squeeze %dma_start3A_91 : memref<1x32768xf32, #tpu.memory_space<hbm>> -> memref<32768xf32, #tpu.memory_space<hbm>>
      %dma_start3A_93 = tpu.memref_slice %arg2[%add3A, %mul3A_39] : memref<8x131072xf32, #tpu.memory_space<hbm>> -> memref<1x32768xf32, #tpu.memory_space<hbm>>
      %dma_start3A_94 = tpu.memref_squeeze %dma_start3A_93 : memref<1x32768xf32, #tpu.memory_space<hbm>> -> memref<32768xf32, #tpu.memory_space<hbm>>
      tpu.enqueue_dma source(%dma_start3A_94 : memref<32768xf32, #tpu.memory_space<hbm>>) target(%arg7 : memref<32768xf32, #tpu.memory_space<vmem>>) target_semaphore(%run_scoped3A : memref<!tpu.dma_semaphore, #tpu.memory_space<semaphore_mem>>)
      %dma_wait3A_95 = tpu.memref_slice %arg2[%add3A, %mul3A_39] : memref<8x131072xf32, #tpu.memory_space<hbm>> -> memref<1x32768xf32, #tpu.memory_space<hbm>>
      %dma_wait3A_96 = tpu.memref_squeeze %dma_wait3A_95 : memref<1x32768xf32, #tpu.memory_space<hbm>> -> memref<32768xf32, #tpu.memory_space<hbm>>
      %dma_wait3A_97 = tpu.memref_slice %arg2[%add3A, %mul3A_39] : memref<8x131072xf32, #tpu.memory_space<hbm>> -> memref<1x32768xf32, #tpu.memory_space<hbm>>
      %dma_wait3A_98 = tpu.memref_squeeze %dma_wait3A_97 : memref<1x32768xf32, #tpu.memory_space<hbm>> -> memref<32768xf32, #tpu.memory_space<hbm>>
      tpu.wait_dma2 semaphore(%run_scoped3A : memref<!tpu.dma_semaphore, #tpu.memory_space<semaphore_mem>>) src(%dma_wait3A_98 : memref<32768xf32, #tpu.memory_space<hbm>>) dst(%arg7 : memref<32768xf32, #tpu.memory_space<vmem>>)
      tpu.yield
    }) : () -> ()
    %broadcast_in_dim3A = arith.constant -3.000000e+38 : f32
    %broadcast_in_dim3A_40 = vector.broadcast %broadcast_in_dim3A : f32 to vector<16xf32>
    %scan3A = arith.constant 0 : i32
    %scan3A_41 = arith.constant 256 : i32
    %scan3A_42 = arith.addi %scan3A, %scan3A_41 : i32
    %scan3A_43 = arith.constant 1 : i32
    %scan3A_44:4 = scf.for %scan3A_91 = %scan3A to %scan3A_42 step %scan3A_43 iter_args(%scan3A_92 = %broadcast_in_dim3A_40, %scan3A_93 = %broadcast_in_dim3A_40, %scan3A_94 = %broadcast_in_dim3A_40, %scan3A_95 = %broadcast_in_dim3A_40) -> (vector<16xf32>, vector<16xf32>, vector<16xf32>, vector<16xf32>)  : i32 {
      %mul3A_96 = arith.constant 8 : i32
      %mul3A_97 = arith.muli %scan3A_91, %mul3A_96 : i32
      %add3A_98 = arith.constant 0 : i32
      %add3A_99 = arith.addi %mul3A_97, %add3A_98 : i32
      %add3A_100 = arith.constant 0 : i32
      %add3A_101 = arith.addi %add3A_99, %add3A_100 : i32
      %mul3A_102 = arith.constant 16 : i32
      %mul3A_103 = arith.muli %add3A_101, %mul3A_102 : i32
      %get3A = arith.index_cast %mul3A_103 : i32 to index
      %get3A_104 = tpu.vector_load %arg7[%get3A] {strides = array<i32>} : memref<32768xf32, #tpu.memory_space<vmem>>, vector<16xf32>,
      %max3A = arith.maximumf %scan3A_92, %get3A_104 : vector<16xf32>
      %mul3A_105 = arith.constant 8 : i32
      %mul3A_106 = arith.muli %scan3A_91, %mul3A_105 : i32
      %add3A_107 = arith.constant 0 : i32
      %add3A_108 = arith.addi %mul3A_106, %add3A_107 : i32
      %add3A_109 = arith.constant 1 : i32
      %add3A_110 = arith.addi %add3A_108, %add3A_109 : i32
      %mul3A_111 = arith.constant 16 : i32
      %mul3A_112 = arith.muli %add3A_110, %mul3A_111 : i32
      %get3A_113 = arith.index_cast %mul3A_112 : i32 to index
      %get3A_114 = tpu.vector_load %arg7[%get3A_113] {strides = array<i32>} : memref<32768xf32, #tpu.memory_space<vmem>>, vector<16xf32>,
      %max3A_115 = arith.maximumf %scan3A_93, %get3A_114 : vector<16xf32>
      %mul3A_116 = arith.constant 8 : i32
      %mul3A_117 = arith.muli %scan3A_91, %mul3A_116 : i32
      %add3A_118 = arith.constant 0 : i32
      %add3A_119 = arith.addi %mul3A_117, %add3A_118 : i32
      %add3A_120 = arith.constant 2 : i32
      %add3A_121 = arith.addi %add3A_119, %add3A_120 : i32
      %mul3A_122 = arith.constant 16 : i32
      %mul3A_123 = arith.muli %add3A_121, %mul3A_122 : i32
      %get3A_124 = arith.index_cast %mul3A_123 : i32 to index
      %get3A_125 = tpu.vector_load %arg7[%get3A_124] {strides = array<i32>} : memref<32768xf32, #tpu.memory_space<vmem>>, vector<16xf32>,
      %max3A_126 = arith.maximumf %scan3A_94, %get3A_125 : vector<16xf32>
      %mul3A_127 = arith.constant 8 : i32
      %mul3A_128 = arith.muli %scan3A_91, %mul3A_127 : i32
      %add3A_129 = arith.constant 0 : i32
      %add3A_130 = arith.addi %mul3A_128, %add3A_129 : i32
      %add3A_131 = arith.constant 3 : i32
      %add3A_132 = arith.addi %add3A_130, %add3A_131 : i32
      %mul3A_133 = arith.constant 16 : i32
      %mul3A_134 = arith.muli %add3A_132, %mul3A_133 : i32
      %get3A_135 = arith.index_cast %mul3A_134 : i32 to index
      %get3A_136 = tpu.vector_load %arg7[%get3A_135] {strides = array<i32>} : memref<32768xf32, #tpu.memory_space<vmem>>, vector<16xf32>,
      %max3A_137 = arith.maximumf %scan3A_95, %get3A_136 : vector<16xf32>
      %mul3A_138 = arith.constant 8 : i32
      %mul3A_139 = arith.muli %scan3A_91, %mul3A_138 : i32
      %add3A_140 = arith.constant 4 : i32
      %add3A_141 = arith.addi %mul3A_139, %add3A_140 : i32
      %add3A_142 = arith.constant 0 : i32
      %add3A_143 = arith.addi %add3A_141, %add3A_142 : i32
      %mul3A_144 = arith.constant 16 : i32
      %mul3A_145 = arith.muli %add3A_143, %mul3A_144 : i32
      %get3A_146 = arith.index_cast %mul3A_145 : i32 to index
      %get3A_147 = tpu.vector_load %arg7[%get3A_146] {strides = array<i32>} : memref<32768xf32, #tpu.memory_space<vmem>>, vector<16xf32>,
      %max3A_148 = arith.maximumf %max3A, %get3A_147 : vector<16xf32>
      %mul3A_149 = arith.constant 8 : i32
      %mul3A_150 = arith.muli %scan3A_91, %mul3A_149 : i32
      %add3A_151 = arith.constant 4 : i32
      %add3A_152 = arith.addi %mul3A_150, %add3A_151 : i32
      %add3A_153 = arith.constant 1 : i32
      %add3A_154 = arith.addi %add3A_152, %add3A_153 : i32
      %mul3A_155 = arith.constant 16 : i32
      %mul3A_156 = arith.muli %add3A_154, %mul3A_155 : i32
      %get3A_157 = arith.index_cast %mul3A_156 : i32 to index
      %get3A_158 = tpu.vector_load %arg7[%get3A_157] {strides = array<i32>} : memref<32768xf32, #tpu.memory_space<vmem>>, vector<16xf32>,
      %max3A_159 = arith.maximumf %max3A_115, %get3A_158 : vector<16xf32>
      %mul3A_160 = arith.constant 8 : i32
      %mul3A_161 = arith.muli %scan3A_91, %mul3A_160 : i32
      %add3A_162 = arith.constant 4 : i32
      %add3A_163 = arith.addi %mul3A_161, %add3A_162 : i32
      %add3A_164 = arith.constant 2 : i32
      %add3A_165 = arith.addi %add3A_163, %add3A_164 : i32
      %mul3A_166 = arith.constant 16 : i32
      %mul3A_167 = arith.muli %add3A_165, %mul3A_166 : i32
      %get3A_168 = arith.index_cast %mul3A_167 : i32 to index
      %get3A_169 = tpu.vector_load %arg7[%get3A_168] {strides = array<i32>} : memref<32768xf32, #tpu.memory_space<vmem>>, vector<16xf32>,
      %max3A_170 = arith.maximumf %max3A_126, %get3A_169 : vector<16xf32>
      %mul3A_171 = arith.constant 8 : i32
      %mul3A_172 = arith.muli %scan3A_91, %mul3A_171 : i32
      %add3A_173 = arith.constant 4 : i32
      %add3A_174 = arith.addi %mul3A_172, %add3A_173 : i32
      %add3A_175 = arith.constant 3 : i32
      %add3A_176 = arith.addi %add3A_174, %add3A_175 : i32
      %mul3A_177 = arith.constant 16 : i32
      %mul3A_178 = arith.muli %add3A_176, %mul3A_177 : i32
      %get3A_179 = arith.index_cast %mul3A_178 : i32 to index
      %get3A_180 = tpu.vector_load %arg7[%get3A_179] {strides = array<i32>} : memref<32768xf32, #tpu.memory_space<vmem>>, vector<16xf32>,
      %max3A_181 = arith.maximumf %max3A_137, %get3A_180 : vector<16xf32>
      scf.yield %max3A_148, %max3A_159, %max3A_170, %max3A_181 : vector<16xf32>, vector<16xf32>, vector<16xf32>, vector<16xf32>
    }
    %scan3A_45 = arith.constant 256 : i32
    %min3A = arith.minimumf %scan3A_44#0, %scan3A_44#1 : vector<16xf32>
    %min3A_46 = arith.minimumf %scan3A_44#2, %scan3A_44#3 : vector<16xf32>
    %min3A_47 = arith.minimumf %min3A, %min3A_46 : vector<16xf32>
    %reduce_min3A = arith.constant true
    %reduce_min3A_48 = vector.broadcast %reduce_min3A : i1 to vector<16xi1>
    %reduce_min3A_49 = tpu.scan <min>, %min3A_47 masked %reduce_min3A_48 : vector<16xf32>, vector<16xi1> -> vector<16xf32>
    %reduce_min3A_50 = vector.extract %reduce_min3A_49[15] : f32 from vector<16xf32>
    %broadcast_in_dim3A_51 = arith.constant 0.000000e+00 : f32
    %broadcast_in_dim3A_52 = vector.broadcast %broadcast_in_dim3A_51 : f32 to vector<16xf32>
    %add3A_53 = vector.broadcast %reduce_min3A_50 : f32 to vector<16xf32>
    %add3A_54 = arith.addf %broadcast_in_dim3A_52, %add3A_53 : vector<16xf32>
    %broadcast_in_dim3A_55 = arith.constant 0 : i32
    %broadcast_in_dim3A_56 = vector.broadcast %broadcast_in_dim3A_55 : i32 to vector<16xi32>
    %scan3A_57 = arith.constant 0 : i32
    %scan3A_58 = arith.constant 32 : i32
    %scan3A_59 = arith.addi %scan3A_57, %scan3A_58 : i32
    %scan3A_60 = arith.constant 1 : i32
    %scan3A_61:2 = scf.for %scan3A_91 = %scan3A_57 to %scan3A_59 step %scan3A_60 iter_args(%scan3A_92 = %add3A_54, %scan3A_93 = %broadcast_in_dim3A_56) -> (vector<16xf32>, vector<16xi32>)  : i32 {
      %reduce_max3A_94 = arith.constant true
      %reduce_max3A_95 = vector.broadcast %reduce_max3A_94 : i1 to vector<16xi1>
      %reduce_max3A_96 = arith.constant -2147483648 : i32
      %reduce_max3A_97 = vector.broadcast %reduce_max3A_96 : i32 to vector<16xi32>
      %reduce_max3A_98 = arith.xori %scan3A_93, %reduce_max3A_97 : vector<16xi32>
      %reduce_max3A_99 = tpu.scan <max>, %reduce_max3A_98 masked %reduce_max3A_95 : vector<16xi32>, vector<16xi1> -> vector<16xi32>
      %reduce_max3A_100 = arith.xori %reduce_max3A_99, %reduce_max3A_97 : vector<16xi32>
      %reduce_max3A_101 = vector.extract %reduce_max3A_100[15] : i32 from vector<16xi32>
      %gt3A = arith.constant 64 : i32
      %gt3A_102 = arith.cmpi sgt, %reduce_max3A_101, %gt3A : i32
      %convert_element_type3A = arith.extui %gt3A_102 : i1 to i32
      %cond3A = arith.constant 0 : i32
      %cond3A_103 = arith.cmpi ne, %convert_element_type3A, %cond3A : i32
      %cond3A_104:2 = scf.if %cond3A_103 -> (vector<16xf32>, vector<16xi32>) {
        %reduce_max3A_120 = arith.constant true
        %reduce_max3A_121 = vector.broadcast %reduce_max3A_120 : i1 to vector<16xi1>
        %reduce_max3A_122 = arith.constant -2147483648 : i32
        %reduce_max3A_123 = vector.broadcast %reduce_max3A_122 : i32 to vector<16xi32>
        %reduce_max3A_124 = arith.xori %scan3A_93, %reduce_max3A_123 : vector<16xi32>
        %reduce_max3A_125 = tpu.scan <max>, %reduce_max3A_124 masked %reduce_max3A_121 : vector<16xi32>, vector<16xi1> -> vector<16xi32>
        %reduce_max3A_126 = arith.xori %reduce_max3A_125, %reduce_max3A_123 : vector<16xi32>
        %reduce_max3A_127 = vector.extract %reduce_max3A_126[15] : i32 from vector<16xi32>
        %iota3A_128 = tpu.iota {dimensions = array<i32: 0>} : vector<16xi32>
        %eq3A_129 = arith.constant 0 : i32
        %eq3A_130 = vector.broadcast %eq3A_129 : i32 to vector<16xi32>
        %eq3A_131 = arith.cmpi eq, %iota3A_128, %eq3A_130 : vector<16xi32>
        %scan3A_132 = arith.constant 0.000000e+00 : f32
        %scan3A_133 = arith.constant 0 : i32
        %scan3A_134 = arith.constant 64 : i32
        %scan3A_135 = arith.addi %scan3A_133, %scan3A_134 : i32
        %scan3A_136 = arith.constant 1 : i32
        %scan3A_137 = scf.for %scan3A_175 = %scan3A_133 to %scan3A_135 step %scan3A_136 iter_args(%scan3A_176 = %scan3A_132) -> (f32)  : i32 {
          %add3A_177 = arith.constant 1 : i32
          %add3A_178 = arith.addi %reduce_max3A_127, %add3A_177 : i32
          %jit3A_179 = arith.constant 2 : i32
          %div3A_180 = arith.divsi %add3A_178, %jit3A_179 : i32
          %sign3A_181 = arith.constant 0 : i32
          %sign3A_182 = arith.cmpi sgt, %add3A_178, %sign3A_181 : i32
          %sign3A_183 = arith.extui %sign3A_182 : i1 to i32
          %sign3A_184 = arith.constant 0 : i32
          %sign3A_185 = arith.cmpi slt, %add3A_178, %sign3A_184 : i32
          %sign3A_186 = arith.extui %sign3A_185 : i1 to i32
          %sign3A_187 = arith.subi %sign3A_183, %sign3A_186 : i32
          %sign3A_188 = arith.constant 0 : i32
          %sign3A_189 = arith.cmpi sgt, %jit3A_179, %sign3A_188 : i32
          %sign3A_190 = arith.extui %sign3A_189 : i1 to i32
          %sign3A_191 = arith.constant 0 : i32
          %sign3A_192 = arith.cmpi slt, %jit3A_179, %sign3A_191 : i32
          %sign3A_193 = arith.extui %sign3A_192 : i1 to i32
          %sign3A_194 = arith.subi %sign3A_190, %sign3A_193 : i32
          %ne3A_195 = arith.cmpi ne, %sign3A_187, %sign3A_194 : i32
          %rem3A_196 = arith.remsi %add3A_178, %jit3A_179 : i32
          %ne3A_197 = arith.constant 0 : i32
          %ne3A_198 = arith.cmpi ne, %rem3A_196, %ne3A_197 : i32
          %and3A_199 = arith.andi %ne3A_195, %ne3A_198 : i1
          %sub3A_200 = arith.constant 1 : i32
          %sub3A_201 = arith.subi %div3A_180, %sub3A_200 : i32
          %select_n3A_202 = arith.select %and3A_199, %sub3A_201, %div3A_180 : i32
          %broadcast_in_dim3A_203 = arith.constant -3.000000e+38 : f32
          %broadcast_in_dim3A_204 = vector.broadcast %broadcast_in_dim3A_203 : f32 to vector<16xf32>
          %broadcast_in_dim3A_205 = arith.constant 0 : i32
          %broadcast_in_dim3A_206 = vector.broadcast %broadcast_in_dim3A_205 : i32 to vector<16xi32>
          %while3A_207 = arith.constant 0 : i32
          %while3A_208 = arith.subi %select_n3A_202, %while3A_207 : i32
          %while3A_209 = arith.addi %while3A_207, %while3A_208 : i32
          %while3A_210 = arith.constant 1 : i32
          %while3A_211 = arith.divsi %while3A_208, %while3A_210 : i32
          %while3A_212 = arith.muli %while3A_211, %while3A_210 : i32
          %while3A_213 = arith.addi %while3A_207, %while3A_212 : i32
          %while3A_214 = arith.constant 1 : i32
          %while3A_215:2 = scf.for %while3A_253 = %while3A_207 to %while3A_213 step %while3A_214 iter_args(%while3A_254 = %broadcast_in_dim3A_204, %while3A_255 = %broadcast_in_dim3A_206) -> (vector<16xf32>, vector<16xi32>)  : i32 {
            %mul3A_256 = arith.constant 2 : i32
            %mul3A_257 = arith.muli %while3A_253, %mul3A_256 : i32
            %add3A_258 = arith.constant 0 : i32
            %add3A_259 = arith.addi %mul3A_257, %add3A_258 : i32
            %mul3A_260 = arith.constant 16 : i32
            %mul3A_261 = arith.muli %add3A_259, %mul3A_260 : i32
            %get3A_262 = arith.index_cast %mul3A_261 : i32 to index
            %get3A_263 = tpu.vector_load %arg8[%get3A_262] {strides = array<i32>} : memref<2048xf32, #tpu.memory_space<vmem>>, vector<16xf32>,
            %lt3A_264 = vector.broadcast %add3A_259 : i32 to vector<16xi32>
            %lt3A_265 = arith.cmpi slt, %lt3A_264, %scan3A_93 : vector<16xi32>
            %jit3A_266 = arith.constant -3.000000e+38 : f32
            %broadcast_in_dim3A_267 = vector.broadcast %jit3A_266 : f32 to vector<16xf32>
            %select_n3A_268 = arith.select %lt3A_265, %get3A_263, %broadcast_in_dim3A_267 : vector<16xi1>, vector<16xf32>
            %gt3A_269 = arith.cmpf ogt, %select_n3A_268, %while3A_254 : vector<16xf32>
            %select_n3A_270 = arith.select %gt3A_269, %select_n3A_268, %while3A_254 : vector<16xi1>, vector<16xf32>
            %broadcast_in_dim3A_271 = vector.broadcast %add3A_259 : i32 to vector<16xi32>
            %select_n3A_272 = arith.select %gt3A_269, %broadcast_in_dim3A_271, %while3A_255 : vector<16xi1>, vector<16xi32>
            %mul3A_273 = arith.constant 2 : i32
            %mul3A_274 = arith.muli %while3A_253, %mul3A_273 : i32
            %add3A_275 = arith.constant 1 : i32
            %add3A_276 = arith.addi %mul3A_274, %add3A_275 : i32
            %mul3A_277 = arith.constant 16 : i32
            %mul3A_278 = arith.muli %add3A_276, %mul3A_277 : i32
            %get3A_279 = arith.index_cast %mul3A_278 : i32 to index
            %get3A_280 = tpu.vector_load %arg8[%get3A_279] {strides = array<i32>} : memref<2048xf32, #tpu.memory_space<vmem>>, vector<16xf32>,
            %lt3A_281 = vector.broadcast %add3A_276 : i32 to vector<16xi32>
            %lt3A_282 = arith.cmpi slt, %lt3A_281, %scan3A_93 : vector<16xi32>
            %jit3A_283 = arith.constant -3.000000e+38 : f32
            %broadcast_in_dim3A_284 = vector.broadcast %jit3A_283 : f32 to vector<16xf32>
            %select_n3A_285 = arith.select %lt3A_282, %get3A_280, %broadcast_in_dim3A_284 : vector<16xi1>, vector<16xf32>
            %gt3A_286 = arith.cmpf ogt, %select_n3A_285, %select_n3A_270 : vector<16xf32>
            %select_n3A_287 = arith.select %gt3A_286, %select_n3A_285, %select_n3A_270 : vector<16xi1>, vector<16xf32>
            %broadcast_in_dim3A_288 = vector.broadcast %add3A_276 : i32 to vector<16xi32>
            %select_n3A_289 = arith.select %gt3A_286, %broadcast_in_dim3A_288, %select_n3A_272 : vector<16xi1>, vector<16xi32>
            scf.yield %select_n3A_287, %select_n3A_289 : vector<16xf32>, vector<16xi32>
          }
          %while3A_216 = arith.constant 1 : i32
          %while3A_217:2 = scf.for %while3A_253 = %while3A_213 to %while3A_209 step %while3A_216 iter_args(%while3A_254 = %while3A_215#0, %while3A_255 = %while3A_215#1) -> (vector<16xf32>, vector<16xi32>)  : i32 {
            %mul3A_256 = arith.constant 2 : i32
            %mul3A_257 = arith.muli %while3A_253, %mul3A_256 : i32
            %add3A_258 = arith.constant 0 : i32
            %add3A_259 = arith.addi %mul3A_257, %add3A_258 : i32
            %mul3A_260 = arith.constant 16 : i32
            %mul3A_261 = arith.muli %add3A_259, %mul3A_260 : i32
            %get3A_262 = arith.index_cast %mul3A_261 : i32 to index
            %get3A_263 = tpu.vector_load %arg8[%get3A_262] {strides = array<i32>} : memref<2048xf32, #tpu.memory_space<vmem>>, vector<16xf32>,
            %lt3A_264 = vector.broadcast %add3A_259 : i32 to vector<16xi32>
            %lt3A_265 = arith.cmpi slt, %lt3A_264, %scan3A_93 : vector<16xi32>
            %jit3A_266 = arith.constant -3.000000e+38 : f32
            %broadcast_in_dim3A_267 = vector.broadcast %jit3A_266 : f32 to vector<16xf32>
            %select_n3A_268 = arith.select %lt3A_265, %get3A_263, %broadcast_in_dim3A_267 : vector<16xi1>, vector<16xf32>
            %gt3A_269 = arith.cmpf ogt, %select_n3A_268, %while3A_254 : vector<16xf32>
            %select_n3A_270 = arith.select %gt3A_269, %select_n3A_268, %while3A_254 : vector<16xi1>, vector<16xf32>
            %broadcast_in_dim3A_271 = vector.broadcast %add3A_259 : i32 to vector<16xi32>
            %select_n3A_272 = arith.select %gt3A_269, %broadcast_in_dim3A_271, %while3A_255 : vector<16xi1>, vector<16xi32>
            %mul3A_273 = arith.constant 2 : i32
            %mul3A_274 = arith.muli %while3A_253, %mul3A_273 : i32
            %add3A_275 = arith.constant 1 : i32
            %add3A_276 = arith.addi %mul3A_274, %add3A_275 : i32
            %mul3A_277 = arith.constant 16 : i32
            %mul3A_278 = arith.muli %add3A_276, %mul3A_277 : i32
            %get3A_279 = arith.index_cast %mul3A_278 : i32 to index
            %get3A_280 = tpu.vector_load %arg8[%get3A_279] {strides = array<i32>} : memref<2048xf32, #tpu.memory_space<vmem>>, vector<16xf32>,
            %lt3A_281 = vector.broadcast %add3A_276 : i32 to vector<16xi32>
            %lt3A_282 = arith.cmpi slt, %lt3A_281, %scan3A_93 : vector<16xi32>
            %jit3A_283 = arith.constant -3.000000e+38 : f32
            %broadcast_in_dim3A_284 = vector.broadcast %jit3A_283 : f32 to vector<16xf32>
            %select_n3A_285 = arith.select %lt3A_282, %get3A_280, %broadcast_in_dim3A_284 : vector<16xi1>, vector<16xf32>
            %gt3A_286 = arith.cmpf ogt, %select_n3A_285, %select_n3A_270 : vector<16xf32>
            %select_n3A_287 = arith.select %gt3A_286, %select_n3A_285, %select_n3A_270 : vector<16xi1>, vector<16xf32>
            %broadcast_in_dim3A_288 = vector.broadcast %add3A_276 : i32 to vector<16xi32>
            %select_n3A_289 = arith.select %gt3A_286, %broadcast_in_dim3A_288, %select_n3A_272 : vector<16xi1>, vector<16xi32>
            scf.yield %select_n3A_287, %select_n3A_289 : vector<16xf32>, vector<16xi32>
          }
          %reduce_max3A_218 = arith.constant true
          %reduce_max3A_219 = vector.broadcast %reduce_max3A_218 : i1 to vector<16xi1>
          %reduce_max3A_220 = tpu.scan <max>, %while3A_217#0 masked %reduce_max3A_219 : vector<16xf32>, vector<16xi1> -> vector<16xf32>
          %reduce_max3A_221 = vector.extract %reduce_max3A_220[15] : f32 from vector<16xf32>
          %eq3A_222 = vector.broadcast %reduce_max3A_221 : f32 to vector<16xf32>
          %eq3A_223 = arith.cmpf oeq, %while3A_217#0, %eq3A_222 : vector<16xf32>
          %mul3A_224 = arith.constant 16 : i32
          %mul3A_225 = vector.broadcast %mul3A_224 : i32 to vector<16xi32>
          %mul3A_226 = arith.muli %while3A_217#1, %mul3A_225 : vector<16xi32>
          %add3A_227 = arith.addi %mul3A_226, %iota3A_128 : vector<16xi32>
          %jit3A_228 = arith.constant 1073741824 : i32
          %broadcast_in_dim3A_229 = vector.broadcast %jit3A_228 : i32 to vector<16xi32>
          %select_n3A_230 = arith.select %eq3A_223, %add3A_227, %broadcast_in_dim3A_229 : vector<16xi1>, vector<16xi32>
          %reduce_min3A_231 = arith.constant true
          %reduce_min3A_232 = vector.broadcast %reduce_min3A_231 : i1 to vector<16xi1>
          %reduce_min3A_233 = arith.constant -2147483648 : i32
          %reduce_min3A_234 = vector.broadcast %reduce_min3A_233 : i32 to vector<16xi32>
          %reduce_min3A_235 = arith.xori %select_n3A_230, %reduce_min3A_234 : vector<16xi32>
          %reduce_min3A_236 = tpu.scan <min>, %reduce_min3A_235 masked %reduce_min3A_232 : vector<16xi32>, vector<16xi1> -> vector<16xi32>
          %reduce_min3A_237 = arith.xori %reduce_min3A_236, %reduce_min3A_234 : vector<16xi32>
          %reduce_min3A_238 = vector.extract %reduce_min3A_237[15] : i32 from vector<16xi32>
          %broadcast_in_dim3A_239 = arith.constant 0 : i32
          %broadcast_in_dim3A_240 = vector.broadcast %broadcast_in_dim3A_239 : i32 to vector<16xi32>
          %add3A_241 = vector.broadcast %reduce_min3A_238 : i32 to vector<16xi32>
          %add3A_242 = arith.addi %broadcast_in_dim3A_240, %add3A_241 : vector<16xi32>
          %gather3A = tpu.vector_load_idx %arg9[%add3A_242] : memref<2048xi32, #tpu.memory_space<vmem>>[vector<16xi32>], vector<16xi32>,
          %broadcast_in_dim3A_243 = arith.constant 0 : i32
          %broadcast_in_dim3A_244 = vector.broadcast %broadcast_in_dim3A_243 : i32 to vector<16xi32>
          %add3A_245 = vector.broadcast %scan3A_175 : i32 to vector<16xi32>
          %add3A_246 = arith.addi %broadcast_in_dim3A_244, %add3A_245 : vector<16xi32>
          %broadcast_in_dim3A_247 = arith.constant 0.000000e+00 : f32
          %broadcast_in_dim3A_248 = vector.broadcast %broadcast_in_dim3A_247 : f32 to vector<16xf32>
          %add3A_249 = vector.broadcast %reduce_max3A_221 : f32 to vector<16xf32>
          %add3A_250 = arith.addf %broadcast_in_dim3A_248, %add3A_249 : vector<16xf32>
          tpu.vector_store_idx %arg10[%add3A_246], %add3A_250 masked %eq3A_131 : memref<64xf32, #tpu.memory_space<vmem>>[vector<16xi32>], vector<16xf32>, vector<16xi1>
          tpu.vector_store_idx %arg11[%add3A_246], %gather3A masked %eq3A_131 : memref<64xi32, #tpu.memory_space<vmem>>[vector<16xi32>], vector<16xi32>, vector<16xi1>
          %broadcast_in_dim3A_251 = arith.constant -3.000000e+38 : f32
          %broadcast_in_dim3A_252 = vector.broadcast %broadcast_in_dim3A_251 : f32 to vector<16xf32>
          tpu.vector_store_idx %arg8[%add3A_242], %broadcast_in_dim3A_252 masked %eq3A_131 : memref<2048xf32, #tpu.memory_space<vmem>>[vector<16xi32>], vector<16xf32>, vector<16xi1>
          scf.yield %reduce_max3A_221 : f32
        }
        %scan3A_138 = arith.constant 64 : i32
        %get3A = arith.constant 0 : index
        %get3A_139 = tpu.vector_load %arg10[%get3A] {strides = array<i32>} : memref<64xf32, #tpu.memory_space<vmem>>, vector<16xf32>,
        %swap3A = arith.constant 0 : index
        %swap3A_140 = tpu.vector_load %arg8[%swap3A] {strides = array<i32>} : memref<2048xf32, #tpu.memory_space<vmem>>, vector<16xf32>,
        tpu.vector_store %arg8[%swap3A], %get3A_139 {strides = array<i32>} : memref<2048xf32, #tpu.memory_space<vmem>>, vector<16xf32>,
        %get3A_141 = arith.constant 0 : index
        %get3A_142 = tpu.vector_load %arg11[%get3A_141] {strides = array<i32>} : memref<64xi32, #tpu.memory_space<vmem>>, vector<16xi32>,
        %swap3A_143 = arith.constant 0 : index
        %swap3A_144 = tpu.vector_load %arg9[%swap3A_143] {strides = array<i32>} : memref<2048xi32, #tpu.memory_space<vmem>>, vector<16xi32>,
        tpu.vector_store %arg9[%swap3A_143], %get3A_142 {strides = array<i32>} : memref<2048xi32, #tpu.memory_space<vmem>>, vector<16xi32>,
        %get3A_145 = arith.constant 16 : index
        %get3A_146 = tpu.vector_load %arg10[%get3A_145] {strides = array<i32>} : memref<64xf32, #tpu.memory_space<vmem>>, vector<16xf32>,
        %swap3A_147 = arith.constant 16 : index
        %swap3A_148 = tpu.vector_load %arg8[%swap3A_147] {strides = array<i32>} : memref<2048xf32, #tpu.memory_space<vmem>>, vector<16xf32>,
        tpu.vector_store %arg8[%swap3A_147], %get3A_146 {strides = array<i32>} : memref<2048xf32, #tpu.memory_space<vmem>>, vector<16xf32>,
        %get3A_149 = arith.constant 16 : index
        %get3A_150 = tpu.vector_load %arg11[%get3A_149] {strides = array<i32>} : memref<64xi32, #tpu.memory_space<vmem>>, vector<16xi32>,
        %swap3A_151 = arith.constant 16 : index
        %swap3A_152 = tpu.vector_load %arg9[%swap3A_151] {strides = array<i32>} : memref<2048xi32, #tpu.memory_space<vmem>>, vector<16xi32>,
        tpu.vector_store %arg9[%swap3A_151], %get3A_150 {strides = array<i32>} : memref<2048xi32, #tpu.memory_space<vmem>>, vector<16xi32>,
        %get3A_153 = arith.constant 32 : index
        %get3A_154 = tpu.vector_load %arg10[%get3A_153] {strides = array<i32>} : memref<64xf32, #tpu.memory_space<vmem>>, vector<16xf32>,
        %swap3A_155 = arith.constant 32 : index
        %swap3A_156 = tpu.vector_load %arg8[%swap3A_155] {strides = array<i32>} : memref<2048xf32, #tpu.memory_space<vmem>>, vector<16xf32>,
        tpu.vector_store %arg8[%swap3A_155], %get3A_154 {strides = array<i32>} : memref<2048xf32, #tpu.memory_space<vmem>>, vector<16xf32>,
        %get3A_157 = arith.constant 32 : index
        %get3A_158 = tpu.vector_load %arg11[%get3A_157] {strides = array<i32>} : memref<64xi32, #tpu.memory_space<vmem>>, vector<16xi32>,
        %swap3A_159 = arith.constant 32 : index
        %swap3A_160 = tpu.vector_load %arg9[%swap3A_159] {strides = array<i32>} : memref<2048xi32, #tpu.memory_space<vmem>>, vector<16xi32>,
        tpu.vector_store %arg9[%swap3A_159], %get3A_158 {strides = array<i32>} : memref<2048xi32, #tpu.memory_space<vmem>>, vector<16xi32>,
        %get3A_161 = arith.constant 48 : index
        %get3A_162 = tpu.vector_load %arg10[%get3A_161] {strides = array<i32>} : memref<64xf32, #tpu.memory_space<vmem>>, vector<16xf32>,
        %swap3A_163 = arith.constant 48 : index
        %swap3A_164 = tpu.vector_load %arg8[%swap3A_163] {strides = array<i32>} : memref<2048xf32, #tpu.memory_space<vmem>>, vector<16xf32>,
        tpu.vector_store %arg8[%swap3A_163], %get3A_162 {strides = array<i32>} : memref<2048xf32, #tpu.memory_space<vmem>>, vector<16xf32>,
        %get3A_165 = arith.constant 48 : index
        %get3A_166 = tpu.vector_load %arg11[%get3A_165] {strides = array<i32>} : memref<64xi32, #tpu.memory_space<vmem>>, vector<16xi32>,
        %swap3A_167 = arith.constant 48 : index
        %swap3A_168 = tpu.vector_load %arg9[%swap3A_167] {strides = array<i32>} : memref<2048xi32, #tpu.memory_space<vmem>>, vector<16xi32>,
        tpu.vector_store %arg9[%swap3A_167], %get3A_166 {strides = array<i32>} : memref<2048xi32, #tpu.memory_space<vmem>>, vector<16xi32>,
        %broadcast_in_dim3A_169 = arith.constant 0.000000e+00 : f32
        %broadcast_in_dim3A_170 = vector.broadcast %broadcast_in_dim3A_169 : f32 to vector<16xf32>
        %add3A_171 = vector.broadcast %scan3A_137 : f32 to vector<16xf32>
        %add3A_172 = arith.addf %broadcast_in_dim3A_170, %add3A_171 : vector<16xf32>
        %broadcast_in_dim3A_173 = arith.constant 4 : i32
        %broadcast_in_dim3A_174 = vector.broadcast %broadcast_in_dim3A_173 : i32 to vector<16xi32>
        scf.yield %add3A_172, %broadcast_in_dim3A_174 : vector<16xf32>, vector<16xi32>
      } else {
        scf.yield %scan3A_92, %scan3A_93 : vector<16xf32>, vector<16xi32>
      }
      %mul3A_105 = arith.constant 16 : i32
      %mul3A_106 = arith.muli %scan3A_91, %mul3A_105 : i32
      %add3A_107 = arith.constant 1 : i32
      %add3A_108 = arith.addi %scan3A_91, %add3A_107 : i32
      %mul3A_109 = arith.constant 16 : i32
      %mul3A_110 = arith.muli %add3A_108, %mul3A_109 : i32
      %while3A = arith.subi %mul3A_110, %mul3A_106 : i32
      %while3A_111 = arith.addi %mul3A_106, %while3A : i32
      %while3A_112 = arith.constant 1 : i32
      %while3A_113 = arith.divsi %while3A, %while3A_112 : i32
      %while3A_114 = arith.muli %while3A_113, %while3A_112 : i32
      %while3A_115 = arith.addi %mul3A_106, %while3A_114 : i32
      %while3A_116 = arith.constant 1 : i32
      %while3A_117 = scf.for %while3A_120 = %mul3A_106 to %while3A_115 step %while3A_116 iter_args(%while3A_121 = %cond3A_104#1) -> (vector<16xi32>)  : i32 {
        %mul3A_122 = arith.constant 4 : i32
        %mul3A_123 = arith.muli %while3A_120, %mul3A_122 : i32
        %add3A_124 = arith.constant 0 : i32
        %add3A_125 = arith.addi %mul3A_123, %add3A_124 : i32
        %mul3A_126 = arith.constant 16 : i32
        %mul3A_127 = arith.muli %add3A_125, %mul3A_126 : i32
        %get3A = arith.index_cast %mul3A_127 : i32 to index
        %get3A_128 = tpu.vector_load %arg7[%get3A] {strides = array<i32>} : memref<32768xf32, #tpu.memory_space<vmem>>, vector<16xf32>,
        %ge3A = arith.cmpf oge, %get3A_128, %cond3A_104#0 : vector<16xf32>
        %mul3A_129 = arith.constant 16 : i32
        %mul3A_130 = vector.broadcast %mul3A_129 : i32 to vector<16xi32>
        %mul3A_131 = arith.muli %while3A_121, %mul3A_130 : vector<16xi32>
        %add3A_132 = arith.addi %mul3A_131, %iota3A : vector<16xi32>
        tpu.vector_store_idx %arg8[%add3A_132], %get3A_128 masked %ge3A : memref<2048xf32, #tpu.memory_space<vmem>>[vector<16xi32>], vector<16xf32>, vector<16xi1>
        %mul3A_133 = arith.constant 16 : i32
        %mul3A_134 = arith.muli %add3A_125, %mul3A_133 : i32
        %add3A_135 = arith.addi %add3A_34, %mul3A_134 : i32
        %add3A_136 = vector.broadcast %add3A_135 : i32 to vector<16xi32>
        %add3A_137 = arith.addi %add3A_136, %iota3A : vector<16xi32>
        tpu.vector_store_idx %arg9[%add3A_132], %add3A_137 masked %ge3A : memref<2048xi32, #tpu.memory_space<vmem>>[vector<16xi32>], vector<16xi32>, vector<16xi1>
        %jit3A_138 = arith.constant 1 : i32
        %jit3A_139 = arith.constant 0 : i32
        %broadcast_in_dim3A_140 = vector.broadcast %jit3A_138 : i32 to vector<16xi32>
        %broadcast_in_dim3A_141 = vector.broadcast %jit3A_139 : i32 to vector<16xi32>
        %select_n3A_142 = arith.select %ge3A, %broadcast_in_dim3A_140, %broadcast_in_dim3A_141 : vector<16xi1>, vector<16xi32>
        %add3A_143 = arith.addi %while3A_121, %select_n3A_142 : vector<16xi32>
        %mul3A_144 = arith.constant 4 : i32
        %mul3A_145 = arith.muli %while3A_120, %mul3A_144 : i32
        %add3A_146 = arith.constant 1 : i32
        %add3A_147 = arith.addi %mul3A_145, %add3A_146 : i32
        %mul3A_148 = arith.constant 16 : i32
        %mul3A_149 = arith.muli %add3A_147, %mul3A_148 : i32
        %get3A_150 = arith.index_cast %mul3A_149 : i32 to index
        %get3A_151 = tpu.vector_load %arg7[%get3A_150] {strides = array<i32>} : memref<32768xf32, #tpu.memory_space<vmem>>, vector<16xf32>,
        %ge3A_152 = arith.cmpf oge, %get3A_151, %cond3A_104#0 : vector<16xf32>
        %mul3A_153 = arith.constant 16 : i32
        %mul3A_154 = vector.broadcast %mul3A_153 : i32 to vector<16xi32>
        %mul3A_155 = arith.muli %add3A_143, %mul3A_154 : vector<16xi32>
        %add3A_156 = arith.addi %mul3A_155, %iota3A : vector<16xi32>
        tpu.vector_store_idx %arg8[%add3A_156], %get3A_151 masked %ge3A_152 : memref<2048xf32, #tpu.memory_space<vmem>>[vector<16xi32>], vector<16xf32>, vector<16xi1>
        %mul3A_157 = arith.constant 16 : i32
        %mul3A_158 = arith.muli %add3A_147, %mul3A_157 : i32
        %add3A_159 = arith.addi %add3A_34, %mul3A_158 : i32
        %add3A_160 = vector.broadcast %add3A_159 : i32 to vector<16xi32>
        %add3A_161 = arith.addi %add3A_160, %iota3A : vector<16xi32>
        tpu.vector_store_idx %arg9[%add3A_156], %add3A_161 masked %ge3A_152 : memref<2048xi32, #tpu.memory_space<vmem>>[vector<16xi32>], vector<16xi32>, vector<16xi1>
        %jit3A_162 = arith.constant 1 : i32
        %jit3A_163 = arith.constant 0 : i32
        %broadcast_in_dim3A_164 = vector.broadcast %jit3A_162 : i32 to vector<16xi32>
        %broadcast_in_dim3A_165 = vector.broadcast %jit3A_163 : i32 to vector<16xi32>
        %select_n3A_166 = arith.select %ge3A_152, %broadcast_in_dim3A_164, %broadcast_in_dim3A_165 : vector<16xi1>, vector<16xi32>
        %add3A_167 = arith.addi %add3A_143, %select_n3A_166 : vector<16xi32>
        %mul3A_168 = arith.constant 4 : i32
        %mul3A_169 = arith.muli %while3A_120, %mul3A_168 : i32
        %add3A_170 = arith.constant 2 : i32
        %add3A_171 = arith.addi %mul3A_169, %add3A_170 : i32
        %mul3A_172 = arith.constant 16 : i32
        %mul3A_173 = arith.muli %add3A_171, %mul3A_172 : i32
        %get3A_174 = arith.index_cast %mul3A_173 : i32 to index
        %get3A_175 = tpu.vector_load %arg7[%get3A_174] {strides = array<i32>} : memref<32768xf32, #tpu.memory_space<vmem>>, vector<16xf32>,
        %ge3A_176 = arith.cmpf oge, %get3A_175, %cond3A_104#0 : vector<16xf32>
        %mul3A_177 = arith.constant 16 : i32
        %mul3A_178 = vector.broadcast %mul3A_177 : i32 to vector<16xi32>
        %mul3A_179 = arith.muli %add3A_167, %mul3A_178 : vector<16xi32>
        %add3A_180 = arith.addi %mul3A_179, %iota3A : vector<16xi32>
        tpu.vector_store_idx %arg8[%add3A_180], %get3A_175 masked %ge3A_176 : memref<2048xf32, #tpu.memory_space<vmem>>[vector<16xi32>], vector<16xf32>, vector<16xi1>
        %mul3A_181 = arith.constant 16 : i32
        %mul3A_182 = arith.muli %add3A_171, %mul3A_181 : i32
        %add3A_183 = arith.addi %add3A_34, %mul3A_182 : i32
        %add3A_184 = vector.broadcast %add3A_183 : i32 to vector<16xi32>
        %add3A_185 = arith.addi %add3A_184, %iota3A : vector<16xi32>
        tpu.vector_store_idx %arg9[%add3A_180], %add3A_185 masked %ge3A_176 : memref<2048xi32, #tpu.memory_space<vmem>>[vector<16xi32>], vector<16xi32>, vector<16xi1>
        %jit3A_186 = arith.constant 1 : i32
        %jit3A_187 = arith.constant 0 : i32
        %broadcast_in_dim3A_188 = vector.broadcast %jit3A_186 : i32 to vector<16xi32>
        %broadcast_in_dim3A_189 = vector.broadcast %jit3A_187 : i32 to vector<16xi32>
        %select_n3A_190 = arith.select %ge3A_176, %broadcast_in_dim3A_188, %broadcast_in_dim3A_189 : vector<16xi1>, vector<16xi32>
        %add3A_191 = arith.addi %add3A_167, %select_n3A_190 : vector<16xi32>
        %mul3A_192 = arith.constant 4 : i32
        %mul3A_193 = arith.muli %while3A_120, %mul3A_192 : i32
        %add3A_194 = arith.constant 3 : i32
        %add3A_195 = arith.addi %mul3A_193, %add3A_194 : i32
        %mul3A_196 = arith.constant 16 : i32
        %mul3A_197 = arith.muli %add3A_195, %mul3A_196 : i32
        %get3A_198 = arith.index_cast %mul3A_197 : i32 to index
        %get3A_199 = tpu.vector_load %arg7[%get3A_198] {strides = array<i32>} : memref<32768xf32, #tpu.memory_space<vmem>>, vector<16xf32>,
        %ge3A_200 = arith.cmpf oge, %get3A_199, %cond3A_104#0 : vector<16xf32>
        %mul3A_201 = arith.constant 16 : i32
        %mul3A_202 = vector.broadcast %mul3A_201 : i32 to vector<16xi32>
        %mul3A_203 = arith.muli %add3A_191, %mul3A_202 : vector<16xi32>
        %add3A_204 = arith.addi %mul3A_203, %iota3A : vector<16xi32>
        tpu.vector_store_idx %arg8[%add3A_204], %get3A_199 masked %ge3A_200 : memref<2048xf32, #tpu.memory_space<vmem>>[vector<16xi32>], vector<16xf32>, vector<16xi1>
        %mul3A_205 = arith.constant 16 : i32
        %mul3A_206 = arith.muli %add3A_195, %mul3A_205 : i32
        %add3A_207 = arith.addi %add3A_34, %mul3A_206 : i32
        %add3A_208 = vector.broadcast %add3A_207 : i32 to vector<16xi32>
        %add3A_209 = arith.addi %add3A_208, %iota3A : vector<16xi32>
        tpu.vector_store_idx %arg9[%add3A_204], %add3A_209 masked %ge3A_200 : memref<2048xi32, #tpu.memory_space<vmem>>[vector<16xi32>], vector<16xi32>, vector<16xi1>
        %jit3A_210 = arith.constant 1 : i32
        %jit3A_211 = arith.constant 0 : i32
        %broadcast_in_dim3A_212 = vector.broadcast %jit3A_210 : i32 to vector<16xi32>
        %broadcast_in_dim3A_213 = vector.broadcast %jit3A_211 : i32 to vector<16xi32>
        %select_n3A_214 = arith.select %ge3A_200, %broadcast_in_dim3A_212, %broadcast_in_dim3A_213 : vector<16xi1>, vector<16xi32>
        %add3A_215 = arith.addi %add3A_191, %select_n3A_214 : vector<16xi32>
        scf.yield %add3A_215 : vector<16xi32>
      }
      %while3A_118 = arith.constant 1 : i32
      %while3A_119 = scf.for %while3A_120 = %while3A_115 to %while3A_111 step %while3A_118 iter_args(%while3A_121 = %while3A_117) -> (vector<16xi32>)  : i32 {
        %mul3A_122 = arith.constant 4 : i32
        %mul3A_123 = arith.muli %while3A_120, %mul3A_122 : i32
        %add3A_124 = arith.constant 0 : i32
        %add3A_125 = arith.addi %mul3A_123, %add3A_124 : i32
        %mul3A_126 = arith.constant 16 : i32
        %mul3A_127 = arith.muli %add3A_125, %mul3A_126 : i32
        %get3A = arith.index_cast %mul3A_127 : i32 to index
        %get3A_128 = tpu.vector_load %arg7[%get3A] {strides = array<i32>} : memref<32768xf32, #tpu.memory_space<vmem>>, vector<16xf32>,
        %ge3A = arith.cmpf oge, %get3A_128, %cond3A_104#0 : vector<16xf32>
        %mul3A_129 = arith.constant 16 : i32
        %mul3A_130 = vector.broadcast %mul3A_129 : i32 to vector<16xi32>
        %mul3A_131 = arith.muli %while3A_121, %mul3A_130 : vector<16xi32>
        %add3A_132 = arith.addi %mul3A_131, %iota3A : vector<16xi32>
        tpu.vector_store_idx %arg8[%add3A_132], %get3A_128 masked %ge3A : memref<2048xf32, #tpu.memory_space<vmem>>[vector<16xi32>], vector<16xf32>, vector<16xi1>
        %mul3A_133 = arith.constant 16 : i32
        %mul3A_134 = arith.muli %add3A_125, %mul3A_133 : i32
        %add3A_135 = arith.addi %add3A_34, %mul3A_134 : i32
        %add3A_136 = vector.broadcast %add3A_135 : i32 to vector<16xi32>
        %add3A_137 = arith.addi %add3A_136, %iota3A : vector<16xi32>
        tpu.vector_store_idx %arg9[%add3A_132], %add3A_137 masked %ge3A : memref<2048xi32, #tpu.memory_space<vmem>>[vector<16xi32>], vector<16xi32>, vector<16xi1>
        %jit3A_138 = arith.constant 1 : i32
        %jit3A_139 = arith.constant 0 : i32
        %broadcast_in_dim3A_140 = vector.broadcast %jit3A_138 : i32 to vector<16xi32>
        %broadcast_in_dim3A_141 = vector.broadcast %jit3A_139 : i32 to vector<16xi32>
        %select_n3A_142 = arith.select %ge3A, %broadcast_in_dim3A_140, %broadcast_in_dim3A_141 : vector<16xi1>, vector<16xi32>
        %add3A_143 = arith.addi %while3A_121, %select_n3A_142 : vector<16xi32>
        %mul3A_144 = arith.constant 4 : i32
        %mul3A_145 = arith.muli %while3A_120, %mul3A_144 : i32
        %add3A_146 = arith.constant 1 : i32
        %add3A_147 = arith.addi %mul3A_145, %add3A_146 : i32
        %mul3A_148 = arith.constant 16 : i32
        %mul3A_149 = arith.muli %add3A_147, %mul3A_148 : i32
        %get3A_150 = arith.index_cast %mul3A_149 : i32 to index
        %get3A_151 = tpu.vector_load %arg7[%get3A_150] {strides = array<i32>} : memref<32768xf32, #tpu.memory_space<vmem>>, vector<16xf32>,
        %ge3A_152 = arith.cmpf oge, %get3A_151, %cond3A_104#0 : vector<16xf32>
        %mul3A_153 = arith.constant 16 : i32
        %mul3A_154 = vector.broadcast %mul3A_153 : i32 to vector<16xi32>
        %mul3A_155 = arith.muli %add3A_143, %mul3A_154 : vector<16xi32>
        %add3A_156 = arith.addi %mul3A_155, %iota3A : vector<16xi32>
        tpu.vector_store_idx %arg8[%add3A_156], %get3A_151 masked %ge3A_152 : memref<2048xf32, #tpu.memory_space<vmem>>[vector<16xi32>], vector<16xf32>, vector<16xi1>
        %mul3A_157 = arith.constant 16 : i32
        %mul3A_158 = arith.muli %add3A_147, %mul3A_157 : i32
        %add3A_159 = arith.addi %add3A_34, %mul3A_158 : i32
        %add3A_160 = vector.broadcast %add3A_159 : i32 to vector<16xi32>
        %add3A_161 = arith.addi %add3A_160, %iota3A : vector<16xi32>
        tpu.vector_store_idx %arg9[%add3A_156], %add3A_161 masked %ge3A_152 : memref<2048xi32, #tpu.memory_space<vmem>>[vector<16xi32>], vector<16xi32>, vector<16xi1>
        %jit3A_162 = arith.constant 1 : i32
        %jit3A_163 = arith.constant 0 : i32
        %broadcast_in_dim3A_164 = vector.broadcast %jit3A_162 : i32 to vector<16xi32>
        %broadcast_in_dim3A_165 = vector.broadcast %jit3A_163 : i32 to vector<16xi32>
        %select_n3A_166 = arith.select %ge3A_152, %broadcast_in_dim3A_164, %broadcast_in_dim3A_165 : vector<16xi1>, vector<16xi32>
        %add3A_167 = arith.addi %add3A_143, %select_n3A_166 : vector<16xi32>
        %mul3A_168 = arith.constant 4 : i32
        %mul3A_169 = arith.muli %while3A_120, %mul3A_168 : i32
        %add3A_170 = arith.constant 2 : i32
        %add3A_171 = arith.addi %mul3A_169, %add3A_170 : i32
        %mul3A_172 = arith.constant 16 : i32
        %mul3A_173 = arith.muli %add3A_171, %mul3A_172 : i32
        %get3A_174 = arith.index_cast %mul3A_173 : i32 to index
        %get3A_175 = tpu.vector_load %arg7[%get3A_174] {strides = array<i32>} : memref<32768xf32, #tpu.memory_space<vmem>>, vector<16xf32>,
        %ge3A_176 = arith.cmpf oge, %get3A_175, %cond3A_104#0 : vector<16xf32>
        %mul3A_177 = arith.constant 16 : i32
        %mul3A_178 = vector.broadcast %mul3A_177 : i32 to vector<16xi32>
        %mul3A_179 = arith.muli %add3A_167, %mul3A_178 : vector<16xi32>
        %add3A_180 = arith.addi %mul3A_179, %iota3A : vector<16xi32>
        tpu.vector_store_idx %arg8[%add3A_180], %get3A_175 masked %ge3A_176 : memref<2048xf32, #tpu.memory_space<vmem>>[vector<16xi32>], vector<16xf32>, vector<16xi1>
        %mul3A_181 = arith.constant 16 : i32
        %mul3A_182 = arith.muli %add3A_171, %mul3A_181 : i32
        %add3A_183 = arith.addi %add3A_34, %mul3A_182 : i32
        %add3A_184 = vector.broadcast %add3A_183 : i32 to vector<16xi32>
        %add3A_185 = arith.addi %add3A_184, %iota3A : vector<16xi32>
        tpu.vector_store_idx %arg9[%add3A_180], %add3A_185 masked %ge3A_176 : memref<2048xi32, #tpu.memory_space<vmem>>[vector<16xi32>], vector<16xi32>, vector<16xi1>
        %jit3A_186 = arith.constant 1 : i32
        %jit3A_187 = arith.constant 0 : i32
        %broadcast_in_dim3A_188 = vector.broadcast %jit3A_186 : i32 to vector<16xi32>
        %broadcast_in_dim3A_189 = vector.broadcast %jit3A_187 : i32 to vector<16xi32>
        %select_n3A_190 = arith.select %ge3A_176, %broadcast_in_dim3A_188, %broadcast_in_dim3A_189 : vector<16xi1>, vector<16xi32>
        %add3A_191 = arith.addi %add3A_167, %select_n3A_190 : vector<16xi32>
        %mul3A_192 = arith.constant 4 : i32
        %mul3A_193 = arith.muli %while3A_120, %mul3A_192 : i32
        %add3A_194 = arith.constant 3 : i32
        %add3A_195 = arith.addi %mul3A_193, %add3A_194 : i32
        %mul3A_196 = arith.constant 16 : i32
        %mul3A_197 = arith.muli %add3A_195, %mul3A_196 : i32
        %get3A_198 = arith.index_cast %mul3A_197 : i32 to index
        %get3A_199 = tpu.vector_load %arg7[%get3A_198] {strides = array<i32>} : memref<32768xf32, #tpu.memory_space<vmem>>, vector<16xf32>,
        %ge3A_200 = arith.cmpf oge, %get3A_199, %cond3A_104#0 : vector<16xf32>
        %mul3A_201 = arith.constant 16 : i32
        %mul3A_202 = vector.broadcast %mul3A_201 : i32 to vector<16xi32>
        %mul3A_203 = arith.muli %add3A_191, %mul3A_202 : vector<16xi32>
        %add3A_204 = arith.addi %mul3A_203, %iota3A : vector<16xi32>
        tpu.vector_store_idx %arg8[%add3A_204], %get3A_199 masked %ge3A_200 : memref<2048xf32, #tpu.memory_space<vmem>>[vector<16xi32>], vector<16xf32>, vector<16xi1>
        %mul3A_205 = arith.constant 16 : i32
        %mul3A_206 = arith.muli %add3A_195, %mul3A_205 : i32
        %add3A_207 = arith.addi %add3A_34, %mul3A_206 : i32
        %add3A_208 = vector.broadcast %add3A_207 : i32 to vector<16xi32>
        %add3A_209 = arith.addi %add3A_208, %iota3A : vector<16xi32>
        tpu.vector_store_idx %arg9[%add3A_204], %add3A_209 masked %ge3A_200 : memref<2048xi32, #tpu.memory_space<vmem>>[vector<16xi32>], vector<16xi32>, vector<16xi1>
        %jit3A_210 = arith.constant 1 : i32
        %jit3A_211 = arith.constant 0 : i32
        %broadcast_in_dim3A_212 = vector.broadcast %jit3A_210 : i32 to vector<16xi32>
        %broadcast_in_dim3A_213 = vector.broadcast %jit3A_211 : i32 to vector<16xi32>
        %select_n3A_214 = arith.select %ge3A_200, %broadcast_in_dim3A_212, %broadcast_in_dim3A_213 : vector<16xi1>, vector<16xi32>
        %add3A_215 = arith.addi %add3A_191, %select_n3A_214 : vector<16xi32>
        scf.yield %add3A_215 : vector<16xi32>
      }
      scf.yield %cond3A_104#0, %while3A_119 : vector<16xf32>, vector<16xi32>
    }
    %scan3A_62 = arith.constant 32 : i32
    %reduce_max3A = arith.constant true
    %reduce_max3A_63 = vector.broadcast %reduce_max3A : i1 to vector<16xi1>
    %reduce_max3A_64 = arith.constant -2147483648 : i32
    %reduce_max3A_65 = vector.broadcast %reduce_max3A_64 : i32 to vector<16xi32>
    %reduce_max3A_66 = arith.xori %scan3A_61#1, %reduce_max3A_65 : vector<16xi32>
    %reduce_max3A_67 = tpu.scan <max>, %reduce_max3A_66 masked %reduce_max3A_63 : vector<16xi32>, vector<16xi1> -> vector<16xi32>
    %reduce_max3A_68 = arith.xori %reduce_max3A_67, %reduce_max3A_65 : vector<16xi32>
    %reduce_max3A_69 = vector.extract %reduce_max3A_68[15] : i32 from vector<16xi32>
    %iota3A_70 = tpu.iota {dimensions = array<i32: 0>} : vector<16xi32>
    %eq3A_71 = arith.constant 0 : i32
    %eq3A_72 = vector.broadcast %eq3A_71 : i32 to vector<16xi32>
    %eq3A_73 = arith.cmpi eq, %iota3A_70, %eq3A_72 : vector<16xi32>
    %scan3A_74 = arith.constant 0.000000e+00 : f32
    %scan3A_75 = arith.constant 0 : i32
    %scan3A_76 = arith.constant 64 : i32
    %scan3A_77 = arith.addi %scan3A_75, %scan3A_76 : i32
    %scan3A_78 = arith.constant 1 : i32
    %scan3A_79 = scf.for %scan3A_91 = %scan3A_75 to %scan3A_77 step %scan3A_78 iter_args(%scan3A_92 = %scan3A_74) -> (f32)  : i32 {
      %add3A_93 = arith.constant 1 : i32
      %add3A_94 = arith.addi %reduce_max3A_69, %add3A_93 : i32
      %jit3A_95 = arith.constant 2 : i32
      %div3A_96 = arith.divsi %add3A_94, %jit3A_95 : i32
      %sign3A_97 = arith.constant 0 : i32
      %sign3A_98 = arith.cmpi sgt, %add3A_94, %sign3A_97 : i32
      %sign3A_99 = arith.extui %sign3A_98 : i1 to i32
      %sign3A_100 = arith.constant 0 : i32
      %sign3A_101 = arith.cmpi slt, %add3A_94, %sign3A_100 : i32
      %sign3A_102 = arith.extui %sign3A_101 : i1 to i32
      %sign3A_103 = arith.subi %sign3A_99, %sign3A_102 : i32
      %sign3A_104 = arith.constant 0 : i32
      %sign3A_105 = arith.cmpi sgt, %jit3A_95, %sign3A_104 : i32
      %sign3A_106 = arith.extui %sign3A_105 : i1 to i32
      %sign3A_107 = arith.constant 0 : i32
      %sign3A_108 = arith.cmpi slt, %jit3A_95, %sign3A_107 : i32
      %sign3A_109 = arith.extui %sign3A_108 : i1 to i32
      %sign3A_110 = arith.subi %sign3A_106, %sign3A_109 : i32
      %ne3A_111 = arith.cmpi ne, %sign3A_103, %sign3A_110 : i32
      %rem3A_112 = arith.remsi %add3A_94, %jit3A_95 : i32
      %ne3A_113 = arith.constant 0 : i32
      %ne3A_114 = arith.cmpi ne, %rem3A_112, %ne3A_113 : i32
      %and3A_115 = arith.andi %ne3A_111, %ne3A_114 : i1
      %sub3A_116 = arith.constant 1 : i32
      %sub3A_117 = arith.subi %div3A_96, %sub3A_116 : i32
      %select_n3A_118 = arith.select %and3A_115, %sub3A_117, %div3A_96 : i32
      %broadcast_in_dim3A_119 = arith.constant -3.000000e+38 : f32
      %broadcast_in_dim3A_120 = vector.broadcast %broadcast_in_dim3A_119 : f32 to vector<16xf32>
      %broadcast_in_dim3A_121 = arith.constant 0 : i32
      %broadcast_in_dim3A_122 = vector.broadcast %broadcast_in_dim3A_121 : i32 to vector<16xi32>
      %while3A = arith.constant 0 : i32
      %while3A_123 = arith.subi %select_n3A_118, %while3A : i32
      %while3A_124 = arith.addi %while3A, %while3A_123 : i32
      %while3A_125 = arith.constant 1 : i32
      %while3A_126 = arith.divsi %while3A_123, %while3A_125 : i32
      %while3A_127 = arith.muli %while3A_126, %while3A_125 : i32
      %while3A_128 = arith.addi %while3A, %while3A_127 : i32
      %while3A_129 = arith.constant 1 : i32
      %while3A_130:2 = scf.for %while3A_168 = %while3A to %while3A_128 step %while3A_129 iter_args(%while3A_169 = %broadcast_in_dim3A_120, %while3A_170 = %broadcast_in_dim3A_122) -> (vector<16xf32>, vector<16xi32>)  : i32 {
        %mul3A_171 = arith.constant 2 : i32
        %mul3A_172 = arith.muli %while3A_168, %mul3A_171 : i32
        %add3A_173 = arith.constant 0 : i32
        %add3A_174 = arith.addi %mul3A_172, %add3A_173 : i32
        %mul3A_175 = arith.constant 16 : i32
        %mul3A_176 = arith.muli %add3A_174, %mul3A_175 : i32
        %get3A = arith.index_cast %mul3A_176 : i32 to index
        %get3A_177 = tpu.vector_load %arg8[%get3A] {strides = array<i32>} : memref<2048xf32, #tpu.memory_space<vmem>>, vector<16xf32>,
        %lt3A_178 = vector.broadcast %add3A_174 : i32 to vector<16xi32>
        %lt3A_179 = arith.cmpi slt, %lt3A_178, %scan3A_61#1 : vector<16xi32>
        %jit3A_180 = arith.constant -3.000000e+38 : f32
        %broadcast_in_dim3A_181 = vector.broadcast %jit3A_180 : f32 to vector<16xf32>
        %select_n3A_182 = arith.select %lt3A_179, %get3A_177, %broadcast_in_dim3A_181 : vector<16xi1>, vector<16xf32>
        %gt3A = arith.cmpf ogt, %select_n3A_182, %while3A_169 : vector<16xf32>
        %select_n3A_183 = arith.select %gt3A, %select_n3A_182, %while3A_169 : vector<16xi1>, vector<16xf32>
        %broadcast_in_dim3A_184 = vector.broadcast %add3A_174 : i32 to vector<16xi32>
        %select_n3A_185 = arith.select %gt3A, %broadcast_in_dim3A_184, %while3A_170 : vector<16xi1>, vector<16xi32>
        %mul3A_186 = arith.constant 2 : i32
        %mul3A_187 = arith.muli %while3A_168, %mul3A_186 : i32
        %add3A_188 = arith.constant 1 : i32
        %add3A_189 = arith.addi %mul3A_187, %add3A_188 : i32
        %mul3A_190 = arith.constant 16 : i32
        %mul3A_191 = arith.muli %add3A_189, %mul3A_190 : i32
        %get3A_192 = arith.index_cast %mul3A_191 : i32 to index
        %get3A_193 = tpu.vector_load %arg8[%get3A_192] {strides = array<i32>} : memref<2048xf32, #tpu.memory_space<vmem>>, vector<16xf32>,
        %lt3A_194 = vector.broadcast %add3A_189 : i32 to vector<16xi32>
        %lt3A_195 = arith.cmpi slt, %lt3A_194, %scan3A_61#1 : vector<16xi32>
        %jit3A_196 = arith.constant -3.000000e+38 : f32
        %broadcast_in_dim3A_197 = vector.broadcast %jit3A_196 : f32 to vector<16xf32>
        %select_n3A_198 = arith.select %lt3A_195, %get3A_193, %broadcast_in_dim3A_197 : vector<16xi1>, vector<16xf32>
        %gt3A_199 = arith.cmpf ogt, %select_n3A_198, %select_n3A_183 : vector<16xf32>
        %select_n3A_200 = arith.select %gt3A_199, %select_n3A_198, %select_n3A_183 : vector<16xi1>, vector<16xf32>
        %broadcast_in_dim3A_201 = vector.broadcast %add3A_189 : i32 to vector<16xi32>
        %select_n3A_202 = arith.select %gt3A_199, %broadcast_in_dim3A_201, %select_n3A_185 : vector<16xi1>, vector<16xi32>
        scf.yield %select_n3A_200, %select_n3A_202 : vector<16xf32>, vector<16xi32>
      }
      %while3A_131 = arith.constant 1 : i32
      %while3A_132:2 = scf.for %while3A_168 = %while3A_128 to %while3A_124 step %while3A_131 iter_args(%while3A_169 = %while3A_130#0, %while3A_170 = %while3A_130#1) -> (vector<16xf32>, vector<16xi32>)  : i32 {
        %mul3A_171 = arith.constant 2 : i32
        %mul3A_172 = arith.muli %while3A_168, %mul3A_171 : i32
        %add3A_173 = arith.constant 0 : i32
        %add3A_174 = arith.addi %mul3A_172, %add3A_173 : i32
        %mul3A_175 = arith.constant 16 : i32
        %mul3A_176 = arith.muli %add3A_174, %mul3A_175 : i32
        %get3A = arith.index_cast %mul3A_176 : i32 to index
        %get3A_177 = tpu.vector_load %arg8[%get3A] {strides = array<i32>} : memref<2048xf32, #tpu.memory_space<vmem>>, vector<16xf32>,
        %lt3A_178 = vector.broadcast %add3A_174 : i32 to vector<16xi32>
        %lt3A_179 = arith.cmpi slt, %lt3A_178, %scan3A_61#1 : vector<16xi32>
        %jit3A_180 = arith.constant -3.000000e+38 : f32
        %broadcast_in_dim3A_181 = vector.broadcast %jit3A_180 : f32 to vector<16xf32>
        %select_n3A_182 = arith.select %lt3A_179, %get3A_177, %broadcast_in_dim3A_181 : vector<16xi1>, vector<16xf32>
        %gt3A = arith.cmpf ogt, %select_n3A_182, %while3A_169 : vector<16xf32>
        %select_n3A_183 = arith.select %gt3A, %select_n3A_182, %while3A_169 : vector<16xi1>, vector<16xf32>
        %broadcast_in_dim3A_184 = vector.broadcast %add3A_174 : i32 to vector<16xi32>
        %select_n3A_185 = arith.select %gt3A, %broadcast_in_dim3A_184, %while3A_170 : vector<16xi1>, vector<16xi32>
        %mul3A_186 = arith.constant 2 : i32
        %mul3A_187 = arith.muli %while3A_168, %mul3A_186 : i32
        %add3A_188 = arith.constant 1 : i32
        %add3A_189 = arith.addi %mul3A_187, %add3A_188 : i32
        %mul3A_190 = arith.constant 16 : i32
        %mul3A_191 = arith.muli %add3A_189, %mul3A_190 : i32
        %get3A_192 = arith.index_cast %mul3A_191 : i32 to index
        %get3A_193 = tpu.vector_load %arg8[%get3A_192] {strides = array<i32>} : memref<2048xf32, #tpu.memory_space<vmem>>, vector<16xf32>,
        %lt3A_194 = vector.broadcast %add3A_189 : i32 to vector<16xi32>
        %lt3A_195 = arith.cmpi slt, %lt3A_194, %scan3A_61#1 : vector<16xi32>
        %jit3A_196 = arith.constant -3.000000e+38 : f32
        %broadcast_in_dim3A_197 = vector.broadcast %jit3A_196 : f32 to vector<16xf32>
        %select_n3A_198 = arith.select %lt3A_195, %get3A_193, %broadcast_in_dim3A_197 : vector<16xi1>, vector<16xf32>
        %gt3A_199 = arith.cmpf ogt, %select_n3A_198, %select_n3A_183 : vector<16xf32>
        %select_n3A_200 = arith.select %gt3A_199, %select_n3A_198, %select_n3A_183 : vector<16xi1>, vector<16xf32>
        %broadcast_in_dim3A_201 = vector.broadcast %add3A_189 : i32 to vector<16xi32>
        %select_n3A_202 = arith.select %gt3A_199, %broadcast_in_dim3A_201, %select_n3A_185 : vector<16xi1>, vector<16xi32>
        scf.yield %select_n3A_200, %select_n3A_202 : vector<16xf32>, vector<16xi32>
      }
      %reduce_max3A_133 = arith.constant true
      %reduce_max3A_134 = vector.broadcast %reduce_max3A_133 : i1 to vector<16xi1>
      %reduce_max3A_135 = tpu.scan <max>, %while3A_132#0 masked %reduce_max3A_134 : vector<16xf32>, vector<16xi1> -> vector<16xf32>
      %reduce_max3A_136 = vector.extract %reduce_max3A_135[15] : f32 from vector<16xf32>
      %eq3A_137 = vector.broadcast %reduce_max3A_136 : f32 to vector<16xf32>
      %eq3A_138 = arith.cmpf oeq, %while3A_132#0, %eq3A_137 : vector<16xf32>
      %mul3A_139 = arith.constant 16 : i32
      %mul3A_140 = vector.broadcast %mul3A_139 : i32 to vector<16xi32>
      %mul3A_141 = arith.muli %while3A_132#1, %mul3A_140 : vector<16xi32>
      %add3A_142 = arith.addi %mul3A_141, %iota3A_70 : vector<16xi32>
      %jit3A_143 = arith.constant 1073741824 : i32
      %broadcast_in_dim3A_144 = vector.broadcast %jit3A_143 : i32 to vector<16xi32>
      %select_n3A_145 = arith.select %eq3A_138, %add3A_142, %broadcast_in_dim3A_144 : vector<16xi1>, vector<16xi32>
      %reduce_min3A_146 = arith.constant true
      %reduce_min3A_147 = vector.broadcast %reduce_min3A_146 : i1 to vector<16xi1>
      %reduce_min3A_148 = arith.constant -2147483648 : i32
      %reduce_min3A_149 = vector.broadcast %reduce_min3A_148 : i32 to vector<16xi32>
      %reduce_min3A_150 = arith.xori %select_n3A_145, %reduce_min3A_149 : vector<16xi32>
      %reduce_min3A_151 = tpu.scan <min>, %reduce_min3A_150 masked %reduce_min3A_147 : vector<16xi32>, vector<16xi1> -> vector<16xi32>
      %reduce_min3A_152 = arith.xori %reduce_min3A_151, %reduce_min3A_149 : vector<16xi32>
      %reduce_min3A_153 = vector.extract %reduce_min3A_152[15] : i32 from vector<16xi32>
      %broadcast_in_dim3A_154 = arith.constant 0 : i32
      %broadcast_in_dim3A_155 = vector.broadcast %broadcast_in_dim3A_154 : i32 to vector<16xi32>
      %add3A_156 = vector.broadcast %reduce_min3A_153 : i32 to vector<16xi32>
      %add3A_157 = arith.addi %broadcast_in_dim3A_155, %add3A_156 : vector<16xi32>
      %gather3A = tpu.vector_load_idx %arg9[%add3A_157] : memref<2048xi32, #tpu.memory_space<vmem>>[vector<16xi32>], vector<16xi32>,
      %broadcast_in_dim3A_158 = arith.constant 0 : i32
      %broadcast_in_dim3A_159 = vector.broadcast %broadcast_in_dim3A_158 : i32 to vector<16xi32>
      %add3A_160 = vector.broadcast %scan3A_91 : i32 to vector<16xi32>
      %add3A_161 = arith.addi %broadcast_in_dim3A_159, %add3A_160 : vector<16xi32>
      %broadcast_in_dim3A_162 = arith.constant 0.000000e+00 : f32
      %broadcast_in_dim3A_163 = vector.broadcast %broadcast_in_dim3A_162 : f32 to vector<16xf32>
      %add3A_164 = vector.broadcast %reduce_max3A_136 : f32 to vector<16xf32>
      %add3A_165 = arith.addf %broadcast_in_dim3A_163, %add3A_164 : vector<16xf32>
      tpu.vector_store_idx %arg10[%add3A_161], %add3A_165 masked %eq3A_73 : memref<64xf32, #tpu.memory_space<vmem>>[vector<16xi32>], vector<16xf32>, vector<16xi1>
      tpu.vector_store_idx %arg11[%add3A_161], %gather3A masked %eq3A_73 : memref<64xi32, #tpu.memory_space<vmem>>[vector<16xi32>], vector<16xi32>, vector<16xi1>
      %broadcast_in_dim3A_166 = arith.constant -3.000000e+38 : f32
      %broadcast_in_dim3A_167 = vector.broadcast %broadcast_in_dim3A_166 : f32 to vector<16xf32>
      tpu.vector_store_idx %arg8[%add3A_157], %broadcast_in_dim3A_167 masked %eq3A_73 : memref<2048xf32, #tpu.memory_space<vmem>>[vector<16xi32>], vector<16xf32>, vector<16xi1>
      scf.yield %reduce_max3A_136 : f32
    }
    %scan3A_80 = arith.constant 64 : i32
    %dma_start3A = arith.constant 0 : i32
    %dma_start3A_81 = arith.constant 0 : i32
    %dma_start3A_82 = tpu.memref_slice %arg3[%dma_start3A, %dma_start3A_81] : memref<262144x256xf32, #tpu.memory_space<hbm>> -> memref<262144x256xf32, #tpu.memory_space<hbm>>
    tpu.enqueue_indirect_dma source(%dma_start3A_82 : memref<262144x256xf32, #tpu.memory_space<hbm>>) target(%arg12 : memref<64x256xf32, #tpu.memory_space<vmem>>) offsets(%arg11 : memref<64xi32, #tpu.memory_space<vmem>>) semaphore(%arg13 : memref<!tpu.dma_semaphore, #tpu.memory_space<semaphore_mem>>)
    %dma_wait3A = arith.constant 0 : i32
    %dma_wait3A_83 = arith.constant 0 : i32
    %dma_wait3A_84 = tpu.memref_slice %arg3[%dma_wait3A, %dma_wait3A_83] : memref<262144x256xf32, #tpu.memory_space<hbm>> -> memref<262144x256xf32, #tpu.memory_space<hbm>>
    tpu.wait_indirect_dma semaphore(%arg13 : memref<!tpu.dma_semaphore, #tpu.memory_space<semaphore_mem>>) src(%dma_wait3A_84 : memref<262144x256xf32, #tpu.memory_space<hbm>>) dst(%arg12 : memref<64x256xf32, #tpu.memory_space<vmem>>)
    %mul3A_85 = arith.constant 64 : i32
    %mul3A_86 = arith.muli %add3A_37, %mul3A_85 : i32
    "tpu.region"() ({
      %run_scoped3A = tpu.sem_alloc : memref<!tpu.dma_semaphore, #tpu.memory_space<semaphore_mem>>
      %dma_start3A_91 = tpu.memref_slice %arg4[%mul3A_86] : memref<2048xf32, #tpu.memory_space<hbm>> -> memref<64xf32, #tpu.memory_space<hbm>>
      %dma_start3A_92 = tpu.memref_slice %arg4[%mul3A_86] : memref<2048xf32, #tpu.memory_space<hbm>> -> memref<64xf32, #tpu.memory_space<hbm>>
      tpu.enqueue_dma source(%arg10 : memref<64xf32, #tpu.memory_space<vmem>>) target(%dma_start3A_92 : memref<64xf32, #tpu.memory_space<hbm>>) target_semaphore(%run_scoped3A : memref<!tpu.dma_semaphore, #tpu.memory_space<semaphore_mem>>)
      %dma_wait3A_93 = tpu.memref_slice %arg4[%mul3A_86] : memref<2048xf32, #tpu.memory_space<hbm>> -> memref<64xf32, #tpu.memory_space<hbm>>
      %dma_wait3A_94 = tpu.memref_slice %arg4[%mul3A_86] : memref<2048xf32, #tpu.memory_space<hbm>> -> memref<64xf32, #tpu.memory_space<hbm>>
      tpu.wait_dma2 semaphore(%run_scoped3A : memref<!tpu.dma_semaphore, #tpu.memory_space<semaphore_mem>>) src(%arg10 : memref<64xf32, #tpu.memory_space<vmem>>) dst(%dma_wait3A_94 : memref<64xf32, #tpu.memory_space<hbm>>)
      tpu.yield
    }) : () -> ()
    %mul3A_87 = arith.constant 64 : i32
    %mul3A_88 = arith.muli %add3A_37, %mul3A_87 : i32
    "tpu.region"() ({
      %run_scoped3A = tpu.sem_alloc : memref<!tpu.dma_semaphore, #tpu.memory_space<semaphore_mem>>
      %dma_start3A_91 = tpu.memref_slice %arg5[%mul3A_88] : memref<2048xi32, #tpu.memory_space<hbm>> -> memref<64xi32, #tpu.memory_space<hbm>>
      %dma_start3A_92 = tpu.memref_slice %arg5[%mul3A_88] : memref<2048xi32, #tpu.memory_space<hbm>> -> memref<64xi32, #tpu.memory_space<hbm>>
      tpu.enqueue_dma source(%arg11 : memref<64xi32, #tpu.memory_space<vmem>>) target(%dma_start3A_92 : memref<64xi32, #tpu.memory_space<hbm>>) target_semaphore(%run_scoped3A : memref<!tpu.dma_semaphore, #tpu.memory_space<semaphore_mem>>)
      %dma_wait3A_93 = tpu.memref_slice %arg5[%mul3A_88] : memref<2048xi32, #tpu.memory_space<hbm>> -> memref<64xi32, #tpu.memory_space<hbm>>
      %dma_wait3A_94 = tpu.memref_slice %arg5[%mul3A_88] : memref<2048xi32, #tpu.memory_space<hbm>> -> memref<64xi32, #tpu.memory_space<hbm>>
      tpu.wait_dma2 semaphore(%run_scoped3A : memref<!tpu.dma_semaphore, #tpu.memory_space<semaphore_mem>>) src(%arg11 : memref<64xi32, #tpu.memory_space<vmem>>) dst(%dma_wait3A_94 : memref<64xi32, #tpu.memory_space<hbm>>)
      tpu.yield
    }) : () -> ()
    %mul3A_89 = arith.constant 64 : i32
    %mul3A_90 = arith.muli %add3A_37, %mul3A_89 : i32
    "tpu.region"() ({
      %run_scoped3A = tpu.sem_alloc : memref<!tpu.dma_semaphore, #tpu.memory_space<semaphore_mem>>
      %dma_start3A_91 = arith.constant 0 : i32
      %dma_start3A_92 = tpu.memref_slice %arg6[%mul3A_90, %dma_start3A_91] : memref<2048x256xf32, #tpu.memory_space<hbm>> -> memref<64x256xf32, #tpu.memory_space<hbm>>
      %dma_start3A_93 = arith.constant 0 : i32
      %dma_start3A_94 = tpu.memref_slice %arg6[%mul3A_90, %dma_start3A_93] : memref<2048x256xf32, #tpu.memory_space<hbm>> -> memref<64x256xf32, #tpu.memory_space<hbm>>
      tpu.enqueue_dma source(%arg12 : memref<64x256xf32, #tpu.memory_space<vmem>>) target(%dma_start3A_94 : memref<64x256xf32, #tpu.memory_space<hbm>>) target_semaphore(%run_scoped3A : memref<!tpu.dma_semaphore, #tpu.memory_space<semaphore_mem>>)
      %dma_wait3A_95 = arith.constant 0 : i32
      %dma_wait3A_96 = tpu.memref_slice %arg6[%mul3A_90, %dma_wait3A_95] : memref<2048x256xf32, #tpu.memory_space<hbm>> -> memref<64x256xf32, #tpu.memory_space<hbm>>
      %dma_wait3A_97 = arith.constant 0 : i32
      %dma_wait3A_98 = tpu.memref_slice %arg6[%mul3A_90, %dma_wait3A_97] : memref<2048x256xf32, #tpu.memory_space<hbm>> -> memref<64x256xf32, #tpu.memory_space<hbm>>
      tpu.wait_dma2 semaphore(%run_scoped3A : memref<!tpu.dma_semaphore, #tpu.memory_space<semaphore_mem>>) src(%arg12 : memref<64x256xf32, #tpu.memory_space<vmem>>) dst(%dma_wait3A_98 : memref<64x256xf32, #tpu.memory_space<hbm>>)
      tpu.yield
    }) : () -> ()
    return
  }
}

#map = affine_map<(d0, d1) -> (0, 0)>
#map1 = affine_map<(d0, d1) -> (0)>
module attributes {stable_mosaic.version = 14 : i64} {
  func.func @k(%arg0: i32, %arg1: i32, %arg2: memref<8x131072xf32, #tpu.memory_space<hbm>>, %arg3: memref<262144x256xf32, #tpu.memory_space<hbm>>, %arg4: memref<2048xf32, #tpu.memory_space<hbm>>, %arg5: memref<2048xi32, #tpu.memory_space<hbm>>, %arg6: memref<2048x256xf32, #tpu.memory_space<hbm>>, %arg7: memref<32768xf32, #tpu.memory_space<vmem>>, %arg8: memref<2048xf32, #tpu.memory_space<vmem>>, %arg9: memref<2048xi32, #tpu.memory_space<vmem>>, %arg10: memref<64xf32, #tpu.memory_space<vmem>>, %arg11: memref<64xi32, #tpu.memory_space<vmem>>, %arg12: memref<64x256xf32, #tpu.memory_space<vmem>>, %arg13: memref<!tpu.dma_semaphore, #tpu.memory_space<semaphore_mem>>) attributes {dimension_semantics = [#tpu.dimension_semantics<core_parallel>, #tpu.dimension_semantics<subcore_parallel>], iteration_bounds = array<i64: 2, 16>, scalar_prefetch = 0 : i64, scratch_operands = 7 : i64, tpu.core_type = #tpu.core_type<sc_vector_subcore>, window_params = [{transform_indices = #map}, {transform_indices = #map}, {transform_indices = #map1}, {transform_indices = #map1}, {transform_indices = #map}]} {
    %mul3A = arith.constant 4 : i32
    %mul3A_0 = arith.muli %arg0, %mul3A : i32
    %jit3A = arith.constant 4 : i32
    %div3A = arith.divsi %arg1, %jit3A : i32
    %sign3A = arith.constant 0 : i32
    %sign3A_1 = arith.cmpi sgt, %arg1, %sign3A : i32
    %sign3A_2 = arith.extui %sign3A_1 : i1 to i32
    %sign3A_3 = arith.constant 0 : i32
    %sign3A_4 = arith.cmpi slt, %arg1, %sign3A_3 : i32
    %sign3A_5 = arith.extui %sign3A_4 : i1 to i32
    %sign3A_6 = arith.subi %sign3A_2, %sign3A_5 : i32
    %sign3A_7 = arith.constant 0 : i32
    %sign3A_8 = arith.cmpi sgt, %jit3A, %sign3A_7 : i32
    %sign3A_9 = arith.extui %sign3A_8 : i1 to i32
    %sign3A_10 = arith.constant 0 : i32
    %sign3A_11 = arith.cmpi slt, %jit3A, %sign3A_10 : i32
    %sign3A_12 = arith.extui %sign3A_11 : i1 to i32
    %sign3A_13 = arith.subi %sign3A_9, %sign3A_12 : i32
    %ne3A = arith.cmpi ne, %sign3A_6, %sign3A_13 : i32
    %rem3A = arith.remsi %arg1, %jit3A : i32
    %ne3A_14 = arith.constant 0 : i32
    %ne3A_15 = arith.cmpi ne, %rem3A, %ne3A_14 : i32
    %and3A = arith.andi %ne3A, %ne3A_15 : i1
    %sub3A = arith.constant 1 : i32
    %sub3A_16 = arith.subi %div3A, %sub3A : i32
    %select_n3A = arith.select %and3A, %sub3A_16, %div3A : i32
    %add3A = arith.addi %mul3A_0, %select_n3A : i32
    %jit3A_17 = arith.constant 4 : i32
    %eq3A = arith.constant 0 : i32
    %eq3A_18 = arith.cmpi eq, %jit3A_17, %eq3A : i32
    %jit3A_19 = arith.constant 1 : i32
    %select_n3A_20 = arith.select %eq3A_18, %jit3A_19, %jit3A_17 : i32
    %rem3A_21 = arith.remsi %arg1, %select_n3A_20 : i32
    %ne3A_22 = arith.constant 0 : i32
    %ne3A_23 = arith.cmpi ne, %rem3A_21, %ne3A_22 : i32
    %lt3A = arith.constant 0 : i32
    %lt3A_24 = arith.cmpi slt, %rem3A_21, %lt3A : i32
    %lt3A_25 = arith.constant 0 : i32
    %lt3A_26 = arith.cmpi slt, %select_n3A_20, %lt3A_25 : i32
    %ne3A_27 = arith.xori %lt3A_24, %lt3A_26 : i1
    %and3A_28 = arith.andi %ne3A_27, %ne3A_23 : i1
    %add3A_29 = arith.addi %rem3A_21, %select_n3A_20 : i32
    %select_n3A_30 = arith.select %and3A_28, %add3A_29, %rem3A_21 : i32
    %mul3A_31 = arith.constant 32768 : i32
    %mul3A_32 = arith.muli %select_n3A_30, %mul3A_31 : i32
    %add3A_33 = arith.constant 131072 : i32
    %add3A_34 = arith.addi %add3A_33, %mul3A_32 : i32
    %mul3A_35 = arith.constant 4 : i32
    %mul3A_36 = arith.muli %add3A, %mul3A_35 : i32
    %add3A_37 = arith.addi %mul3A_36, %select_n3A_30 : i32
    %iota3A = tpu.iota {dimensions = array<i32: 0>} : vector<16xi32>
    %mul3A_38 = arith.constant 32768 : i32
    %mul3A_39 = arith.muli %select_n3A_30, %mul3A_38 : i32
    "tpu.region"() ({
      %run_scoped3A = tpu.sem_alloc : memref<!tpu.dma_semaphore, #tpu.memory_space<semaphore_mem>>
      %dma_start3A_91 = tpu.memref_slice %arg2[%add3A, %mul3A_39] : memref<8x131072xf32, #tpu.memory_space<hbm>> -> memref<1x32768xf32, #tpu.memory_space<hbm>>
      %dma_start3A_92 = tpu.memref_squeeze %dma_start3A_91 : memref<1x32768xf32, #tpu.memory_space<hbm>> -> memref<32768xf32, #tpu.memory_space<hbm>>
      %dma_start3A_93 = tpu.memref_slice %arg2[%add3A, %mul3A_39] : memref<8x131072xf32, #tpu.memory_space<hbm>> -> memref<1x32768xf32, #tpu.memory_space<hbm>>
      %dma_start3A_94 = tpu.memref_squeeze %dma_start3A_93 : memref<1x32768xf32, #tpu.memory_space<hbm>> -> memref<32768xf32, #tpu.memory_space<hbm>>
      tpu.enqueue_dma source(%dma_start3A_94 : memref<32768xf32, #tpu.memory_space<hbm>>) target(%arg7 : memref<32768xf32, #tpu.memory_space<vmem>>) target_semaphore(%run_scoped3A : memref<!tpu.dma_semaphore, #tpu.memory_space<semaphore_mem>>)
      %dma_wait3A_95 = tpu.memref_slice %arg2[%add3A, %mul3A_39] : memref<8x131072xf32, #tpu.memory_space<hbm>> -> memref<1x32768xf32, #tpu.memory_space<hbm>>
      %dma_wait3A_96 = tpu.memref_squeeze %dma_wait3A_95 : memref<1x32768xf32, #tpu.memory_space<hbm>> -> memref<32768xf32, #tpu.memory_space<hbm>>
      %dma_wait3A_97 = tpu.memref_slice %arg2[%add3A, %mul3A_39] : memref<8x131072xf32, #tpu.memory_space<hbm>> -> memref<1x32768xf32, #tpu.memory_space<hbm>>
      %dma_wait3A_98 = tpu.memref_squeeze %dma_wait3A_97 : memref<1x32768xf32, #tpu.memory_space<hbm>> -> memref<32768xf32, #tpu.memory_space<hbm>>
      tpu.wait_dma2 semaphore(%run_scoped3A : memref<!tpu.dma_semaphore, #tpu.memory_space<semaphore_mem>>) src(%dma_wait3A_98 : memref<32768xf32, #tpu.memory_space<hbm>>) dst(%arg7 : memref<32768xf32, #tpu.memory_space<vmem>>)
      tpu.yield
    }) : () -> ()
    %broadcast_in_dim3A = arith.constant -3.000000e+38 : f32
    %broadcast_in_dim3A_40 = vector.broadcast %broadcast_in_dim3A : f32 to vector<16xf32>
    %scan3A = arith.constant 0 : i32
    %scan3A_41 = arith.constant 256 : i32
    %scan3A_42 = arith.addi %scan3A, %scan3A_41 : i32
    %scan3A_43 = arith.constant 1 : i32
    %scan3A_44:4 = scf.for %scan3A_91 = %scan3A to %scan3A_42 step %scan3A_43 iter_args(%scan3A_92 = %broadcast_in_dim3A_40, %scan3A_93 = %broadcast_in_dim3A_40, %scan3A_94 = %broadcast_in_dim3A_40, %scan3A_95 = %broadcast_in_dim3A_40) -> (vector<16xf32>, vector<16xf32>, vector<16xf32>, vector<16xf32>)  : i32 {
      %mul3A_96 = arith.constant 8 : i32
      %mul3A_97 = arith.muli %scan3A_91, %mul3A_96 : i32
      %add3A_98 = arith.constant 0 : i32
      %add3A_99 = arith.addi %mul3A_97, %add3A_98 : i32
      %add3A_100 = arith.constant 0 : i32
      %add3A_101 = arith.addi %add3A_99, %add3A_100 : i32
      %mul3A_102 = arith.constant 16 : i32
      %mul3A_103 = arith.muli %add3A_101, %mul3A_102 : i32
      %get3A = arith.index_cast %mul3A_103 : i32 to index
      %get3A_104 = tpu.vector_load %arg7[%get3A] {strides = array<i32>} : memref<32768xf32, #tpu.memory_space<vmem>>, vector<16xf32>,
      %max3A = arith.maximumf %scan3A_92, %get3A_104 : vector<16xf32>
      %mul3A_105 = arith.constant 8 : i32
      %mul3A_106 = arith.muli %scan3A_91, %mul3A_105 : i32
      %add3A_107 = arith.constant 0 : i32
      %add3A_108 = arith.addi %mul3A_106, %add3A_107 : i32
      %add3A_109 = arith.constant 1 : i32
      %add3A_110 = arith.addi %add3A_108, %add3A_109 : i32
      %mul3A_111 = arith.constant 16 : i32
      %mul3A_112 = arith.muli %add3A_110, %mul3A_111 : i32
      %get3A_113 = arith.index_cast %mul3A_112 : i32 to index
      %get3A_114 = tpu.vector_load %arg7[%get3A_113] {strides = array<i32>} : memref<32768xf32, #tpu.memory_space<vmem>>, vector<16xf32>,
      %max3A_115 = arith.maximumf %scan3A_93, %get3A_114 : vector<16xf32>
      %mul3A_116 = arith.constant 8 : i32
      %mul3A_117 = arith.muli %scan3A_91, %mul3A_116 : i32
      %add3A_118 = arith.constant 0 : i32
      %add3A_119 = arith.addi %mul3A_117, %add3A_118 : i32
      %add3A_120 = arith.constant 2 : i32
      %add3A_121 = arith.addi %add3A_119, %add3A_120 : i32
      %mul3A_122 = arith.constant 16 : i32
      %mul3A_123 = arith.muli %add3A_121, %mul3A_122 : i32
      %get3A_124 = arith.index_cast %mul3A_123 : i32 to index
      %get3A_125 = tpu.vector_load %arg7[%get3A_124] {strides = array<i32>} : memref<32768xf32, #tpu.memory_space<vmem>>, vector<16xf32>,
      %max3A_126 = arith.maximumf %scan3A_94, %get3A_125 : vector<16xf32>
      %mul3A_127 = arith.constant 8 : i32
      %mul3A_128 = arith.muli %scan3A_91, %mul3A_127 : i32
      %add3A_129 = arith.constant 0 : i32
      %add3A_130 = arith.addi %mul3A_128, %add3A_129 : i32
      %add3A_131 = arith.constant 3 : i32
      %add3A_132 = arith.addi %add3A_130, %add3A_131 : i32
      %mul3A_133 = arith.constant 16 : i32
      %mul3A_134 = arith.muli %add3A_132, %mul3A_133 : i32
      %get3A_135 = arith.index_cast %mul3A_134 : i32 to index
      %get3A_136 = tpu.vector_load %arg7[%get3A_135] {strides = array<i32>} : memref<32768xf32, #tpu.memory_space<vmem>>, vector<16xf32>,
      %max3A_137 = arith.maximumf %scan3A_95, %get3A_136 : vector<16xf32>
      %mul3A_138 = arith.constant 8 : i32
      %mul3A_139 = arith.muli %scan3A_91, %mul3A_138 : i32
      %add3A_140 = arith.constant 4 : i32
      %add3A_141 = arith.addi %mul3A_139, %add3A_140 : i32
      %add3A_142 = arith.constant 0 : i32
      %add3A_143 = arith.addi %add3A_141, %add3A_142 : i32
      %mul3A_144 = arith.constant 16 : i32
      %mul3A_145 = arith.muli %add3A_143, %mul3A_144 : i32
      %get3A_146 = arith.index_cast %mul3A_145 : i32 to index
      %get3A_147 = tpu.vector_load %arg7[%get3A_146] {strides = array<i32>} : memref<32768xf32, #tpu.memory_space<vmem>>, vector<16xf32>,
      %max3A_148 = arith.maximumf %max3A, %get3A_147 : vector<16xf32>
      %mul3A_149 = arith.constant 8 : i32
      %mul3A_150 = arith.muli %scan3A_91, %mul3A_149 : i32
      %add3A_151 = arith.constant 4 : i32
      %add3A_152 = arith.addi %mul3A_150, %add3A_151 : i32
      %add3A_153 = arith.constant 1 : i32
      %add3A_154 = arith.addi %add3A_152, %add3A_153 : i32
      %mul3A_155 = arith.constant 16 : i32
      %mul3A_156 = arith.muli %add3A_154, %mul3A_155 : i32
      %get3A_157 = arith.index_cast %mul3A_156 : i32 to index
      %get3A_158 = tpu.vector_load %arg7[%get3A_157] {strides = array<i32>} : memref<32768xf32, #tpu.memory_space<vmem>>, vector<16xf32>,
      %max3A_159 = arith.maximumf %max3A_115, %get3A_158 : vector<16xf32>
      %mul3A_160 = arith.constant 8 : i32
      %mul3A_161 = arith.muli %scan3A_91, %mul3A_160 : i32
      %add3A_162 = arith.constant 4 : i32
      %add3A_163 = arith.addi %mul3A_161, %add3A_162 : i32
      %add3A_164 = arith.constant 2 : i32
      %add3A_165 = arith.addi %add3A_163, %add3A_164 : i32
      %mul3A_166 = arith.constant 16 : i32
      %mul3A_167 = arith.muli %add3A_165, %mul3A_166 : i32
      %get3A_168 = arith.index_cast %mul3A_167 : i32 to index
      %get3A_169 = tpu.vector_load %arg7[%get3A_168] {strides = array<i32>} : memref<32768xf32, #tpu.memory_space<vmem>>, vector<16xf32>,
      %max3A_170 = arith.maximumf %max3A_126, %get3A_169 : vector<16xf32>
      %mul3A_171 = arith.constant 8 : i32
      %mul3A_172 = arith.muli %scan3A_91, %mul3A_171 : i32
      %add3A_173 = arith.constant 4 : i32
      %add3A_174 = arith.addi %mul3A_172, %add3A_173 : i32
      %add3A_175 = arith.constant 3 : i32
      %add3A_176 = arith.addi %add3A_174, %add3A_175 : i32
      %mul3A_177 = arith.constant 16 : i32
      %mul3A_178 = arith.muli %add3A_176, %mul3A_177 : i32
      %get3A_179 = arith.index_cast %mul3A_178 : i32 to index
      %get3A_180 = tpu.vector_load %arg7[%get3A_179] {strides = array<i32>} : memref<32768xf32, #tpu.memory_space<vmem>>, vector<16xf32>,
      %max3A_181 = arith.maximumf %max3A_137, %get3A_180 : vector<16xf32>
      scf.yield %max3A_148, %max3A_159, %max3A_170, %max3A_181 : vector<16xf32>, vector<16xf32>, vector<16xf32>, vector<16xf32>
    }
    %scan3A_45 = arith.constant 256 : i32
    %min3A = arith.minimumf %scan3A_44#0, %scan3A_44#1 : vector<16xf32>
    %min3A_46 = arith.minimumf %scan3A_44#2, %scan3A_44#3 : vector<16xf32>
    %min3A_47 = arith.minimumf %min3A, %min3A_46 : vector<16xf32>
    %reduce_min3A = arith.constant true
    %reduce_min3A_48 = vector.broadcast %reduce_min3A : i1 to vector<16xi1>
    %reduce_min3A_49 = tpu.scan <min>, %min3A_47 masked %reduce_min3A_48 : vector<16xf32>, vector<16xi1> -> vector<16xf32>
    %reduce_min3A_50 = vector.extract %reduce_min3A_49[15] : f32 from vector<16xf32>
    %broadcast_in_dim3A_51 = arith.constant 0.000000e+00 : f32
    %broadcast_in_dim3A_52 = vector.broadcast %broadcast_in_dim3A_51 : f32 to vector<16xf32>
    %add3A_53 = vector.broadcast %reduce_min3A_50 : f32 to vector<16xf32>
    %add3A_54 = arith.addf %broadcast_in_dim3A_52, %add3A_53 : vector<16xf32>
    %broadcast_in_dim3A_55 = arith.constant 0 : i32
    %broadcast_in_dim3A_56 = vector.broadcast %broadcast_in_dim3A_55 : i32 to vector<16xi32>
    %scan3A_57 = arith.constant 0 : i32
    %scan3A_58 = arith.constant 32 : i32
    %scan3A_59 = arith.addi %scan3A_57, %scan3A_58 : i32
    %scan3A_60 = arith.constant 1 : i32
    %scan3A_61:2 = scf.for %scan3A_91 = %scan3A_57 to %scan3A_59 step %scan3A_60 iter_args(%scan3A_92 = %add3A_54, %scan3A_93 = %broadcast_in_dim3A_56) -> (vector<16xf32>, vector<16xi32>)  : i32 {
      %reduce_max3A_94 = arith.constant true
      %reduce_max3A_95 = vector.broadcast %reduce_max3A_94 : i1 to vector<16xi1>
      %reduce_max3A_96 = arith.constant -2147483648 : i32
      %reduce_max3A_97 = vector.broadcast %reduce_max3A_96 : i32 to vector<16xi32>
      %reduce_max3A_98 = arith.xori %scan3A_93, %reduce_max3A_97 : vector<16xi32>
      %reduce_max3A_99 = tpu.scan <max>, %reduce_max3A_98 masked %reduce_max3A_95 : vector<16xi32>, vector<16xi1> -> vector<16xi32>
      %reduce_max3A_100 = arith.xori %reduce_max3A_99, %reduce_max3A_97 : vector<16xi32>
      %reduce_max3A_101 = vector.extract %reduce_max3A_100[15] : i32 from vector<16xi32>
      %gt3A = arith.constant 64 : i32
      %gt3A_102 = arith.cmpi sgt, %reduce_max3A_101, %gt3A : i32
      %convert_element_type3A = arith.extui %gt3A_102 : i1 to i32
      %cond3A = arith.constant 0 : i32
      %cond3A_103 = arith.cmpi ne, %convert_element_type3A, %cond3A : i32
      %cond3A_104:2 = scf.if %cond3A_103 -> (vector<16xf32>, vector<16xi32>) {
        %reduce_max3A_120 = arith.constant true
        %reduce_max3A_121 = vector.broadcast %reduce_max3A_120 : i1 to vector<16xi1>
        %reduce_max3A_122 = arith.constant -2147483648 : i32
        %reduce_max3A_123 = vector.broadcast %reduce_max3A_122 : i32 to vector<16xi32>
        %reduce_max3A_124 = arith.xori %scan3A_93, %reduce_max3A_123 : vector<16xi32>
        %reduce_max3A_125 = tpu.scan <max>, %reduce_max3A_124 masked %reduce_max3A_121 : vector<16xi32>, vector<16xi1> -> vector<16xi32>
        %reduce_max3A_126 = arith.xori %reduce_max3A_125, %reduce_max3A_123 : vector<16xi32>
        %reduce_max3A_127 = vector.extract %reduce_max3A_126[15] : i32 from vector<16xi32>
        %iota3A_128 = tpu.iota {dimensions = array<i32: 0>} : vector<16xi32>
        %eq3A_129 = arith.constant 0 : i32
        %eq3A_130 = vector.broadcast %eq3A_129 : i32 to vector<16xi32>
        %eq3A_131 = arith.cmpi eq, %iota3A_128, %eq3A_130 : vector<16xi32>
        %scan3A_132 = arith.constant 0.000000e+00 : f32
        %scan3A_133 = arith.constant 0 : i32
        %scan3A_134 = arith.constant 64 : i32
        %scan3A_135 = arith.addi %scan3A_133, %scan3A_134 : i32
        %scan3A_136 = arith.constant 1 : i32
        %scan3A_137 = scf.for %scan3A_175 = %scan3A_133 to %scan3A_135 step %scan3A_136 iter_args(%scan3A_176 = %scan3A_132) -> (f32)  : i32 {
          %add3A_177 = arith.constant 1 : i32
          %add3A_178 = arith.addi %reduce_max3A_127, %add3A_177 : i32
          %jit3A_179 = arith.constant 2 : i32
          %div3A_180 = arith.divsi %add3A_178, %jit3A_179 : i32
          %sign3A_181 = arith.constant 0 : i32
          %sign3A_182 = arith.cmpi sgt, %add3A_178, %sign3A_181 : i32
          %sign3A_183 = arith.extui %sign3A_182 : i1 to i32
          %sign3A_184 = arith.constant 0 : i32
          %sign3A_185 = arith.cmpi slt, %add3A_178, %sign3A_184 : i32
          %sign3A_186 = arith.extui %sign3A_185 : i1 to i32
          %sign3A_187 = arith.subi %sign3A_183, %sign3A_186 : i32
          %sign3A_188 = arith.constant 0 : i32
          %sign3A_189 = arith.cmpi sgt, %jit3A_179, %sign3A_188 : i32
          %sign3A_190 = arith.extui %sign3A_189 : i1 to i32
          %sign3A_191 = arith.constant 0 : i32
          %sign3A_192 = arith.cmpi slt, %jit3A_179, %sign3A_191 : i32
          %sign3A_193 = arith.extui %sign3A_192 : i1 to i32
          %sign3A_194 = arith.subi %sign3A_190, %sign3A_193 : i32
          %ne3A_195 = arith.cmpi ne, %sign3A_187, %sign3A_194 : i32
          %rem3A_196 = arith.remsi %add3A_178, %jit3A_179 : i32
          %ne3A_197 = arith.constant 0 : i32
          %ne3A_198 = arith.cmpi ne, %rem3A_196, %ne3A_197 : i32
          %and3A_199 = arith.andi %ne3A_195, %ne3A_198 : i1
          %sub3A_200 = arith.constant 1 : i32
          %sub3A_201 = arith.subi %div3A_180, %sub3A_200 : i32
          %select_n3A_202 = arith.select %and3A_199, %sub3A_201, %div3A_180 : i32
          %broadcast_in_dim3A_203 = arith.constant -3.000000e+38 : f32
          %broadcast_in_dim3A_204 = vector.broadcast %broadcast_in_dim3A_203 : f32 to vector<16xf32>
          %broadcast_in_dim3A_205 = arith.constant 0 : i32
          %broadcast_in_dim3A_206 = vector.broadcast %broadcast_in_dim3A_205 : i32 to vector<16xi32>
          %while3A_207 = arith.constant 0 : i32
          %while3A_208 = arith.subi %select_n3A_202, %while3A_207 : i32
          %while3A_209 = arith.addi %while3A_207, %while3A_208 : i32
          %while3A_210 = arith.constant 1 : i32
          %while3A_211 = arith.divsi %while3A_208, %while3A_210 : i32
          %while3A_212 = arith.muli %while3A_211, %while3A_210 : i32
          %while3A_213 = arith.addi %while3A_207, %while3A_212 : i32
          %while3A_214 = arith.constant 1 : i32
          %while3A_215:2 = scf.for %while3A_253 = %while3A_207 to %while3A_213 step %while3A_214 iter_args(%while3A_254 = %broadcast_in_dim3A_204, %while3A_255 = %broadcast_in_dim3A_206) -> (vector<16xf32>, vector<16xi32>)  : i32 {
            %mul3A_256 = arith.constant 2 : i32
            %mul3A_257 = arith.muli %while3A_253, %mul3A_256 : i32
            %add3A_258 = arith.constant 0 : i32
            %add3A_259 = arith.addi %mul3A_257, %add3A_258 : i32
            %mul3A_260 = arith.constant 16 : i32
            %mul3A_261 = arith.muli %add3A_259, %mul3A_260 : i32
            %get3A_262 = arith.index_cast %mul3A_261 : i32 to index
            %get3A_263 = tpu.vector_load %arg8[%get3A_262] {strides = array<i32>} : memref<2048xf32, #tpu.memory_space<vmem>>, vector<16xf32>,
            %lt3A_264 = vector.broadcast %add3A_259 : i32 to vector<16xi32>
            %lt3A_265 = arith.cmpi slt, %lt3A_264, %scan3A_93 : vector<16xi32>
            %jit3A_266 = arith.constant -3.000000e+38 : f32
            %broadcast_in_dim3A_267 = vector.broadcast %jit3A_266 : f32 to vector<16xf32>
            %select_n3A_268 = arith.select %lt3A_265, %get3A_263, %broadcast_in_dim3A_267 : vector<16xi1>, vector<16xf32>
            %gt3A_269 = arith.cmpf ogt, %select_n3A_268, %while3A_254 : vector<16xf32>
            %select_n3A_270 = arith.select %gt3A_269, %select_n3A_268, %while3A_254 : vector<16xi1>, vector<16xf32>
            %broadcast_in_dim3A_271 = vector.broadcast %add3A_259 : i32 to vector<16xi32>
            %select_n3A_272 = arith.select %gt3A_269, %broadcast_in_dim3A_271, %while3A_255 : vector<16xi1>, vector<16xi32>
            %mul3A_273 = arith.constant 2 : i32
            %mul3A_274 = arith.muli %while3A_253, %mul3A_273 : i32
            %add3A_275 = arith.constant 1 : i32
            %add3A_276 = arith.addi %mul3A_274, %add3A_275 : i32
            %mul3A_277 = arith.constant 16 : i32
            %mul3A_278 = arith.muli %add3A_276, %mul3A_277 : i32
            %get3A_279 = arith.index_cast %mul3A_278 : i32 to index
            %get3A_280 = tpu.vector_load %arg8[%get3A_279] {strides = array<i32>} : memref<2048xf32, #tpu.memory_space<vmem>>, vector<16xf32>,
            %lt3A_281 = vector.broadcast %add3A_276 : i32 to vector<16xi32>
            %lt3A_282 = arith.cmpi slt, %lt3A_281, %scan3A_93 : vector<16xi32>
            %jit3A_283 = arith.constant -3.000000e+38 : f32
            %broadcast_in_dim3A_284 = vector.broadcast %jit3A_283 : f32 to vector<16xf32>
            %select_n3A_285 = arith.select %lt3A_282, %get3A_280, %broadcast_in_dim3A_284 : vector<16xi1>, vector<16xf32>
            %gt3A_286 = arith.cmpf ogt, %select_n3A_285, %select_n3A_270 : vector<16xf32>
            %select_n3A_287 = arith.select %gt3A_286, %select_n3A_285, %select_n3A_270 : vector<16xi1>, vector<16xf32>
            %broadcast_in_dim3A_288 = vector.broadcast %add3A_276 : i32 to vector<16xi32>
            %select_n3A_289 = arith.select %gt3A_286, %broadcast_in_dim3A_288, %select_n3A_272 : vector<16xi1>, vector<16xi32>
            scf.yield %select_n3A_287, %select_n3A_289 : vector<16xf32>, vector<16xi32>
          }
          %while3A_216 = arith.constant 1 : i32
          %while3A_217:2 = scf.for %while3A_253 = %while3A_213 to %while3A_209 step %while3A_216 iter_args(%while3A_254 = %while3A_215#0, %while3A_255 = %while3A_215#1) -> (vector<16xf32>, vector<16xi32>)  : i32 {
            %mul3A_256 = arith.constant 2 : i32
            %mul3A_257 = arith.muli %while3A_253, %mul3A_256 : i32
            %add3A_258 = arith.constant 0 : i32
            %add3A_259 = arith.addi %mul3A_257, %add3A_258 : i32
            %mul3A_260 = arith.constant 16 : i32
            %mul3A_261 = arith.muli %add3A_259, %mul3A_260 : i32
            %get3A_262 = arith.index_cast %mul3A_261 : i32 to index
            %get3A_263 = tpu.vector_load %arg8[%get3A_262] {strides = array<i32>} : memref<2048xf32, #tpu.memory_space<vmem>>, vector<16xf32>,
            %lt3A_264 = vector.broadcast %add3A_259 : i32 to vector<16xi32>
            %lt3A_265 = arith.cmpi slt, %lt3A_264, %scan3A_93 : vector<16xi32>
            %jit3A_266 = arith.constant -3.000000e+38 : f32
            %broadcast_in_dim3A_267 = vector.broadcast %jit3A_266 : f32 to vector<16xf32>
            %select_n3A_268 = arith.select %lt3A_265, %get3A_263, %broadcast_in_dim3A_267 : vector<16xi1>, vector<16xf32>
            %gt3A_269 = arith.cmpf ogt, %select_n3A_268, %while3A_254 : vector<16xf32>
            %select_n3A_270 = arith.select %gt3A_269, %select_n3A_268, %while3A_254 : vector<16xi1>, vector<16xf32>
            %broadcast_in_dim3A_271 = vector.broadcast %add3A_259 : i32 to vector<16xi32>
            %select_n3A_272 = arith.select %gt3A_269, %broadcast_in_dim3A_271, %while3A_255 : vector<16xi1>, vector<16xi32>
            %mul3A_273 = arith.constant 2 : i32
            %mul3A_274 = arith.muli %while3A_253, %mul3A_273 : i32
            %add3A_275 = arith.constant 1 : i32
            %add3A_276 = arith.addi %mul3A_274, %add3A_275 : i32
            %mul3A_277 = arith.constant 16 : i32
            %mul3A_278 = arith.muli %add3A_276, %mul3A_277 : i32
            %get3A_279 = arith.index_cast %mul3A_278 : i32 to index
            %get3A_280 = tpu.vector_load %arg8[%get3A_279] {strides = array<i32>} : memref<2048xf32, #tpu.memory_space<vmem>>, vector<16xf32>,
            %lt3A_281 = vector.broadcast %add3A_276 : i32 to vector<16xi32>
            %lt3A_282 = arith.cmpi slt, %lt3A_281, %scan3A_93 : vector<16xi32>
            %jit3A_283 = arith.constant -3.000000e+38 : f32
            %broadcast_in_dim3A_284 = vector.broadcast %jit3A_283 : f32 to vector<16xf32>
            %select_n3A_285 = arith.select %lt3A_282, %get3A_280, %broadcast_in_dim3A_284 : vector<16xi1>, vector<16xf32>
            %gt3A_286 = arith.cmpf ogt, %select_n3A_285, %select_n3A_270 : vector<16xf32>
            %select_n3A_287 = arith.select %gt3A_286, %select_n3A_285, %select_n3A_270 : vector<16xi1>, vector<16xf32>
            %broadcast_in_dim3A_288 = vector.broadcast %add3A_276 : i32 to vector<16xi32>
            %select_n3A_289 = arith.select %gt3A_286, %broadcast_in_dim3A_288, %select_n3A_272 : vector<16xi1>, vector<16xi32>
            scf.yield %select_n3A_287, %select_n3A_289 : vector<16xf32>, vector<16xi32>
          }
          %reduce_max3A_218 = arith.constant true
          %reduce_max3A_219 = vector.broadcast %reduce_max3A_218 : i1 to vector<16xi1>
          %reduce_max3A_220 = tpu.scan <max>, %while3A_217#0 masked %reduce_max3A_219 : vector<16xf32>, vector<16xi1> -> vector<16xf32>
          %reduce_max3A_221 = vector.extract %reduce_max3A_220[15] : f32 from vector<16xf32>
          %eq3A_222 = vector.broadcast %reduce_max3A_221 : f32 to vector<16xf32>
          %eq3A_223 = arith.cmpf oeq, %while3A_217#0, %eq3A_222 : vector<16xf32>
          %mul3A_224 = arith.constant 16 : i32
          %mul3A_225 = vector.broadcast %mul3A_224 : i32 to vector<16xi32>
          %mul3A_226 = arith.muli %while3A_217#1, %mul3A_225 : vector<16xi32>
          %add3A_227 = arith.addi %mul3A_226, %iota3A_128 : vector<16xi32>
          %jit3A_228 = arith.constant 1073741824 : i32
          %broadcast_in_dim3A_229 = vector.broadcast %jit3A_228 : i32 to vector<16xi32>
          %select_n3A_230 = arith.select %eq3A_223, %add3A_227, %broadcast_in_dim3A_229 : vector<16xi1>, vector<16xi32>
          %reduce_min3A_231 = arith.constant true
          %reduce_min3A_232 = vector.broadcast %reduce_min3A_231 : i1 to vector<16xi1>
          %reduce_min3A_233 = arith.constant -2147483648 : i32
          %reduce_min3A_234 = vector.broadcast %reduce_min3A_233 : i32 to vector<16xi32>
          %reduce_min3A_235 = arith.xori %select_n3A_230, %reduce_min3A_234 : vector<16xi32>
          %reduce_min3A_236 = tpu.scan <min>, %reduce_min3A_235 masked %reduce_min3A_232 : vector<16xi32>, vector<16xi1> -> vector<16xi32>
          %reduce_min3A_237 = arith.xori %reduce_min3A_236, %reduce_min3A_234 : vector<16xi32>
          %reduce_min3A_238 = vector.extract %reduce_min3A_237[15] : i32 from vector<16xi32>
          %broadcast_in_dim3A_239 = arith.constant 0 : i32
          %broadcast_in_dim3A_240 = vector.broadcast %broadcast_in_dim3A_239 : i32 to vector<16xi32>
          %add3A_241 = vector.broadcast %reduce_min3A_238 : i32 to vector<16xi32>
          %add3A_242 = arith.addi %broadcast_in_dim3A_240, %add3A_241 : vector<16xi32>
          %gather3A = tpu.vector_load_idx %arg9[%add3A_242] : memref<2048xi32, #tpu.memory_space<vmem>>[vector<16xi32>], vector<16xi32>,
          %broadcast_in_dim3A_243 = arith.constant 0 : i32
          %broadcast_in_dim3A_244 = vector.broadcast %broadcast_in_dim3A_243 : i32 to vector<16xi32>
          %add3A_245 = vector.broadcast %scan3A_175 : i32 to vector<16xi32>
          %add3A_246 = arith.addi %broadcast_in_dim3A_244, %add3A_245 : vector<16xi32>
          %broadcast_in_dim3A_247 = arith.constant 0.000000e+00 : f32
          %broadcast_in_dim3A_248 = vector.broadcast %broadcast_in_dim3A_247 : f32 to vector<16xf32>
          %add3A_249 = vector.broadcast %reduce_max3A_221 : f32 to vector<16xf32>
          %add3A_250 = arith.addf %broadcast_in_dim3A_248, %add3A_249 : vector<16xf32>
          tpu.vector_store_idx %arg10[%add3A_246], %add3A_250 masked %eq3A_131 : memref<64xf32, #tpu.memory_space<vmem>>[vector<16xi32>], vector<16xf32>, vector<16xi1>
          tpu.vector_store_idx %arg11[%add3A_246], %gather3A masked %eq3A_131 : memref<64xi32, #tpu.memory_space<vmem>>[vector<16xi32>], vector<16xi32>, vector<16xi1>
          %broadcast_in_dim3A_251 = arith.constant -3.000000e+38 : f32
          %broadcast_in_dim3A_252 = vector.broadcast %broadcast_in_dim3A_251 : f32 to vector<16xf32>
          tpu.vector_store_idx %arg8[%add3A_242], %broadcast_in_dim3A_252 masked %eq3A_131 : memref<2048xf32, #tpu.memory_space<vmem>>[vector<16xi32>], vector<16xf32>, vector<16xi1>
          scf.yield %reduce_max3A_221 : f32
        }
        %scan3A_138 = arith.constant 64 : i32
        %get3A = arith.constant 0 : index
        %get3A_139 = tpu.vector_load %arg10[%get3A] {strides = array<i32>} : memref<64xf32, #tpu.memory_space<vmem>>, vector<16xf32>,
        %swap3A = arith.constant 0 : index
        %swap3A_140 = tpu.vector_load %arg8[%swap3A] {strides = array<i32>} : memref<2048xf32, #tpu.memory_space<vmem>>, vector<16xf32>,
        tpu.vector_store %arg8[%swap3A], %get3A_139 {strides = array<i32>} : memref<2048xf32, #tpu.memory_space<vmem>>, vector<16xf32>,
        %get3A_141 = arith.constant 0 : index
        %get3A_142 = tpu.vector_load %arg11[%get3A_141] {strides = array<i32>} : memref<64xi32, #tpu.memory_space<vmem>>, vector<16xi32>,
        %swap3A_143 = arith.constant 0 : index
        %swap3A_144 = tpu.vector_load %arg9[%swap3A_143] {strides = array<i32>} : memref<2048xi32, #tpu.memory_space<vmem>>, vector<16xi32>,
        tpu.vector_store %arg9[%swap3A_143], %get3A_142 {strides = array<i32>} : memref<2048xi32, #tpu.memory_space<vmem>>, vector<16xi32>,
        %get3A_145 = arith.constant 16 : index
        %get3A_146 = tpu.vector_load %arg10[%get3A_145] {strides = array<i32>} : memref<64xf32, #tpu.memory_space<vmem>>, vector<16xf32>,
        %swap3A_147 = arith.constant 16 : index
        %swap3A_148 = tpu.vector_load %arg8[%swap3A_147] {strides = array<i32>} : memref<2048xf32, #tpu.memory_space<vmem>>, vector<16xf32>,
        tpu.vector_store %arg8[%swap3A_147], %get3A_146 {strides = array<i32>} : memref<2048xf32, #tpu.memory_space<vmem>>, vector<16xf32>,
        %get3A_149 = arith.constant 16 : index
        %get3A_150 = tpu.vector_load %arg11[%get3A_149] {strides = array<i32>} : memref<64xi32, #tpu.memory_space<vmem>>, vector<16xi32>,
        %swap3A_151 = arith.constant 16 : index
        %swap3A_152 = tpu.vector_load %arg9[%swap3A_151] {strides = array<i32>} : memref<2048xi32, #tpu.memory_space<vmem>>, vector<16xi32>,
        tpu.vector_store %arg9[%swap3A_151], %get3A_150 {strides = array<i32>} : memref<2048xi32, #tpu.memory_space<vmem>>, vector<16xi32>,
        %get3A_153 = arith.constant 32 : index
        %get3A_154 = tpu.vector_load %arg10[%get3A_153] {strides = array<i32>} : memref<64xf32, #tpu.memory_space<vmem>>, vector<16xf32>,
        %swap3A_155 = arith.constant 32 : index
        %swap3A_156 = tpu.vector_load %arg8[%swap3A_155] {strides = array<i32>} : memref<2048xf32, #tpu.memory_space<vmem>>, vector<16xf32>,
        tpu.vector_store %arg8[%swap3A_155], %get3A_154 {strides = array<i32>} : memref<2048xf32, #tpu.memory_space<vmem>>, vector<16xf32>,
        %get3A_157 = arith.constant 32 : index
        %get3A_158 = tpu.vector_load %arg11[%get3A_157] {strides = array<i32>} : memref<64xi32, #tpu.memory_space<vmem>>, vector<16xi32>,
        %swap3A_159 = arith.constant 32 : index
        %swap3A_160 = tpu.vector_load %arg9[%swap3A_159] {strides = array<i32>} : memref<2048xi32, #tpu.memory_space<vmem>>, vector<16xi32>,
        tpu.vector_store %arg9[%swap3A_159], %get3A_158 {strides = array<i32>} : memref<2048xi32, #tpu.memory_space<vmem>>, vector<16xi32>,
        %get3A_161 = arith.constant 48 : index
        %get3A_162 = tpu.vector_load %arg10[%get3A_161] {strides = array<i32>} : memref<64xf32, #tpu.memory_space<vmem>>, vector<16xf32>,
        %swap3A_163 = arith.constant 48 : index
        %swap3A_164 = tpu.vector_load %arg8[%swap3A_163] {strides = array<i32>} : memref<2048xf32, #tpu.memory_space<vmem>>, vector<16xf32>,
        tpu.vector_store %arg8[%swap3A_163], %get3A_162 {strides = array<i32>} : memref<2048xf32, #tpu.memory_space<vmem>>, vector<16xf32>,
        %get3A_165 = arith.constant 48 : index
        %get3A_166 = tpu.vector_load %arg11[%get3A_165] {strides = array<i32>} : memref<64xi32, #tpu.memory_space<vmem>>, vector<16xi32>,
        %swap3A_167 = arith.constant 48 : index
        %swap3A_168 = tpu.vector_load %arg9[%swap3A_167] {strides = array<i32>} : memref<2048xi32, #tpu.memory_space<vmem>>, vector<16xi32>,
        tpu.vector_store %arg9[%swap3A_167], %get3A_166 {strides = array<i32>} : memref<2048xi32, #tpu.memory_space<vmem>>, vector<16xi32>,
        %broadcast_in_dim3A_169 = arith.constant 0.000000e+00 : f32
        %broadcast_in_dim3A_170 = vector.broadcast %broadcast_in_dim3A_169 : f32 to vector<16xf32>
        %add3A_171 = vector.broadcast %scan3A_137 : f32 to vector<16xf32>
        %add3A_172 = arith.addf %broadcast_in_dim3A_170, %add3A_171 : vector<16xf32>
        %broadcast_in_dim3A_173 = arith.constant 4 : i32
        %broadcast_in_dim3A_174 = vector.broadcast %broadcast_in_dim3A_173 : i32 to vector<16xi32>
        scf.yield %add3A_172, %broadcast_in_dim3A_174 : vector<16xf32>, vector<16xi32>
      } else {
        scf.yield %scan3A_92, %scan3A_93 : vector<16xf32>, vector<16xi32>
      }
      %mul3A_105 = arith.constant 16 : i32
      %mul3A_106 = arith.muli %scan3A_91, %mul3A_105 : i32
      %add3A_107 = arith.constant 1 : i32
      %add3A_108 = arith.addi %scan3A_91, %add3A_107 : i32
      %mul3A_109 = arith.constant 16 : i32
      %mul3A_110 = arith.muli %add3A_108, %mul3A_109 : i32
      %while3A = arith.subi %mul3A_110, %mul3A_106 : i32
      %while3A_111 = arith.addi %mul3A_106, %while3A : i32
      %while3A_112 = arith.constant 1 : i32
      %while3A_113 = arith.divsi %while3A, %while3A_112 : i32
      %while3A_114 = arith.muli %while3A_113, %while3A_112 : i32
      %while3A_115 = arith.addi %mul3A_106, %while3A_114 : i32
      %while3A_116 = arith.constant 1 : i32
      %while3A_117 = scf.for %while3A_120 = %mul3A_106 to %while3A_115 step %while3A_116 iter_args(%while3A_121 = %cond3A_104#1) -> (vector<16xi32>)  : i32 {
        %mul3A_122 = arith.constant 4 : i32
        %mul3A_123 = arith.muli %while3A_120, %mul3A_122 : i32
        %add3A_124 = arith.constant 0 : i32
        %add3A_125 = arith.addi %mul3A_123, %add3A_124 : i32
        %mul3A_126 = arith.constant 16 : i32
        %mul3A_127 = arith.muli %add3A_125, %mul3A_126 : i32
        %get3A = arith.index_cast %mul3A_127 : i32 to index
        %get3A_128 = tpu.vector_load %arg7[%get3A] {strides = array<i32>} : memref<32768xf32, #tpu.memory_space<vmem>>, vector<16xf32>,
        %ge3A = arith.cmpf oge, %get3A_128, %cond3A_104#0 : vector<16xf32>
        %mul3A_129 = arith.constant 16 : i32
        %mul3A_130 = vector.broadcast %mul3A_129 : i32 to vector<16xi32>
        %mul3A_131 = arith.muli %while3A_121, %mul3A_130 : vector<16xi32>
        %add3A_132 = arith.addi %mul3A_131, %iota3A : vector<16xi32>
        tpu.vector_store_idx %arg8[%add3A_132], %get3A_128 masked %ge3A : memref<2048xf32, #tpu.memory_space<vmem>>[vector<16xi32>], vector<16xf32>, vector<16xi1>
        %mul3A_133 = arith.constant 16 : i32
        %mul3A_134 = arith.muli %add3A_125, %mul3A_133 : i32
        %add3A_135 = arith.addi %add3A_34, %mul3A_134 : i32
        %add3A_136 = vector.broadcast %add3A_135 : i32 to vector<16xi32>
        %add3A_137 = arith.addi %add3A_136, %iota3A : vector<16xi32>
        tpu.vector_store_idx %arg9[%add3A_132], %add3A_137 masked %ge3A : memref<2048xi32, #tpu.memory_space<vmem>>[vector<16xi32>], vector<16xi32>, vector<16xi1>
        %jit3A_138 = arith.constant 1 : i32
        %jit3A_139 = arith.constant 0 : i32
        %broadcast_in_dim3A_140 = vector.broadcast %jit3A_138 : i32 to vector<16xi32>
        %broadcast_in_dim3A_141 = vector.broadcast %jit3A_139 : i32 to vector<16xi32>
        %select_n3A_142 = arith.select %ge3A, %broadcast_in_dim3A_140, %broadcast_in_dim3A_141 : vector<16xi1>, vector<16xi32>
        %add3A_143 = arith.addi %while3A_121, %select_n3A_142 : vector<16xi32>
        %mul3A_144 = arith.constant 4 : i32
        %mul3A_145 = arith.muli %while3A_120, %mul3A_144 : i32
        %add3A_146 = arith.constant 1 : i32
        %add3A_147 = arith.addi %mul3A_145, %add3A_146 : i32
        %mul3A_148 = arith.constant 16 : i32
        %mul3A_149 = arith.muli %add3A_147, %mul3A_148 : i32
        %get3A_150 = arith.index_cast %mul3A_149 : i32 to index
        %get3A_151 = tpu.vector_load %arg7[%get3A_150] {strides = array<i32>} : memref<32768xf32, #tpu.memory_space<vmem>>, vector<16xf32>,
        %ge3A_152 = arith.cmpf oge, %get3A_151, %cond3A_104#0 : vector<16xf32>
        %mul3A_153 = arith.constant 16 : i32
        %mul3A_154 = vector.broadcast %mul3A_153 : i32 to vector<16xi32>
        %mul3A_155 = arith.muli %add3A_143, %mul3A_154 : vector<16xi32>
        %add3A_156 = arith.addi %mul3A_155, %iota3A : vector<16xi32>
        tpu.vector_store_idx %arg8[%add3A_156], %get3A_151 masked %ge3A_152 : memref<2048xf32, #tpu.memory_space<vmem>>[vector<16xi32>], vector<16xf32>, vector<16xi1>
        %mul3A_157 = arith.constant 16 : i32
        %mul3A_158 = arith.muli %add3A_147, %mul3A_157 : i32
        %add3A_159 = arith.addi %add3A_34, %mul3A_158 : i32
        %add3A_160 = vector.broadcast %add3A_159 : i32 to vector<16xi32>
        %add3A_161 = arith.addi %add3A_160, %iota3A : vector<16xi32>
        tpu.vector_store_idx %arg9[%add3A_156], %add3A_161 masked %ge3A_152 : memref<2048xi32, #tpu.memory_space<vmem>>[vector<16xi32>], vector<16xi32>, vector<16xi1>
        %jit3A_162 = arith.constant 1 : i32
        %jit3A_163 = arith.constant 0 : i32
        %broadcast_in_dim3A_164 = vector.broadcast %jit3A_162 : i32 to vector<16xi32>
        %broadcast_in_dim3A_165 = vector.broadcast %jit3A_163 : i32 to vector<16xi32>
        %select_n3A_166 = arith.select %ge3A_152, %broadcast_in_dim3A_164, %broadcast_in_dim3A_165 : vector<16xi1>, vector<16xi32>
        %add3A_167 = arith.addi %add3A_143, %select_n3A_166 : vector<16xi32>
        %mul3A_168 = arith.constant 4 : i32
        %mul3A_169 = arith.muli %while3A_120, %mul3A_168 : i32
        %add3A_170 = arith.constant 2 : i32
        %add3A_171 = arith.addi %mul3A_169, %add3A_170 : i32
        %mul3A_172 = arith.constant 16 : i32
        %mul3A_173 = arith.muli %add3A_171, %mul3A_172 : i32
        %get3A_174 = arith.index_cast %mul3A_173 : i32 to index
        %get3A_175 = tpu.vector_load %arg7[%get3A_174] {strides = array<i32>} : memref<32768xf32, #tpu.memory_space<vmem>>, vector<16xf32>,
        %ge3A_176 = arith.cmpf oge, %get3A_175, %cond3A_104#0 : vector<16xf32>
        %mul3A_177 = arith.constant 16 : i32
        %mul3A_178 = vector.broadcast %mul3A_177 : i32 to vector<16xi32>
        %mul3A_179 = arith.muli %add3A_167, %mul3A_178 : vector<16xi32>
        %add3A_180 = arith.addi %mul3A_179, %iota3A : vector<16xi32>
        tpu.vector_store_idx %arg8[%add3A_180], %get3A_175 masked %ge3A_176 : memref<2048xf32, #tpu.memory_space<vmem>>[vector<16xi32>], vector<16xf32>, vector<16xi1>
        %mul3A_181 = arith.constant 16 : i32
        %mul3A_182 = arith.muli %add3A_171, %mul3A_181 : i32
        %add3A_183 = arith.addi %add3A_34, %mul3A_182 : i32
        %add3A_184 = vector.broadcast %add3A_183 : i32 to vector<16xi32>
        %add3A_185 = arith.addi %add3A_184, %iota3A : vector<16xi32>
        tpu.vector_store_idx %arg9[%add3A_180], %add3A_185 masked %ge3A_176 : memref<2048xi32, #tpu.memory_space<vmem>>[vector<16xi32>], vector<16xi32>, vector<16xi1>
        %jit3A_186 = arith.constant 1 : i32
        %jit3A_187 = arith.constant 0 : i32
        %broadcast_in_dim3A_188 = vector.broadcast %jit3A_186 : i32 to vector<16xi32>
        %broadcast_in_dim3A_189 = vector.broadcast %jit3A_187 : i32 to vector<16xi32>
        %select_n3A_190 = arith.select %ge3A_176, %broadcast_in_dim3A_188, %broadcast_in_dim3A_189 : vector<16xi1>, vector<16xi32>
        %add3A_191 = arith.addi %add3A_167, %select_n3A_190 : vector<16xi32>
        %mul3A_192 = arith.constant 4 : i32
        %mul3A_193 = arith.muli %while3A_120, %mul3A_192 : i32
        %add3A_194 = arith.constant 3 : i32
        %add3A_195 = arith.addi %mul3A_193, %add3A_194 : i32
        %mul3A_196 = arith.constant 16 : i32
        %mul3A_197 = arith.muli %add3A_195, %mul3A_196 : i32
        %get3A_198 = arith.index_cast %mul3A_197 : i32 to index
        %get3A_199 = tpu.vector_load %arg7[%get3A_198] {strides = array<i32>} : memref<32768xf32, #tpu.memory_space<vmem>>, vector<16xf32>,
        %ge3A_200 = arith.cmpf oge, %get3A_199, %cond3A_104#0 : vector<16xf32>
        %mul3A_201 = arith.constant 16 : i32
        %mul3A_202 = vector.broadcast %mul3A_201 : i32 to vector<16xi32>
        %mul3A_203 = arith.muli %add3A_191, %mul3A_202 : vector<16xi32>
        %add3A_204 = arith.addi %mul3A_203, %iota3A : vector<16xi32>
        tpu.vector_store_idx %arg8[%add3A_204], %get3A_199 masked %ge3A_200 : memref<2048xf32, #tpu.memory_space<vmem>>[vector<16xi32>], vector<16xf32>, vector<16xi1>
        %mul3A_205 = arith.constant 16 : i32
        %mul3A_206 = arith.muli %add3A_195, %mul3A_205 : i32
        %add3A_207 = arith.addi %add3A_34, %mul3A_206 : i32
        %add3A_208 = vector.broadcast %add3A_207 : i32 to vector<16xi32>
        %add3A_209 = arith.addi %add3A_208, %iota3A : vector<16xi32>
        tpu.vector_store_idx %arg9[%add3A_204], %add3A_209 masked %ge3A_200 : memref<2048xi32, #tpu.memory_space<vmem>>[vector<16xi32>], vector<16xi32>, vector<16xi1>
        %jit3A_210 = arith.constant 1 : i32
        %jit3A_211 = arith.constant 0 : i32
        %broadcast_in_dim3A_212 = vector.broadcast %jit3A_210 : i32 to vector<16xi32>
        %broadcast_in_dim3A_213 = vector.broadcast %jit3A_211 : i32 to vector<16xi32>
        %select_n3A_214 = arith.select %ge3A_200, %broadcast_in_dim3A_212, %broadcast_in_dim3A_213 : vector<16xi1>, vector<16xi32>
        %add3A_215 = arith.addi %add3A_191, %select_n3A_214 : vector<16xi32>
        scf.yield %add3A_215 : vector<16xi32>
      }
      %while3A_118 = arith.constant 1 : i32
      %while3A_119 = scf.for %while3A_120 = %while3A_115 to %while3A_111 step %while3A_118 iter_args(%while3A_121 = %while3A_117) -> (vector<16xi32>)  : i32 {
        %mul3A_122 = arith.constant 4 : i32
        %mul3A_123 = arith.muli %while3A_120, %mul3A_122 : i32
        %add3A_124 = arith.constant 0 : i32
        %add3A_125 = arith.addi %mul3A_123, %add3A_124 : i32
        %mul3A_126 = arith.constant 16 : i32
        %mul3A_127 = arith.muli %add3A_125, %mul3A_126 : i32
        %get3A = arith.index_cast %mul3A_127 : i32 to index
        %get3A_128 = tpu.vector_load %arg7[%get3A] {strides = array<i32>} : memref<32768xf32, #tpu.memory_space<vmem>>, vector<16xf32>,
        %ge3A = arith.cmpf oge, %get3A_128, %cond3A_104#0 : vector<16xf32>
        %mul3A_129 = arith.constant 16 : i32
        %mul3A_130 = vector.broadcast %mul3A_129 : i32 to vector<16xi32>
        %mul3A_131 = arith.muli %while3A_121, %mul3A_130 : vector<16xi32>
        %add3A_132 = arith.addi %mul3A_131, %iota3A : vector<16xi32>
        tpu.vector_store_idx %arg8[%add3A_132], %get3A_128 masked %ge3A : memref<2048xf32, #tpu.memory_space<vmem>>[vector<16xi32>], vector<16xf32>, vector<16xi1>
        %mul3A_133 = arith.constant 16 : i32
        %mul3A_134 = arith.muli %add3A_125, %mul3A_133 : i32
        %add3A_135 = arith.addi %add3A_34, %mul3A_134 : i32
        %add3A_136 = vector.broadcast %add3A_135 : i32 to vector<16xi32>
        %add3A_137 = arith.addi %add3A_136, %iota3A : vector<16xi32>
        tpu.vector_store_idx %arg9[%add3A_132], %add3A_137 masked %ge3A : memref<2048xi32, #tpu.memory_space<vmem>>[vector<16xi32>], vector<16xi32>, vector<16xi1>
        %jit3A_138 = arith.constant 1 : i32
        %jit3A_139 = arith.constant 0 : i32
        %broadcast_in_dim3A_140 = vector.broadcast %jit3A_138 : i32 to vector<16xi32>
        %broadcast_in_dim3A_141 = vector.broadcast %jit3A_139 : i32 to vector<16xi32>
        %select_n3A_142 = arith.select %ge3A, %broadcast_in_dim3A_140, %broadcast_in_dim3A_141 : vector<16xi1>, vector<16xi32>
        %add3A_143 = arith.addi %while3A_121, %select_n3A_142 : vector<16xi32>
        %mul3A_144 = arith.constant 4 : i32
        %mul3A_145 = arith.muli %while3A_120, %mul3A_144 : i32
        %add3A_146 = arith.constant 1 : i32
        %add3A_147 = arith.addi %mul3A_145, %add3A_146 : i32
        %mul3A_148 = arith.constant 16 : i32
        %mul3A_149 = arith.muli %add3A_147, %mul3A_148 : i32
        %get3A_150 = arith.index_cast %mul3A_149 : i32 to index
        %get3A_151 = tpu.vector_load %arg7[%get3A_150] {strides = array<i32>} : memref<32768xf32, #tpu.memory_space<vmem>>, vector<16xf32>,
        %ge3A_152 = arith.cmpf oge, %get3A_151, %cond3A_104#0 : vector<16xf32>
        %mul3A_153 = arith.constant 16 : i32
        %mul3A_154 = vector.broadcast %mul3A_153 : i32 to vector<16xi32>
        %mul3A_155 = arith.muli %add3A_143, %mul3A_154 : vector<16xi32>
        %add3A_156 = arith.addi %mul3A_155, %iota3A : vector<16xi32>
        tpu.vector_store_idx %arg8[%add3A_156], %get3A_151 masked %ge3A_152 : memref<2048xf32, #tpu.memory_space<vmem>>[vector<16xi32>], vector<16xf32>, vector<16xi1>
        %mul3A_157 = arith.constant 16 : i32
        %mul3A_158 = arith.muli %add3A_147, %mul3A_157 : i32
        %add3A_159 = arith.addi %add3A_34, %mul3A_158 : i32
        %add3A_160 = vector.broadcast %add3A_159 : i32 to vector<16xi32>
        %add3A_161 = arith.addi %add3A_160, %iota3A : vector<16xi32>
        tpu.vector_store_idx %arg9[%add3A_156], %add3A_161 masked %ge3A_152 : memref<2048xi32, #tpu.memory_space<vmem>>[vector<16xi32>], vector<16xi32>, vector<16xi1>
        %jit3A_162 = arith.constant 1 : i32
        %jit3A_163 = arith.constant 0 : i32
        %broadcast_in_dim3A_164 = vector.broadcast %jit3A_162 : i32 to vector<16xi32>
        %broadcast_in_dim3A_165 = vector.broadcast %jit3A_163 : i32 to vector<16xi32>
        %select_n3A_166 = arith.select %ge3A_152, %broadcast_in_dim3A_164, %broadcast_in_dim3A_165 : vector<16xi1>, vector<16xi32>
        %add3A_167 = arith.addi %add3A_143, %select_n3A_166 : vector<16xi32>
        %mul3A_168 = arith.constant 4 : i32
        %mul3A_169 = arith.muli %while3A_120, %mul3A_168 : i32
        %add3A_170 = arith.constant 2 : i32
        %add3A_171 = arith.addi %mul3A_169, %add3A_170 : i32
        %mul3A_172 = arith.constant 16 : i32
        %mul3A_173 = arith.muli %add3A_171, %mul3A_172 : i32
        %get3A_174 = arith.index_cast %mul3A_173 : i32 to index
        %get3A_175 = tpu.vector_load %arg7[%get3A_174] {strides = array<i32>} : memref<32768xf32, #tpu.memory_space<vmem>>, vector<16xf32>,
        %ge3A_176 = arith.cmpf oge, %get3A_175, %cond3A_104#0 : vector<16xf32>
        %mul3A_177 = arith.constant 16 : i32
        %mul3A_178 = vector.broadcast %mul3A_177 : i32 to vector<16xi32>
        %mul3A_179 = arith.muli %add3A_167, %mul3A_178 : vector<16xi32>
        %add3A_180 = arith.addi %mul3A_179, %iota3A : vector<16xi32>
        tpu.vector_store_idx %arg8[%add3A_180], %get3A_175 masked %ge3A_176 : memref<2048xf32, #tpu.memory_space<vmem>>[vector<16xi32>], vector<16xf32>, vector<16xi1>
        %mul3A_181 = arith.constant 16 : i32
        %mul3A_182 = arith.muli %add3A_171, %mul3A_181 : i32
        %add3A_183 = arith.addi %add3A_34, %mul3A_182 : i32
        %add3A_184 = vector.broadcast %add3A_183 : i32 to vector<16xi32>
        %add3A_185 = arith.addi %add3A_184, %iota3A : vector<16xi32>
        tpu.vector_store_idx %arg9[%add3A_180], %add3A_185 masked %ge3A_176 : memref<2048xi32, #tpu.memory_space<vmem>>[vector<16xi32>], vector<16xi32>, vector<16xi1>
        %jit3A_186 = arith.constant 1 : i32
        %jit3A_187 = arith.constant 0 : i32
        %broadcast_in_dim3A_188 = vector.broadcast %jit3A_186 : i32 to vector<16xi32>
        %broadcast_in_dim3A_189 = vector.broadcast %jit3A_187 : i32 to vector<16xi32>
        %select_n3A_190 = arith.select %ge3A_176, %broadcast_in_dim3A_188, %broadcast_in_dim3A_189 : vector<16xi1>, vector<16xi32>
        %add3A_191 = arith.addi %add3A_167, %select_n3A_190 : vector<16xi32>
        %mul3A_192 = arith.constant 4 : i32
        %mul3A_193 = arith.muli %while3A_120, %mul3A_192 : i32
        %add3A_194 = arith.constant 3 : i32
        %add3A_195 = arith.addi %mul3A_193, %add3A_194 : i32
        %mul3A_196 = arith.constant 16 : i32
        %mul3A_197 = arith.muli %add3A_195, %mul3A_196 : i32
        %get3A_198 = arith.index_cast %mul3A_197 : i32 to index
        %get3A_199 = tpu.vector_load %arg7[%get3A_198] {strides = array<i32>} : memref<32768xf32, #tpu.memory_space<vmem>>, vector<16xf32>,
        %ge3A_200 = arith.cmpf oge, %get3A_199, %cond3A_104#0 : vector<16xf32>
        %mul3A_201 = arith.constant 16 : i32
        %mul3A_202 = vector.broadcast %mul3A_201 : i32 to vector<16xi32>
        %mul3A_203 = arith.muli %add3A_191, %mul3A_202 : vector<16xi32>
        %add3A_204 = arith.addi %mul3A_203, %iota3A : vector<16xi32>
        tpu.vector_store_idx %arg8[%add3A_204], %get3A_199 masked %ge3A_200 : memref<2048xf32, #tpu.memory_space<vmem>>[vector<16xi32>], vector<16xf32>, vector<16xi1>
        %mul3A_205 = arith.constant 16 : i32
        %mul3A_206 = arith.muli %add3A_195, %mul3A_205 : i32
        %add3A_207 = arith.addi %add3A_34, %mul3A_206 : i32
        %add3A_208 = vector.broadcast %add3A_207 : i32 to vector<16xi32>
        %add3A_209 = arith.addi %add3A_208, %iota3A : vector<16xi32>
        tpu.vector_store_idx %arg9[%add3A_204], %add3A_209 masked %ge3A_200 : memref<2048xi32, #tpu.memory_space<vmem>>[vector<16xi32>], vector<16xi32>, vector<16xi1>
        %jit3A_210 = arith.constant 1 : i32
        %jit3A_211 = arith.constant 0 : i32
        %broadcast_in_dim3A_212 = vector.broadcast %jit3A_210 : i32 to vector<16xi32>
        %broadcast_in_dim3A_213 = vector.broadcast %jit3A_211 : i32 to vector<16xi32>
        %select_n3A_214 = arith.select %ge3A_200, %broadcast_in_dim3A_212, %broadcast_in_dim3A_213 : vector<16xi1>, vector<16xi32>
        %add3A_215 = arith.addi %add3A_191, %select_n3A_214 : vector<16xi32>
        scf.yield %add3A_215 : vector<16xi32>
      }
      scf.yield %cond3A_104#0, %while3A_119 : vector<16xf32>, vector<16xi32>
    }
    %scan3A_62 = arith.constant 32 : i32
    %reduce_max3A = arith.constant true
    %reduce_max3A_63 = vector.broadcast %reduce_max3A : i1 to vector<16xi1>
    %reduce_max3A_64 = arith.constant -2147483648 : i32
    %reduce_max3A_65 = vector.broadcast %reduce_max3A_64 : i32 to vector<16xi32>
    %reduce_max3A_66 = arith.xori %scan3A_61#1, %reduce_max3A_65 : vector<16xi32>
    %reduce_max3A_67 = tpu.scan <max>, %reduce_max3A_66 masked %reduce_max3A_63 : vector<16xi32>, vector<16xi1> -> vector<16xi32>
    %reduce_max3A_68 = arith.xori %reduce_max3A_67, %reduce_max3A_65 : vector<16xi32>
    %reduce_max3A_69 = vector.extract %reduce_max3A_68[15] : i32 from vector<16xi32>
    %iota3A_70 = tpu.iota {dimensions = array<i32: 0>} : vector<16xi32>
    %eq3A_71 = arith.constant 0 : i32
    %eq3A_72 = vector.broadcast %eq3A_71 : i32 to vector<16xi32>
    %eq3A_73 = arith.cmpi eq, %iota3A_70, %eq3A_72 : vector<16xi32>
    %scan3A_74 = arith.constant 0.000000e+00 : f32
    %scan3A_75 = arith.constant 0 : i32
    %scan3A_76 = arith.constant 64 : i32
    %scan3A_77 = arith.addi %scan3A_75, %scan3A_76 : i32
    %scan3A_78 = arith.constant 1 : i32
    %scan3A_79 = scf.for %scan3A_91 = %scan3A_75 to %scan3A_77 step %scan3A_78 iter_args(%scan3A_92 = %scan3A_74) -> (f32)  : i32 {
      %add3A_93 = arith.constant 1 : i32
      %add3A_94 = arith.addi %reduce_max3A_69, %add3A_93 : i32
      %jit3A_95 = arith.constant 2 : i32
      %div3A_96 = arith.divsi %add3A_94, %jit3A_95 : i32
      %sign3A_97 = arith.constant 0 : i32
      %sign3A_98 = arith.cmpi sgt, %add3A_94, %sign3A_97 : i32
      %sign3A_99 = arith.extui %sign3A_98 : i1 to i32
      %sign3A_100 = arith.constant 0 : i32
      %sign3A_101 = arith.cmpi slt, %add3A_94, %sign3A_100 : i32
      %sign3A_102 = arith.extui %sign3A_101 : i1 to i32
      %sign3A_103 = arith.subi %sign3A_99, %sign3A_102 : i32
      %sign3A_104 = arith.constant 0 : i32
      %sign3A_105 = arith.cmpi sgt, %jit3A_95, %sign3A_104 : i32
      %sign3A_106 = arith.extui %sign3A_105 : i1 to i32
      %sign3A_107 = arith.constant 0 : i32
      %sign3A_108 = arith.cmpi slt, %jit3A_95, %sign3A_107 : i32
      %sign3A_109 = arith.extui %sign3A_108 : i1 to i32
      %sign3A_110 = arith.subi %sign3A_106, %sign3A_109 : i32
      %ne3A_111 = arith.cmpi ne, %sign3A_103, %sign3A_110 : i32
      %rem3A_112 = arith.remsi %add3A_94, %jit3A_95 : i32
      %ne3A_113 = arith.constant 0 : i32
      %ne3A_114 = arith.cmpi ne, %rem3A_112, %ne3A_113 : i32
      %and3A_115 = arith.andi %ne3A_111, %ne3A_114 : i1
      %sub3A_116 = arith.constant 1 : i32
      %sub3A_117 = arith.subi %div3A_96, %sub3A_116 : i32
      %select_n3A_118 = arith.select %and3A_115, %sub3A_117, %div3A_96 : i32
      %broadcast_in_dim3A_119 = arith.constant -3.000000e+38 : f32
      %broadcast_in_dim3A_120 = vector.broadcast %broadcast_in_dim3A_119 : f32 to vector<16xf32>
      %broadcast_in_dim3A_121 = arith.constant 0 : i32
      %broadcast_in_dim3A_122 = vector.broadcast %broadcast_in_dim3A_121 : i32 to vector<16xi32>
      %while3A = arith.constant 0 : i32
      %while3A_123 = arith.subi %select_n3A_118, %while3A : i32
      %while3A_124 = arith.addi %while3A, %while3A_123 : i32
      %while3A_125 = arith.constant 1 : i32
      %while3A_126 = arith.divsi %while3A_123, %while3A_125 : i32
      %while3A_127 = arith.muli %while3A_126, %while3A_125 : i32
      %while3A_128 = arith.addi %while3A, %while3A_127 : i32
      %while3A_129 = arith.constant 1 : i32
      %while3A_130:2 = scf.for %while3A_168 = %while3A to %while3A_128 step %while3A_129 iter_args(%while3A_169 = %broadcast_in_dim3A_120, %while3A_170 = %broadcast_in_dim3A_122) -> (vector<16xf32>, vector<16xi32>)  : i32 {
        %mul3A_171 = arith.constant 2 : i32
        %mul3A_172 = arith.muli %while3A_168, %mul3A_171 : i32
        %add3A_173 = arith.constant 0 : i32
        %add3A_174 = arith.addi %mul3A_172, %add3A_173 : i32
        %mul3A_175 = arith.constant 16 : i32
        %mul3A_176 = arith.muli %add3A_174, %mul3A_175 : i32
        %get3A = arith.index_cast %mul3A_176 : i32 to index
        %get3A_177 = tpu.vector_load %arg8[%get3A] {strides = array<i32>} : memref<2048xf32, #tpu.memory_space<vmem>>, vector<16xf32>,
        %lt3A_178 = vector.broadcast %add3A_174 : i32 to vector<16xi32>
        %lt3A_179 = arith.cmpi slt, %lt3A_178, %scan3A_61#1 : vector<16xi32>
        %jit3A_180 = arith.constant -3.000000e+38 : f32
        %broadcast_in_dim3A_181 = vector.broadcast %jit3A_180 : f32 to vector<16xf32>
        %select_n3A_182 = arith.select %lt3A_179, %get3A_177, %broadcast_in_dim3A_181 : vector<16xi1>, vector<16xf32>
        %gt3A = arith.cmpf ogt, %select_n3A_182, %while3A_169 : vector<16xf32>
        %select_n3A_183 = arith.select %gt3A, %select_n3A_182, %while3A_169 : vector<16xi1>, vector<16xf32>
        %broadcast_in_dim3A_184 = vector.broadcast %add3A_174 : i32 to vector<16xi32>
        %select_n3A_185 = arith.select %gt3A, %broadcast_in_dim3A_184, %while3A_170 : vector<16xi1>, vector<16xi32>
        %mul3A_186 = arith.constant 2 : i32
        %mul3A_187 = arith.muli %while3A_168, %mul3A_186 : i32
        %add3A_188 = arith.constant 1 : i32
        %add3A_189 = arith.addi %mul3A_187, %add3A_188 : i32
        %mul3A_190 = arith.constant 16 : i32
        %mul3A_191 = arith.muli %add3A_189, %mul3A_190 : i32
        %get3A_192 = arith.index_cast %mul3A_191 : i32 to index
        %get3A_193 = tpu.vector_load %arg8[%get3A_192] {strides = array<i32>} : memref<2048xf32, #tpu.memory_space<vmem>>, vector<16xf32>,
        %lt3A_194 = vector.broadcast %add3A_189 : i32 to vector<16xi32>
        %lt3A_195 = arith.cmpi slt, %lt3A_194, %scan3A_61#1 : vector<16xi32>
        %jit3A_196 = arith.constant -3.000000e+38 : f32
        %broadcast_in_dim3A_197 = vector.broadcast %jit3A_196 : f32 to vector<16xf32>
        %select_n3A_198 = arith.select %lt3A_195, %get3A_193, %broadcast_in_dim3A_197 : vector<16xi1>, vector<16xf32>
        %gt3A_199 = arith.cmpf ogt, %select_n3A_198, %select_n3A_183 : vector<16xf32>
        %select_n3A_200 = arith.select %gt3A_199, %select_n3A_198, %select_n3A_183 : vector<16xi1>, vector<16xf32>
        %broadcast_in_dim3A_201 = vector.broadcast %add3A_189 : i32 to vector<16xi32>
        %select_n3A_202 = arith.select %gt3A_199, %broadcast_in_dim3A_201, %select_n3A_185 : vector<16xi1>, vector<16xi32>
        scf.yield %select_n3A_200, %select_n3A_202 : vector<16xf32>, vector<16xi32>
      }
      %while3A_131 = arith.constant 1 : i32
      %while3A_132:2 = scf.for %while3A_168 = %while3A_128 to %while3A_124 step %while3A_131 iter_args(%while3A_169 = %while3A_130#0, %while3A_170 = %while3A_130#1) -> (vector<16xf32>, vector<16xi32>)  : i32 {
        %mul3A_171 = arith.constant 2 : i32
        %mul3A_172 = arith.muli %while3A_168, %mul3A_171 : i32
        %add3A_173 = arith.constant 0 : i32
        %add3A_174 = arith.addi %mul3A_172, %add3A_173 : i32
        %mul3A_175 = arith.constant 16 : i32
        %mul3A_176 = arith.muli %add3A_174, %mul3A_175 : i32
        %get3A = arith.index_cast %mul3A_176 : i32 to index
        %get3A_177 = tpu.vector_load %arg8[%get3A] {strides = array<i32>} : memref<2048xf32, #tpu.memory_space<vmem>>, vector<16xf32>,
        %lt3A_178 = vector.broadcast %add3A_174 : i32 to vector<16xi32>
        %lt3A_179 = arith.cmpi slt, %lt3A_178, %scan3A_61#1 : vector<16xi32>
        %jit3A_180 = arith.constant -3.000000e+38 : f32
        %broadcast_in_dim3A_181 = vector.broadcast %jit3A_180 : f32 to vector<16xf32>
        %select_n3A_182 = arith.select %lt3A_179, %get3A_177, %broadcast_in_dim3A_181 : vector<16xi1>, vector<16xf32>
        %gt3A = arith.cmpf ogt, %select_n3A_182, %while3A_169 : vector<16xf32>
        %select_n3A_183 = arith.select %gt3A, %select_n3A_182, %while3A_169 : vector<16xi1>, vector<16xf32>
        %broadcast_in_dim3A_184 = vector.broadcast %add3A_174 : i32 to vector<16xi32>
        %select_n3A_185 = arith.select %gt3A, %broadcast_in_dim3A_184, %while3A_170 : vector<16xi1>, vector<16xi32>
        %mul3A_186 = arith.constant 2 : i32
        %mul3A_187 = arith.muli %while3A_168, %mul3A_186 : i32
        %add3A_188 = arith.constant 1 : i32
        %add3A_189 = arith.addi %mul3A_187, %add3A_188 : i32
        %mul3A_190 = arith.constant 16 : i32
        %mul3A_191 = arith.muli %add3A_189, %mul3A_190 : i32
        %get3A_192 = arith.index_cast %mul3A_191 : i32 to index
        %get3A_193 = tpu.vector_load %arg8[%get3A_192] {strides = array<i32>} : memref<2048xf32, #tpu.memory_space<vmem>>, vector<16xf32>,
        %lt3A_194 = vector.broadcast %add3A_189 : i32 to vector<16xi32>
        %lt3A_195 = arith.cmpi slt, %lt3A_194, %scan3A_61#1 : vector<16xi32>
        %jit3A_196 = arith.constant -3.000000e+38 : f32
        %broadcast_in_dim3A_197 = vector.broadcast %jit3A_196 : f32 to vector<16xf32>
        %select_n3A_198 = arith.select %lt3A_195, %get3A_193, %broadcast_in_dim3A_197 : vector<16xi1>, vector<16xf32>
        %gt3A_199 = arith.cmpf ogt, %select_n3A_198, %select_n3A_183 : vector<16xf32>
        %select_n3A_200 = arith.select %gt3A_199, %select_n3A_198, %select_n3A_183 : vector<16xi1>, vector<16xf32>
        %broadcast_in_dim3A_201 = vector.broadcast %add3A_189 : i32 to vector<16xi32>
        %select_n3A_202 = arith.select %gt3A_199, %broadcast_in_dim3A_201, %select_n3A_185 : vector<16xi1>, vector<16xi32>
        scf.yield %select_n3A_200, %select_n3A_202 : vector<16xf32>, vector<16xi32>
      }
      %reduce_max3A_133 = arith.constant true
      %reduce_max3A_134 = vector.broadcast %reduce_max3A_133 : i1 to vector<16xi1>
      %reduce_max3A_135 = tpu.scan <max>, %while3A_132#0 masked %reduce_max3A_134 : vector<16xf32>, vector<16xi1> -> vector<16xf32>
      %reduce_max3A_136 = vector.extract %reduce_max3A_135[15] : f32 from vector<16xf32>
      %eq3A_137 = vector.broadcast %reduce_max3A_136 : f32 to vector<16xf32>
      %eq3A_138 = arith.cmpf oeq, %while3A_132#0, %eq3A_137 : vector<16xf32>
      %mul3A_139 = arith.constant 16 : i32
      %mul3A_140 = vector.broadcast %mul3A_139 : i32 to vector<16xi32>
      %mul3A_141 = arith.muli %while3A_132#1, %mul3A_140 : vector<16xi32>
      %add3A_142 = arith.addi %mul3A_141, %iota3A_70 : vector<16xi32>
      %jit3A_143 = arith.constant 1073741824 : i32
      %broadcast_in_dim3A_144 = vector.broadcast %jit3A_143 : i32 to vector<16xi32>
      %select_n3A_145 = arith.select %eq3A_138, %add3A_142, %broadcast_in_dim3A_144 : vector<16xi1>, vector<16xi32>
      %reduce_min3A_146 = arith.constant true
      %reduce_min3A_147 = vector.broadcast %reduce_min3A_146 : i1 to vector<16xi1>
      %reduce_min3A_148 = arith.constant -2147483648 : i32
      %reduce_min3A_149 = vector.broadcast %reduce_min3A_148 : i32 to vector<16xi32>
      %reduce_min3A_150 = arith.xori %select_n3A_145, %reduce_min3A_149 : vector<16xi32>
      %reduce_min3A_151 = tpu.scan <min>, %reduce_min3A_150 masked %reduce_min3A_147 : vector<16xi32>, vector<16xi1> -> vector<16xi32>
      %reduce_min3A_152 = arith.xori %reduce_min3A_151, %reduce_min3A_149 : vector<16xi32>
      %reduce_min3A_153 = vector.extract %reduce_min3A_152[15] : i32 from vector<16xi32>
      %broadcast_in_dim3A_154 = arith.constant 0 : i32
      %broadcast_in_dim3A_155 = vector.broadcast %broadcast_in_dim3A_154 : i32 to vector<16xi32>
      %add3A_156 = vector.broadcast %reduce_min3A_153 : i32 to vector<16xi32>
      %add3A_157 = arith.addi %broadcast_in_dim3A_155, %add3A_156 : vector<16xi32>
      %gather3A = tpu.vector_load_idx %arg9[%add3A_157] : memref<2048xi32, #tpu.memory_space<vmem>>[vector<16xi32>], vector<16xi32>,
      %broadcast_in_dim3A_158 = arith.constant 0 : i32
      %broadcast_in_dim3A_159 = vector.broadcast %broadcast_in_dim3A_158 : i32 to vector<16xi32>
      %add3A_160 = vector.broadcast %scan3A_91 : i32 to vector<16xi32>
      %add3A_161 = arith.addi %broadcast_in_dim3A_159, %add3A_160 : vector<16xi32>
      %broadcast_in_dim3A_162 = arith.constant 0.000000e+00 : f32
      %broadcast_in_dim3A_163 = vector.broadcast %broadcast_in_dim3A_162 : f32 to vector<16xf32>
      %add3A_164 = vector.broadcast %reduce_max3A_136 : f32 to vector<16xf32>
      %add3A_165 = arith.addf %broadcast_in_dim3A_163, %add3A_164 : vector<16xf32>
      tpu.vector_store_idx %arg10[%add3A_161], %add3A_165 masked %eq3A_73 : memref<64xf32, #tpu.memory_space<vmem>>[vector<16xi32>], vector<16xf32>, vector<16xi1>
      tpu.vector_store_idx %arg11[%add3A_161], %gather3A masked %eq3A_73 : memref<64xi32, #tpu.memory_space<vmem>>[vector<16xi32>], vector<16xi32>, vector<16xi1>
      %broadcast_in_dim3A_166 = arith.constant -3.000000e+38 : f32
      %broadcast_in_dim3A_167 = vector.broadcast %broadcast_in_dim3A_166 : f32 to vector<16xf32>
      tpu.vector_store_idx %arg8[%add3A_157], %broadcast_in_dim3A_167 masked %eq3A_73 : memref<2048xf32, #tpu.memory_space<vmem>>[vector<16xi32>], vector<16xf32>, vector<16xi1>
      scf.yield %reduce_max3A_136 : f32
    }
    %scan3A_80 = arith.constant 64 : i32
    %dma_start3A = arith.constant 0 : i32
    %dma_start3A_81 = arith.constant 0 : i32
    %dma_start3A_82 = tpu.memref_slice %arg3[%dma_start3A, %dma_start3A_81] : memref<262144x256xf32, #tpu.memory_space<hbm>> -> memref<262144x256xf32, #tpu.memory_space<hbm>>
    tpu.enqueue_indirect_dma source(%dma_start3A_82 : memref<262144x256xf32, #tpu.memory_space<hbm>>) target(%arg12 : memref<64x256xf32, #tpu.memory_space<vmem>>) offsets(%arg11 : memref<64xi32, #tpu.memory_space<vmem>>) semaphore(%arg13 : memref<!tpu.dma_semaphore, #tpu.memory_space<semaphore_mem>>)
    %dma_wait3A = arith.constant 0 : i32
    %dma_wait3A_83 = arith.constant 0 : i32
    %dma_wait3A_84 = tpu.memref_slice %arg3[%dma_wait3A, %dma_wait3A_83] : memref<262144x256xf32, #tpu.memory_space<hbm>> -> memref<262144x256xf32, #tpu.memory_space<hbm>>
    tpu.wait_indirect_dma semaphore(%arg13 : memref<!tpu.dma_semaphore, #tpu.memory_space<semaphore_mem>>) src(%dma_wait3A_84 : memref<262144x256xf32, #tpu.memory_space<hbm>>) dst(%arg12 : memref<64x256xf32, #tpu.memory_space<vmem>>)
    %mul3A_85 = arith.constant 64 : i32
    %mul3A_86 = arith.muli %add3A_37, %mul3A_85 : i32
    "tpu.region"() ({
      %run_scoped3A = tpu.sem_alloc : memref<!tpu.dma_semaphore, #tpu.memory_space<semaphore_mem>>
      %dma_start3A_91 = tpu.memref_slice %arg4[%mul3A_86] : memref<2048xf32, #tpu.memory_space<hbm>> -> memref<64xf32, #tpu.memory_space<hbm>>
      %dma_start3A_92 = tpu.memref_slice %arg4[%mul3A_86] : memref<2048xf32, #tpu.memory_space<hbm>> -> memref<64xf32, #tpu.memory_space<hbm>>
      tpu.enqueue_dma source(%arg10 : memref<64xf32, #tpu.memory_space<vmem>>) target(%dma_start3A_92 : memref<64xf32, #tpu.memory_space<hbm>>) target_semaphore(%run_scoped3A : memref<!tpu.dma_semaphore, #tpu.memory_space<semaphore_mem>>)
      %dma_wait3A_93 = tpu.memref_slice %arg4[%mul3A_86] : memref<2048xf32, #tpu.memory_space<hbm>> -> memref<64xf32, #tpu.memory_space<hbm>>
      %dma_wait3A_94 = tpu.memref_slice %arg4[%mul3A_86] : memref<2048xf32, #tpu.memory_space<hbm>> -> memref<64xf32, #tpu.memory_space<hbm>>
      tpu.wait_dma2 semaphore(%run_scoped3A : memref<!tpu.dma_semaphore, #tpu.memory_space<semaphore_mem>>) src(%arg10 : memref<64xf32, #tpu.memory_space<vmem>>) dst(%dma_wait3A_94 : memref<64xf32, #tpu.memory_space<hbm>>)
      tpu.yield
    }) : () -> ()
    %mul3A_87 = arith.constant 64 : i32
    %mul3A_88 = arith.muli %add3A_37, %mul3A_87 : i32
    "tpu.region"() ({
      %run_scoped3A = tpu.sem_alloc : memref<!tpu.dma_semaphore, #tpu.memory_space<semaphore_mem>>
      %dma_start3A_91 = tpu.memref_slice %arg5[%mul3A_88] : memref<2048xi32, #tpu.memory_space<hbm>> -> memref<64xi32, #tpu.memory_space<hbm>>
      %dma_start3A_92 = tpu.memref_slice %arg5[%mul3A_88] : memref<2048xi32, #tpu.memory_space<hbm>> -> memref<64xi32, #tpu.memory_space<hbm>>
      tpu.enqueue_dma source(%arg11 : memref<64xi32, #tpu.memory_space<vmem>>) target(%dma_start3A_92 : memref<64xi32, #tpu.memory_space<hbm>>) target_semaphore(%run_scoped3A : memref<!tpu.dma_semaphore, #tpu.memory_space<semaphore_mem>>)
      %dma_wait3A_93 = tpu.memref_slice %arg5[%mul3A_88] : memref<2048xi32, #tpu.memory_space<hbm>> -> memref<64xi32, #tpu.memory_space<hbm>>
      %dma_wait3A_94 = tpu.memref_slice %arg5[%mul3A_88] : memref<2048xi32, #tpu.memory_space<hbm>> -> memref<64xi32, #tpu.memory_space<hbm>>
      tpu.wait_dma2 semaphore(%run_scoped3A : memref<!tpu.dma_semaphore, #tpu.memory_space<semaphore_mem>>) src(%arg11 : memref<64xi32, #tpu.memory_space<vmem>>) dst(%dma_wait3A_94 : memref<64xi32, #tpu.memory_space<hbm>>)
      tpu.yield
    }) : () -> ()
    %mul3A_89 = arith.constant 64 : i32
    %mul3A_90 = arith.muli %add3A_37, %mul3A_89 : i32
    "tpu.region"() ({
      %run_scoped3A = tpu.sem_alloc : memref<!tpu.dma_semaphore, #tpu.memory_space<semaphore_mem>>
      %dma_start3A_91 = arith.constant 0 : i32
      %dma_start3A_92 = tpu.memref_slice %arg6[%mul3A_90, %dma_start3A_91] : memref<2048x256xf32, #tpu.memory_space<hbm>> -> memref<64x256xf32, #tpu.memory_space<hbm>>
      %dma_start3A_93 = arith.constant 0 : i32
      %dma_start3A_94 = tpu.memref_slice %arg6[%mul3A_90, %dma_start3A_93] : memref<2048x256xf32, #tpu.memory_space<hbm>> -> memref<64x256xf32, #tpu.memory_space<hbm>>
      tpu.enqueue_dma source(%arg12 : memref<64x256xf32, #tpu.memory_space<vmem>>) target(%dma_start3A_94 : memref<64x256xf32, #tpu.memory_space<hbm>>) target_semaphore(%run_scoped3A : memref<!tpu.dma_semaphore, #tpu.memory_space<semaphore_mem>>)
      %dma_wait3A_95 = arith.constant 0 : i32
      %dma_wait3A_96 = tpu.memref_slice %arg6[%mul3A_90, %dma_wait3A_95] : memref<2048x256xf32, #tpu.memory_space<hbm>> -> memref<64x256xf32, #tpu.memory_space<hbm>>
      %dma_wait3A_97 = arith.constant 0 : i32
      %dma_wait3A_98 = tpu.memref_slice %arg6[%mul3A_90, %dma_wait3A_97] : memref<2048x256xf32, #tpu.memory_space<hbm>> -> memref<64x256xf32, #tpu.memory_space<hbm>>
      tpu.wait_dma2 semaphore(%run_scoped3A : memref<!tpu.dma_semaphore, #tpu.memory_space<semaphore_mem>>) src(%arg12 : memref<64x256xf32, #tpu.memory_space<vmem>>) dst(%dma_wait3A_98 : memref<64x256xf32, #tpu.memory_space<hbm>>)
      tpu.yield
    }) : () -> ()
    return
  }
}

#map = affine_map<(d0, d1) -> (0, 0)>
#map1 = affine_map<(d0, d1) -> (0)>
module attributes {stable_mosaic.version = 14 : i64} {
  func.func @k(%arg0: i32, %arg1: i32, %arg2: memref<8192x256xf32, #tpu.memory_space<hbm>>, %arg3: memref<4096xi32, #tpu.memory_space<hbm>>, %arg4: memref<4096x256xf32, #tpu.memory_space<hbm>>, %arg5: memref<128xi32, #tpu.memory_space<vmem>>, %arg6: memref<128x256xf32, #tpu.memory_space<vmem>>, %arg7: memref<!tpu.dma_semaphore, #tpu.memory_space<semaphore_mem>>) attributes {dimension_semantics = [#tpu.dimension_semantics<core_parallel>, #tpu.dimension_semantics<subcore_parallel>], iteration_bounds = array<i64: 2, 16>, scalar_prefetch = 0 : i64, scratch_operands = 3 : i64, tpu.core_type = #tpu.core_type<sc_vector_subcore>, window_params = [{transform_indices = #map}, {transform_indices = #map1}, {transform_indices = #map}]} {
    %mul3A = arith.constant 2 : i32
    %mul3A_0 = arith.muli %arg1, %mul3A : i32
    %add3A = arith.addi %mul3A_0, %arg0 : i32
    %mul3A_1 = arith.constant 128 : i32
    %mul3A_2 = arith.muli %add3A, %mul3A_1 : i32
    "tpu.region"() ({
      %run_scoped3A = tpu.sem_alloc : memref<!tpu.dma_semaphore, #tpu.memory_space<semaphore_mem>>
      %dma_start3A_7 = tpu.memref_slice %arg3[%mul3A_2] : memref<4096xi32, #tpu.memory_space<hbm>> -> memref<128xi32, #tpu.memory_space<hbm>>
      %dma_start3A_8 = tpu.memref_slice %arg3[%mul3A_2] : memref<4096xi32, #tpu.memory_space<hbm>> -> memref<128xi32, #tpu.memory_space<hbm>>
      tpu.enqueue_dma source(%dma_start3A_8 : memref<128xi32, #tpu.memory_space<hbm>>) target(%arg5 : memref<128xi32, #tpu.memory_space<vmem>>) target_semaphore(%run_scoped3A : memref<!tpu.dma_semaphore, #tpu.memory_space<semaphore_mem>>)
      %dma_wait3A_9 = tpu.memref_slice %arg3[%mul3A_2] : memref<4096xi32, #tpu.memory_space<hbm>> -> memref<128xi32, #tpu.memory_space<hbm>>
      %dma_wait3A_10 = tpu.memref_slice %arg3[%mul3A_2] : memref<4096xi32, #tpu.memory_space<hbm>> -> memref<128xi32, #tpu.memory_space<hbm>>
      tpu.wait_dma2 semaphore(%run_scoped3A : memref<!tpu.dma_semaphore, #tpu.memory_space<semaphore_mem>>) src(%dma_wait3A_10 : memref<128xi32, #tpu.memory_space<hbm>>) dst(%arg5 : memref<128xi32, #tpu.memory_space<vmem>>)
      tpu.yield
    }) : () -> ()
    %dma_start3A = arith.constant 0 : i32
    %dma_start3A_3 = arith.constant 0 : i32
    %dma_start3A_4 = tpu.memref_slice %arg2[%dma_start3A, %dma_start3A_3] : memref<8192x256xf32, #tpu.memory_space<hbm>> -> memref<8192x256xf32, #tpu.memory_space<hbm>>
    tpu.enqueue_indirect_dma source(%dma_start3A_4 : memref<8192x256xf32, #tpu.memory_space<hbm>>) target(%arg6 : memref<128x256xf32, #tpu.memory_space<vmem>>) offsets(%arg5 : memref<128xi32, #tpu.memory_space<vmem>>) semaphore(%arg7 : memref<!tpu.dma_semaphore, #tpu.memory_space<semaphore_mem>>)
    %dma_wait3A = arith.constant 0 : i32
    %dma_wait3A_5 = arith.constant 0 : i32
    %dma_wait3A_6 = tpu.memref_slice %arg2[%dma_wait3A, %dma_wait3A_5] : memref<8192x256xf32, #tpu.memory_space<hbm>> -> memref<8192x256xf32, #tpu.memory_space<hbm>>
    tpu.wait_indirect_dma semaphore(%arg7 : memref<!tpu.dma_semaphore, #tpu.memory_space<semaphore_mem>>) src(%dma_wait3A_6 : memref<8192x256xf32, #tpu.memory_space<hbm>>) dst(%arg6 : memref<128x256xf32, #tpu.memory_space<vmem>>)
    "tpu.region"() ({
      %run_scoped3A = tpu.sem_alloc : memref<!tpu.dma_semaphore, #tpu.memory_space<semaphore_mem>>
      %dma_start3A_7 = arith.constant 0 : i32
      %dma_start3A_8 = tpu.memref_slice %arg4[%mul3A_2, %dma_start3A_7] : memref<4096x256xf32, #tpu.memory_space<hbm>> -> memref<128x256xf32, #tpu.memory_space<hbm>>
      %dma_start3A_9 = arith.constant 0 : i32
      %dma_start3A_10 = tpu.memref_slice %arg4[%mul3A_2, %dma_start3A_9] : memref<4096x256xf32, #tpu.memory_space<hbm>> -> memref<128x256xf32, #tpu.memory_space<hbm>>
      tpu.enqueue_dma source(%arg6 : memref<128x256xf32, #tpu.memory_space<vmem>>) target(%dma_start3A_10 : memref<128x256xf32, #tpu.memory_space<hbm>>) target_semaphore(%run_scoped3A : memref<!tpu.dma_semaphore, #tpu.memory_space<semaphore_mem>>)
      %dma_wait3A_11 = arith.constant 0 : i32
      %dma_wait3A_12 = tpu.memref_slice %arg4[%mul3A_2, %dma_wait3A_11] : memref<4096x256xf32, #tpu.memory_space<hbm>> -> memref<128x256xf32, #tpu.memory_space<hbm>>
      %dma_wait3A_13 = arith.constant 0 : i32
      %dma_wait3A_14 = tpu.memref_slice %arg4[%mul3A_2, %dma_wait3A_13] : memref<4096x256xf32, #tpu.memory_space<hbm>> -> memref<128x256xf32, #tpu.memory_space<hbm>>
      tpu.wait_dma2 semaphore(%run_scoped3A : memref<!tpu.dma_semaphore, #tpu.memory_space<semaphore_mem>>) src(%arg6 : memref<128x256xf32, #tpu.memory_space<vmem>>) dst(%dma_wait3A_14 : memref<128x256xf32, #tpu.memory_space<hbm>>)
      tpu.yield
    }) : () -> ()
    return
  }
}

#map = affine_map<(d0, d1) -> (0, 0)>
#map1 = affine_map<(d0, d1) -> (0)>
module attributes {stable_mosaic.version = 14 : i64} {
  func.func @k(%arg0: i32, %arg1: i32, %arg2: memref<8x131072xf32, #tpu.memory_space<hbm>>, %arg3: memref<262144x256xf32, #tpu.memory_space<hbm>>, %arg4: memref<2048xf32, #tpu.memory_space<hbm>>, %arg5: memref<2048xi32, #tpu.memory_space<hbm>>, %arg6: memref<2048x256xf32, #tpu.memory_space<hbm>>, %arg7: memref<32768xf32, #tpu.memory_space<vmem>>, %arg8: memref<2048xf32, #tpu.memory_space<vmem>>, %arg9: memref<2048xi32, #tpu.memory_space<vmem>>, %arg10: memref<64xf32, #tpu.memory_space<vmem>>, %arg11: memref<64xi32, #tpu.memory_space<vmem>>, %arg12: memref<64x256xf32, #tpu.memory_space<vmem>>, %arg13: memref<!tpu.dma_semaphore, #tpu.memory_space<semaphore_mem>>) attributes {dimension_semantics = [#tpu.dimension_semantics<core_parallel>, #tpu.dimension_semantics<subcore_parallel>], iteration_bounds = array<i64: 2, 16>, scalar_prefetch = 0 : i64, scratch_operands = 7 : i64, tpu.core_type = #tpu.core_type<sc_vector_subcore>, window_params = [{transform_indices = #map}, {transform_indices = #map}, {transform_indices = #map1}, {transform_indices = #map1}, {transform_indices = #map}]} {
    %mul3A = arith.constant 4 : i32
    %mul3A_0 = arith.muli %arg0, %mul3A : i32
    %jit3A = arith.constant 4 : i32
    %div3A = arith.divsi %arg1, %jit3A : i32
    %sign3A = arith.constant 0 : i32
    %sign3A_1 = arith.cmpi sgt, %arg1, %sign3A : i32
    %sign3A_2 = arith.extui %sign3A_1 : i1 to i32
    %sign3A_3 = arith.constant 0 : i32
    %sign3A_4 = arith.cmpi slt, %arg1, %sign3A_3 : i32
    %sign3A_5 = arith.extui %sign3A_4 : i1 to i32
    %sign3A_6 = arith.subi %sign3A_2, %sign3A_5 : i32
    %sign3A_7 = arith.constant 0 : i32
    %sign3A_8 = arith.cmpi sgt, %jit3A, %sign3A_7 : i32
    %sign3A_9 = arith.extui %sign3A_8 : i1 to i32
    %sign3A_10 = arith.constant 0 : i32
    %sign3A_11 = arith.cmpi slt, %jit3A, %sign3A_10 : i32
    %sign3A_12 = arith.extui %sign3A_11 : i1 to i32
    %sign3A_13 = arith.subi %sign3A_9, %sign3A_12 : i32
    %ne3A = arith.cmpi ne, %sign3A_6, %sign3A_13 : i32
    %rem3A = arith.remsi %arg1, %jit3A : i32
    %ne3A_14 = arith.constant 0 : i32
    %ne3A_15 = arith.cmpi ne, %rem3A, %ne3A_14 : i32
    %and3A = arith.andi %ne3A, %ne3A_15 : i1
    %sub3A = arith.constant 1 : i32
    %sub3A_16 = arith.subi %div3A, %sub3A : i32
    %select_n3A = arith.select %and3A, %sub3A_16, %div3A : i32
    %add3A = arith.addi %mul3A_0, %select_n3A : i32
    %jit3A_17 = arith.constant 4 : i32
    %eq3A = arith.constant 0 : i32
    %eq3A_18 = arith.cmpi eq, %jit3A_17, %eq3A : i32
    %jit3A_19 = arith.constant 1 : i32
    %select_n3A_20 = arith.select %eq3A_18, %jit3A_19, %jit3A_17 : i32
    %rem3A_21 = arith.remsi %arg1, %select_n3A_20 : i32
    %ne3A_22 = arith.constant 0 : i32
    %ne3A_23 = arith.cmpi ne, %rem3A_21, %ne3A_22 : i32
    %lt3A = arith.constant 0 : i32
    %lt3A_24 = arith.cmpi slt, %rem3A_21, %lt3A : i32
    %lt3A_25 = arith.constant 0 : i32
    %lt3A_26 = arith.cmpi slt, %select_n3A_20, %lt3A_25 : i32
    %ne3A_27 = arith.xori %lt3A_24, %lt3A_26 : i1
    %and3A_28 = arith.andi %ne3A_27, %ne3A_23 : i1
    %add3A_29 = arith.addi %rem3A_21, %select_n3A_20 : i32
    %select_n3A_30 = arith.select %and3A_28, %add3A_29, %rem3A_21 : i32
    %mul3A_31 = arith.constant 32768 : i32
    %mul3A_32 = arith.muli %select_n3A_30, %mul3A_31 : i32
    %add3A_33 = arith.constant 0 : i32
    %add3A_34 = arith.addi %add3A_33, %mul3A_32 : i32
    %mul3A_35 = arith.constant 4 : i32
    %mul3A_36 = arith.muli %add3A, %mul3A_35 : i32
    %add3A_37 = arith.addi %mul3A_36, %select_n3A_30 : i32
    %iota3A = tpu.iota {dimensions = array<i32: 0>} : vector<16xi32>
    %mul3A_38 = arith.constant 32768 : i32
    %mul3A_39 = arith.muli %select_n3A_30, %mul3A_38 : i32
    "tpu.region"() ({
      %run_scoped3A = tpu.sem_alloc : memref<!tpu.dma_semaphore, #tpu.memory_space<semaphore_mem>>
      %dma_start3A_91 = tpu.memref_slice %arg2[%add3A, %mul3A_39] : memref<8x131072xf32, #tpu.memory_space<hbm>> -> memref<1x32768xf32, #tpu.memory_space<hbm>>
      %dma_start3A_92 = tpu.memref_squeeze %dma_start3A_91 : memref<1x32768xf32, #tpu.memory_space<hbm>> -> memref<32768xf32, #tpu.memory_space<hbm>>
      %dma_start3A_93 = tpu.memref_slice %arg2[%add3A, %mul3A_39] : memref<8x131072xf32, #tpu.memory_space<hbm>> -> memref<1x32768xf32, #tpu.memory_space<hbm>>
      %dma_start3A_94 = tpu.memref_squeeze %dma_start3A_93 : memref<1x32768xf32, #tpu.memory_space<hbm>> -> memref<32768xf32, #tpu.memory_space<hbm>>
      tpu.enqueue_dma source(%dma_start3A_94 : memref<32768xf32, #tpu.memory_space<hbm>>) target(%arg7 : memref<32768xf32, #tpu.memory_space<vmem>>) target_semaphore(%run_scoped3A : memref<!tpu.dma_semaphore, #tpu.memory_space<semaphore_mem>>)
      %dma_wait3A_95 = tpu.memref_slice %arg2[%add3A, %mul3A_39] : memref<8x131072xf32, #tpu.memory_space<hbm>> -> memref<1x32768xf32, #tpu.memory_space<hbm>>
      %dma_wait3A_96 = tpu.memref_squeeze %dma_wait3A_95 : memref<1x32768xf32, #tpu.memory_space<hbm>> -> memref<32768xf32, #tpu.memory_space<hbm>>
      %dma_wait3A_97 = tpu.memref_slice %arg2[%add3A, %mul3A_39] : memref<8x131072xf32, #tpu.memory_space<hbm>> -> memref<1x32768xf32, #tpu.memory_space<hbm>>
      %dma_wait3A_98 = tpu.memref_squeeze %dma_wait3A_97 : memref<1x32768xf32, #tpu.memory_space<hbm>> -> memref<32768xf32, #tpu.memory_space<hbm>>
      tpu.wait_dma2 semaphore(%run_scoped3A : memref<!tpu.dma_semaphore, #tpu.memory_space<semaphore_mem>>) src(%dma_wait3A_98 : memref<32768xf32, #tpu.memory_space<hbm>>) dst(%arg7 : memref<32768xf32, #tpu.memory_space<vmem>>)
      tpu.yield
    }) : () -> ()
    %broadcast_in_dim3A = arith.constant -3.000000e+38 : f32
    %broadcast_in_dim3A_40 = vector.broadcast %broadcast_in_dim3A : f32 to vector<16xf32>
    %scan3A = arith.constant 0 : i32
    %scan3A_41 = arith.constant 256 : i32
    %scan3A_42 = arith.addi %scan3A, %scan3A_41 : i32
    %scan3A_43 = arith.constant 1 : i32
    %scan3A_44:4 = scf.for %scan3A_91 = %scan3A to %scan3A_42 step %scan3A_43 iter_args(%scan3A_92 = %broadcast_in_dim3A_40, %scan3A_93 = %broadcast_in_dim3A_40, %scan3A_94 = %broadcast_in_dim3A_40, %scan3A_95 = %broadcast_in_dim3A_40) -> (vector<16xf32>, vector<16xf32>, vector<16xf32>, vector<16xf32>)  : i32 {
      %mul3A_96 = arith.constant 8 : i32
      %mul3A_97 = arith.muli %scan3A_91, %mul3A_96 : i32
      %add3A_98 = arith.constant 0 : i32
      %add3A_99 = arith.addi %mul3A_97, %add3A_98 : i32
      %add3A_100 = arith.constant 0 : i32
      %add3A_101 = arith.addi %add3A_99, %add3A_100 : i32
      %mul3A_102 = arith.constant 16 : i32
      %mul3A_103 = arith.muli %add3A_101, %mul3A_102 : i32
      %get3A = arith.index_cast %mul3A_103 : i32 to index
      %get3A_104 = tpu.vector_load %arg7[%get3A] {strides = array<i32>} : memref<32768xf32, #tpu.memory_space<vmem>>, vector<16xf32>,
      %max3A = arith.maximumf %scan3A_92, %get3A_104 : vector<16xf32>
      %mul3A_105 = arith.constant 8 : i32
      %mul3A_106 = arith.muli %scan3A_91, %mul3A_105 : i32
      %add3A_107 = arith.constant 0 : i32
      %add3A_108 = arith.addi %mul3A_106, %add3A_107 : i32
      %add3A_109 = arith.constant 1 : i32
      %add3A_110 = arith.addi %add3A_108, %add3A_109 : i32
      %mul3A_111 = arith.constant 16 : i32
      %mul3A_112 = arith.muli %add3A_110, %mul3A_111 : i32
      %get3A_113 = arith.index_cast %mul3A_112 : i32 to index
      %get3A_114 = tpu.vector_load %arg7[%get3A_113] {strides = array<i32>} : memref<32768xf32, #tpu.memory_space<vmem>>, vector<16xf32>,
      %max3A_115 = arith.maximumf %scan3A_93, %get3A_114 : vector<16xf32>
      %mul3A_116 = arith.constant 8 : i32
      %mul3A_117 = arith.muli %scan3A_91, %mul3A_116 : i32
      %add3A_118 = arith.constant 0 : i32
      %add3A_119 = arith.addi %mul3A_117, %add3A_118 : i32
      %add3A_120 = arith.constant 2 : i32
      %add3A_121 = arith.addi %add3A_119, %add3A_120 : i32
      %mul3A_122 = arith.constant 16 : i32
      %mul3A_123 = arith.muli %add3A_121, %mul3A_122 : i32
      %get3A_124 = arith.index_cast %mul3A_123 : i32 to index
      %get3A_125 = tpu.vector_load %arg7[%get3A_124] {strides = array<i32>} : memref<32768xf32, #tpu.memory_space<vmem>>, vector<16xf32>,
      %max3A_126 = arith.maximumf %scan3A_94, %get3A_125 : vector<16xf32>
      %mul3A_127 = arith.constant 8 : i32
      %mul3A_128 = arith.muli %scan3A_91, %mul3A_127 : i32
      %add3A_129 = arith.constant 0 : i32
      %add3A_130 = arith.addi %mul3A_128, %add3A_129 : i32
      %add3A_131 = arith.constant 3 : i32
      %add3A_132 = arith.addi %add3A_130, %add3A_131 : i32
      %mul3A_133 = arith.constant 16 : i32
      %mul3A_134 = arith.muli %add3A_132, %mul3A_133 : i32
      %get3A_135 = arith.index_cast %mul3A_134 : i32 to index
      %get3A_136 = tpu.vector_load %arg7[%get3A_135] {strides = array<i32>} : memref<32768xf32, #tpu.memory_space<vmem>>, vector<16xf32>,
      %max3A_137 = arith.maximumf %scan3A_95, %get3A_136 : vector<16xf32>
      %mul3A_138 = arith.constant 8 : i32
      %mul3A_139 = arith.muli %scan3A_91, %mul3A_138 : i32
      %add3A_140 = arith.constant 4 : i32
      %add3A_141 = arith.addi %mul3A_139, %add3A_140 : i32
      %add3A_142 = arith.constant 0 : i32
      %add3A_143 = arith.addi %add3A_141, %add3A_142 : i32
      %mul3A_144 = arith.constant 16 : i32
      %mul3A_145 = arith.muli %add3A_143, %mul3A_144 : i32
      %get3A_146 = arith.index_cast %mul3A_145 : i32 to index
      %get3A_147 = tpu.vector_load %arg7[%get3A_146] {strides = array<i32>} : memref<32768xf32, #tpu.memory_space<vmem>>, vector<16xf32>,
      %max3A_148 = arith.maximumf %max3A, %get3A_147 : vector<16xf32>
      %mul3A_149 = arith.constant 8 : i32
      %mul3A_150 = arith.muli %scan3A_91, %mul3A_149 : i32
      %add3A_151 = arith.constant 4 : i32
      %add3A_152 = arith.addi %mul3A_150, %add3A_151 : i32
      %add3A_153 = arith.constant 1 : i32
      %add3A_154 = arith.addi %add3A_152, %add3A_153 : i32
      %mul3A_155 = arith.constant 16 : i32
      %mul3A_156 = arith.muli %add3A_154, %mul3A_155 : i32
      %get3A_157 = arith.index_cast %mul3A_156 : i32 to index
      %get3A_158 = tpu.vector_load %arg7[%get3A_157] {strides = array<i32>} : memref<32768xf32, #tpu.memory_space<vmem>>, vector<16xf32>,
      %max3A_159 = arith.maximumf %max3A_115, %get3A_158 : vector<16xf32>
      %mul3A_160 = arith.constant 8 : i32
      %mul3A_161 = arith.muli %scan3A_91, %mul3A_160 : i32
      %add3A_162 = arith.constant 4 : i32
      %add3A_163 = arith.addi %mul3A_161, %add3A_162 : i32
      %add3A_164 = arith.constant 2 : i32
      %add3A_165 = arith.addi %add3A_163, %add3A_164 : i32
      %mul3A_166 = arith.constant 16 : i32
      %mul3A_167 = arith.muli %add3A_165, %mul3A_166 : i32
      %get3A_168 = arith.index_cast %mul3A_167 : i32 to index
      %get3A_169 = tpu.vector_load %arg7[%get3A_168] {strides = array<i32>} : memref<32768xf32, #tpu.memory_space<vmem>>, vector<16xf32>,
      %max3A_170 = arith.maximumf %max3A_126, %get3A_169 : vector<16xf32>
      %mul3A_171 = arith.constant 8 : i32
      %mul3A_172 = arith.muli %scan3A_91, %mul3A_171 : i32
      %add3A_173 = arith.constant 4 : i32
      %add3A_174 = arith.addi %mul3A_172, %add3A_173 : i32
      %add3A_175 = arith.constant 3 : i32
      %add3A_176 = arith.addi %add3A_174, %add3A_175 : i32
      %mul3A_177 = arith.constant 16 : i32
      %mul3A_178 = arith.muli %add3A_176, %mul3A_177 : i32
      %get3A_179 = arith.index_cast %mul3A_178 : i32 to index
      %get3A_180 = tpu.vector_load %arg7[%get3A_179] {strides = array<i32>} : memref<32768xf32, #tpu.memory_space<vmem>>, vector<16xf32>,
      %max3A_181 = arith.maximumf %max3A_137, %get3A_180 : vector<16xf32>
      scf.yield %max3A_148, %max3A_159, %max3A_170, %max3A_181 : vector<16xf32>, vector<16xf32>, vector<16xf32>, vector<16xf32>
    }
    %scan3A_45 = arith.constant 256 : i32
    %min3A = arith.minimumf %scan3A_44#0, %scan3A_44#1 : vector<16xf32>
    %min3A_46 = arith.minimumf %scan3A_44#2, %scan3A_44#3 : vector<16xf32>
    %min3A_47 = arith.minimumf %min3A, %min3A_46 : vector<16xf32>
    %reduce_min3A = arith.constant true
    %reduce_min3A_48 = vector.broadcast %reduce_min3A : i1 to vector<16xi1>
    %reduce_min3A_49 = tpu.scan <min>, %min3A_47 masked %reduce_min3A_48 : vector<16xf32>, vector<16xi1> -> vector<16xf32>
    %reduce_min3A_50 = vector.extract %reduce_min3A_49[15] : f32 from vector<16xf32>
    %broadcast_in_dim3A_51 = arith.constant 0.000000e+00 : f32
    %broadcast_in_dim3A_52 = vector.broadcast %broadcast_in_dim3A_51 : f32 to vector<16xf32>
    %add3A_53 = vector.broadcast %reduce_min3A_50 : f32 to vector<16xf32>
    %add3A_54 = arith.addf %broadcast_in_dim3A_52, %add3A_53 : vector<16xf32>
    %broadcast_in_dim3A_55 = arith.constant 0 : i32
    %broadcast_in_dim3A_56 = vector.broadcast %broadcast_in_dim3A_55 : i32 to vector<16xi32>
    %scan3A_57 = arith.constant 0 : i32
    %scan3A_58 = arith.constant 32 : i32
    %scan3A_59 = arith.addi %scan3A_57, %scan3A_58 : i32
    %scan3A_60 = arith.constant 1 : i32
    %scan3A_61:2 = scf.for %scan3A_91 = %scan3A_57 to %scan3A_59 step %scan3A_60 iter_args(%scan3A_92 = %add3A_54, %scan3A_93 = %broadcast_in_dim3A_56) -> (vector<16xf32>, vector<16xi32>)  : i32 {
      %reduce_max3A_94 = arith.constant true
      %reduce_max3A_95 = vector.broadcast %reduce_max3A_94 : i1 to vector<16xi1>
      %reduce_max3A_96 = arith.constant -2147483648 : i32
      %reduce_max3A_97 = vector.broadcast %reduce_max3A_96 : i32 to vector<16xi32>
      %reduce_max3A_98 = arith.xori %scan3A_93, %reduce_max3A_97 : vector<16xi32>
      %reduce_max3A_99 = tpu.scan <max>, %reduce_max3A_98 masked %reduce_max3A_95 : vector<16xi32>, vector<16xi1> -> vector<16xi32>
      %reduce_max3A_100 = arith.xori %reduce_max3A_99, %reduce_max3A_97 : vector<16xi32>
      %reduce_max3A_101 = vector.extract %reduce_max3A_100[15] : i32 from vector<16xi32>
      %gt3A = arith.constant 64 : i32
      %gt3A_102 = arith.cmpi sgt, %reduce_max3A_101, %gt3A : i32
      %convert_element_type3A = arith.extui %gt3A_102 : i1 to i32
      %cond3A = arith.constant 0 : i32
      %cond3A_103 = arith.cmpi ne, %convert_element_type3A, %cond3A : i32
      %cond3A_104:2 = scf.if %cond3A_103 -> (vector<16xf32>, vector<16xi32>) {
        %reduce_max3A_120 = arith.constant true
        %reduce_max3A_121 = vector.broadcast %reduce_max3A_120 : i1 to vector<16xi1>
        %reduce_max3A_122 = arith.constant -2147483648 : i32
        %reduce_max3A_123 = vector.broadcast %reduce_max3A_122 : i32 to vector<16xi32>
        %reduce_max3A_124 = arith.xori %scan3A_93, %reduce_max3A_123 : vector<16xi32>
        %reduce_max3A_125 = tpu.scan <max>, %reduce_max3A_124 masked %reduce_max3A_121 : vector<16xi32>, vector<16xi1> -> vector<16xi32>
        %reduce_max3A_126 = arith.xori %reduce_max3A_125, %reduce_max3A_123 : vector<16xi32>
        %reduce_max3A_127 = vector.extract %reduce_max3A_126[15] : i32 from vector<16xi32>
        %iota3A_128 = tpu.iota {dimensions = array<i32: 0>} : vector<16xi32>
        %eq3A_129 = arith.constant 0 : i32
        %eq3A_130 = vector.broadcast %eq3A_129 : i32 to vector<16xi32>
        %eq3A_131 = arith.cmpi eq, %iota3A_128, %eq3A_130 : vector<16xi32>
        %scan3A_132 = arith.constant 0.000000e+00 : f32
        %scan3A_133 = arith.constant 0 : i32
        %scan3A_134 = arith.constant 64 : i32
        %scan3A_135 = arith.addi %scan3A_133, %scan3A_134 : i32
        %scan3A_136 = arith.constant 1 : i32
        %scan3A_137 = scf.for %scan3A_175 = %scan3A_133 to %scan3A_135 step %scan3A_136 iter_args(%scan3A_176 = %scan3A_132) -> (f32)  : i32 {
          %add3A_177 = arith.constant 1 : i32
          %add3A_178 = arith.addi %reduce_max3A_127, %add3A_177 : i32
          %jit3A_179 = arith.constant 2 : i32
          %div3A_180 = arith.divsi %add3A_178, %jit3A_179 : i32
          %sign3A_181 = arith.constant 0 : i32
          %sign3A_182 = arith.cmpi sgt, %add3A_178, %sign3A_181 : i32
          %sign3A_183 = arith.extui %sign3A_182 : i1 to i32
          %sign3A_184 = arith.constant 0 : i32
          %sign3A_185 = arith.cmpi slt, %add3A_178, %sign3A_184 : i32
          %sign3A_186 = arith.extui %sign3A_185 : i1 to i32
          %sign3A_187 = arith.subi %sign3A_183, %sign3A_186 : i32
          %sign3A_188 = arith.constant 0 : i32
          %sign3A_189 = arith.cmpi sgt, %jit3A_179, %sign3A_188 : i32
          %sign3A_190 = arith.extui %sign3A_189 : i1 to i32
          %sign3A_191 = arith.constant 0 : i32
          %sign3A_192 = arith.cmpi slt, %jit3A_179, %sign3A_191 : i32
          %sign3A_193 = arith.extui %sign3A_192 : i1 to i32
          %sign3A_194 = arith.subi %sign3A_190, %sign3A_193 : i32
          %ne3A_195 = arith.cmpi ne, %sign3A_187, %sign3A_194 : i32
          %rem3A_196 = arith.remsi %add3A_178, %jit3A_179 : i32
          %ne3A_197 = arith.constant 0 : i32
          %ne3A_198 = arith.cmpi ne, %rem3A_196, %ne3A_197 : i32
          %and3A_199 = arith.andi %ne3A_195, %ne3A_198 : i1
          %sub3A_200 = arith.constant 1 : i32
          %sub3A_201 = arith.subi %div3A_180, %sub3A_200 : i32
          %select_n3A_202 = arith.select %and3A_199, %sub3A_201, %div3A_180 : i32
          %broadcast_in_dim3A_203 = arith.constant -3.000000e+38 : f32
          %broadcast_in_dim3A_204 = vector.broadcast %broadcast_in_dim3A_203 : f32 to vector<16xf32>
          %broadcast_in_dim3A_205 = arith.constant 0 : i32
          %broadcast_in_dim3A_206 = vector.broadcast %broadcast_in_dim3A_205 : i32 to vector<16xi32>
          %while3A_207 = arith.constant 0 : i32
          %while3A_208 = arith.subi %select_n3A_202, %while3A_207 : i32
          %while3A_209 = arith.addi %while3A_207, %while3A_208 : i32
          %while3A_210 = arith.constant 1 : i32
          %while3A_211 = arith.divsi %while3A_208, %while3A_210 : i32
          %while3A_212 = arith.muli %while3A_211, %while3A_210 : i32
          %while3A_213 = arith.addi %while3A_207, %while3A_212 : i32
          %while3A_214 = arith.constant 1 : i32
          %while3A_215:2 = scf.for %while3A_253 = %while3A_207 to %while3A_213 step %while3A_214 iter_args(%while3A_254 = %broadcast_in_dim3A_204, %while3A_255 = %broadcast_in_dim3A_206) -> (vector<16xf32>, vector<16xi32>)  : i32 {
            %mul3A_256 = arith.constant 2 : i32
            %mul3A_257 = arith.muli %while3A_253, %mul3A_256 : i32
            %add3A_258 = arith.constant 0 : i32
            %add3A_259 = arith.addi %mul3A_257, %add3A_258 : i32
            %mul3A_260 = arith.constant 16 : i32
            %mul3A_261 = arith.muli %add3A_259, %mul3A_260 : i32
            %get3A_262 = arith.index_cast %mul3A_261 : i32 to index
            %get3A_263 = tpu.vector_load %arg8[%get3A_262] {strides = array<i32>} : memref<2048xf32, #tpu.memory_space<vmem>>, vector<16xf32>,
            %lt3A_264 = vector.broadcast %add3A_259 : i32 to vector<16xi32>
            %lt3A_265 = arith.cmpi slt, %lt3A_264, %scan3A_93 : vector<16xi32>
            %jit3A_266 = arith.constant -3.000000e+38 : f32
            %broadcast_in_dim3A_267 = vector.broadcast %jit3A_266 : f32 to vector<16xf32>
            %select_n3A_268 = arith.select %lt3A_265, %get3A_263, %broadcast_in_dim3A_267 : vector<16xi1>, vector<16xf32>
            %gt3A_269 = arith.cmpf ogt, %select_n3A_268, %while3A_254 : vector<16xf32>
            %select_n3A_270 = arith.select %gt3A_269, %select_n3A_268, %while3A_254 : vector<16xi1>, vector<16xf32>
            %broadcast_in_dim3A_271 = vector.broadcast %add3A_259 : i32 to vector<16xi32>
            %select_n3A_272 = arith.select %gt3A_269, %broadcast_in_dim3A_271, %while3A_255 : vector<16xi1>, vector<16xi32>
            %mul3A_273 = arith.constant 2 : i32
            %mul3A_274 = arith.muli %while3A_253, %mul3A_273 : i32
            %add3A_275 = arith.constant 1 : i32
            %add3A_276 = arith.addi %mul3A_274, %add3A_275 : i32
            %mul3A_277 = arith.constant 16 : i32
            %mul3A_278 = arith.muli %add3A_276, %mul3A_277 : i32
            %get3A_279 = arith.index_cast %mul3A_278 : i32 to index
            %get3A_280 = tpu.vector_load %arg8[%get3A_279] {strides = array<i32>} : memref<2048xf32, #tpu.memory_space<vmem>>, vector<16xf32>,
            %lt3A_281 = vector.broadcast %add3A_276 : i32 to vector<16xi32>
            %lt3A_282 = arith.cmpi slt, %lt3A_281, %scan3A_93 : vector<16xi32>
            %jit3A_283 = arith.constant -3.000000e+38 : f32
            %broadcast_in_dim3A_284 = vector.broadcast %jit3A_283 : f32 to vector<16xf32>
            %select_n3A_285 = arith.select %lt3A_282, %get3A_280, %broadcast_in_dim3A_284 : vector<16xi1>, vector<16xf32>
            %gt3A_286 = arith.cmpf ogt, %select_n3A_285, %select_n3A_270 : vector<16xf32>
            %select_n3A_287 = arith.select %gt3A_286, %select_n3A_285, %select_n3A_270 : vector<16xi1>, vector<16xf32>
            %broadcast_in_dim3A_288 = vector.broadcast %add3A_276 : i32 to vector<16xi32>
            %select_n3A_289 = arith.select %gt3A_286, %broadcast_in_dim3A_288, %select_n3A_272 : vector<16xi1>, vector<16xi32>
            scf.yield %select_n3A_287, %select_n3A_289 : vector<16xf32>, vector<16xi32>
          }
          %while3A_216 = arith.constant 1 : i32
          %while3A_217:2 = scf.for %while3A_253 = %while3A_213 to %while3A_209 step %while3A_216 iter_args(%while3A_254 = %while3A_215#0, %while3A_255 = %while3A_215#1) -> (vector<16xf32>, vector<16xi32>)  : i32 {
            %mul3A_256 = arith.constant 2 : i32
            %mul3A_257 = arith.muli %while3A_253, %mul3A_256 : i32
            %add3A_258 = arith.constant 0 : i32
            %add3A_259 = arith.addi %mul3A_257, %add3A_258 : i32
            %mul3A_260 = arith.constant 16 : i32
            %mul3A_261 = arith.muli %add3A_259, %mul3A_260 : i32
            %get3A_262 = arith.index_cast %mul3A_261 : i32 to index
            %get3A_263 = tpu.vector_load %arg8[%get3A_262] {strides = array<i32>} : memref<2048xf32, #tpu.memory_space<vmem>>, vector<16xf32>,
            %lt3A_264 = vector.broadcast %add3A_259 : i32 to vector<16xi32>
            %lt3A_265 = arith.cmpi slt, %lt3A_264, %scan3A_93 : vector<16xi32>
            %jit3A_266 = arith.constant -3.000000e+38 : f32
            %broadcast_in_dim3A_267 = vector.broadcast %jit3A_266 : f32 to vector<16xf32>
            %select_n3A_268 = arith.select %lt3A_265, %get3A_263, %broadcast_in_dim3A_267 : vector<16xi1>, vector<16xf32>
            %gt3A_269 = arith.cmpf ogt, %select_n3A_268, %while3A_254 : vector<16xf32>
            %select_n3A_270 = arith.select %gt3A_269, %select_n3A_268, %while3A_254 : vector<16xi1>, vector<16xf32>
            %broadcast_in_dim3A_271 = vector.broadcast %add3A_259 : i32 to vector<16xi32>
            %select_n3A_272 = arith.select %gt3A_269, %broadcast_in_dim3A_271, %while3A_255 : vector<16xi1>, vector<16xi32>
            %mul3A_273 = arith.constant 2 : i32
            %mul3A_274 = arith.muli %while3A_253, %mul3A_273 : i32
            %add3A_275 = arith.constant 1 : i32
            %add3A_276 = arith.addi %mul3A_274, %add3A_275 : i32
            %mul3A_277 = arith.constant 16 : i32
            %mul3A_278 = arith.muli %add3A_276, %mul3A_277 : i32
            %get3A_279 = arith.index_cast %mul3A_278 : i32 to index
            %get3A_280 = tpu.vector_load %arg8[%get3A_279] {strides = array<i32>} : memref<2048xf32, #tpu.memory_space<vmem>>, vector<16xf32>,
            %lt3A_281 = vector.broadcast %add3A_276 : i32 to vector<16xi32>
            %lt3A_282 = arith.cmpi slt, %lt3A_281, %scan3A_93 : vector<16xi32>
            %jit3A_283 = arith.constant -3.000000e+38 : f32
            %broadcast_in_dim3A_284 = vector.broadcast %jit3A_283 : f32 to vector<16xf32>
            %select_n3A_285 = arith.select %lt3A_282, %get3A_280, %broadcast_in_dim3A_284 : vector<16xi1>, vector<16xf32>
            %gt3A_286 = arith.cmpf ogt, %select_n3A_285, %select_n3A_270 : vector<16xf32>
            %select_n3A_287 = arith.select %gt3A_286, %select_n3A_285, %select_n3A_270 : vector<16xi1>, vector<16xf32>
            %broadcast_in_dim3A_288 = vector.broadcast %add3A_276 : i32 to vector<16xi32>
            %select_n3A_289 = arith.select %gt3A_286, %broadcast_in_dim3A_288, %select_n3A_272 : vector<16xi1>, vector<16xi32>
            scf.yield %select_n3A_287, %select_n3A_289 : vector<16xf32>, vector<16xi32>
          }
          %reduce_max3A_218 = arith.constant true
          %reduce_max3A_219 = vector.broadcast %reduce_max3A_218 : i1 to vector<16xi1>
          %reduce_max3A_220 = tpu.scan <max>, %while3A_217#0 masked %reduce_max3A_219 : vector<16xf32>, vector<16xi1> -> vector<16xf32>
          %reduce_max3A_221 = vector.extract %reduce_max3A_220[15] : f32 from vector<16xf32>
          %eq3A_222 = vector.broadcast %reduce_max3A_221 : f32 to vector<16xf32>
          %eq3A_223 = arith.cmpf oeq, %while3A_217#0, %eq3A_222 : vector<16xf32>
          %mul3A_224 = arith.constant 16 : i32
          %mul3A_225 = vector.broadcast %mul3A_224 : i32 to vector<16xi32>
          %mul3A_226 = arith.muli %while3A_217#1, %mul3A_225 : vector<16xi32>
          %add3A_227 = arith.addi %mul3A_226, %iota3A_128 : vector<16xi32>
          %jit3A_228 = arith.constant 1073741824 : i32
          %broadcast_in_dim3A_229 = vector.broadcast %jit3A_228 : i32 to vector<16xi32>
          %select_n3A_230 = arith.select %eq3A_223, %add3A_227, %broadcast_in_dim3A_229 : vector<16xi1>, vector<16xi32>
          %reduce_min3A_231 = arith.constant true
          %reduce_min3A_232 = vector.broadcast %reduce_min3A_231 : i1 to vector<16xi1>
          %reduce_min3A_233 = arith.constant -2147483648 : i32
          %reduce_min3A_234 = vector.broadcast %reduce_min3A_233 : i32 to vector<16xi32>
          %reduce_min3A_235 = arith.xori %select_n3A_230, %reduce_min3A_234 : vector<16xi32>
          %reduce_min3A_236 = tpu.scan <min>, %reduce_min3A_235 masked %reduce_min3A_232 : vector<16xi32>, vector<16xi1> -> vector<16xi32>
          %reduce_min3A_237 = arith.xori %reduce_min3A_236, %reduce_min3A_234 : vector<16xi32>
          %reduce_min3A_238 = vector.extract %reduce_min3A_237[15] : i32 from vector<16xi32>
          %broadcast_in_dim3A_239 = arith.constant 0 : i32
          %broadcast_in_dim3A_240 = vector.broadcast %broadcast_in_dim3A_239 : i32 to vector<16xi32>
          %add3A_241 = vector.broadcast %reduce_min3A_238 : i32 to vector<16xi32>
          %add3A_242 = arith.addi %broadcast_in_dim3A_240, %add3A_241 : vector<16xi32>
          %gather3A = tpu.vector_load_idx %arg9[%add3A_242] : memref<2048xi32, #tpu.memory_space<vmem>>[vector<16xi32>], vector<16xi32>,
          %broadcast_in_dim3A_243 = arith.constant 0 : i32
          %broadcast_in_dim3A_244 = vector.broadcast %broadcast_in_dim3A_243 : i32 to vector<16xi32>
          %add3A_245 = vector.broadcast %scan3A_175 : i32 to vector<16xi32>
          %add3A_246 = arith.addi %broadcast_in_dim3A_244, %add3A_245 : vector<16xi32>
          %broadcast_in_dim3A_247 = arith.constant 0.000000e+00 : f32
          %broadcast_in_dim3A_248 = vector.broadcast %broadcast_in_dim3A_247 : f32 to vector<16xf32>
          %add3A_249 = vector.broadcast %reduce_max3A_221 : f32 to vector<16xf32>
          %add3A_250 = arith.addf %broadcast_in_dim3A_248, %add3A_249 : vector<16xf32>
          tpu.vector_store_idx %arg10[%add3A_246], %add3A_250 masked %eq3A_131 : memref<64xf32, #tpu.memory_space<vmem>>[vector<16xi32>], vector<16xf32>, vector<16xi1>
          tpu.vector_store_idx %arg11[%add3A_246], %gather3A masked %eq3A_131 : memref<64xi32, #tpu.memory_space<vmem>>[vector<16xi32>], vector<16xi32>, vector<16xi1>
          %broadcast_in_dim3A_251 = arith.constant -3.000000e+38 : f32
          %broadcast_in_dim3A_252 = vector.broadcast %broadcast_in_dim3A_251 : f32 to vector<16xf32>
          tpu.vector_store_idx %arg8[%add3A_242], %broadcast_in_dim3A_252 masked %eq3A_131 : memref<2048xf32, #tpu.memory_space<vmem>>[vector<16xi32>], vector<16xf32>, vector<16xi1>
          scf.yield %reduce_max3A_221 : f32
        }
        %scan3A_138 = arith.constant 64 : i32
        %get3A = arith.constant 0 : index
        %get3A_139 = tpu.vector_load %arg10[%get3A] {strides = array<i32>} : memref<64xf32, #tpu.memory_space<vmem>>, vector<16xf32>,
        %swap3A = arith.constant 0 : index
        %swap3A_140 = tpu.vector_load %arg8[%swap3A] {strides = array<i32>} : memref<2048xf32, #tpu.memory_space<vmem>>, vector<16xf32>,
        tpu.vector_store %arg8[%swap3A], %get3A_139 {strides = array<i32>} : memref<2048xf32, #tpu.memory_space<vmem>>, vector<16xf32>,
        %get3A_141 = arith.constant 0 : index
        %get3A_142 = tpu.vector_load %arg11[%get3A_141] {strides = array<i32>} : memref<64xi32, #tpu.memory_space<vmem>>, vector<16xi32>,
        %swap3A_143 = arith.constant 0 : index
        %swap3A_144 = tpu.vector_load %arg9[%swap3A_143] {strides = array<i32>} : memref<2048xi32, #tpu.memory_space<vmem>>, vector<16xi32>,
        tpu.vector_store %arg9[%swap3A_143], %get3A_142 {strides = array<i32>} : memref<2048xi32, #tpu.memory_space<vmem>>, vector<16xi32>,
        %get3A_145 = arith.constant 16 : index
        %get3A_146 = tpu.vector_load %arg10[%get3A_145] {strides = array<i32>} : memref<64xf32, #tpu.memory_space<vmem>>, vector<16xf32>,
        %swap3A_147 = arith.constant 16 : index
        %swap3A_148 = tpu.vector_load %arg8[%swap3A_147] {strides = array<i32>} : memref<2048xf32, #tpu.memory_space<vmem>>, vector<16xf32>,
        tpu.vector_store %arg8[%swap3A_147], %get3A_146 {strides = array<i32>} : memref<2048xf32, #tpu.memory_space<vmem>>, vector<16xf32>,
        %get3A_149 = arith.constant 16 : index
        %get3A_150 = tpu.vector_load %arg11[%get3A_149] {strides = array<i32>} : memref<64xi32, #tpu.memory_space<vmem>>, vector<16xi32>,
        %swap3A_151 = arith.constant 16 : index
        %swap3A_152 = tpu.vector_load %arg9[%swap3A_151] {strides = array<i32>} : memref<2048xi32, #tpu.memory_space<vmem>>, vector<16xi32>,
        tpu.vector_store %arg9[%swap3A_151], %get3A_150 {strides = array<i32>} : memref<2048xi32, #tpu.memory_space<vmem>>, vector<16xi32>,
        %get3A_153 = arith.constant 32 : index
        %get3A_154 = tpu.vector_load %arg10[%get3A_153] {strides = array<i32>} : memref<64xf32, #tpu.memory_space<vmem>>, vector<16xf32>,
        %swap3A_155 = arith.constant 32 : index
        %swap3A_156 = tpu.vector_load %arg8[%swap3A_155] {strides = array<i32>} : memref<2048xf32, #tpu.memory_space<vmem>>, vector<16xf32>,
        tpu.vector_store %arg8[%swap3A_155], %get3A_154 {strides = array<i32>} : memref<2048xf32, #tpu.memory_space<vmem>>, vector<16xf32>,
        %get3A_157 = arith.constant 32 : index
        %get3A_158 = tpu.vector_load %arg11[%get3A_157] {strides = array<i32>} : memref<64xi32, #tpu.memory_space<vmem>>, vector<16xi32>,
        %swap3A_159 = arith.constant 32 : index
        %swap3A_160 = tpu.vector_load %arg9[%swap3A_159] {strides = array<i32>} : memref<2048xi32, #tpu.memory_space<vmem>>, vector<16xi32>,
        tpu.vector_store %arg9[%swap3A_159], %get3A_158 {strides = array<i32>} : memref<2048xi32, #tpu.memory_space<vmem>>, vector<16xi32>,
        %get3A_161 = arith.constant 48 : index
        %get3A_162 = tpu.vector_load %arg10[%get3A_161] {strides = array<i32>} : memref<64xf32, #tpu.memory_space<vmem>>, vector<16xf32>,
        %swap3A_163 = arith.constant 48 : index
        %swap3A_164 = tpu.vector_load %arg8[%swap3A_163] {strides = array<i32>} : memref<2048xf32, #tpu.memory_space<vmem>>, vector<16xf32>,
        tpu.vector_store %arg8[%swap3A_163], %get3A_162 {strides = array<i32>} : memref<2048xf32, #tpu.memory_space<vmem>>, vector<16xf32>,
        %get3A_165 = arith.constant 48 : index
        %get3A_166 = tpu.vector_load %arg11[%get3A_165] {strides = array<i32>} : memref<64xi32, #tpu.memory_space<vmem>>, vector<16xi32>,
        %swap3A_167 = arith.constant 48 : index
        %swap3A_168 = tpu.vector_load %arg9[%swap3A_167] {strides = array<i32>} : memref<2048xi32, #tpu.memory_space<vmem>>, vector<16xi32>,
        tpu.vector_store %arg9[%swap3A_167], %get3A_166 {strides = array<i32>} : memref<2048xi32, #tpu.memory_space<vmem>>, vector<16xi32>,
        %broadcast_in_dim3A_169 = arith.constant 0.000000e+00 : f32
        %broadcast_in_dim3A_170 = vector.broadcast %broadcast_in_dim3A_169 : f32 to vector<16xf32>
        %add3A_171 = vector.broadcast %scan3A_137 : f32 to vector<16xf32>
        %add3A_172 = arith.addf %broadcast_in_dim3A_170, %add3A_171 : vector<16xf32>
        %broadcast_in_dim3A_173 = arith.constant 4 : i32
        %broadcast_in_dim3A_174 = vector.broadcast %broadcast_in_dim3A_173 : i32 to vector<16xi32>
        scf.yield %add3A_172, %broadcast_in_dim3A_174 : vector<16xf32>, vector<16xi32>
      } else {
        scf.yield %scan3A_92, %scan3A_93 : vector<16xf32>, vector<16xi32>
      }
      %mul3A_105 = arith.constant 16 : i32
      %mul3A_106 = arith.muli %scan3A_91, %mul3A_105 : i32
      %add3A_107 = arith.constant 1 : i32
      %add3A_108 = arith.addi %scan3A_91, %add3A_107 : i32
      %mul3A_109 = arith.constant 16 : i32
      %mul3A_110 = arith.muli %add3A_108, %mul3A_109 : i32
      %while3A = arith.subi %mul3A_110, %mul3A_106 : i32
      %while3A_111 = arith.addi %mul3A_106, %while3A : i32
      %while3A_112 = arith.constant 1 : i32
      %while3A_113 = arith.divsi %while3A, %while3A_112 : i32
      %while3A_114 = arith.muli %while3A_113, %while3A_112 : i32
      %while3A_115 = arith.addi %mul3A_106, %while3A_114 : i32
      %while3A_116 = arith.constant 1 : i32
      %while3A_117 = scf.for %while3A_120 = %mul3A_106 to %while3A_115 step %while3A_116 iter_args(%while3A_121 = %cond3A_104#1) -> (vector<16xi32>)  : i32 {
        %mul3A_122 = arith.constant 4 : i32
        %mul3A_123 = arith.muli %while3A_120, %mul3A_122 : i32
        %add3A_124 = arith.constant 0 : i32
        %add3A_125 = arith.addi %mul3A_123, %add3A_124 : i32
        %mul3A_126 = arith.constant 16 : i32
        %mul3A_127 = arith.muli %add3A_125, %mul3A_126 : i32
        %get3A = arith.index_cast %mul3A_127 : i32 to index
        %get3A_128 = tpu.vector_load %arg7[%get3A] {strides = array<i32>} : memref<32768xf32, #tpu.memory_space<vmem>>, vector<16xf32>,
        %ge3A = arith.cmpf oge, %get3A_128, %cond3A_104#0 : vector<16xf32>
        %mul3A_129 = arith.constant 16 : i32
        %mul3A_130 = vector.broadcast %mul3A_129 : i32 to vector<16xi32>
        %mul3A_131 = arith.muli %while3A_121, %mul3A_130 : vector<16xi32>
        %add3A_132 = arith.addi %mul3A_131, %iota3A : vector<16xi32>
        tpu.vector_store_idx %arg8[%add3A_132], %get3A_128 masked %ge3A : memref<2048xf32, #tpu.memory_space<vmem>>[vector<16xi32>], vector<16xf32>, vector<16xi1>
        %mul3A_133 = arith.constant 16 : i32
        %mul3A_134 = arith.muli %add3A_125, %mul3A_133 : i32
        %add3A_135 = arith.addi %add3A_34, %mul3A_134 : i32
        %add3A_136 = vector.broadcast %add3A_135 : i32 to vector<16xi32>
        %add3A_137 = arith.addi %add3A_136, %iota3A : vector<16xi32>
        tpu.vector_store_idx %arg9[%add3A_132], %add3A_137 masked %ge3A : memref<2048xi32, #tpu.memory_space<vmem>>[vector<16xi32>], vector<16xi32>, vector<16xi1>
        %jit3A_138 = arith.constant 1 : i32
        %jit3A_139 = arith.constant 0 : i32
        %broadcast_in_dim3A_140 = vector.broadcast %jit3A_138 : i32 to vector<16xi32>
        %broadcast_in_dim3A_141 = vector.broadcast %jit3A_139 : i32 to vector<16xi32>
        %select_n3A_142 = arith.select %ge3A, %broadcast_in_dim3A_140, %broadcast_in_dim3A_141 : vector<16xi1>, vector<16xi32>
        %add3A_143 = arith.addi %while3A_121, %select_n3A_142 : vector<16xi32>
        %mul3A_144 = arith.constant 4 : i32
        %mul3A_145 = arith.muli %while3A_120, %mul3A_144 : i32
        %add3A_146 = arith.constant 1 : i32
        %add3A_147 = arith.addi %mul3A_145, %add3A_146 : i32
        %mul3A_148 = arith.constant 16 : i32
        %mul3A_149 = arith.muli %add3A_147, %mul3A_148 : i32
        %get3A_150 = arith.index_cast %mul3A_149 : i32 to index
        %get3A_151 = tpu.vector_load %arg7[%get3A_150] {strides = array<i32>} : memref<32768xf32, #tpu.memory_space<vmem>>, vector<16xf32>,
        %ge3A_152 = arith.cmpf oge, %get3A_151, %cond3A_104#0 : vector<16xf32>
        %mul3A_153 = arith.constant 16 : i32
        %mul3A_154 = vector.broadcast %mul3A_153 : i32 to vector<16xi32>
        %mul3A_155 = arith.muli %add3A_143, %mul3A_154 : vector<16xi32>
        %add3A_156 = arith.addi %mul3A_155, %iota3A : vector<16xi32>
        tpu.vector_store_idx %arg8[%add3A_156], %get3A_151 masked %ge3A_152 : memref<2048xf32, #tpu.memory_space<vmem>>[vector<16xi32>], vector<16xf32>, vector<16xi1>
        %mul3A_157 = arith.constant 16 : i32
        %mul3A_158 = arith.muli %add3A_147, %mul3A_157 : i32
        %add3A_159 = arith.addi %add3A_34, %mul3A_158 : i32
        %add3A_160 = vector.broadcast %add3A_159 : i32 to vector<16xi32>
        %add3A_161 = arith.addi %add3A_160, %iota3A : vector<16xi32>
        tpu.vector_store_idx %arg9[%add3A_156], %add3A_161 masked %ge3A_152 : memref<2048xi32, #tpu.memory_space<vmem>>[vector<16xi32>], vector<16xi32>, vector<16xi1>
        %jit3A_162 = arith.constant 1 : i32
        %jit3A_163 = arith.constant 0 : i32
        %broadcast_in_dim3A_164 = vector.broadcast %jit3A_162 : i32 to vector<16xi32>
        %broadcast_in_dim3A_165 = vector.broadcast %jit3A_163 : i32 to vector<16xi32>
        %select_n3A_166 = arith.select %ge3A_152, %broadcast_in_dim3A_164, %broadcast_in_dim3A_165 : vector<16xi1>, vector<16xi32>
        %add3A_167 = arith.addi %add3A_143, %select_n3A_166 : vector<16xi32>
        %mul3A_168 = arith.constant 4 : i32
        %mul3A_169 = arith.muli %while3A_120, %mul3A_168 : i32
        %add3A_170 = arith.constant 2 : i32
        %add3A_171 = arith.addi %mul3A_169, %add3A_170 : i32
        %mul3A_172 = arith.constant 16 : i32
        %mul3A_173 = arith.muli %add3A_171, %mul3A_172 : i32
        %get3A_174 = arith.index_cast %mul3A_173 : i32 to index
        %get3A_175 = tpu.vector_load %arg7[%get3A_174] {strides = array<i32>} : memref<32768xf32, #tpu.memory_space<vmem>>, vector<16xf32>,
        %ge3A_176 = arith.cmpf oge, %get3A_175, %cond3A_104#0 : vector<16xf32>
        %mul3A_177 = arith.constant 16 : i32
        %mul3A_178 = vector.broadcast %mul3A_177 : i32 to vector<16xi32>
        %mul3A_179 = arith.muli %add3A_167, %mul3A_178 : vector<16xi32>
        %add3A_180 = arith.addi %mul3A_179, %iota3A : vector<16xi32>
        tpu.vector_store_idx %arg8[%add3A_180], %get3A_175 masked %ge3A_176 : memref<2048xf32, #tpu.memory_space<vmem>>[vector<16xi32>], vector<16xf32>, vector<16xi1>
        %mul3A_181 = arith.constant 16 : i32
        %mul3A_182 = arith.muli %add3A_171, %mul3A_181 : i32
        %add3A_183 = arith.addi %add3A_34, %mul3A_182 : i32
        %add3A_184 = vector.broadcast %add3A_183 : i32 to vector<16xi32>
        %add3A_185 = arith.addi %add3A_184, %iota3A : vector<16xi32>
        tpu.vector_store_idx %arg9[%add3A_180], %add3A_185 masked %ge3A_176 : memref<2048xi32, #tpu.memory_space<vmem>>[vector<16xi32>], vector<16xi32>, vector<16xi1>
        %jit3A_186 = arith.constant 1 : i32
        %jit3A_187 = arith.constant 0 : i32
        %broadcast_in_dim3A_188 = vector.broadcast %jit3A_186 : i32 to vector<16xi32>
        %broadcast_in_dim3A_189 = vector.broadcast %jit3A_187 : i32 to vector<16xi32>
        %select_n3A_190 = arith.select %ge3A_176, %broadcast_in_dim3A_188, %broadcast_in_dim3A_189 : vector<16xi1>, vector<16xi32>
        %add3A_191 = arith.addi %add3A_167, %select_n3A_190 : vector<16xi32>
        %mul3A_192 = arith.constant 4 : i32
        %mul3A_193 = arith.muli %while3A_120, %mul3A_192 : i32
        %add3A_194 = arith.constant 3 : i32
        %add3A_195 = arith.addi %mul3A_193, %add3A_194 : i32
        %mul3A_196 = arith.constant 16 : i32
        %mul3A_197 = arith.muli %add3A_195, %mul3A_196 : i32
        %get3A_198 = arith.index_cast %mul3A_197 : i32 to index
        %get3A_199 = tpu.vector_load %arg7[%get3A_198] {strides = array<i32>} : memref<32768xf32, #tpu.memory_space<vmem>>, vector<16xf32>,
        %ge3A_200 = arith.cmpf oge, %get3A_199, %cond3A_104#0 : vector<16xf32>
        %mul3A_201 = arith.constant 16 : i32
        %mul3A_202 = vector.broadcast %mul3A_201 : i32 to vector<16xi32>
        %mul3A_203 = arith.muli %add3A_191, %mul3A_202 : vector<16xi32>
        %add3A_204 = arith.addi %mul3A_203, %iota3A : vector<16xi32>
        tpu.vector_store_idx %arg8[%add3A_204], %get3A_199 masked %ge3A_200 : memref<2048xf32, #tpu.memory_space<vmem>>[vector<16xi32>], vector<16xf32>, vector<16xi1>
        %mul3A_205 = arith.constant 16 : i32
        %mul3A_206 = arith.muli %add3A_195, %mul3A_205 : i32
        %add3A_207 = arith.addi %add3A_34, %mul3A_206 : i32
        %add3A_208 = vector.broadcast %add3A_207 : i32 to vector<16xi32>
        %add3A_209 = arith.addi %add3A_208, %iota3A : vector<16xi32>
        tpu.vector_store_idx %arg9[%add3A_204], %add3A_209 masked %ge3A_200 : memref<2048xi32, #tpu.memory_space<vmem>>[vector<16xi32>], vector<16xi32>, vector<16xi1>
        %jit3A_210 = arith.constant 1 : i32
        %jit3A_211 = arith.constant 0 : i32
        %broadcast_in_dim3A_212 = vector.broadcast %jit3A_210 : i32 to vector<16xi32>
        %broadcast_in_dim3A_213 = vector.broadcast %jit3A_211 : i32 to vector<16xi32>
        %select_n3A_214 = arith.select %ge3A_200, %broadcast_in_dim3A_212, %broadcast_in_dim3A_213 : vector<16xi1>, vector<16xi32>
        %add3A_215 = arith.addi %add3A_191, %select_n3A_214 : vector<16xi32>
        scf.yield %add3A_215 : vector<16xi32>
      }
      %while3A_118 = arith.constant 1 : i32
      %while3A_119 = scf.for %while3A_120 = %while3A_115 to %while3A_111 step %while3A_118 iter_args(%while3A_121 = %while3A_117) -> (vector<16xi32>)  : i32 {
        %mul3A_122 = arith.constant 4 : i32
        %mul3A_123 = arith.muli %while3A_120, %mul3A_122 : i32
        %add3A_124 = arith.constant 0 : i32
        %add3A_125 = arith.addi %mul3A_123, %add3A_124 : i32
        %mul3A_126 = arith.constant 16 : i32
        %mul3A_127 = arith.muli %add3A_125, %mul3A_126 : i32
        %get3A = arith.index_cast %mul3A_127 : i32 to index
        %get3A_128 = tpu.vector_load %arg7[%get3A] {strides = array<i32>} : memref<32768xf32, #tpu.memory_space<vmem>>, vector<16xf32>,
        %ge3A = arith.cmpf oge, %get3A_128, %cond3A_104#0 : vector<16xf32>
        %mul3A_129 = arith.constant 16 : i32
        %mul3A_130 = vector.broadcast %mul3A_129 : i32 to vector<16xi32>
        %mul3A_131 = arith.muli %while3A_121, %mul3A_130 : vector<16xi32>
        %add3A_132 = arith.addi %mul3A_131, %iota3A : vector<16xi32>
        tpu.vector_store_idx %arg8[%add3A_132], %get3A_128 masked %ge3A : memref<2048xf32, #tpu.memory_space<vmem>>[vector<16xi32>], vector<16xf32>, vector<16xi1>
        %mul3A_133 = arith.constant 16 : i32
        %mul3A_134 = arith.muli %add3A_125, %mul3A_133 : i32
        %add3A_135 = arith.addi %add3A_34, %mul3A_134 : i32
        %add3A_136 = vector.broadcast %add3A_135 : i32 to vector<16xi32>
        %add3A_137 = arith.addi %add3A_136, %iota3A : vector<16xi32>
        tpu.vector_store_idx %arg9[%add3A_132], %add3A_137 masked %ge3A : memref<2048xi32, #tpu.memory_space<vmem>>[vector<16xi32>], vector<16xi32>, vector<16xi1>
        %jit3A_138 = arith.constant 1 : i32
        %jit3A_139 = arith.constant 0 : i32
        %broadcast_in_dim3A_140 = vector.broadcast %jit3A_138 : i32 to vector<16xi32>
        %broadcast_in_dim3A_141 = vector.broadcast %jit3A_139 : i32 to vector<16xi32>
        %select_n3A_142 = arith.select %ge3A, %broadcast_in_dim3A_140, %broadcast_in_dim3A_141 : vector<16xi1>, vector<16xi32>
        %add3A_143 = arith.addi %while3A_121, %select_n3A_142 : vector<16xi32>
        %mul3A_144 = arith.constant 4 : i32
        %mul3A_145 = arith.muli %while3A_120, %mul3A_144 : i32
        %add3A_146 = arith.constant 1 : i32
        %add3A_147 = arith.addi %mul3A_145, %add3A_146 : i32
        %mul3A_148 = arith.constant 16 : i32
        %mul3A_149 = arith.muli %add3A_147, %mul3A_148 : i32
        %get3A_150 = arith.index_cast %mul3A_149 : i32 to index
        %get3A_151 = tpu.vector_load %arg7[%get3A_150] {strides = array<i32>} : memref<32768xf32, #tpu.memory_space<vmem>>, vector<16xf32>,
        %ge3A_152 = arith.cmpf oge, %get3A_151, %cond3A_104#0 : vector<16xf32>
        %mul3A_153 = arith.constant 16 : i32
        %mul3A_154 = vector.broadcast %mul3A_153 : i32 to vector<16xi32>
        %mul3A_155 = arith.muli %add3A_143, %mul3A_154 : vector<16xi32>
        %add3A_156 = arith.addi %mul3A_155, %iota3A : vector<16xi32>
        tpu.vector_store_idx %arg8[%add3A_156], %get3A_151 masked %ge3A_152 : memref<2048xf32, #tpu.memory_space<vmem>>[vector<16xi32>], vector<16xf32>, vector<16xi1>
        %mul3A_157 = arith.constant 16 : i32
        %mul3A_158 = arith.muli %add3A_147, %mul3A_157 : i32
        %add3A_159 = arith.addi %add3A_34, %mul3A_158 : i32
        %add3A_160 = vector.broadcast %add3A_159 : i32 to vector<16xi32>
        %add3A_161 = arith.addi %add3A_160, %iota3A : vector<16xi32>
        tpu.vector_store_idx %arg9[%add3A_156], %add3A_161 masked %ge3A_152 : memref<2048xi32, #tpu.memory_space<vmem>>[vector<16xi32>], vector<16xi32>, vector<16xi1>
        %jit3A_162 = arith.constant 1 : i32
        %jit3A_163 = arith.constant 0 : i32
        %broadcast_in_dim3A_164 = vector.broadcast %jit3A_162 : i32 to vector<16xi32>
        %broadcast_in_dim3A_165 = vector.broadcast %jit3A_163 : i32 to vector<16xi32>
        %select_n3A_166 = arith.select %ge3A_152, %broadcast_in_dim3A_164, %broadcast_in_dim3A_165 : vector<16xi1>, vector<16xi32>
        %add3A_167 = arith.addi %add3A_143, %select_n3A_166 : vector<16xi32>
        %mul3A_168 = arith.constant 4 : i32
        %mul3A_169 = arith.muli %while3A_120, %mul3A_168 : i32
        %add3A_170 = arith.constant 2 : i32
        %add3A_171 = arith.addi %mul3A_169, %add3A_170 : i32
        %mul3A_172 = arith.constant 16 : i32
        %mul3A_173 = arith.muli %add3A_171, %mul3A_172 : i32
        %get3A_174 = arith.index_cast %mul3A_173 : i32 to index
        %get3A_175 = tpu.vector_load %arg7[%get3A_174] {strides = array<i32>} : memref<32768xf32, #tpu.memory_space<vmem>>, vector<16xf32>,
        %ge3A_176 = arith.cmpf oge, %get3A_175, %cond3A_104#0 : vector<16xf32>
        %mul3A_177 = arith.constant 16 : i32
        %mul3A_178 = vector.broadcast %mul3A_177 : i32 to vector<16xi32>
        %mul3A_179 = arith.muli %add3A_167, %mul3A_178 : vector<16xi32>
        %add3A_180 = arith.addi %mul3A_179, %iota3A : vector<16xi32>
        tpu.vector_store_idx %arg8[%add3A_180], %get3A_175 masked %ge3A_176 : memref<2048xf32, #tpu.memory_space<vmem>>[vector<16xi32>], vector<16xf32>, vector<16xi1>
        %mul3A_181 = arith.constant 16 : i32
        %mul3A_182 = arith.muli %add3A_171, %mul3A_181 : i32
        %add3A_183 = arith.addi %add3A_34, %mul3A_182 : i32
        %add3A_184 = vector.broadcast %add3A_183 : i32 to vector<16xi32>
        %add3A_185 = arith.addi %add3A_184, %iota3A : vector<16xi32>
        tpu.vector_store_idx %arg9[%add3A_180], %add3A_185 masked %ge3A_176 : memref<2048xi32, #tpu.memory_space<vmem>>[vector<16xi32>], vector<16xi32>, vector<16xi1>
        %jit3A_186 = arith.constant 1 : i32
        %jit3A_187 = arith.constant 0 : i32
        %broadcast_in_dim3A_188 = vector.broadcast %jit3A_186 : i32 to vector<16xi32>
        %broadcast_in_dim3A_189 = vector.broadcast %jit3A_187 : i32 to vector<16xi32>
        %select_n3A_190 = arith.select %ge3A_176, %broadcast_in_dim3A_188, %broadcast_in_dim3A_189 : vector<16xi1>, vector<16xi32>
        %add3A_191 = arith.addi %add3A_167, %select_n3A_190 : vector<16xi32>
        %mul3A_192 = arith.constant 4 : i32
        %mul3A_193 = arith.muli %while3A_120, %mul3A_192 : i32
        %add3A_194 = arith.constant 3 : i32
        %add3A_195 = arith.addi %mul3A_193, %add3A_194 : i32
        %mul3A_196 = arith.constant 16 : i32
        %mul3A_197 = arith.muli %add3A_195, %mul3A_196 : i32
        %get3A_198 = arith.index_cast %mul3A_197 : i32 to index
        %get3A_199 = tpu.vector_load %arg7[%get3A_198] {strides = array<i32>} : memref<32768xf32, #tpu.memory_space<vmem>>, vector<16xf32>,
        %ge3A_200 = arith.cmpf oge, %get3A_199, %cond3A_104#0 : vector<16xf32>
        %mul3A_201 = arith.constant 16 : i32
        %mul3A_202 = vector.broadcast %mul3A_201 : i32 to vector<16xi32>
        %mul3A_203 = arith.muli %add3A_191, %mul3A_202 : vector<16xi32>
        %add3A_204 = arith.addi %mul3A_203, %iota3A : vector<16xi32>
        tpu.vector_store_idx %arg8[%add3A_204], %get3A_199 masked %ge3A_200 : memref<2048xf32, #tpu.memory_space<vmem>>[vector<16xi32>], vector<16xf32>, vector<16xi1>
        %mul3A_205 = arith.constant 16 : i32
        %mul3A_206 = arith.muli %add3A_195, %mul3A_205 : i32
        %add3A_207 = arith.addi %add3A_34, %mul3A_206 : i32
        %add3A_208 = vector.broadcast %add3A_207 : i32 to vector<16xi32>
        %add3A_209 = arith.addi %add3A_208, %iota3A : vector<16xi32>
        tpu.vector_store_idx %arg9[%add3A_204], %add3A_209 masked %ge3A_200 : memref<2048xi32, #tpu.memory_space<vmem>>[vector<16xi32>], vector<16xi32>, vector<16xi1>
        %jit3A_210 = arith.constant 1 : i32
        %jit3A_211 = arith.constant 0 : i32
        %broadcast_in_dim3A_212 = vector.broadcast %jit3A_210 : i32 to vector<16xi32>
        %broadcast_in_dim3A_213 = vector.broadcast %jit3A_211 : i32 to vector<16xi32>
        %select_n3A_214 = arith.select %ge3A_200, %broadcast_in_dim3A_212, %broadcast_in_dim3A_213 : vector<16xi1>, vector<16xi32>
        %add3A_215 = arith.addi %add3A_191, %select_n3A_214 : vector<16xi32>
        scf.yield %add3A_215 : vector<16xi32>
      }
      scf.yield %cond3A_104#0, %while3A_119 : vector<16xf32>, vector<16xi32>
    }
    %scan3A_62 = arith.constant 32 : i32
    %reduce_max3A = arith.constant true
    %reduce_max3A_63 = vector.broadcast %reduce_max3A : i1 to vector<16xi1>
    %reduce_max3A_64 = arith.constant -2147483648 : i32
    %reduce_max3A_65 = vector.broadcast %reduce_max3A_64 : i32 to vector<16xi32>
    %reduce_max3A_66 = arith.xori %scan3A_61#1, %reduce_max3A_65 : vector<16xi32>
    %reduce_max3A_67 = tpu.scan <max>, %reduce_max3A_66 masked %reduce_max3A_63 : vector<16xi32>, vector<16xi1> -> vector<16xi32>
    %reduce_max3A_68 = arith.xori %reduce_max3A_67, %reduce_max3A_65 : vector<16xi32>
    %reduce_max3A_69 = vector.extract %reduce_max3A_68[15] : i32 from vector<16xi32>
    %iota3A_70 = tpu.iota {dimensions = array<i32: 0>} : vector<16xi32>
    %eq3A_71 = arith.constant 0 : i32
    %eq3A_72 = vector.broadcast %eq3A_71 : i32 to vector<16xi32>
    %eq3A_73 = arith.cmpi eq, %iota3A_70, %eq3A_72 : vector<16xi32>
    %scan3A_74 = arith.constant 0.000000e+00 : f32
    %scan3A_75 = arith.constant 0 : i32
    %scan3A_76 = arith.constant 64 : i32
    %scan3A_77 = arith.addi %scan3A_75, %scan3A_76 : i32
    %scan3A_78 = arith.constant 1 : i32
    %scan3A_79 = scf.for %scan3A_91 = %scan3A_75 to %scan3A_77 step %scan3A_78 iter_args(%scan3A_92 = %scan3A_74) -> (f32)  : i32 {
      %add3A_93 = arith.constant 1 : i32
      %add3A_94 = arith.addi %reduce_max3A_69, %add3A_93 : i32
      %jit3A_95 = arith.constant 2 : i32
      %div3A_96 = arith.divsi %add3A_94, %jit3A_95 : i32
      %sign3A_97 = arith.constant 0 : i32
      %sign3A_98 = arith.cmpi sgt, %add3A_94, %sign3A_97 : i32
      %sign3A_99 = arith.extui %sign3A_98 : i1 to i32
      %sign3A_100 = arith.constant 0 : i32
      %sign3A_101 = arith.cmpi slt, %add3A_94, %sign3A_100 : i32
      %sign3A_102 = arith.extui %sign3A_101 : i1 to i32
      %sign3A_103 = arith.subi %sign3A_99, %sign3A_102 : i32
      %sign3A_104 = arith.constant 0 : i32
      %sign3A_105 = arith.cmpi sgt, %jit3A_95, %sign3A_104 : i32
      %sign3A_106 = arith.extui %sign3A_105 : i1 to i32
      %sign3A_107 = arith.constant 0 : i32
      %sign3A_108 = arith.cmpi slt, %jit3A_95, %sign3A_107 : i32
      %sign3A_109 = arith.extui %sign3A_108 : i1 to i32
      %sign3A_110 = arith.subi %sign3A_106, %sign3A_109 : i32
      %ne3A_111 = arith.cmpi ne, %sign3A_103, %sign3A_110 : i32
      %rem3A_112 = arith.remsi %add3A_94, %jit3A_95 : i32
      %ne3A_113 = arith.constant 0 : i32
      %ne3A_114 = arith.cmpi ne, %rem3A_112, %ne3A_113 : i32
      %and3A_115 = arith.andi %ne3A_111, %ne3A_114 : i1
      %sub3A_116 = arith.constant 1 : i32
      %sub3A_117 = arith.subi %div3A_96, %sub3A_116 : i32
      %select_n3A_118 = arith.select %and3A_115, %sub3A_117, %div3A_96 : i32
      %broadcast_in_dim3A_119 = arith.constant -3.000000e+38 : f32
      %broadcast_in_dim3A_120 = vector.broadcast %broadcast_in_dim3A_119 : f32 to vector<16xf32>
      %broadcast_in_dim3A_121 = arith.constant 0 : i32
      %broadcast_in_dim3A_122 = vector.broadcast %broadcast_in_dim3A_121 : i32 to vector<16xi32>
      %while3A = arith.constant 0 : i32
      %while3A_123 = arith.subi %select_n3A_118, %while3A : i32
      %while3A_124 = arith.addi %while3A, %while3A_123 : i32
      %while3A_125 = arith.constant 1 : i32
      %while3A_126 = arith.divsi %while3A_123, %while3A_125 : i32
      %while3A_127 = arith.muli %while3A_126, %while3A_125 : i32
      %while3A_128 = arith.addi %while3A, %while3A_127 : i32
      %while3A_129 = arith.constant 1 : i32
      %while3A_130:2 = scf.for %while3A_168 = %while3A to %while3A_128 step %while3A_129 iter_args(%while3A_169 = %broadcast_in_dim3A_120, %while3A_170 = %broadcast_in_dim3A_122) -> (vector<16xf32>, vector<16xi32>)  : i32 {
        %mul3A_171 = arith.constant 2 : i32
        %mul3A_172 = arith.muli %while3A_168, %mul3A_171 : i32
        %add3A_173 = arith.constant 0 : i32
        %add3A_174 = arith.addi %mul3A_172, %add3A_173 : i32
        %mul3A_175 = arith.constant 16 : i32
        %mul3A_176 = arith.muli %add3A_174, %mul3A_175 : i32
        %get3A = arith.index_cast %mul3A_176 : i32 to index
        %get3A_177 = tpu.vector_load %arg8[%get3A] {strides = array<i32>} : memref<2048xf32, #tpu.memory_space<vmem>>, vector<16xf32>,
        %lt3A_178 = vector.broadcast %add3A_174 : i32 to vector<16xi32>
        %lt3A_179 = arith.cmpi slt, %lt3A_178, %scan3A_61#1 : vector<16xi32>
        %jit3A_180 = arith.constant -3.000000e+38 : f32
        %broadcast_in_dim3A_181 = vector.broadcast %jit3A_180 : f32 to vector<16xf32>
        %select_n3A_182 = arith.select %lt3A_179, %get3A_177, %broadcast_in_dim3A_181 : vector<16xi1>, vector<16xf32>
        %gt3A = arith.cmpf ogt, %select_n3A_182, %while3A_169 : vector<16xf32>
        %select_n3A_183 = arith.select %gt3A, %select_n3A_182, %while3A_169 : vector<16xi1>, vector<16xf32>
        %broadcast_in_dim3A_184 = vector.broadcast %add3A_174 : i32 to vector<16xi32>
        %select_n3A_185 = arith.select %gt3A, %broadcast_in_dim3A_184, %while3A_170 : vector<16xi1>, vector<16xi32>
        %mul3A_186 = arith.constant 2 : i32
        %mul3A_187 = arith.muli %while3A_168, %mul3A_186 : i32
        %add3A_188 = arith.constant 1 : i32
        %add3A_189 = arith.addi %mul3A_187, %add3A_188 : i32
        %mul3A_190 = arith.constant 16 : i32
        %mul3A_191 = arith.muli %add3A_189, %mul3A_190 : i32
        %get3A_192 = arith.index_cast %mul3A_191 : i32 to index
        %get3A_193 = tpu.vector_load %arg8[%get3A_192] {strides = array<i32>} : memref<2048xf32, #tpu.memory_space<vmem>>, vector<16xf32>,
        %lt3A_194 = vector.broadcast %add3A_189 : i32 to vector<16xi32>
        %lt3A_195 = arith.cmpi slt, %lt3A_194, %scan3A_61#1 : vector<16xi32>
        %jit3A_196 = arith.constant -3.000000e+38 : f32
        %broadcast_in_dim3A_197 = vector.broadcast %jit3A_196 : f32 to vector<16xf32>
        %select_n3A_198 = arith.select %lt3A_195, %get3A_193, %broadcast_in_dim3A_197 : vector<16xi1>, vector<16xf32>
        %gt3A_199 = arith.cmpf ogt, %select_n3A_198, %select_n3A_183 : vector<16xf32>
        %select_n3A_200 = arith.select %gt3A_199, %select_n3A_198, %select_n3A_183 : vector<16xi1>, vector<16xf32>
        %broadcast_in_dim3A_201 = vector.broadcast %add3A_189 : i32 to vector<16xi32>
        %select_n3A_202 = arith.select %gt3A_199, %broadcast_in_dim3A_201, %select_n3A_185 : vector<16xi1>, vector<16xi32>
        scf.yield %select_n3A_200, %select_n3A_202 : vector<16xf32>, vector<16xi32>
      }
      %while3A_131 = arith.constant 1 : i32
      %while3A_132:2 = scf.for %while3A_168 = %while3A_128 to %while3A_124 step %while3A_131 iter_args(%while3A_169 = %while3A_130#0, %while3A_170 = %while3A_130#1) -> (vector<16xf32>, vector<16xi32>)  : i32 {
        %mul3A_171 = arith.constant 2 : i32
        %mul3A_172 = arith.muli %while3A_168, %mul3A_171 : i32
        %add3A_173 = arith.constant 0 : i32
        %add3A_174 = arith.addi %mul3A_172, %add3A_173 : i32
        %mul3A_175 = arith.constant 16 : i32
        %mul3A_176 = arith.muli %add3A_174, %mul3A_175 : i32
        %get3A = arith.index_cast %mul3A_176 : i32 to index
        %get3A_177 = tpu.vector_load %arg8[%get3A] {strides = array<i32>} : memref<2048xf32, #tpu.memory_space<vmem>>, vector<16xf32>,
        %lt3A_178 = vector.broadcast %add3A_174 : i32 to vector<16xi32>
        %lt3A_179 = arith.cmpi slt, %lt3A_178, %scan3A_61#1 : vector<16xi32>
        %jit3A_180 = arith.constant -3.000000e+38 : f32
        %broadcast_in_dim3A_181 = vector.broadcast %jit3A_180 : f32 to vector<16xf32>
        %select_n3A_182 = arith.select %lt3A_179, %get3A_177, %broadcast_in_dim3A_181 : vector<16xi1>, vector<16xf32>
        %gt3A = arith.cmpf ogt, %select_n3A_182, %while3A_169 : vector<16xf32>
        %select_n3A_183 = arith.select %gt3A, %select_n3A_182, %while3A_169 : vector<16xi1>, vector<16xf32>
        %broadcast_in_dim3A_184 = vector.broadcast %add3A_174 : i32 to vector<16xi32>
        %select_n3A_185 = arith.select %gt3A, %broadcast_in_dim3A_184, %while3A_170 : vector<16xi1>, vector<16xi32>
        %mul3A_186 = arith.constant 2 : i32
        %mul3A_187 = arith.muli %while3A_168, %mul3A_186 : i32
        %add3A_188 = arith.constant 1 : i32
        %add3A_189 = arith.addi %mul3A_187, %add3A_188 : i32
        %mul3A_190 = arith.constant 16 : i32
        %mul3A_191 = arith.muli %add3A_189, %mul3A_190 : i32
        %get3A_192 = arith.index_cast %mul3A_191 : i32 to index
        %get3A_193 = tpu.vector_load %arg8[%get3A_192] {strides = array<i32>} : memref<2048xf32, #tpu.memory_space<vmem>>, vector<16xf32>,
        %lt3A_194 = vector.broadcast %add3A_189 : i32 to vector<16xi32>
        %lt3A_195 = arith.cmpi slt, %lt3A_194, %scan3A_61#1 : vector<16xi32>
        %jit3A_196 = arith.constant -3.000000e+38 : f32
        %broadcast_in_dim3A_197 = vector.broadcast %jit3A_196 : f32 to vector<16xf32>
        %select_n3A_198 = arith.select %lt3A_195, %get3A_193, %broadcast_in_dim3A_197 : vector<16xi1>, vector<16xf32>
        %gt3A_199 = arith.cmpf ogt, %select_n3A_198, %select_n3A_183 : vector<16xf32>
        %select_n3A_200 = arith.select %gt3A_199, %select_n3A_198, %select_n3A_183 : vector<16xi1>, vector<16xf32>
        %broadcast_in_dim3A_201 = vector.broadcast %add3A_189 : i32 to vector<16xi32>
        %select_n3A_202 = arith.select %gt3A_199, %broadcast_in_dim3A_201, %select_n3A_185 : vector<16xi1>, vector<16xi32>
        scf.yield %select_n3A_200, %select_n3A_202 : vector<16xf32>, vector<16xi32>
      }
      %reduce_max3A_133 = arith.constant true
      %reduce_max3A_134 = vector.broadcast %reduce_max3A_133 : i1 to vector<16xi1>
      %reduce_max3A_135 = tpu.scan <max>, %while3A_132#0 masked %reduce_max3A_134 : vector<16xf32>, vector<16xi1> -> vector<16xf32>
      %reduce_max3A_136 = vector.extract %reduce_max3A_135[15] : f32 from vector<16xf32>
      %eq3A_137 = vector.broadcast %reduce_max3A_136 : f32 to vector<16xf32>
      %eq3A_138 = arith.cmpf oeq, %while3A_132#0, %eq3A_137 : vector<16xf32>
      %mul3A_139 = arith.constant 16 : i32
      %mul3A_140 = vector.broadcast %mul3A_139 : i32 to vector<16xi32>
      %mul3A_141 = arith.muli %while3A_132#1, %mul3A_140 : vector<16xi32>
      %add3A_142 = arith.addi %mul3A_141, %iota3A_70 : vector<16xi32>
      %jit3A_143 = arith.constant 1073741824 : i32
      %broadcast_in_dim3A_144 = vector.broadcast %jit3A_143 : i32 to vector<16xi32>
      %select_n3A_145 = arith.select %eq3A_138, %add3A_142, %broadcast_in_dim3A_144 : vector<16xi1>, vector<16xi32>
      %reduce_min3A_146 = arith.constant true
      %reduce_min3A_147 = vector.broadcast %reduce_min3A_146 : i1 to vector<16xi1>
      %reduce_min3A_148 = arith.constant -2147483648 : i32
      %reduce_min3A_149 = vector.broadcast %reduce_min3A_148 : i32 to vector<16xi32>
      %reduce_min3A_150 = arith.xori %select_n3A_145, %reduce_min3A_149 : vector<16xi32>
      %reduce_min3A_151 = tpu.scan <min>, %reduce_min3A_150 masked %reduce_min3A_147 : vector<16xi32>, vector<16xi1> -> vector<16xi32>
      %reduce_min3A_152 = arith.xori %reduce_min3A_151, %reduce_min3A_149 : vector<16xi32>
      %reduce_min3A_153 = vector.extract %reduce_min3A_152[15] : i32 from vector<16xi32>
      %broadcast_in_dim3A_154 = arith.constant 0 : i32
      %broadcast_in_dim3A_155 = vector.broadcast %broadcast_in_dim3A_154 : i32 to vector<16xi32>
      %add3A_156 = vector.broadcast %reduce_min3A_153 : i32 to vector<16xi32>
      %add3A_157 = arith.addi %broadcast_in_dim3A_155, %add3A_156 : vector<16xi32>
      %gather3A = tpu.vector_load_idx %arg9[%add3A_157] : memref<2048xi32, #tpu.memory_space<vmem>>[vector<16xi32>], vector<16xi32>,
      %broadcast_in_dim3A_158 = arith.constant 0 : i32
      %broadcast_in_dim3A_159 = vector.broadcast %broadcast_in_dim3A_158 : i32 to vector<16xi32>
      %add3A_160 = vector.broadcast %scan3A_91 : i32 to vector<16xi32>
      %add3A_161 = arith.addi %broadcast_in_dim3A_159, %add3A_160 : vector<16xi32>
      %broadcast_in_dim3A_162 = arith.constant 0.000000e+00 : f32
      %broadcast_in_dim3A_163 = vector.broadcast %broadcast_in_dim3A_162 : f32 to vector<16xf32>
      %add3A_164 = vector.broadcast %reduce_max3A_136 : f32 to vector<16xf32>
      %add3A_165 = arith.addf %broadcast_in_dim3A_163, %add3A_164 : vector<16xf32>
      tpu.vector_store_idx %arg10[%add3A_161], %add3A_165 masked %eq3A_73 : memref<64xf32, #tpu.memory_space<vmem>>[vector<16xi32>], vector<16xf32>, vector<16xi1>
      tpu.vector_store_idx %arg11[%add3A_161], %gather3A masked %eq3A_73 : memref<64xi32, #tpu.memory_space<vmem>>[vector<16xi32>], vector<16xi32>, vector<16xi1>
      %broadcast_in_dim3A_166 = arith.constant -3.000000e+38 : f32
      %broadcast_in_dim3A_167 = vector.broadcast %broadcast_in_dim3A_166 : f32 to vector<16xf32>
      tpu.vector_store_idx %arg8[%add3A_157], %broadcast_in_dim3A_167 masked %eq3A_73 : memref<2048xf32, #tpu.memory_space<vmem>>[vector<16xi32>], vector<16xf32>, vector<16xi1>
      scf.yield %reduce_max3A_136 : f32
    }
    %scan3A_80 = arith.constant 64 : i32
    %dma_start3A = arith.constant 0 : i32
    %dma_start3A_81 = arith.constant 0 : i32
    %dma_start3A_82 = tpu.memref_slice %arg3[%dma_start3A, %dma_start3A_81] : memref<262144x256xf32, #tpu.memory_space<hbm>> -> memref<262144x256xf32, #tpu.memory_space<hbm>>
    tpu.enqueue_indirect_dma source(%dma_start3A_82 : memref<262144x256xf32, #tpu.memory_space<hbm>>) target(%arg12 : memref<64x256xf32, #tpu.memory_space<vmem>>) offsets(%arg11 : memref<64xi32, #tpu.memory_space<vmem>>) semaphore(%arg13 : memref<!tpu.dma_semaphore, #tpu.memory_space<semaphore_mem>>)
    %dma_wait3A = arith.constant 0 : i32
    %dma_wait3A_83 = arith.constant 0 : i32
    %dma_wait3A_84 = tpu.memref_slice %arg3[%dma_wait3A, %dma_wait3A_83] : memref<262144x256xf32, #tpu.memory_space<hbm>> -> memref<262144x256xf32, #tpu.memory_space<hbm>>
    tpu.wait_indirect_dma semaphore(%arg13 : memref<!tpu.dma_semaphore, #tpu.memory_space<semaphore_mem>>) src(%dma_wait3A_84 : memref<262144x256xf32, #tpu.memory_space<hbm>>) dst(%arg12 : memref<64x256xf32, #tpu.memory_space<vmem>>)
    %mul3A_85 = arith.constant 64 : i32
    %mul3A_86 = arith.muli %add3A_37, %mul3A_85 : i32
    "tpu.region"() ({
      %run_scoped3A = tpu.sem_alloc : memref<!tpu.dma_semaphore, #tpu.memory_space<semaphore_mem>>
      %dma_start3A_91 = tpu.memref_slice %arg4[%mul3A_86] : memref<2048xf32, #tpu.memory_space<hbm>> -> memref<64xf32, #tpu.memory_space<hbm>>
      %dma_start3A_92 = tpu.memref_slice %arg4[%mul3A_86] : memref<2048xf32, #tpu.memory_space<hbm>> -> memref<64xf32, #tpu.memory_space<hbm>>
      tpu.enqueue_dma source(%arg10 : memref<64xf32, #tpu.memory_space<vmem>>) target(%dma_start3A_92 : memref<64xf32, #tpu.memory_space<hbm>>) target_semaphore(%run_scoped3A : memref<!tpu.dma_semaphore, #tpu.memory_space<semaphore_mem>>)
      %dma_wait3A_93 = tpu.memref_slice %arg4[%mul3A_86] : memref<2048xf32, #tpu.memory_space<hbm>> -> memref<64xf32, #tpu.memory_space<hbm>>
      %dma_wait3A_94 = tpu.memref_slice %arg4[%mul3A_86] : memref<2048xf32, #tpu.memory_space<hbm>> -> memref<64xf32, #tpu.memory_space<hbm>>
      tpu.wait_dma2 semaphore(%run_scoped3A : memref<!tpu.dma_semaphore, #tpu.memory_space<semaphore_mem>>) src(%arg10 : memref<64xf32, #tpu.memory_space<vmem>>) dst(%dma_wait3A_94 : memref<64xf32, #tpu.memory_space<hbm>>)
      tpu.yield
    }) : () -> ()
    %mul3A_87 = arith.constant 64 : i32
    %mul3A_88 = arith.muli %add3A_37, %mul3A_87 : i32
    "tpu.region"() ({
      %run_scoped3A = tpu.sem_alloc : memref<!tpu.dma_semaphore, #tpu.memory_space<semaphore_mem>>
      %dma_start3A_91 = tpu.memref_slice %arg5[%mul3A_88] : memref<2048xi32, #tpu.memory_space<hbm>> -> memref<64xi32, #tpu.memory_space<hbm>>
      %dma_start3A_92 = tpu.memref_slice %arg5[%mul3A_88] : memref<2048xi32, #tpu.memory_space<hbm>> -> memref<64xi32, #tpu.memory_space<hbm>>
      tpu.enqueue_dma source(%arg11 : memref<64xi32, #tpu.memory_space<vmem>>) target(%dma_start3A_92 : memref<64xi32, #tpu.memory_space<hbm>>) target_semaphore(%run_scoped3A : memref<!tpu.dma_semaphore, #tpu.memory_space<semaphore_mem>>)
      %dma_wait3A_93 = tpu.memref_slice %arg5[%mul3A_88] : memref<2048xi32, #tpu.memory_space<hbm>> -> memref<64xi32, #tpu.memory_space<hbm>>
      %dma_wait3A_94 = tpu.memref_slice %arg5[%mul3A_88] : memref<2048xi32, #tpu.memory_space<hbm>> -> memref<64xi32, #tpu.memory_space<hbm>>
      tpu.wait_dma2 semaphore(%run_scoped3A : memref<!tpu.dma_semaphore, #tpu.memory_space<semaphore_mem>>) src(%arg11 : memref<64xi32, #tpu.memory_space<vmem>>) dst(%dma_wait3A_94 : memref<64xi32, #tpu.memory_space<hbm>>)
      tpu.yield
    }) : () -> ()
    %mul3A_89 = arith.constant 64 : i32
    %mul3A_90 = arith.muli %add3A_37, %mul3A_89 : i32
    "tpu.region"() ({
      %run_scoped3A = tpu.sem_alloc : memref<!tpu.dma_semaphore, #tpu.memory_space<semaphore_mem>>
      %dma_start3A_91 = arith.constant 0 : i32
      %dma_start3A_92 = tpu.memref_slice %arg6[%mul3A_90, %dma_start3A_91] : memref<2048x256xf32, #tpu.memory_space<hbm>> -> memref<64x256xf32, #tpu.memory_space<hbm>>
      %dma_start3A_93 = arith.constant 0 : i32
      %dma_start3A_94 = tpu.memref_slice %arg6[%mul3A_90, %dma_start3A_93] : memref<2048x256xf32, #tpu.memory_space<hbm>> -> memref<64x256xf32, #tpu.memory_space<hbm>>
      tpu.enqueue_dma source(%arg12 : memref<64x256xf32, #tpu.memory_space<vmem>>) target(%dma_start3A_94 : memref<64x256xf32, #tpu.memory_space<hbm>>) target_semaphore(%run_scoped3A : memref<!tpu.dma_semaphore, #tpu.memory_space<semaphore_mem>>)
      %dma_wait3A_95 = arith.constant 0 : i32
      %dma_wait3A_96 = tpu.memref_slice %arg6[%mul3A_90, %dma_wait3A_95] : memref<2048x256xf32, #tpu.memory_space<hbm>> -> memref<64x256xf32, #tpu.memory_space<hbm>>
      %dma_wait3A_97 = arith.constant 0 : i32
      %dma_wait3A_98 = tpu.memref_slice %arg6[%mul3A_90, %dma_wait3A_97] : memref<2048x256xf32, #tpu.memory_space<hbm>> -> memref<64x256xf32, #tpu.memory_space<hbm>>
      tpu.wait_dma2 semaphore(%run_scoped3A : memref<!tpu.dma_semaphore, #tpu.memory_space<semaphore_mem>>) src(%arg12 : memref<64x256xf32, #tpu.memory_space<vmem>>) dst(%dma_wait3A_98 : memref<64x256xf32, #tpu.memory_space<hbm>>)
      tpu.yield
    }) : () -> ()
    return
  }
}

#map = affine_map<(d0, d1) -> (0, 0)>
#map1 = affine_map<(d0, d1) -> (0)>
module attributes {stable_mosaic.version = 14 : i64} {
  func.func @k(%arg0: i32, %arg1: i32, %arg2: memref<8x131072xf32, #tpu.memory_space<hbm>>, %arg3: memref<262144x256xf32, #tpu.memory_space<hbm>>, %arg4: memref<2048xf32, #tpu.memory_space<hbm>>, %arg5: memref<2048xi32, #tpu.memory_space<hbm>>, %arg6: memref<2048x256xf32, #tpu.memory_space<hbm>>, %arg7: memref<32768xf32, #tpu.memory_space<vmem>>, %arg8: memref<2048xf32, #tpu.memory_space<vmem>>, %arg9: memref<2048xi32, #tpu.memory_space<vmem>>, %arg10: memref<64xf32, #tpu.memory_space<vmem>>, %arg11: memref<64xi32, #tpu.memory_space<vmem>>, %arg12: memref<64x256xf32, #tpu.memory_space<vmem>>, %arg13: memref<!tpu.dma_semaphore, #tpu.memory_space<semaphore_mem>>) attributes {dimension_semantics = [#tpu.dimension_semantics<core_parallel>, #tpu.dimension_semantics<subcore_parallel>], iteration_bounds = array<i64: 2, 16>, scalar_prefetch = 0 : i64, scratch_operands = 7 : i64, tpu.core_type = #tpu.core_type<sc_vector_subcore>, window_params = [{transform_indices = #map}, {transform_indices = #map}, {transform_indices = #map1}, {transform_indices = #map1}, {transform_indices = #map}]} {
    %mul3A = arith.constant 4 : i32
    %mul3A_0 = arith.muli %arg0, %mul3A : i32
    %jit3A = arith.constant 4 : i32
    %div3A = arith.divsi %arg1, %jit3A : i32
    %sign3A = arith.constant 0 : i32
    %sign3A_1 = arith.cmpi sgt, %arg1, %sign3A : i32
    %sign3A_2 = arith.extui %sign3A_1 : i1 to i32
    %sign3A_3 = arith.constant 0 : i32
    %sign3A_4 = arith.cmpi slt, %arg1, %sign3A_3 : i32
    %sign3A_5 = arith.extui %sign3A_4 : i1 to i32
    %sign3A_6 = arith.subi %sign3A_2, %sign3A_5 : i32
    %sign3A_7 = arith.constant 0 : i32
    %sign3A_8 = arith.cmpi sgt, %jit3A, %sign3A_7 : i32
    %sign3A_9 = arith.extui %sign3A_8 : i1 to i32
    %sign3A_10 = arith.constant 0 : i32
    %sign3A_11 = arith.cmpi slt, %jit3A, %sign3A_10 : i32
    %sign3A_12 = arith.extui %sign3A_11 : i1 to i32
    %sign3A_13 = arith.subi %sign3A_9, %sign3A_12 : i32
    %ne3A = arith.cmpi ne, %sign3A_6, %sign3A_13 : i32
    %rem3A = arith.remsi %arg1, %jit3A : i32
    %ne3A_14 = arith.constant 0 : i32
    %ne3A_15 = arith.cmpi ne, %rem3A, %ne3A_14 : i32
    %and3A = arith.andi %ne3A, %ne3A_15 : i1
    %sub3A = arith.constant 1 : i32
    %sub3A_16 = arith.subi %div3A, %sub3A : i32
    %select_n3A = arith.select %and3A, %sub3A_16, %div3A : i32
    %add3A = arith.addi %mul3A_0, %select_n3A : i32
    %jit3A_17 = arith.constant 4 : i32
    %eq3A = arith.constant 0 : i32
    %eq3A_18 = arith.cmpi eq, %jit3A_17, %eq3A : i32
    %jit3A_19 = arith.constant 1 : i32
    %select_n3A_20 = arith.select %eq3A_18, %jit3A_19, %jit3A_17 : i32
    %rem3A_21 = arith.remsi %arg1, %select_n3A_20 : i32
    %ne3A_22 = arith.constant 0 : i32
    %ne3A_23 = arith.cmpi ne, %rem3A_21, %ne3A_22 : i32
    %lt3A = arith.constant 0 : i32
    %lt3A_24 = arith.cmpi slt, %rem3A_21, %lt3A : i32
    %lt3A_25 = arith.constant 0 : i32
    %lt3A_26 = arith.cmpi slt, %select_n3A_20, %lt3A_25 : i32
    %ne3A_27 = arith.xori %lt3A_24, %lt3A_26 : i1
    %and3A_28 = arith.andi %ne3A_27, %ne3A_23 : i1
    %add3A_29 = arith.addi %rem3A_21, %select_n3A_20 : i32
    %select_n3A_30 = arith.select %and3A_28, %add3A_29, %rem3A_21 : i32
    %mul3A_31 = arith.constant 32768 : i32
    %mul3A_32 = arith.muli %select_n3A_30, %mul3A_31 : i32
    %add3A_33 = arith.constant 131072 : i32
    %add3A_34 = arith.addi %add3A_33, %mul3A_32 : i32
    %mul3A_35 = arith.constant 4 : i32
    %mul3A_36 = arith.muli %add3A, %mul3A_35 : i32
    %add3A_37 = arith.addi %mul3A_36, %select_n3A_30 : i32
    %iota3A = tpu.iota {dimensions = array<i32: 0>} : vector<16xi32>
    %mul3A_38 = arith.constant 32768 : i32
    %mul3A_39 = arith.muli %select_n3A_30, %mul3A_38 : i32
    "tpu.region"() ({
      %run_scoped3A = tpu.sem_alloc : memref<!tpu.dma_semaphore, #tpu.memory_space<semaphore_mem>>
      %dma_start3A_91 = tpu.memref_slice %arg2[%add3A, %mul3A_39] : memref<8x131072xf32, #tpu.memory_space<hbm>> -> memref<1x32768xf32, #tpu.memory_space<hbm>>
      %dma_start3A_92 = tpu.memref_squeeze %dma_start3A_91 : memref<1x32768xf32, #tpu.memory_space<hbm>> -> memref<32768xf32, #tpu.memory_space<hbm>>
      %dma_start3A_93 = tpu.memref_slice %arg2[%add3A, %mul3A_39] : memref<8x131072xf32, #tpu.memory_space<hbm>> -> memref<1x32768xf32, #tpu.memory_space<hbm>>
      %dma_start3A_94 = tpu.memref_squeeze %dma_start3A_93 : memref<1x32768xf32, #tpu.memory_space<hbm>> -> memref<32768xf32, #tpu.memory_space<hbm>>
      tpu.enqueue_dma source(%dma_start3A_94 : memref<32768xf32, #tpu.memory_space<hbm>>) target(%arg7 : memref<32768xf32, #tpu.memory_space<vmem>>) target_semaphore(%run_scoped3A : memref<!tpu.dma_semaphore, #tpu.memory_space<semaphore_mem>>)
      %dma_wait3A_95 = tpu.memref_slice %arg2[%add3A, %mul3A_39] : memref<8x131072xf32, #tpu.memory_space<hbm>> -> memref<1x32768xf32, #tpu.memory_space<hbm>>
      %dma_wait3A_96 = tpu.memref_squeeze %dma_wait3A_95 : memref<1x32768xf32, #tpu.memory_space<hbm>> -> memref<32768xf32, #tpu.memory_space<hbm>>
      %dma_wait3A_97 = tpu.memref_slice %arg2[%add3A, %mul3A_39] : memref<8x131072xf32, #tpu.memory_space<hbm>> -> memref<1x32768xf32, #tpu.memory_space<hbm>>
      %dma_wait3A_98 = tpu.memref_squeeze %dma_wait3A_97 : memref<1x32768xf32, #tpu.memory_space<hbm>> -> memref<32768xf32, #tpu.memory_space<hbm>>
      tpu.wait_dma2 semaphore(%run_scoped3A : memref<!tpu.dma_semaphore, #tpu.memory_space<semaphore_mem>>) src(%dma_wait3A_98 : memref<32768xf32, #tpu.memory_space<hbm>>) dst(%arg7 : memref<32768xf32, #tpu.memory_space<vmem>>)
      tpu.yield
    }) : () -> ()
    %broadcast_in_dim3A = arith.constant -3.000000e+38 : f32
    %broadcast_in_dim3A_40 = vector.broadcast %broadcast_in_dim3A : f32 to vector<16xf32>
    %scan3A = arith.constant 0 : i32
    %scan3A_41 = arith.constant 256 : i32
    %scan3A_42 = arith.addi %scan3A, %scan3A_41 : i32
    %scan3A_43 = arith.constant 1 : i32
    %scan3A_44:4 = scf.for %scan3A_91 = %scan3A to %scan3A_42 step %scan3A_43 iter_args(%scan3A_92 = %broadcast_in_dim3A_40, %scan3A_93 = %broadcast_in_dim3A_40, %scan3A_94 = %broadcast_in_dim3A_40, %scan3A_95 = %broadcast_in_dim3A_40) -> (vector<16xf32>, vector<16xf32>, vector<16xf32>, vector<16xf32>)  : i32 {
      %mul3A_96 = arith.constant 8 : i32
      %mul3A_97 = arith.muli %scan3A_91, %mul3A_96 : i32
      %add3A_98 = arith.constant 0 : i32
      %add3A_99 = arith.addi %mul3A_97, %add3A_98 : i32
      %add3A_100 = arith.constant 0 : i32
      %add3A_101 = arith.addi %add3A_99, %add3A_100 : i32
      %mul3A_102 = arith.constant 16 : i32
      %mul3A_103 = arith.muli %add3A_101, %mul3A_102 : i32
      %get3A = arith.index_cast %mul3A_103 : i32 to index
      %get3A_104 = tpu.vector_load %arg7[%get3A] {strides = array<i32>} : memref<32768xf32, #tpu.memory_space<vmem>>, vector<16xf32>,
      %max3A = arith.maximumf %scan3A_92, %get3A_104 : vector<16xf32>
      %mul3A_105 = arith.constant 8 : i32
      %mul3A_106 = arith.muli %scan3A_91, %mul3A_105 : i32
      %add3A_107 = arith.constant 0 : i32
      %add3A_108 = arith.addi %mul3A_106, %add3A_107 : i32
      %add3A_109 = arith.constant 1 : i32
      %add3A_110 = arith.addi %add3A_108, %add3A_109 : i32
      %mul3A_111 = arith.constant 16 : i32
      %mul3A_112 = arith.muli %add3A_110, %mul3A_111 : i32
      %get3A_113 = arith.index_cast %mul3A_112 : i32 to index
      %get3A_114 = tpu.vector_load %arg7[%get3A_113] {strides = array<i32>} : memref<32768xf32, #tpu.memory_space<vmem>>, vector<16xf32>,
      %max3A_115 = arith.maximumf %scan3A_93, %get3A_114 : vector<16xf32>
      %mul3A_116 = arith.constant 8 : i32
      %mul3A_117 = arith.muli %scan3A_91, %mul3A_116 : i32
      %add3A_118 = arith.constant 0 : i32
      %add3A_119 = arith.addi %mul3A_117, %add3A_118 : i32
      %add3A_120 = arith.constant 2 : i32
      %add3A_121 = arith.addi %add3A_119, %add3A_120 : i32
      %mul3A_122 = arith.constant 16 : i32
      %mul3A_123 = arith.muli %add3A_121, %mul3A_122 : i32
      %get3A_124 = arith.index_cast %mul3A_123 : i32 to index
      %get3A_125 = tpu.vector_load %arg7[%get3A_124] {strides = array<i32>} : memref<32768xf32, #tpu.memory_space<vmem>>, vector<16xf32>,
      %max3A_126 = arith.maximumf %scan3A_94, %get3A_125 : vector<16xf32>
      %mul3A_127 = arith.constant 8 : i32
      %mul3A_128 = arith.muli %scan3A_91, %mul3A_127 : i32
      %add3A_129 = arith.constant 0 : i32
      %add3A_130 = arith.addi %mul3A_128, %add3A_129 : i32
      %add3A_131 = arith.constant 3 : i32
      %add3A_132 = arith.addi %add3A_130, %add3A_131 : i32
      %mul3A_133 = arith.constant 16 : i32
      %mul3A_134 = arith.muli %add3A_132, %mul3A_133 : i32
      %get3A_135 = arith.index_cast %mul3A_134 : i32 to index
      %get3A_136 = tpu.vector_load %arg7[%get3A_135] {strides = array<i32>} : memref<32768xf32, #tpu.memory_space<vmem>>, vector<16xf32>,
      %max3A_137 = arith.maximumf %scan3A_95, %get3A_136 : vector<16xf32>
      %mul3A_138 = arith.constant 8 : i32
      %mul3A_139 = arith.muli %scan3A_91, %mul3A_138 : i32
      %add3A_140 = arith.constant 4 : i32
      %add3A_141 = arith.addi %mul3A_139, %add3A_140 : i32
      %add3A_142 = arith.constant 0 : i32
      %add3A_143 = arith.addi %add3A_141, %add3A_142 : i32
      %mul3A_144 = arith.constant 16 : i32
      %mul3A_145 = arith.muli %add3A_143, %mul3A_144 : i32
      %get3A_146 = arith.index_cast %mul3A_145 : i32 to index
      %get3A_147 = tpu.vector_load %arg7[%get3A_146] {strides = array<i32>} : memref<32768xf32, #tpu.memory_space<vmem>>, vector<16xf32>,
      %max3A_148 = arith.maximumf %max3A, %get3A_147 : vector<16xf32>
      %mul3A_149 = arith.constant 8 : i32
      %mul3A_150 = arith.muli %scan3A_91, %mul3A_149 : i32
      %add3A_151 = arith.constant 4 : i32
      %add3A_152 = arith.addi %mul3A_150, %add3A_151 : i32
      %add3A_153 = arith.constant 1 : i32
      %add3A_154 = arith.addi %add3A_152, %add3A_153 : i32
      %mul3A_155 = arith.constant 16 : i32
      %mul3A_156 = arith.muli %add3A_154, %mul3A_155 : i32
      %get3A_157 = arith.index_cast %mul3A_156 : i32 to index
      %get3A_158 = tpu.vector_load %arg7[%get3A_157] {strides = array<i32>} : memref<32768xf32, #tpu.memory_space<vmem>>, vector<16xf32>,
      %max3A_159 = arith.maximumf %max3A_115, %get3A_158 : vector<16xf32>
      %mul3A_160 = arith.constant 8 : i32
      %mul3A_161 = arith.muli %scan3A_91, %mul3A_160 : i32
      %add3A_162 = arith.constant 4 : i32
      %add3A_163 = arith.addi %mul3A_161, %add3A_162 : i32
      %add3A_164 = arith.constant 2 : i32
      %add3A_165 = arith.addi %add3A_163, %add3A_164 : i32
      %mul3A_166 = arith.constant 16 : i32
      %mul3A_167 = arith.muli %add3A_165, %mul3A_166 : i32
      %get3A_168 = arith.index_cast %mul3A_167 : i32 to index
      %get3A_169 = tpu.vector_load %arg7[%get3A_168] {strides = array<i32>} : memref<32768xf32, #tpu.memory_space<vmem>>, vector<16xf32>,
      %max3A_170 = arith.maximumf %max3A_126, %get3A_169 : vector<16xf32>
      %mul3A_171 = arith.constant 8 : i32
      %mul3A_172 = arith.muli %scan3A_91, %mul3A_171 : i32
      %add3A_173 = arith.constant 4 : i32
      %add3A_174 = arith.addi %mul3A_172, %add3A_173 : i32
      %add3A_175 = arith.constant 3 : i32
      %add3A_176 = arith.addi %add3A_174, %add3A_175 : i32
      %mul3A_177 = arith.constant 16 : i32
      %mul3A_178 = arith.muli %add3A_176, %mul3A_177 : i32
      %get3A_179 = arith.index_cast %mul3A_178 : i32 to index
      %get3A_180 = tpu.vector_load %arg7[%get3A_179] {strides = array<i32>} : memref<32768xf32, #tpu.memory_space<vmem>>, vector<16xf32>,
      %max3A_181 = arith.maximumf %max3A_137, %get3A_180 : vector<16xf32>
      scf.yield %max3A_148, %max3A_159, %max3A_170, %max3A_181 : vector<16xf32>, vector<16xf32>, vector<16xf32>, vector<16xf32>
    }
    %scan3A_45 = arith.constant 256 : i32
    %min3A = arith.minimumf %scan3A_44#0, %scan3A_44#1 : vector<16xf32>
    %min3A_46 = arith.minimumf %scan3A_44#2, %scan3A_44#3 : vector<16xf32>
    %min3A_47 = arith.minimumf %min3A, %min3A_46 : vector<16xf32>
    %reduce_min3A = arith.constant true
    %reduce_min3A_48 = vector.broadcast %reduce_min3A : i1 to vector<16xi1>
    %reduce_min3A_49 = tpu.scan <min>, %min3A_47 masked %reduce_min3A_48 : vector<16xf32>, vector<16xi1> -> vector<16xf32>
    %reduce_min3A_50 = vector.extract %reduce_min3A_49[15] : f32 from vector<16xf32>
    %broadcast_in_dim3A_51 = arith.constant 0.000000e+00 : f32
    %broadcast_in_dim3A_52 = vector.broadcast %broadcast_in_dim3A_51 : f32 to vector<16xf32>
    %add3A_53 = vector.broadcast %reduce_min3A_50 : f32 to vector<16xf32>
    %add3A_54 = arith.addf %broadcast_in_dim3A_52, %add3A_53 : vector<16xf32>
    %broadcast_in_dim3A_55 = arith.constant 0 : i32
    %broadcast_in_dim3A_56 = vector.broadcast %broadcast_in_dim3A_55 : i32 to vector<16xi32>
    %scan3A_57 = arith.constant 0 : i32
    %scan3A_58 = arith.constant 32 : i32
    %scan3A_59 = arith.addi %scan3A_57, %scan3A_58 : i32
    %scan3A_60 = arith.constant 1 : i32
    %scan3A_61:2 = scf.for %scan3A_91 = %scan3A_57 to %scan3A_59 step %scan3A_60 iter_args(%scan3A_92 = %add3A_54, %scan3A_93 = %broadcast_in_dim3A_56) -> (vector<16xf32>, vector<16xi32>)  : i32 {
      %reduce_max3A_94 = arith.constant true
      %reduce_max3A_95 = vector.broadcast %reduce_max3A_94 : i1 to vector<16xi1>
      %reduce_max3A_96 = arith.constant -2147483648 : i32
      %reduce_max3A_97 = vector.broadcast %reduce_max3A_96 : i32 to vector<16xi32>
      %reduce_max3A_98 = arith.xori %scan3A_93, %reduce_max3A_97 : vector<16xi32>
      %reduce_max3A_99 = tpu.scan <max>, %reduce_max3A_98 masked %reduce_max3A_95 : vector<16xi32>, vector<16xi1> -> vector<16xi32>
      %reduce_max3A_100 = arith.xori %reduce_max3A_99, %reduce_max3A_97 : vector<16xi32>
      %reduce_max3A_101 = vector.extract %reduce_max3A_100[15] : i32 from vector<16xi32>
      %gt3A = arith.constant 64 : i32
      %gt3A_102 = arith.cmpi sgt, %reduce_max3A_101, %gt3A : i32
      %convert_element_type3A = arith.extui %gt3A_102 : i1 to i32
      %cond3A = arith.constant 0 : i32
      %cond3A_103 = arith.cmpi ne, %convert_element_type3A, %cond3A : i32
      %cond3A_104:2 = scf.if %cond3A_103 -> (vector<16xf32>, vector<16xi32>) {
        %reduce_max3A_120 = arith.constant true
        %reduce_max3A_121 = vector.broadcast %reduce_max3A_120 : i1 to vector<16xi1>
        %reduce_max3A_122 = arith.constant -2147483648 : i32
        %reduce_max3A_123 = vector.broadcast %reduce_max3A_122 : i32 to vector<16xi32>
        %reduce_max3A_124 = arith.xori %scan3A_93, %reduce_max3A_123 : vector<16xi32>
        %reduce_max3A_125 = tpu.scan <max>, %reduce_max3A_124 masked %reduce_max3A_121 : vector<16xi32>, vector<16xi1> -> vector<16xi32>
        %reduce_max3A_126 = arith.xori %reduce_max3A_125, %reduce_max3A_123 : vector<16xi32>
        %reduce_max3A_127 = vector.extract %reduce_max3A_126[15] : i32 from vector<16xi32>
        %iota3A_128 = tpu.iota {dimensions = array<i32: 0>} : vector<16xi32>
        %eq3A_129 = arith.constant 0 : i32
        %eq3A_130 = vector.broadcast %eq3A_129 : i32 to vector<16xi32>
        %eq3A_131 = arith.cmpi eq, %iota3A_128, %eq3A_130 : vector<16xi32>
        %scan3A_132 = arith.constant 0.000000e+00 : f32
        %scan3A_133 = arith.constant 0 : i32
        %scan3A_134 = arith.constant 64 : i32
        %scan3A_135 = arith.addi %scan3A_133, %scan3A_134 : i32
        %scan3A_136 = arith.constant 1 : i32
        %scan3A_137 = scf.for %scan3A_175 = %scan3A_133 to %scan3A_135 step %scan3A_136 iter_args(%scan3A_176 = %scan3A_132) -> (f32)  : i32 {
          %add3A_177 = arith.constant 1 : i32
          %add3A_178 = arith.addi %reduce_max3A_127, %add3A_177 : i32
          %jit3A_179 = arith.constant 2 : i32
          %div3A_180 = arith.divsi %add3A_178, %jit3A_179 : i32
          %sign3A_181 = arith.constant 0 : i32
          %sign3A_182 = arith.cmpi sgt, %add3A_178, %sign3A_181 : i32
          %sign3A_183 = arith.extui %sign3A_182 : i1 to i32
          %sign3A_184 = arith.constant 0 : i32
          %sign3A_185 = arith.cmpi slt, %add3A_178, %sign3A_184 : i32
          %sign3A_186 = arith.extui %sign3A_185 : i1 to i32
          %sign3A_187 = arith.subi %sign3A_183, %sign3A_186 : i32
          %sign3A_188 = arith.constant 0 : i32
          %sign3A_189 = arith.cmpi sgt, %jit3A_179, %sign3A_188 : i32
          %sign3A_190 = arith.extui %sign3A_189 : i1 to i32
          %sign3A_191 = arith.constant 0 : i32
          %sign3A_192 = arith.cmpi slt, %jit3A_179, %sign3A_191 : i32
          %sign3A_193 = arith.extui %sign3A_192 : i1 to i32
          %sign3A_194 = arith.subi %sign3A_190, %sign3A_193 : i32
          %ne3A_195 = arith.cmpi ne, %sign3A_187, %sign3A_194 : i32
          %rem3A_196 = arith.remsi %add3A_178, %jit3A_179 : i32
          %ne3A_197 = arith.constant 0 : i32
          %ne3A_198 = arith.cmpi ne, %rem3A_196, %ne3A_197 : i32
          %and3A_199 = arith.andi %ne3A_195, %ne3A_198 : i1
          %sub3A_200 = arith.constant 1 : i32
          %sub3A_201 = arith.subi %div3A_180, %sub3A_200 : i32
          %select_n3A_202 = arith.select %and3A_199, %sub3A_201, %div3A_180 : i32
          %broadcast_in_dim3A_203 = arith.constant -3.000000e+38 : f32
          %broadcast_in_dim3A_204 = vector.broadcast %broadcast_in_dim3A_203 : f32 to vector<16xf32>
          %broadcast_in_dim3A_205 = arith.constant 0 : i32
          %broadcast_in_dim3A_206 = vector.broadcast %broadcast_in_dim3A_205 : i32 to vector<16xi32>
          %while3A_207 = arith.constant 0 : i32
          %while3A_208 = arith.subi %select_n3A_202, %while3A_207 : i32
          %while3A_209 = arith.addi %while3A_207, %while3A_208 : i32
          %while3A_210 = arith.constant 1 : i32
          %while3A_211 = arith.divsi %while3A_208, %while3A_210 : i32
          %while3A_212 = arith.muli %while3A_211, %while3A_210 : i32
          %while3A_213 = arith.addi %while3A_207, %while3A_212 : i32
          %while3A_214 = arith.constant 1 : i32
          %while3A_215:2 = scf.for %while3A_253 = %while3A_207 to %while3A_213 step %while3A_214 iter_args(%while3A_254 = %broadcast_in_dim3A_204, %while3A_255 = %broadcast_in_dim3A_206) -> (vector<16xf32>, vector<16xi32>)  : i32 {
            %mul3A_256 = arith.constant 2 : i32
            %mul3A_257 = arith.muli %while3A_253, %mul3A_256 : i32
            %add3A_258 = arith.constant 0 : i32
            %add3A_259 = arith.addi %mul3A_257, %add3A_258 : i32
            %mul3A_260 = arith.constant 16 : i32
            %mul3A_261 = arith.muli %add3A_259, %mul3A_260 : i32
            %get3A_262 = arith.index_cast %mul3A_261 : i32 to index
            %get3A_263 = tpu.vector_load %arg8[%get3A_262] {strides = array<i32>} : memref<2048xf32, #tpu.memory_space<vmem>>, vector<16xf32>,
            %lt3A_264 = vector.broadcast %add3A_259 : i32 to vector<16xi32>
            %lt3A_265 = arith.cmpi slt, %lt3A_264, %scan3A_93 : vector<16xi32>
            %jit3A_266 = arith.constant -3.000000e+38 : f32
            %broadcast_in_dim3A_267 = vector.broadcast %jit3A_266 : f32 to vector<16xf32>
            %select_n3A_268 = arith.select %lt3A_265, %get3A_263, %broadcast_in_dim3A_267 : vector<16xi1>, vector<16xf32>
            %gt3A_269 = arith.cmpf ogt, %select_n3A_268, %while3A_254 : vector<16xf32>
            %select_n3A_270 = arith.select %gt3A_269, %select_n3A_268, %while3A_254 : vector<16xi1>, vector<16xf32>
            %broadcast_in_dim3A_271 = vector.broadcast %add3A_259 : i32 to vector<16xi32>
            %select_n3A_272 = arith.select %gt3A_269, %broadcast_in_dim3A_271, %while3A_255 : vector<16xi1>, vector<16xi32>
            %mul3A_273 = arith.constant 2 : i32
            %mul3A_274 = arith.muli %while3A_253, %mul3A_273 : i32
            %add3A_275 = arith.constant 1 : i32
            %add3A_276 = arith.addi %mul3A_274, %add3A_275 : i32
            %mul3A_277 = arith.constant 16 : i32
            %mul3A_278 = arith.muli %add3A_276, %mul3A_277 : i32
            %get3A_279 = arith.index_cast %mul3A_278 : i32 to index
            %get3A_280 = tpu.vector_load %arg8[%get3A_279] {strides = array<i32>} : memref<2048xf32, #tpu.memory_space<vmem>>, vector<16xf32>,
            %lt3A_281 = vector.broadcast %add3A_276 : i32 to vector<16xi32>
            %lt3A_282 = arith.cmpi slt, %lt3A_281, %scan3A_93 : vector<16xi32>
            %jit3A_283 = arith.constant -3.000000e+38 : f32
            %broadcast_in_dim3A_284 = vector.broadcast %jit3A_283 : f32 to vector<16xf32>
            %select_n3A_285 = arith.select %lt3A_282, %get3A_280, %broadcast_in_dim3A_284 : vector<16xi1>, vector<16xf32>
            %gt3A_286 = arith.cmpf ogt, %select_n3A_285, %select_n3A_270 : vector<16xf32>
            %select_n3A_287 = arith.select %gt3A_286, %select_n3A_285, %select_n3A_270 : vector<16xi1>, vector<16xf32>
            %broadcast_in_dim3A_288 = vector.broadcast %add3A_276 : i32 to vector<16xi32>
            %select_n3A_289 = arith.select %gt3A_286, %broadcast_in_dim3A_288, %select_n3A_272 : vector<16xi1>, vector<16xi32>
            scf.yield %select_n3A_287, %select_n3A_289 : vector<16xf32>, vector<16xi32>
          }
          %while3A_216 = arith.constant 1 : i32
          %while3A_217:2 = scf.for %while3A_253 = %while3A_213 to %while3A_209 step %while3A_216 iter_args(%while3A_254 = %while3A_215#0, %while3A_255 = %while3A_215#1) -> (vector<16xf32>, vector<16xi32>)  : i32 {
            %mul3A_256 = arith.constant 2 : i32
            %mul3A_257 = arith.muli %while3A_253, %mul3A_256 : i32
            %add3A_258 = arith.constant 0 : i32
            %add3A_259 = arith.addi %mul3A_257, %add3A_258 : i32
            %mul3A_260 = arith.constant 16 : i32
            %mul3A_261 = arith.muli %add3A_259, %mul3A_260 : i32
            %get3A_262 = arith.index_cast %mul3A_261 : i32 to index
            %get3A_263 = tpu.vector_load %arg8[%get3A_262] {strides = array<i32>} : memref<2048xf32, #tpu.memory_space<vmem>>, vector<16xf32>,
            %lt3A_264 = vector.broadcast %add3A_259 : i32 to vector<16xi32>
            %lt3A_265 = arith.cmpi slt, %lt3A_264, %scan3A_93 : vector<16xi32>
            %jit3A_266 = arith.constant -3.000000e+38 : f32
            %broadcast_in_dim3A_267 = vector.broadcast %jit3A_266 : f32 to vector<16xf32>
            %select_n3A_268 = arith.select %lt3A_265, %get3A_263, %broadcast_in_dim3A_267 : vector<16xi1>, vector<16xf32>
            %gt3A_269 = arith.cmpf ogt, %select_n3A_268, %while3A_254 : vector<16xf32>
            %select_n3A_270 = arith.select %gt3A_269, %select_n3A_268, %while3A_254 : vector<16xi1>, vector<16xf32>
            %broadcast_in_dim3A_271 = vector.broadcast %add3A_259 : i32 to vector<16xi32>
            %select_n3A_272 = arith.select %gt3A_269, %broadcast_in_dim3A_271, %while3A_255 : vector<16xi1>, vector<16xi32>
            %mul3A_273 = arith.constant 2 : i32
            %mul3A_274 = arith.muli %while3A_253, %mul3A_273 : i32
            %add3A_275 = arith.constant 1 : i32
            %add3A_276 = arith.addi %mul3A_274, %add3A_275 : i32
            %mul3A_277 = arith.constant 16 : i32
            %mul3A_278 = arith.muli %add3A_276, %mul3A_277 : i32
            %get3A_279 = arith.index_cast %mul3A_278 : i32 to index
            %get3A_280 = tpu.vector_load %arg8[%get3A_279] {strides = array<i32>} : memref<2048xf32, #tpu.memory_space<vmem>>, vector<16xf32>,
            %lt3A_281 = vector.broadcast %add3A_276 : i32 to vector<16xi32>
            %lt3A_282 = arith.cmpi slt, %lt3A_281, %scan3A_93 : vector<16xi32>
            %jit3A_283 = arith.constant -3.000000e+38 : f32
            %broadcast_in_dim3A_284 = vector.broadcast %jit3A_283 : f32 to vector<16xf32>
            %select_n3A_285 = arith.select %lt3A_282, %get3A_280, %broadcast_in_dim3A_284 : vector<16xi1>, vector<16xf32>
            %gt3A_286 = arith.cmpf ogt, %select_n3A_285, %select_n3A_270 : vector<16xf32>
            %select_n3A_287 = arith.select %gt3A_286, %select_n3A_285, %select_n3A_270 : vector<16xi1>, vector<16xf32>
            %broadcast_in_dim3A_288 = vector.broadcast %add3A_276 : i32 to vector<16xi32>
            %select_n3A_289 = arith.select %gt3A_286, %broadcast_in_dim3A_288, %select_n3A_272 : vector<16xi1>, vector<16xi32>
            scf.yield %select_n3A_287, %select_n3A_289 : vector<16xf32>, vector<16xi32>
          }
          %reduce_max3A_218 = arith.constant true
          %reduce_max3A_219 = vector.broadcast %reduce_max3A_218 : i1 to vector<16xi1>
          %reduce_max3A_220 = tpu.scan <max>, %while3A_217#0 masked %reduce_max3A_219 : vector<16xf32>, vector<16xi1> -> vector<16xf32>
          %reduce_max3A_221 = vector.extract %reduce_max3A_220[15] : f32 from vector<16xf32>
          %eq3A_222 = vector.broadcast %reduce_max3A_221 : f32 to vector<16xf32>
          %eq3A_223 = arith.cmpf oeq, %while3A_217#0, %eq3A_222 : vector<16xf32>
          %mul3A_224 = arith.constant 16 : i32
          %mul3A_225 = vector.broadcast %mul3A_224 : i32 to vector<16xi32>
          %mul3A_226 = arith.muli %while3A_217#1, %mul3A_225 : vector<16xi32>
          %add3A_227 = arith.addi %mul3A_226, %iota3A_128 : vector<16xi32>
          %jit3A_228 = arith.constant 1073741824 : i32
          %broadcast_in_dim3A_229 = vector.broadcast %jit3A_228 : i32 to vector<16xi32>
          %select_n3A_230 = arith.select %eq3A_223, %add3A_227, %broadcast_in_dim3A_229 : vector<16xi1>, vector<16xi32>
          %reduce_min3A_231 = arith.constant true
          %reduce_min3A_232 = vector.broadcast %reduce_min3A_231 : i1 to vector<16xi1>
          %reduce_min3A_233 = arith.constant -2147483648 : i32
          %reduce_min3A_234 = vector.broadcast %reduce_min3A_233 : i32 to vector<16xi32>
          %reduce_min3A_235 = arith.xori %select_n3A_230, %reduce_min3A_234 : vector<16xi32>
          %reduce_min3A_236 = tpu.scan <min>, %reduce_min3A_235 masked %reduce_min3A_232 : vector<16xi32>, vector<16xi1> -> vector<16xi32>
          %reduce_min3A_237 = arith.xori %reduce_min3A_236, %reduce_min3A_234 : vector<16xi32>
          %reduce_min3A_238 = vector.extract %reduce_min3A_237[15] : i32 from vector<16xi32>
          %broadcast_in_dim3A_239 = arith.constant 0 : i32
          %broadcast_in_dim3A_240 = vector.broadcast %broadcast_in_dim3A_239 : i32 to vector<16xi32>
          %add3A_241 = vector.broadcast %reduce_min3A_238 : i32 to vector<16xi32>
          %add3A_242 = arith.addi %broadcast_in_dim3A_240, %add3A_241 : vector<16xi32>
          %gather3A = tpu.vector_load_idx %arg9[%add3A_242] : memref<2048xi32, #tpu.memory_space<vmem>>[vector<16xi32>], vector<16xi32>,
          %broadcast_in_dim3A_243 = arith.constant 0 : i32
          %broadcast_in_dim3A_244 = vector.broadcast %broadcast_in_dim3A_243 : i32 to vector<16xi32>
          %add3A_245 = vector.broadcast %scan3A_175 : i32 to vector<16xi32>
          %add3A_246 = arith.addi %broadcast_in_dim3A_244, %add3A_245 : vector<16xi32>
          %broadcast_in_dim3A_247 = arith.constant 0.000000e+00 : f32
          %broadcast_in_dim3A_248 = vector.broadcast %broadcast_in_dim3A_247 : f32 to vector<16xf32>
          %add3A_249 = vector.broadcast %reduce_max3A_221 : f32 to vector<16xf32>
          %add3A_250 = arith.addf %broadcast_in_dim3A_248, %add3A_249 : vector<16xf32>
          tpu.vector_store_idx %arg10[%add3A_246], %add3A_250 masked %eq3A_131 : memref<64xf32, #tpu.memory_space<vmem>>[vector<16xi32>], vector<16xf32>, vector<16xi1>
          tpu.vector_store_idx %arg11[%add3A_246], %gather3A masked %eq3A_131 : memref<64xi32, #tpu.memory_space<vmem>>[vector<16xi32>], vector<16xi32>, vector<16xi1>
          %broadcast_in_dim3A_251 = arith.constant -3.000000e+38 : f32
          %broadcast_in_dim3A_252 = vector.broadcast %broadcast_in_dim3A_251 : f32 to vector<16xf32>
          tpu.vector_store_idx %arg8[%add3A_242], %broadcast_in_dim3A_252 masked %eq3A_131 : memref<2048xf32, #tpu.memory_space<vmem>>[vector<16xi32>], vector<16xf32>, vector<16xi1>
          scf.yield %reduce_max3A_221 : f32
        }
        %scan3A_138 = arith.constant 64 : i32
        %get3A = arith.constant 0 : index
        %get3A_139 = tpu.vector_load %arg10[%get3A] {strides = array<i32>} : memref<64xf32, #tpu.memory_space<vmem>>, vector<16xf32>,
        %swap3A = arith.constant 0 : index
        %swap3A_140 = tpu.vector_load %arg8[%swap3A] {strides = array<i32>} : memref<2048xf32, #tpu.memory_space<vmem>>, vector<16xf32>,
        tpu.vector_store %arg8[%swap3A], %get3A_139 {strides = array<i32>} : memref<2048xf32, #tpu.memory_space<vmem>>, vector<16xf32>,
        %get3A_141 = arith.constant 0 : index
        %get3A_142 = tpu.vector_load %arg11[%get3A_141] {strides = array<i32>} : memref<64xi32, #tpu.memory_space<vmem>>, vector<16xi32>,
        %swap3A_143 = arith.constant 0 : index
        %swap3A_144 = tpu.vector_load %arg9[%swap3A_143] {strides = array<i32>} : memref<2048xi32, #tpu.memory_space<vmem>>, vector<16xi32>,
        tpu.vector_store %arg9[%swap3A_143], %get3A_142 {strides = array<i32>} : memref<2048xi32, #tpu.memory_space<vmem>>, vector<16xi32>,
        %get3A_145 = arith.constant 16 : index
        %get3A_146 = tpu.vector_load %arg10[%get3A_145] {strides = array<i32>} : memref<64xf32, #tpu.memory_space<vmem>>, vector<16xf32>,
        %swap3A_147 = arith.constant 16 : index
        %swap3A_148 = tpu.vector_load %arg8[%swap3A_147] {strides = array<i32>} : memref<2048xf32, #tpu.memory_space<vmem>>, vector<16xf32>,
        tpu.vector_store %arg8[%swap3A_147], %get3A_146 {strides = array<i32>} : memref<2048xf32, #tpu.memory_space<vmem>>, vector<16xf32>,
        %get3A_149 = arith.constant 16 : index
        %get3A_150 = tpu.vector_load %arg11[%get3A_149] {strides = array<i32>} : memref<64xi32, #tpu.memory_space<vmem>>, vector<16xi32>,
        %swap3A_151 = arith.constant 16 : index
        %swap3A_152 = tpu.vector_load %arg9[%swap3A_151] {strides = array<i32>} : memref<2048xi32, #tpu.memory_space<vmem>>, vector<16xi32>,
        tpu.vector_store %arg9[%swap3A_151], %get3A_150 {strides = array<i32>} : memref<2048xi32, #tpu.memory_space<vmem>>, vector<16xi32>,
        %get3A_153 = arith.constant 32 : index
        %get3A_154 = tpu.vector_load %arg10[%get3A_153] {strides = array<i32>} : memref<64xf32, #tpu.memory_space<vmem>>, vector<16xf32>,
        %swap3A_155 = arith.constant 32 : index
        %swap3A_156 = tpu.vector_load %arg8[%swap3A_155] {strides = array<i32>} : memref<2048xf32, #tpu.memory_space<vmem>>, vector<16xf32>,
        tpu.vector_store %arg8[%swap3A_155], %get3A_154 {strides = array<i32>} : memref<2048xf32, #tpu.memory_space<vmem>>, vector<16xf32>,
        %get3A_157 = arith.constant 32 : index
        %get3A_158 = tpu.vector_load %arg11[%get3A_157] {strides = array<i32>} : memref<64xi32, #tpu.memory_space<vmem>>, vector<16xi32>,
        %swap3A_159 = arith.constant 32 : index
        %swap3A_160 = tpu.vector_load %arg9[%swap3A_159] {strides = array<i32>} : memref<2048xi32, #tpu.memory_space<vmem>>, vector<16xi32>,
        tpu.vector_store %arg9[%swap3A_159], %get3A_158 {strides = array<i32>} : memref<2048xi32, #tpu.memory_space<vmem>>, vector<16xi32>,
        %get3A_161 = arith.constant 48 : index
        %get3A_162 = tpu.vector_load %arg10[%get3A_161] {strides = array<i32>} : memref<64xf32, #tpu.memory_space<vmem>>, vector<16xf32>,
        %swap3A_163 = arith.constant 48 : index
        %swap3A_164 = tpu.vector_load %arg8[%swap3A_163] {strides = array<i32>} : memref<2048xf32, #tpu.memory_space<vmem>>, vector<16xf32>,
        tpu.vector_store %arg8[%swap3A_163], %get3A_162 {strides = array<i32>} : memref<2048xf32, #tpu.memory_space<vmem>>, vector<16xf32>,
        %get3A_165 = arith.constant 48 : index
        %get3A_166 = tpu.vector_load %arg11[%get3A_165] {strides = array<i32>} : memref<64xi32, #tpu.memory_space<vmem>>, vector<16xi32>,
        %swap3A_167 = arith.constant 48 : index
        %swap3A_168 = tpu.vector_load %arg9[%swap3A_167] {strides = array<i32>} : memref<2048xi32, #tpu.memory_space<vmem>>, vector<16xi32>,
        tpu.vector_store %arg9[%swap3A_167], %get3A_166 {strides = array<i32>} : memref<2048xi32, #tpu.memory_space<vmem>>, vector<16xi32>,
        %broadcast_in_dim3A_169 = arith.constant 0.000000e+00 : f32
        %broadcast_in_dim3A_170 = vector.broadcast %broadcast_in_dim3A_169 : f32 to vector<16xf32>
        %add3A_171 = vector.broadcast %scan3A_137 : f32 to vector<16xf32>
        %add3A_172 = arith.addf %broadcast_in_dim3A_170, %add3A_171 : vector<16xf32>
        %broadcast_in_dim3A_173 = arith.constant 4 : i32
        %broadcast_in_dim3A_174 = vector.broadcast %broadcast_in_dim3A_173 : i32 to vector<16xi32>
        scf.yield %add3A_172, %broadcast_in_dim3A_174 : vector<16xf32>, vector<16xi32>
      } else {
        scf.yield %scan3A_92, %scan3A_93 : vector<16xf32>, vector<16xi32>
      }
      %mul3A_105 = arith.constant 16 : i32
      %mul3A_106 = arith.muli %scan3A_91, %mul3A_105 : i32
      %add3A_107 = arith.constant 1 : i32
      %add3A_108 = arith.addi %scan3A_91, %add3A_107 : i32
      %mul3A_109 = arith.constant 16 : i32
      %mul3A_110 = arith.muli %add3A_108, %mul3A_109 : i32
      %while3A = arith.subi %mul3A_110, %mul3A_106 : i32
      %while3A_111 = arith.addi %mul3A_106, %while3A : i32
      %while3A_112 = arith.constant 1 : i32
      %while3A_113 = arith.divsi %while3A, %while3A_112 : i32
      %while3A_114 = arith.muli %while3A_113, %while3A_112 : i32
      %while3A_115 = arith.addi %mul3A_106, %while3A_114 : i32
      %while3A_116 = arith.constant 1 : i32
      %while3A_117 = scf.for %while3A_120 = %mul3A_106 to %while3A_115 step %while3A_116 iter_args(%while3A_121 = %cond3A_104#1) -> (vector<16xi32>)  : i32 {
        %mul3A_122 = arith.constant 4 : i32
        %mul3A_123 = arith.muli %while3A_120, %mul3A_122 : i32
        %add3A_124 = arith.constant 0 : i32
        %add3A_125 = arith.addi %mul3A_123, %add3A_124 : i32
        %mul3A_126 = arith.constant 16 : i32
        %mul3A_127 = arith.muli %add3A_125, %mul3A_126 : i32
        %get3A = arith.index_cast %mul3A_127 : i32 to index
        %get3A_128 = tpu.vector_load %arg7[%get3A] {strides = array<i32>} : memref<32768xf32, #tpu.memory_space<vmem>>, vector<16xf32>,
        %ge3A = arith.cmpf oge, %get3A_128, %cond3A_104#0 : vector<16xf32>
        %mul3A_129 = arith.constant 16 : i32
        %mul3A_130 = vector.broadcast %mul3A_129 : i32 to vector<16xi32>
        %mul3A_131 = arith.muli %while3A_121, %mul3A_130 : vector<16xi32>
        %add3A_132 = arith.addi %mul3A_131, %iota3A : vector<16xi32>
        tpu.vector_store_idx %arg8[%add3A_132], %get3A_128 masked %ge3A : memref<2048xf32, #tpu.memory_space<vmem>>[vector<16xi32>], vector<16xf32>, vector<16xi1>
        %mul3A_133 = arith.constant 16 : i32
        %mul3A_134 = arith.muli %add3A_125, %mul3A_133 : i32
        %add3A_135 = arith.addi %add3A_34, %mul3A_134 : i32
        %add3A_136 = vector.broadcast %add3A_135 : i32 to vector<16xi32>
        %add3A_137 = arith.addi %add3A_136, %iota3A : vector<16xi32>
        tpu.vector_store_idx %arg9[%add3A_132], %add3A_137 masked %ge3A : memref<2048xi32, #tpu.memory_space<vmem>>[vector<16xi32>], vector<16xi32>, vector<16xi1>
        %jit3A_138 = arith.constant 1 : i32
        %jit3A_139 = arith.constant 0 : i32
        %broadcast_in_dim3A_140 = vector.broadcast %jit3A_138 : i32 to vector<16xi32>
        %broadcast_in_dim3A_141 = vector.broadcast %jit3A_139 : i32 to vector<16xi32>
        %select_n3A_142 = arith.select %ge3A, %broadcast_in_dim3A_140, %broadcast_in_dim3A_141 : vector<16xi1>, vector<16xi32>
        %add3A_143 = arith.addi %while3A_121, %select_n3A_142 : vector<16xi32>
        %mul3A_144 = arith.constant 4 : i32
        %mul3A_145 = arith.muli %while3A_120, %mul3A_144 : i32
        %add3A_146 = arith.constant 1 : i32
        %add3A_147 = arith.addi %mul3A_145, %add3A_146 : i32
        %mul3A_148 = arith.constant 16 : i32
        %mul3A_149 = arith.muli %add3A_147, %mul3A_148 : i32
        %get3A_150 = arith.index_cast %mul3A_149 : i32 to index
        %get3A_151 = tpu.vector_load %arg7[%get3A_150] {strides = array<i32>} : memref<32768xf32, #tpu.memory_space<vmem>>, vector<16xf32>,
        %ge3A_152 = arith.cmpf oge, %get3A_151, %cond3A_104#0 : vector<16xf32>
        %mul3A_153 = arith.constant 16 : i32
        %mul3A_154 = vector.broadcast %mul3A_153 : i32 to vector<16xi32>
        %mul3A_155 = arith.muli %add3A_143, %mul3A_154 : vector<16xi32>
        %add3A_156 = arith.addi %mul3A_155, %iota3A : vector<16xi32>
        tpu.vector_store_idx %arg8[%add3A_156], %get3A_151 masked %ge3A_152 : memref<2048xf32, #tpu.memory_space<vmem>>[vector<16xi32>], vector<16xf32>, vector<16xi1>
        %mul3A_157 = arith.constant 16 : i32
        %mul3A_158 = arith.muli %add3A_147, %mul3A_157 : i32
        %add3A_159 = arith.addi %add3A_34, %mul3A_158 : i32
        %add3A_160 = vector.broadcast %add3A_159 : i32 to vector<16xi32>
        %add3A_161 = arith.addi %add3A_160, %iota3A : vector<16xi32>
        tpu.vector_store_idx %arg9[%add3A_156], %add3A_161 masked %ge3A_152 : memref<2048xi32, #tpu.memory_space<vmem>>[vector<16xi32>], vector<16xi32>, vector<16xi1>
        %jit3A_162 = arith.constant 1 : i32
        %jit3A_163 = arith.constant 0 : i32
        %broadcast_in_dim3A_164 = vector.broadcast %jit3A_162 : i32 to vector<16xi32>
        %broadcast_in_dim3A_165 = vector.broadcast %jit3A_163 : i32 to vector<16xi32>
        %select_n3A_166 = arith.select %ge3A_152, %broadcast_in_dim3A_164, %broadcast_in_dim3A_165 : vector<16xi1>, vector<16xi32>
        %add3A_167 = arith.addi %add3A_143, %select_n3A_166 : vector<16xi32>
        %mul3A_168 = arith.constant 4 : i32
        %mul3A_169 = arith.muli %while3A_120, %mul3A_168 : i32
        %add3A_170 = arith.constant 2 : i32
        %add3A_171 = arith.addi %mul3A_169, %add3A_170 : i32
        %mul3A_172 = arith.constant 16 : i32
        %mul3A_173 = arith.muli %add3A_171, %mul3A_172 : i32
        %get3A_174 = arith.index_cast %mul3A_173 : i32 to index
        %get3A_175 = tpu.vector_load %arg7[%get3A_174] {strides = array<i32>} : memref<32768xf32, #tpu.memory_space<vmem>>, vector<16xf32>,
        %ge3A_176 = arith.cmpf oge, %get3A_175, %cond3A_104#0 : vector<16xf32>
        %mul3A_177 = arith.constant 16 : i32
        %mul3A_178 = vector.broadcast %mul3A_177 : i32 to vector<16xi32>
        %mul3A_179 = arith.muli %add3A_167, %mul3A_178 : vector<16xi32>
        %add3A_180 = arith.addi %mul3A_179, %iota3A : vector<16xi32>
        tpu.vector_store_idx %arg8[%add3A_180], %get3A_175 masked %ge3A_176 : memref<2048xf32, #tpu.memory_space<vmem>>[vector<16xi32>], vector<16xf32>, vector<16xi1>
        %mul3A_181 = arith.constant 16 : i32
        %mul3A_182 = arith.muli %add3A_171, %mul3A_181 : i32
        %add3A_183 = arith.addi %add3A_34, %mul3A_182 : i32
        %add3A_184 = vector.broadcast %add3A_183 : i32 to vector<16xi32>
        %add3A_185 = arith.addi %add3A_184, %iota3A : vector<16xi32>
        tpu.vector_store_idx %arg9[%add3A_180], %add3A_185 masked %ge3A_176 : memref<2048xi32, #tpu.memory_space<vmem>>[vector<16xi32>], vector<16xi32>, vector<16xi1>
        %jit3A_186 = arith.constant 1 : i32
        %jit3A_187 = arith.constant 0 : i32
        %broadcast_in_dim3A_188 = vector.broadcast %jit3A_186 : i32 to vector<16xi32>
        %broadcast_in_dim3A_189 = vector.broadcast %jit3A_187 : i32 to vector<16xi32>
        %select_n3A_190 = arith.select %ge3A_176, %broadcast_in_dim3A_188, %broadcast_in_dim3A_189 : vector<16xi1>, vector<16xi32>
        %add3A_191 = arith.addi %add3A_167, %select_n3A_190 : vector<16xi32>
        %mul3A_192 = arith.constant 4 : i32
        %mul3A_193 = arith.muli %while3A_120, %mul3A_192 : i32
        %add3A_194 = arith.constant 3 : i32
        %add3A_195 = arith.addi %mul3A_193, %add3A_194 : i32
        %mul3A_196 = arith.constant 16 : i32
        %mul3A_197 = arith.muli %add3A_195, %mul3A_196 : i32
        %get3A_198 = arith.index_cast %mul3A_197 : i32 to index
        %get3A_199 = tpu.vector_load %arg7[%get3A_198] {strides = array<i32>} : memref<32768xf32, #tpu.memory_space<vmem>>, vector<16xf32>,
        %ge3A_200 = arith.cmpf oge, %get3A_199, %cond3A_104#0 : vector<16xf32>
        %mul3A_201 = arith.constant 16 : i32
        %mul3A_202 = vector.broadcast %mul3A_201 : i32 to vector<16xi32>
        %mul3A_203 = arith.muli %add3A_191, %mul3A_202 : vector<16xi32>
        %add3A_204 = arith.addi %mul3A_203, %iota3A : vector<16xi32>
        tpu.vector_store_idx %arg8[%add3A_204], %get3A_199 masked %ge3A_200 : memref<2048xf32, #tpu.memory_space<vmem>>[vector<16xi32>], vector<16xf32>, vector<16xi1>
        %mul3A_205 = arith.constant 16 : i32
        %mul3A_206 = arith.muli %add3A_195, %mul3A_205 : i32
        %add3A_207 = arith.addi %add3A_34, %mul3A_206 : i32
        %add3A_208 = vector.broadcast %add3A_207 : i32 to vector<16xi32>
        %add3A_209 = arith.addi %add3A_208, %iota3A : vector<16xi32>
        tpu.vector_store_idx %arg9[%add3A_204], %add3A_209 masked %ge3A_200 : memref<2048xi32, #tpu.memory_space<vmem>>[vector<16xi32>], vector<16xi32>, vector<16xi1>
        %jit3A_210 = arith.constant 1 : i32
        %jit3A_211 = arith.constant 0 : i32
        %broadcast_in_dim3A_212 = vector.broadcast %jit3A_210 : i32 to vector<16xi32>
        %broadcast_in_dim3A_213 = vector.broadcast %jit3A_211 : i32 to vector<16xi32>
        %select_n3A_214 = arith.select %ge3A_200, %broadcast_in_dim3A_212, %broadcast_in_dim3A_213 : vector<16xi1>, vector<16xi32>
        %add3A_215 = arith.addi %add3A_191, %select_n3A_214 : vector<16xi32>
        scf.yield %add3A_215 : vector<16xi32>
      }
      %while3A_118 = arith.constant 1 : i32
      %while3A_119 = scf.for %while3A_120 = %while3A_115 to %while3A_111 step %while3A_118 iter_args(%while3A_121 = %while3A_117) -> (vector<16xi32>)  : i32 {
        %mul3A_122 = arith.constant 4 : i32
        %mul3A_123 = arith.muli %while3A_120, %mul3A_122 : i32
        %add3A_124 = arith.constant 0 : i32
        %add3A_125 = arith.addi %mul3A_123, %add3A_124 : i32
        %mul3A_126 = arith.constant 16 : i32
        %mul3A_127 = arith.muli %add3A_125, %mul3A_126 : i32
        %get3A = arith.index_cast %mul3A_127 : i32 to index
        %get3A_128 = tpu.vector_load %arg7[%get3A] {strides = array<i32>} : memref<32768xf32, #tpu.memory_space<vmem>>, vector<16xf32>,
        %ge3A = arith.cmpf oge, %get3A_128, %cond3A_104#0 : vector<16xf32>
        %mul3A_129 = arith.constant 16 : i32
        %mul3A_130 = vector.broadcast %mul3A_129 : i32 to vector<16xi32>
        %mul3A_131 = arith.muli %while3A_121, %mul3A_130 : vector<16xi32>
        %add3A_132 = arith.addi %mul3A_131, %iota3A : vector<16xi32>
        tpu.vector_store_idx %arg8[%add3A_132], %get3A_128 masked %ge3A : memref<2048xf32, #tpu.memory_space<vmem>>[vector<16xi32>], vector<16xf32>, vector<16xi1>
        %mul3A_133 = arith.constant 16 : i32
        %mul3A_134 = arith.muli %add3A_125, %mul3A_133 : i32
        %add3A_135 = arith.addi %add3A_34, %mul3A_134 : i32
        %add3A_136 = vector.broadcast %add3A_135 : i32 to vector<16xi32>
        %add3A_137 = arith.addi %add3A_136, %iota3A : vector<16xi32>
        tpu.vector_store_idx %arg9[%add3A_132], %add3A_137 masked %ge3A : memref<2048xi32, #tpu.memory_space<vmem>>[vector<16xi32>], vector<16xi32>, vector<16xi1>
        %jit3A_138 = arith.constant 1 : i32
        %jit3A_139 = arith.constant 0 : i32
        %broadcast_in_dim3A_140 = vector.broadcast %jit3A_138 : i32 to vector<16xi32>
        %broadcast_in_dim3A_141 = vector.broadcast %jit3A_139 : i32 to vector<16xi32>
        %select_n3A_142 = arith.select %ge3A, %broadcast_in_dim3A_140, %broadcast_in_dim3A_141 : vector<16xi1>, vector<16xi32>
        %add3A_143 = arith.addi %while3A_121, %select_n3A_142 : vector<16xi32>
        %mul3A_144 = arith.constant 4 : i32
        %mul3A_145 = arith.muli %while3A_120, %mul3A_144 : i32
        %add3A_146 = arith.constant 1 : i32
        %add3A_147 = arith.addi %mul3A_145, %add3A_146 : i32
        %mul3A_148 = arith.constant 16 : i32
        %mul3A_149 = arith.muli %add3A_147, %mul3A_148 : i32
        %get3A_150 = arith.index_cast %mul3A_149 : i32 to index
        %get3A_151 = tpu.vector_load %arg7[%get3A_150] {strides = array<i32>} : memref<32768xf32, #tpu.memory_space<vmem>>, vector<16xf32>,
        %ge3A_152 = arith.cmpf oge, %get3A_151, %cond3A_104#0 : vector<16xf32>
        %mul3A_153 = arith.constant 16 : i32
        %mul3A_154 = vector.broadcast %mul3A_153 : i32 to vector<16xi32>
        %mul3A_155 = arith.muli %add3A_143, %mul3A_154 : vector<16xi32>
        %add3A_156 = arith.addi %mul3A_155, %iota3A : vector<16xi32>
        tpu.vector_store_idx %arg8[%add3A_156], %get3A_151 masked %ge3A_152 : memref<2048xf32, #tpu.memory_space<vmem>>[vector<16xi32>], vector<16xf32>, vector<16xi1>
        %mul3A_157 = arith.constant 16 : i32
        %mul3A_158 = arith.muli %add3A_147, %mul3A_157 : i32
        %add3A_159 = arith.addi %add3A_34, %mul3A_158 : i32
        %add3A_160 = vector.broadcast %add3A_159 : i32 to vector<16xi32>
        %add3A_161 = arith.addi %add3A_160, %iota3A : vector<16xi32>
        tpu.vector_store_idx %arg9[%add3A_156], %add3A_161 masked %ge3A_152 : memref<2048xi32, #tpu.memory_space<vmem>>[vector<16xi32>], vector<16xi32>, vector<16xi1>
        %jit3A_162 = arith.constant 1 : i32
        %jit3A_163 = arith.constant 0 : i32
        %broadcast_in_dim3A_164 = vector.broadcast %jit3A_162 : i32 to vector<16xi32>
        %broadcast_in_dim3A_165 = vector.broadcast %jit3A_163 : i32 to vector<16xi32>
        %select_n3A_166 = arith.select %ge3A_152, %broadcast_in_dim3A_164, %broadcast_in_dim3A_165 : vector<16xi1>, vector<16xi32>
        %add3A_167 = arith.addi %add3A_143, %select_n3A_166 : vector<16xi32>
        %mul3A_168 = arith.constant 4 : i32
        %mul3A_169 = arith.muli %while3A_120, %mul3A_168 : i32
        %add3A_170 = arith.constant 2 : i32
        %add3A_171 = arith.addi %mul3A_169, %add3A_170 : i32
        %mul3A_172 = arith.constant 16 : i32
        %mul3A_173 = arith.muli %add3A_171, %mul3A_172 : i32
        %get3A_174 = arith.index_cast %mul3A_173 : i32 to index
        %get3A_175 = tpu.vector_load %arg7[%get3A_174] {strides = array<i32>} : memref<32768xf32, #tpu.memory_space<vmem>>, vector<16xf32>,
        %ge3A_176 = arith.cmpf oge, %get3A_175, %cond3A_104#0 : vector<16xf32>
        %mul3A_177 = arith.constant 16 : i32
        %mul3A_178 = vector.broadcast %mul3A_177 : i32 to vector<16xi32>
        %mul3A_179 = arith.muli %add3A_167, %mul3A_178 : vector<16xi32>
        %add3A_180 = arith.addi %mul3A_179, %iota3A : vector<16xi32>
        tpu.vector_store_idx %arg8[%add3A_180], %get3A_175 masked %ge3A_176 : memref<2048xf32, #tpu.memory_space<vmem>>[vector<16xi32>], vector<16xf32>, vector<16xi1>
        %mul3A_181 = arith.constant 16 : i32
        %mul3A_182 = arith.muli %add3A_171, %mul3A_181 : i32
        %add3A_183 = arith.addi %add3A_34, %mul3A_182 : i32
        %add3A_184 = vector.broadcast %add3A_183 : i32 to vector<16xi32>
        %add3A_185 = arith.addi %add3A_184, %iota3A : vector<16xi32>
        tpu.vector_store_idx %arg9[%add3A_180], %add3A_185 masked %ge3A_176 : memref<2048xi32, #tpu.memory_space<vmem>>[vector<16xi32>], vector<16xi32>, vector<16xi1>
        %jit3A_186 = arith.constant 1 : i32
        %jit3A_187 = arith.constant 0 : i32
        %broadcast_in_dim3A_188 = vector.broadcast %jit3A_186 : i32 to vector<16xi32>
        %broadcast_in_dim3A_189 = vector.broadcast %jit3A_187 : i32 to vector<16xi32>
        %select_n3A_190 = arith.select %ge3A_176, %broadcast_in_dim3A_188, %broadcast_in_dim3A_189 : vector<16xi1>, vector<16xi32>
        %add3A_191 = arith.addi %add3A_167, %select_n3A_190 : vector<16xi32>
        %mul3A_192 = arith.constant 4 : i32
        %mul3A_193 = arith.muli %while3A_120, %mul3A_192 : i32
        %add3A_194 = arith.constant 3 : i32
        %add3A_195 = arith.addi %mul3A_193, %add3A_194 : i32
        %mul3A_196 = arith.constant 16 : i32
        %mul3A_197 = arith.muli %add3A_195, %mul3A_196 : i32
        %get3A_198 = arith.index_cast %mul3A_197 : i32 to index
        %get3A_199 = tpu.vector_load %arg7[%get3A_198] {strides = array<i32>} : memref<32768xf32, #tpu.memory_space<vmem>>, vector<16xf32>,
        %ge3A_200 = arith.cmpf oge, %get3A_199, %cond3A_104#0 : vector<16xf32>
        %mul3A_201 = arith.constant 16 : i32
        %mul3A_202 = vector.broadcast %mul3A_201 : i32 to vector<16xi32>
        %mul3A_203 = arith.muli %add3A_191, %mul3A_202 : vector<16xi32>
        %add3A_204 = arith.addi %mul3A_203, %iota3A : vector<16xi32>
        tpu.vector_store_idx %arg8[%add3A_204], %get3A_199 masked %ge3A_200 : memref<2048xf32, #tpu.memory_space<vmem>>[vector<16xi32>], vector<16xf32>, vector<16xi1>
        %mul3A_205 = arith.constant 16 : i32
        %mul3A_206 = arith.muli %add3A_195, %mul3A_205 : i32
        %add3A_207 = arith.addi %add3A_34, %mul3A_206 : i32
        %add3A_208 = vector.broadcast %add3A_207 : i32 to vector<16xi32>
        %add3A_209 = arith.addi %add3A_208, %iota3A : vector<16xi32>
        tpu.vector_store_idx %arg9[%add3A_204], %add3A_209 masked %ge3A_200 : memref<2048xi32, #tpu.memory_space<vmem>>[vector<16xi32>], vector<16xi32>, vector<16xi1>
        %jit3A_210 = arith.constant 1 : i32
        %jit3A_211 = arith.constant 0 : i32
        %broadcast_in_dim3A_212 = vector.broadcast %jit3A_210 : i32 to vector<16xi32>
        %broadcast_in_dim3A_213 = vector.broadcast %jit3A_211 : i32 to vector<16xi32>
        %select_n3A_214 = arith.select %ge3A_200, %broadcast_in_dim3A_212, %broadcast_in_dim3A_213 : vector<16xi1>, vector<16xi32>
        %add3A_215 = arith.addi %add3A_191, %select_n3A_214 : vector<16xi32>
        scf.yield %add3A_215 : vector<16xi32>
      }
      scf.yield %cond3A_104#0, %while3A_119 : vector<16xf32>, vector<16xi32>
    }
    %scan3A_62 = arith.constant 32 : i32
    %reduce_max3A = arith.constant true
    %reduce_max3A_63 = vector.broadcast %reduce_max3A : i1 to vector<16xi1>
    %reduce_max3A_64 = arith.constant -2147483648 : i32
    %reduce_max3A_65 = vector.broadcast %reduce_max3A_64 : i32 to vector<16xi32>
    %reduce_max3A_66 = arith.xori %scan3A_61#1, %reduce_max3A_65 : vector<16xi32>
    %reduce_max3A_67 = tpu.scan <max>, %reduce_max3A_66 masked %reduce_max3A_63 : vector<16xi32>, vector<16xi1> -> vector<16xi32>
    %reduce_max3A_68 = arith.xori %reduce_max3A_67, %reduce_max3A_65 : vector<16xi32>
    %reduce_max3A_69 = vector.extract %reduce_max3A_68[15] : i32 from vector<16xi32>
    %iota3A_70 = tpu.iota {dimensions = array<i32: 0>} : vector<16xi32>
    %eq3A_71 = arith.constant 0 : i32
    %eq3A_72 = vector.broadcast %eq3A_71 : i32 to vector<16xi32>
    %eq3A_73 = arith.cmpi eq, %iota3A_70, %eq3A_72 : vector<16xi32>
    %scan3A_74 = arith.constant 0.000000e+00 : f32
    %scan3A_75 = arith.constant 0 : i32
    %scan3A_76 = arith.constant 64 : i32
    %scan3A_77 = arith.addi %scan3A_75, %scan3A_76 : i32
    %scan3A_78 = arith.constant 1 : i32
    %scan3A_79 = scf.for %scan3A_91 = %scan3A_75 to %scan3A_77 step %scan3A_78 iter_args(%scan3A_92 = %scan3A_74) -> (f32)  : i32 {
      %add3A_93 = arith.constant 1 : i32
      %add3A_94 = arith.addi %reduce_max3A_69, %add3A_93 : i32
      %jit3A_95 = arith.constant 2 : i32
      %div3A_96 = arith.divsi %add3A_94, %jit3A_95 : i32
      %sign3A_97 = arith.constant 0 : i32
      %sign3A_98 = arith.cmpi sgt, %add3A_94, %sign3A_97 : i32
      %sign3A_99 = arith.extui %sign3A_98 : i1 to i32
      %sign3A_100 = arith.constant 0 : i32
      %sign3A_101 = arith.cmpi slt, %add3A_94, %sign3A_100 : i32
      %sign3A_102 = arith.extui %sign3A_101 : i1 to i32
      %sign3A_103 = arith.subi %sign3A_99, %sign3A_102 : i32
      %sign3A_104 = arith.constant 0 : i32
      %sign3A_105 = arith.cmpi sgt, %jit3A_95, %sign3A_104 : i32
      %sign3A_106 = arith.extui %sign3A_105 : i1 to i32
      %sign3A_107 = arith.constant 0 : i32
      %sign3A_108 = arith.cmpi slt, %jit3A_95, %sign3A_107 : i32
      %sign3A_109 = arith.extui %sign3A_108 : i1 to i32
      %sign3A_110 = arith.subi %sign3A_106, %sign3A_109 : i32
      %ne3A_111 = arith.cmpi ne, %sign3A_103, %sign3A_110 : i32
      %rem3A_112 = arith.remsi %add3A_94, %jit3A_95 : i32
      %ne3A_113 = arith.constant 0 : i32
      %ne3A_114 = arith.cmpi ne, %rem3A_112, %ne3A_113 : i32
      %and3A_115 = arith.andi %ne3A_111, %ne3A_114 : i1
      %sub3A_116 = arith.constant 1 : i32
      %sub3A_117 = arith.subi %div3A_96, %sub3A_116 : i32
      %select_n3A_118 = arith.select %and3A_115, %sub3A_117, %div3A_96 : i32
      %broadcast_in_dim3A_119 = arith.constant -3.000000e+38 : f32
      %broadcast_in_dim3A_120 = vector.broadcast %broadcast_in_dim3A_119 : f32 to vector<16xf32>
      %broadcast_in_dim3A_121 = arith.constant 0 : i32
      %broadcast_in_dim3A_122 = vector.broadcast %broadcast_in_dim3A_121 : i32 to vector<16xi32>
      %while3A = arith.constant 0 : i32
      %while3A_123 = arith.subi %select_n3A_118, %while3A : i32
      %while3A_124 = arith.addi %while3A, %while3A_123 : i32
      %while3A_125 = arith.constant 1 : i32
      %while3A_126 = arith.divsi %while3A_123, %while3A_125 : i32
      %while3A_127 = arith.muli %while3A_126, %while3A_125 : i32
      %while3A_128 = arith.addi %while3A, %while3A_127 : i32
      %while3A_129 = arith.constant 1 : i32
      %while3A_130:2 = scf.for %while3A_168 = %while3A to %while3A_128 step %while3A_129 iter_args(%while3A_169 = %broadcast_in_dim3A_120, %while3A_170 = %broadcast_in_dim3A_122) -> (vector<16xf32>, vector<16xi32>)  : i32 {
        %mul3A_171 = arith.constant 2 : i32
        %mul3A_172 = arith.muli %while3A_168, %mul3A_171 : i32
        %add3A_173 = arith.constant 0 : i32
        %add3A_174 = arith.addi %mul3A_172, %add3A_173 : i32
        %mul3A_175 = arith.constant 16 : i32
        %mul3A_176 = arith.muli %add3A_174, %mul3A_175 : i32
        %get3A = arith.index_cast %mul3A_176 : i32 to index
        %get3A_177 = tpu.vector_load %arg8[%get3A] {strides = array<i32>} : memref<2048xf32, #tpu.memory_space<vmem>>, vector<16xf32>,
        %lt3A_178 = vector.broadcast %add3A_174 : i32 to vector<16xi32>
        %lt3A_179 = arith.cmpi slt, %lt3A_178, %scan3A_61#1 : vector<16xi32>
        %jit3A_180 = arith.constant -3.000000e+38 : f32
        %broadcast_in_dim3A_181 = vector.broadcast %jit3A_180 : f32 to vector<16xf32>
        %select_n3A_182 = arith.select %lt3A_179, %get3A_177, %broadcast_in_dim3A_181 : vector<16xi1>, vector<16xf32>
        %gt3A = arith.cmpf ogt, %select_n3A_182, %while3A_169 : vector<16xf32>
        %select_n3A_183 = arith.select %gt3A, %select_n3A_182, %while3A_169 : vector<16xi1>, vector<16xf32>
        %broadcast_in_dim3A_184 = vector.broadcast %add3A_174 : i32 to vector<16xi32>
        %select_n3A_185 = arith.select %gt3A, %broadcast_in_dim3A_184, %while3A_170 : vector<16xi1>, vector<16xi32>
        %mul3A_186 = arith.constant 2 : i32
        %mul3A_187 = arith.muli %while3A_168, %mul3A_186 : i32
        %add3A_188 = arith.constant 1 : i32
        %add3A_189 = arith.addi %mul3A_187, %add3A_188 : i32
        %mul3A_190 = arith.constant 16 : i32
        %mul3A_191 = arith.muli %add3A_189, %mul3A_190 : i32
        %get3A_192 = arith.index_cast %mul3A_191 : i32 to index
        %get3A_193 = tpu.vector_load %arg8[%get3A_192] {strides = array<i32>} : memref<2048xf32, #tpu.memory_space<vmem>>, vector<16xf32>,
        %lt3A_194 = vector.broadcast %add3A_189 : i32 to vector<16xi32>
        %lt3A_195 = arith.cmpi slt, %lt3A_194, %scan3A_61#1 : vector<16xi32>
        %jit3A_196 = arith.constant -3.000000e+38 : f32
        %broadcast_in_dim3A_197 = vector.broadcast %jit3A_196 : f32 to vector<16xf32>
        %select_n3A_198 = arith.select %lt3A_195, %get3A_193, %broadcast_in_dim3A_197 : vector<16xi1>, vector<16xf32>
        %gt3A_199 = arith.cmpf ogt, %select_n3A_198, %select_n3A_183 : vector<16xf32>
        %select_n3A_200 = arith.select %gt3A_199, %select_n3A_198, %select_n3A_183 : vector<16xi1>, vector<16xf32>
        %broadcast_in_dim3A_201 = vector.broadcast %add3A_189 : i32 to vector<16xi32>
        %select_n3A_202 = arith.select %gt3A_199, %broadcast_in_dim3A_201, %select_n3A_185 : vector<16xi1>, vector<16xi32>
        scf.yield %select_n3A_200, %select_n3A_202 : vector<16xf32>, vector<16xi32>
      }
      %while3A_131 = arith.constant 1 : i32
      %while3A_132:2 = scf.for %while3A_168 = %while3A_128 to %while3A_124 step %while3A_131 iter_args(%while3A_169 = %while3A_130#0, %while3A_170 = %while3A_130#1) -> (vector<16xf32>, vector<16xi32>)  : i32 {
        %mul3A_171 = arith.constant 2 : i32
        %mul3A_172 = arith.muli %while3A_168, %mul3A_171 : i32
        %add3A_173 = arith.constant 0 : i32
        %add3A_174 = arith.addi %mul3A_172, %add3A_173 : i32
        %mul3A_175 = arith.constant 16 : i32
        %mul3A_176 = arith.muli %add3A_174, %mul3A_175 : i32
        %get3A = arith.index_cast %mul3A_176 : i32 to index
        %get3A_177 = tpu.vector_load %arg8[%get3A] {strides = array<i32>} : memref<2048xf32, #tpu.memory_space<vmem>>, vector<16xf32>,
        %lt3A_178 = vector.broadcast %add3A_174 : i32 to vector<16xi32>
        %lt3A_179 = arith.cmpi slt, %lt3A_178, %scan3A_61#1 : vector<16xi32>
        %jit3A_180 = arith.constant -3.000000e+38 : f32
        %broadcast_in_dim3A_181 = vector.broadcast %jit3A_180 : f32 to vector<16xf32>
        %select_n3A_182 = arith.select %lt3A_179, %get3A_177, %broadcast_in_dim3A_181 : vector<16xi1>, vector<16xf32>
        %gt3A = arith.cmpf ogt, %select_n3A_182, %while3A_169 : vector<16xf32>
        %select_n3A_183 = arith.select %gt3A, %select_n3A_182, %while3A_169 : vector<16xi1>, vector<16xf32>
        %broadcast_in_dim3A_184 = vector.broadcast %add3A_174 : i32 to vector<16xi32>
        %select_n3A_185 = arith.select %gt3A, %broadcast_in_dim3A_184, %while3A_170 : vector<16xi1>, vector<16xi32>
        %mul3A_186 = arith.constant 2 : i32
        %mul3A_187 = arith.muli %while3A_168, %mul3A_186 : i32
        %add3A_188 = arith.constant 1 : i32
        %add3A_189 = arith.addi %mul3A_187, %add3A_188 : i32
        %mul3A_190 = arith.constant 16 : i32
        %mul3A_191 = arith.muli %add3A_189, %mul3A_190 : i32
        %get3A_192 = arith.index_cast %mul3A_191 : i32 to index
        %get3A_193 = tpu.vector_load %arg8[%get3A_192] {strides = array<i32>} : memref<2048xf32, #tpu.memory_space<vmem>>, vector<16xf32>,
        %lt3A_194 = vector.broadcast %add3A_189 : i32 to vector<16xi32>
        %lt3A_195 = arith.cmpi slt, %lt3A_194, %scan3A_61#1 : vector<16xi32>
        %jit3A_196 = arith.constant -3.000000e+38 : f32
        %broadcast_in_dim3A_197 = vector.broadcast %jit3A_196 : f32 to vector<16xf32>
        %select_n3A_198 = arith.select %lt3A_195, %get3A_193, %broadcast_in_dim3A_197 : vector<16xi1>, vector<16xf32>
        %gt3A_199 = arith.cmpf ogt, %select_n3A_198, %select_n3A_183 : vector<16xf32>
        %select_n3A_200 = arith.select %gt3A_199, %select_n3A_198, %select_n3A_183 : vector<16xi1>, vector<16xf32>
        %broadcast_in_dim3A_201 = vector.broadcast %add3A_189 : i32 to vector<16xi32>
        %select_n3A_202 = arith.select %gt3A_199, %broadcast_in_dim3A_201, %select_n3A_185 : vector<16xi1>, vector<16xi32>
        scf.yield %select_n3A_200, %select_n3A_202 : vector<16xf32>, vector<16xi32>
      }
      %reduce_max3A_133 = arith.constant true
      %reduce_max3A_134 = vector.broadcast %reduce_max3A_133 : i1 to vector<16xi1>
      %reduce_max3A_135 = tpu.scan <max>, %while3A_132#0 masked %reduce_max3A_134 : vector<16xf32>, vector<16xi1> -> vector<16xf32>
      %reduce_max3A_136 = vector.extract %reduce_max3A_135[15] : f32 from vector<16xf32>
      %eq3A_137 = vector.broadcast %reduce_max3A_136 : f32 to vector<16xf32>
      %eq3A_138 = arith.cmpf oeq, %while3A_132#0, %eq3A_137 : vector<16xf32>
      %mul3A_139 = arith.constant 16 : i32
      %mul3A_140 = vector.broadcast %mul3A_139 : i32 to vector<16xi32>
      %mul3A_141 = arith.muli %while3A_132#1, %mul3A_140 : vector<16xi32>
      %add3A_142 = arith.addi %mul3A_141, %iota3A_70 : vector<16xi32>
      %jit3A_143 = arith.constant 1073741824 : i32
      %broadcast_in_dim3A_144 = vector.broadcast %jit3A_143 : i32 to vector<16xi32>
      %select_n3A_145 = arith.select %eq3A_138, %add3A_142, %broadcast_in_dim3A_144 : vector<16xi1>, vector<16xi32>
      %reduce_min3A_146 = arith.constant true
      %reduce_min3A_147 = vector.broadcast %reduce_min3A_146 : i1 to vector<16xi1>
      %reduce_min3A_148 = arith.constant -2147483648 : i32
      %reduce_min3A_149 = vector.broadcast %reduce_min3A_148 : i32 to vector<16xi32>
      %reduce_min3A_150 = arith.xori %select_n3A_145, %reduce_min3A_149 : vector<16xi32>
      %reduce_min3A_151 = tpu.scan <min>, %reduce_min3A_150 masked %reduce_min3A_147 : vector<16xi32>, vector<16xi1> -> vector<16xi32>
      %reduce_min3A_152 = arith.xori %reduce_min3A_151, %reduce_min3A_149 : vector<16xi32>
      %reduce_min3A_153 = vector.extract %reduce_min3A_152[15] : i32 from vector<16xi32>
      %broadcast_in_dim3A_154 = arith.constant 0 : i32
      %broadcast_in_dim3A_155 = vector.broadcast %broadcast_in_dim3A_154 : i32 to vector<16xi32>
      %add3A_156 = vector.broadcast %reduce_min3A_153 : i32 to vector<16xi32>
      %add3A_157 = arith.addi %broadcast_in_dim3A_155, %add3A_156 : vector<16xi32>
      %gather3A = tpu.vector_load_idx %arg9[%add3A_157] : memref<2048xi32, #tpu.memory_space<vmem>>[vector<16xi32>], vector<16xi32>,
      %broadcast_in_dim3A_158 = arith.constant 0 : i32
      %broadcast_in_dim3A_159 = vector.broadcast %broadcast_in_dim3A_158 : i32 to vector<16xi32>
      %add3A_160 = vector.broadcast %scan3A_91 : i32 to vector<16xi32>
      %add3A_161 = arith.addi %broadcast_in_dim3A_159, %add3A_160 : vector<16xi32>
      %broadcast_in_dim3A_162 = arith.constant 0.000000e+00 : f32
      %broadcast_in_dim3A_163 = vector.broadcast %broadcast_in_dim3A_162 : f32 to vector<16xf32>
      %add3A_164 = vector.broadcast %reduce_max3A_136 : f32 to vector<16xf32>
      %add3A_165 = arith.addf %broadcast_in_dim3A_163, %add3A_164 : vector<16xf32>
      tpu.vector_store_idx %arg10[%add3A_161], %add3A_165 masked %eq3A_73 : memref<64xf32, #tpu.memory_space<vmem>>[vector<16xi32>], vector<16xf32>, vector<16xi1>
      tpu.vector_store_idx %arg11[%add3A_161], %gather3A masked %eq3A_73 : memref<64xi32, #tpu.memory_space<vmem>>[vector<16xi32>], vector<16xi32>, vector<16xi1>
      %broadcast_in_dim3A_166 = arith.constant -3.000000e+38 : f32
      %broadcast_in_dim3A_167 = vector.broadcast %broadcast_in_dim3A_166 : f32 to vector<16xf32>
      tpu.vector_store_idx %arg8[%add3A_157], %broadcast_in_dim3A_167 masked %eq3A_73 : memref<2048xf32, #tpu.memory_space<vmem>>[vector<16xi32>], vector<16xf32>, vector<16xi1>
      scf.yield %reduce_max3A_136 : f32
    }
    %scan3A_80 = arith.constant 64 : i32
    %dma_start3A = arith.constant 0 : i32
    %dma_start3A_81 = arith.constant 0 : i32
    %dma_start3A_82 = tpu.memref_slice %arg3[%dma_start3A, %dma_start3A_81] : memref<262144x256xf32, #tpu.memory_space<hbm>> -> memref<262144x256xf32, #tpu.memory_space<hbm>>
    tpu.enqueue_indirect_dma source(%dma_start3A_82 : memref<262144x256xf32, #tpu.memory_space<hbm>>) target(%arg12 : memref<64x256xf32, #tpu.memory_space<vmem>>) offsets(%arg11 : memref<64xi32, #tpu.memory_space<vmem>>) semaphore(%arg13 : memref<!tpu.dma_semaphore, #tpu.memory_space<semaphore_mem>>)
    %dma_wait3A = arith.constant 0 : i32
    %dma_wait3A_83 = arith.constant 0 : i32
    %dma_wait3A_84 = tpu.memref_slice %arg3[%dma_wait3A, %dma_wait3A_83] : memref<262144x256xf32, #tpu.memory_space<hbm>> -> memref<262144x256xf32, #tpu.memory_space<hbm>>
    tpu.wait_indirect_dma semaphore(%arg13 : memref<!tpu.dma_semaphore, #tpu.memory_space<semaphore_mem>>) src(%dma_wait3A_84 : memref<262144x256xf32, #tpu.memory_space<hbm>>) dst(%arg12 : memref<64x256xf32, #tpu.memory_space<vmem>>)
    %mul3A_85 = arith.constant 64 : i32
    %mul3A_86 = arith.muli %add3A_37, %mul3A_85 : i32
    "tpu.region"() ({
      %run_scoped3A = tpu.sem_alloc : memref<!tpu.dma_semaphore, #tpu.memory_space<semaphore_mem>>
      %dma_start3A_91 = tpu.memref_slice %arg4[%mul3A_86] : memref<2048xf32, #tpu.memory_space<hbm>> -> memref<64xf32, #tpu.memory_space<hbm>>
      %dma_start3A_92 = tpu.memref_slice %arg4[%mul3A_86] : memref<2048xf32, #tpu.memory_space<hbm>> -> memref<64xf32, #tpu.memory_space<hbm>>
      tpu.enqueue_dma source(%arg10 : memref<64xf32, #tpu.memory_space<vmem>>) target(%dma_start3A_92 : memref<64xf32, #tpu.memory_space<hbm>>) target_semaphore(%run_scoped3A : memref<!tpu.dma_semaphore, #tpu.memory_space<semaphore_mem>>)
      %dma_wait3A_93 = tpu.memref_slice %arg4[%mul3A_86] : memref<2048xf32, #tpu.memory_space<hbm>> -> memref<64xf32, #tpu.memory_space<hbm>>
      %dma_wait3A_94 = tpu.memref_slice %arg4[%mul3A_86] : memref<2048xf32, #tpu.memory_space<hbm>> -> memref<64xf32, #tpu.memory_space<hbm>>
      tpu.wait_dma2 semaphore(%run_scoped3A : memref<!tpu.dma_semaphore, #tpu.memory_space<semaphore_mem>>) src(%arg10 : memref<64xf32, #tpu.memory_space<vmem>>) dst(%dma_wait3A_94 : memref<64xf32, #tpu.memory_space<hbm>>)
      tpu.yield
    }) : () -> ()
    %mul3A_87 = arith.constant 64 : i32
    %mul3A_88 = arith.muli %add3A_37, %mul3A_87 : i32
    "tpu.region"() ({
      %run_scoped3A = tpu.sem_alloc : memref<!tpu.dma_semaphore, #tpu.memory_space<semaphore_mem>>
      %dma_start3A_91 = tpu.memref_slice %arg5[%mul3A_88] : memref<2048xi32, #tpu.memory_space<hbm>> -> memref<64xi32, #tpu.memory_space<hbm>>
      %dma_start3A_92 = tpu.memref_slice %arg5[%mul3A_88] : memref<2048xi32, #tpu.memory_space<hbm>> -> memref<64xi32, #tpu.memory_space<hbm>>
      tpu.enqueue_dma source(%arg11 : memref<64xi32, #tpu.memory_space<vmem>>) target(%dma_start3A_92 : memref<64xi32, #tpu.memory_space<hbm>>) target_semaphore(%run_scoped3A : memref<!tpu.dma_semaphore, #tpu.memory_space<semaphore_mem>>)
      %dma_wait3A_93 = tpu.memref_slice %arg5[%mul3A_88] : memref<2048xi32, #tpu.memory_space<hbm>> -> memref<64xi32, #tpu.memory_space<hbm>>
      %dma_wait3A_94 = tpu.memref_slice %arg5[%mul3A_88] : memref<2048xi32, #tpu.memory_space<hbm>> -> memref<64xi32, #tpu.memory_space<hbm>>
      tpu.wait_dma2 semaphore(%run_scoped3A : memref<!tpu.dma_semaphore, #tpu.memory_space<semaphore_mem>>) src(%arg11 : memref<64xi32, #tpu.memory_space<vmem>>) dst(%dma_wait3A_94 : memref<64xi32, #tpu.memory_space<hbm>>)
      tpu.yield
    }) : () -> ()
    %mul3A_89 = arith.constant 64 : i32
    %mul3A_90 = arith.muli %add3A_37, %mul3A_89 : i32
    "tpu.region"() ({
      %run_scoped3A = tpu.sem_alloc : memref<!tpu.dma_semaphore, #tpu.memory_space<semaphore_mem>>
      %dma_start3A_91 = arith.constant 0 : i32
      %dma_start3A_92 = tpu.memref_slice %arg6[%mul3A_90, %dma_start3A_91] : memref<2048x256xf32, #tpu.memory_space<hbm>> -> memref<64x256xf32, #tpu.memory_space<hbm>>
      %dma_start3A_93 = arith.constant 0 : i32
      %dma_start3A_94 = tpu.memref_slice %arg6[%mul3A_90, %dma_start3A_93] : memref<2048x256xf32, #tpu.memory_space<hbm>> -> memref<64x256xf32, #tpu.memory_space<hbm>>
      tpu.enqueue_dma source(%arg12 : memref<64x256xf32, #tpu.memory_space<vmem>>) target(%dma_start3A_94 : memref<64x256xf32, #tpu.memory_space<hbm>>) target_semaphore(%run_scoped3A : memref<!tpu.dma_semaphore, #tpu.memory_space<semaphore_mem>>)
      %dma_wait3A_95 = arith.constant 0 : i32
      %dma_wait3A_96 = tpu.memref_slice %arg6[%mul3A_90, %dma_wait3A_95] : memref<2048x256xf32, #tpu.memory_space<hbm>> -> memref<64x256xf32, #tpu.memory_space<hbm>>
      %dma_wait3A_97 = arith.constant 0 : i32
      %dma_wait3A_98 = tpu.memref_slice %arg6[%mul3A_90, %dma_wait3A_97] : memref<2048x256xf32, #tpu.memory_space<hbm>> -> memref<64x256xf32, #tpu.memory_space<hbm>>
      tpu.wait_dma2 semaphore(%run_scoped3A : memref<!tpu.dma_semaphore, #tpu.memory_space<semaphore_mem>>) src(%arg12 : memref<64x256xf32, #tpu.memory_space<vmem>>) dst(%dma_wait3A_98 : memref<64x256xf32, #tpu.memory_space<hbm>>)
      tpu.yield
    }) : () -> ()
    return
  }
}

module attributes {stable_mosaic.version = 14 : i64} {
  func.func @_scores_body(%arg0: i32, %arg1: memref<8x256xf32, #tpu.memory_space<vmem>>, %arg2: memref<8192x256xf32, #tpu.memory_space<vmem>>, %arg3: memref<8x8192xf32, #tpu.memory_space<vmem>>) attributes {dimension_semantics = [#tpu.dimension_semantics<arbitrary>], iteration_bounds = array<i64: 16>, scalar_prefetch = 0 : i64, scratch_operands = 0 : i64, tpu.core_type = #tpu.core_type<tc>, window_params = [{pipeline_mode = #tpu.pipeline_mode<synchronous>, transform_indices = @transform_0, window_bounds = array<i64: 8, 256>}, {transform_indices = @transform_1, window_bounds = array<i64: 8192, 256>}, {transform_indices = @transform_2, window_bounds = array<i64: 8, 8192>}]} {
    %get3A = arith.constant 0 : index
    %get3A_0 = arith.constant 0 : index
    %get3A_1 = vector.load %arg1[%get3A, %get3A_0] : memref<8x256xf32, #tpu.memory_space<vmem>>, vector<8x256xf32>
    %get3A_2 = arith.constant 0 : index
    %get3A_3 = arith.constant 0 : index
    %get3A_4 = vector.load %arg2[%get3A_2, %get3A_3] : memref<8192x256xf32, #tpu.memory_space<vmem>>, vector<8192x256xf32>
    %dot_general3A = arith.constant dense<0.000000e+00> : vector<8x8192xf32>
    %dot_general3A_5 = tpu.matmul %get3A_1, %get3A_4, %dot_general3A {dimension_numbers = #tpu.dot_dimension_numbers<[1], [1], [0], [0], [0, 0, 1, 0], [], []>, transpose_lhs_hint = false} : vector<8x256xf32>, vector<8192x256xf32>, vector<8x8192xf32> -> vector<8x8192xf32>
    %swap3A = arith.constant 0 : index
    %swap3A_6 = arith.constant 0 : index
    %swap3A_7 = vector.load %arg3[%swap3A, %swap3A_6] : memref<8x8192xf32, #tpu.memory_space<vmem>>, vector<8x8192xf32>
    tpu.vector_store %arg3[%swap3A, %swap3A_6], %dot_general3A_5 {strides = array<i32>} : memref<8x8192xf32, #tpu.memory_space<vmem>>, vector<8x8192xf32>,
    return
  }
  func.func @transform_0(%arg0: i32) -> (i32, i32) {
    %c0_i32 = arith.constant 0 : i32
    %c0_i32_0 = arith.constant 0 : i32
    %c0_i32_1 = arith.constant 0 : i32
    return %c0_i32, %c0_i32_0 : i32, i32
  }
  func.func @transform_1(%arg0: i32) -> (i32, i32) {
    %add3A = arith.constant 0 : i32
    %add3A_0 = arith.addi %arg0, %add3A : i32
    %c0_i32 = arith.constant 0 : i32
    %c0_i32_1 = arith.constant 0 : i32
    return %add3A_0, %c0_i32 : i32, i32
  }
  func.func @transform_2(%arg0: i32) -> (i32, i32) {
    %c0_i32 = arith.constant 0 : i32
    %c0_i32_0 = arith.constant 0 : i32
    return %c0_i32, %arg0 : i32, i32
  }
}

module attributes {stable_mosaic.version = 14 : i64} {
  func.func @_encode_body(%arg0: i32, %arg1: memref<512x256xf32, #tpu.memory_space<vmem>>, %arg2: memref<256x256xf32, #tpu.memory_space<vmem>>, %arg3: memref<1x256xf32, #tpu.memory_space<vmem>>, %arg4: memref<1x256xf32, #tpu.memory_space<vmem>>, %arg5: memref<1x128xf32, #tpu.memory_space<vmem>>, %arg6: memref<1x512x256xf32, #tpu.memory_space<vmem>>, %arg7: memref<8x256xf32, #tpu.memory_space<vmem>>, %arg8: memref<8x128xf32, #tpu.memory_space<vmem>>) attributes {dimension_semantics = [#tpu.dimension_semantics<arbitrary>], iteration_bounds = array<i64: 8>, scalar_prefetch = 0 : i64, scratch_operands = 0 : i64, tpu.core_type = #tpu.core_type<tc>, window_params = [{transform_indices = @transform_0, window_bounds = array<i64: 512, 256>}, {pipeline_mode = #tpu.pipeline_mode<synchronous>, transform_indices = @transform_1, window_bounds = array<i64: 256, 256>}, {pipeline_mode = #tpu.pipeline_mode<synchronous>, transform_indices = @transform_2, window_bounds = array<i64: 1, 256>}, {pipeline_mode = #tpu.pipeline_mode<synchronous>, transform_indices = @transform_3, window_bounds = array<i64: 1, 256>}, {pipeline_mode = #tpu.pipeline_mode<synchronous>, transform_indices = @transform_4, window_bounds = array<i64: 1, 128>}, {transform_indices = @transform_5, window_bounds = array<i64: 1, 512, 256>}, {pipeline_mode = #tpu.pipeline_mode<synchronous>, transform_indices = @transform_6, window_bounds = array<i64: 8, 256>}, {pipeline_mode = #tpu.pipeline_mode<synchronous>, transform_indices = @transform_7, window_bounds = array<i64: 8, 128>}]} {
    %get3A = arith.constant 0 : index
    %get3A_0 = arith.constant 0 : index
    %get3A_1 = vector.load %arg1[%get3A, %get3A_0] : memref<512x256xf32, #tpu.memory_space<vmem>>, vector<512x256xf32>
    %get3A_2 = arith.constant 0 : index
    %get3A_3 = arith.constant 0 : index
    %get3A_4 = vector.load %arg2[%get3A_2, %get3A_3] : memref<256x256xf32, #tpu.memory_space<vmem>>, vector<256x256xf32>
    %dot_general3A = arith.constant dense<0.000000e+00> : vector<512x256xf32>
    %dot_general3A_5 = tpu.matmul %get3A_1, %get3A_4, %dot_general3A {dimension_numbers = #tpu.dot_dimension_numbers<[1], [0], [0], [1], [0, 0, 1, 1], [], []>, transpose_lhs_hint = false} : vector<512x256xf32>, vector<256x256xf32>, vector<512x256xf32> -> vector<512x256xf32>
    %get3A_6 = arith.constant 0 : index
    %get3A_7 = arith.constant 0 : index
    %get3A_8 = vector.load %arg3[%get3A_6, %get3A_7] : memref<1x256xf32, #tpu.memory_space<vmem>>, vector<1x256xf32>
    %add3A = vector.broadcast %get3A_8 : vector<1x256xf32> to vector<512x256xf32>
    %add3A_9 = arith.addf %dot_general3A_5, %add3A : vector<512x256xf32>
    %integer_pow3A = arith.mulf %add3A_9, %add3A_9 : vector<512x256xf32>
    %integer_pow3A_10 = arith.mulf %add3A_9, %integer_pow3A : vector<512x256xf32>
    %mul3A = arith.constant 4.471500e-02 : f32
    %mul3A_11 = vector.broadcast %mul3A : f32 to vector<512x256xf32>
    %mul3A_12 = arith.mulf %mul3A_11, %integer_pow3A_10 : vector<512x256xf32>
    %add3A_13 = arith.addf %add3A_9, %mul3A_12 : vector<512x256xf32>
    %mul3A_14 = arith.constant 0.797884583 : f32
    %mul3A_15 = vector.broadcast %mul3A_14 : f32 to vector<512x256xf32>
    %mul3A_16 = arith.mulf %mul3A_15, %add3A_13 : vector<512x256xf32>
    %tanh3A = math.tanh %mul3A_16 : vector<512x256xf32>
    %add3A_17 = arith.constant 1.000000e+00 : f32
    %add3A_18 = vector.broadcast %add3A_17 : f32 to vector<512x256xf32>
    %add3A_19 = arith.addf %add3A_18, %tanh3A : vector<512x256xf32>
    %mul3A_20 = arith.constant 5.000000e-01 : f32
    %mul3A_21 = vector.broadcast %mul3A_20 : f32 to vector<512x256xf32>
    %mul3A_22 = arith.mulf %mul3A_21, %add3A_19 : vector<512x256xf32>
    %mul3A_23 = arith.mulf %add3A_9, %mul3A_22 : vector<512x256xf32>
    %swap3A = arith.constant 0 : index
    %swap3A_24 = arith.constant 0 : index
    %swap3A_25 = arith.constant 0 : index
    %swap3A_26 = vector.load %arg6[%swap3A, %swap3A_24, %swap3A_25] : memref<1x512x256xf32, #tpu.memory_space<vmem>>, vector<1x512x256xf32>
    %swap3A_27 = vector.shape_cast %swap3A_26 : vector<1x512x256xf32> to vector<512x256xf32>
    %swap3A_28 = vector.shape_cast %mul3A_23 : vector<512x256xf32> to vector<1x512x256xf32>
    tpu.vector_store %arg6[%swap3A, %swap3A_24, %swap3A_25], %swap3A_28 {strides = array<i32>} : memref<1x512x256xf32, #tpu.memory_space<vmem>>, vector<1x512x256xf32>,
    %reduce_sum3A = arith.constant dense<0.000000e+00> : vector<256xf32>
    %reduce_sum3A_29 = vector.multi_reduction <add>, %mul3A_23, %reduce_sum3A [0] : vector<512x256xf32> to vector<256xf32>
    %broadcast_in_dim3A = vector.shape_cast %reduce_sum3A_29 : vector<256xf32> to vector<1x256xf32>
    %div3A = arith.constant 5.120000e+02 : f32
    %div3A_30 = vector.broadcast %div3A : f32 to vector<1x256xf32>
    %div3A_31 = arith.divf %broadcast_in_dim3A, %div3A_30 : vector<1x256xf32>
    %get3A_32 = arith.constant 0 : index
    %get3A_33 = arith.constant 0 : index
    %get3A_34 = vector.load %arg4[%get3A_32, %get3A_33] : memref<1x256xf32, #tpu.memory_space<vmem>>, vector<1x256xf32>
    %mul3A_35 = arith.mulf %div3A_31, %get3A_34 : vector<1x256xf32>
    %reduce_sum3A_36 = vector.shape_cast %mul3A_35 : vector<1x256xf32> to vector<1x1x256xf32>
    %reduce_sum3A_37 = arith.constant dense<0.000000e+00> : vector<1xf32>
    %reduce_sum3A_38 = vector.multi_reduction <add>, %reduce_sum3A_36, %reduce_sum3A_37 [1, 2] : vector<1x1x256xf32> to vector<1xf32>
    %reduce_sum3A_39 = vector.shape_cast %reduce_sum3A_38 : vector<1xf32> to vector<1x1x1xf32>
    %reduce_sum3A_40 = vector.extract %reduce_sum3A_39[0, 0, 0] : f32 from vector<1x1x1xf32>
    %get3A_41 = arith.constant 0 : index
    %get3A_42 = arith.constant 0 : index
    %get3A_43 = vector.load %arg5[%get3A_41, %get3A_42] : memref<1x128xf32, #tpu.memory_space<vmem>>, vector<1x1xf32>
    %get3A_44 = vector.extract %get3A_43[0, 0] : f32 from vector<1x1xf32>
    %add3A_45 = arith.addf %reduce_sum3A_40, %get3A_44 : f32
    %logistic3A = arith.negf %add3A_45 : f32
    %logistic3A_46 = math.exp %logistic3A : f32
    %logistic3A_47 = arith.constant 1.000000e+00 : f32
    %logistic3A_48 = arith.addf %logistic3A_47, %logistic3A_46 : f32
    %logistic3A_49 = arith.divf %logistic3A_47, %logistic3A_48 : f32
    %mul3A_50 = arith.constant 5.600000e+01 : f32
    %mul3A_51 = arith.mulf %logistic3A_49, %mul3A_50 : f32
    %floor3A = math.floor %mul3A_51 : f32
    %add3A_52 = arith.constant 8.000000e+00 : f32
    %add3A_53 = arith.addf %add3A_52, %floor3A : f32
    %swap3A_54 = arith.index_cast %arg0 : i32 to index
    %swap3A_55 = arith.constant 0 : index
    %swap3A_56 = vector.load %arg7[%swap3A_54, %swap3A_55] : memref<8x256xf32, #tpu.memory_space<vmem>>, vector<1x256xf32>
    tpu.vector_store %arg7[%swap3A_54, %swap3A_55], %div3A_31 {strides = array<i32>} : memref<8x256xf32, #tpu.memory_space<vmem>>, vector<1x256xf32>,
    %iota3A = tpu.iota {dimensions = array<i32: 0>} : vector<8x128xi32>
    %eq3A = vector.broadcast %arg0 : i32 to vector<8x128xi32>
    %eq3A_57 = arith.cmpi eq, %iota3A, %eq3A : vector<8x128xi32>
    %eq3A_58 = arith.constant 0 : i32
    %eq3A_59 = arith.cmpi eq, %arg0, %eq3A_58 : i32
    %convert_element_type3A = arith.extui %eq3A_59 : i1 to i32
    %cond3A = arith.constant 0 : i32
    %cond3A_60 = arith.cmpi ne, %convert_element_type3A, %cond3A : i32
    scf.if %cond3A_60 {
      %broadcast_in_dim3A_68 = arith.constant 0.000000e+00 : f32
      %broadcast_in_dim3A_69 = vector.broadcast %broadcast_in_dim3A_68 : f32 to vector<8x128xf32>
      %swap3A_70 = arith.constant 0 : index
      %swap3A_71 = arith.constant 0 : index
      %swap3A_72 = vector.load %arg8[%swap3A_70, %swap3A_71] : memref<8x128xf32, #tpu.memory_space<vmem>>, vector<8x128xf32>
      tpu.vector_store %arg8[%swap3A_70, %swap3A_71], %broadcast_in_dim3A_69 {strides = array<i32>} : memref<8x128xf32, #tpu.memory_space<vmem>>, vector<8x128xf32>,
    } else {
    }
    %get3A_61 = arith.constant 0 : index
    %get3A_62 = arith.constant 0 : index
    %get3A_63 = vector.load %arg8[%get3A_61, %get3A_62] : memref<8x128xf32, #tpu.memory_space<vmem>>, vector<8x128xf32>
    %broadcast_in_dim3A_64 = vector.broadcast %add3A_53 : f32 to vector<8x128xf32>
    %select_n3A = arith.select %eq3A_57, %broadcast_in_dim3A_64, %get3A_63 : vector<8x128xi1>, vector<8x128xf32>
    %swap3A_65 = arith.constant 0 : index
    %swap3A_66 = arith.constant 0 : index
    %swap3A_67 = vector.load %arg8[%swap3A_65, %swap3A_66] : memref<8x128xf32, #tpu.memory_space<vmem>>, vector<8x128xf32>
    tpu.vector_store %arg8[%swap3A_65, %swap3A_66], %select_n3A {strides = array<i32>} : memref<8x128xf32, #tpu.memory_space<vmem>>, vector<8x128xf32>,
    return
  }
  func.func @transform_0(%arg0: i32) -> (i32, i32) {
    %c0_i32 = arith.constant 0 : i32
    %c0_i32_0 = arith.constant 0 : i32
    return %arg0, %c0_i32 : i32, i32
  }
  func.func @transform_1(%arg0: i32) -> (i32, i32) {
    %c0_i32 = arith.constant 0 : i32
    %c0_i32_0 = arith.constant 0 : i32
    %c0_i32_1 = arith.constant 0 : i32
    return %c0_i32, %c0_i32_0 : i32, i32
  }
  func.func @transform_2(%arg0: i32) -> (i32, i32) {
    %c0_i32 = arith.constant 0 : i32
    %c0_i32_0 = arith.constant 0 : i32
    %c0_i32_1 = arith.constant 0 : i32
    return %c0_i32, %c0_i32_0 : i32, i32
  }
  func.func @transform_3(%arg0: i32) -> (i32, i32) {
    %c0_i32 = arith.constant 0 : i32
    %c0_i32_0 = arith.constant 0 : i32
    %c0_i32_1 = arith.constant 0 : i32
    return %c0_i32, %c0_i32_0 : i32, i32
  }
  func.func @transform_4(%arg0: i32) -> (i32, i32) {
    %c0_i32 = arith.constant 0 : i32
    %c0_i32_0 = arith.constant 0 : i32
    %c0_i32_1 = arith.constant 0 : i32
    return %c0_i32, %c0_i32_0 : i32, i32
  }
  func.func @transform_5(%arg0: i32) -> (i32, i32, i32) {
    %c0_i32 = arith.constant 0 : i32
    %c0_i32_0 = arith.constant 0 : i32
    %c0_i32_1 = arith.constant 0 : i32
    return %arg0, %c0_i32, %c0_i32_0 : i32, i32, i32
  }
  func.func @transform_6(%arg0: i32) -> (i32, i32) {
    %c0_i32 = arith.constant 0 : i32
    %c0_i32_0 = arith.constant 0 : i32
    %c0_i32_1 = arith.constant 0 : i32
    return %c0_i32, %c0_i32_0 : i32, i32
  }
  func.func @transform_7(%arg0: i32) -> (i32, i32) {
    %c0_i32 = arith.constant 0 : i32
    %c0_i32_0 = arith.constant 0 : i32
    %c0_i32_1 = arith.constant 0 : i32
    return %c0_i32, %c0_i32_0 : i32, i32
  }
}

module attributes {stable_mosaic.version = 14 : i64} {
  func.func @_scores_body(%arg0: i32, %arg1: memref<8x256xf32, #tpu.memory_space<vmem>>, %arg2: memref<8192x256xf32, #tpu.memory_space<vmem>>, %arg3: memref<8x8192xf32, #tpu.memory_space<vmem>>) attributes {dimension_semantics = [#tpu.dimension_semantics<arbitrary>], iteration_bounds = array<i64: 16>, scalar_prefetch = 0 : i64, scratch_operands = 0 : i64, tpu.core_type = #tpu.core_type<tc>, window_params = [{pipeline_mode = #tpu.pipeline_mode<synchronous>, transform_indices = @transform_0, window_bounds = array<i64: 8, 256>}, {transform_indices = @transform_1, window_bounds = array<i64: 8192, 256>}, {transform_indices = @transform_2, window_bounds = array<i64: 8, 8192>}]} {
    %get3A = arith.constant 0 : index
    %get3A_0 = arith.constant 0 : index
    %get3A_1 = vector.load %arg1[%get3A, %get3A_0] : memref<8x256xf32, #tpu.memory_space<vmem>>, vector<8x256xf32>
    %get3A_2 = arith.constant 0 : index
    %get3A_3 = arith.constant 0 : index
    %get3A_4 = vector.load %arg2[%get3A_2, %get3A_3] : memref<8192x256xf32, #tpu.memory_space<vmem>>, vector<8192x256xf32>
    %dot_general3A = arith.constant dense<0.000000e+00> : vector<8x8192xf32>
    %dot_general3A_5 = tpu.matmul %get3A_1, %get3A_4, %dot_general3A {dimension_numbers = #tpu.dot_dimension_numbers<[1], [1], [0], [0], [0, 0, 1, 0], [], []>, transpose_lhs_hint = false} : vector<8x256xf32>, vector<8192x256xf32>, vector<8x8192xf32> -> vector<8x8192xf32>
    %swap3A = arith.constant 0 : index
    %swap3A_6 = arith.constant 0 : index
    %swap3A_7 = vector.load %arg3[%swap3A, %swap3A_6] : memref<8x8192xf32, #tpu.memory_space<vmem>>, vector<8x8192xf32>
    tpu.vector_store %arg3[%swap3A, %swap3A_6], %dot_general3A_5 {strides = array<i32>} : memref<8x8192xf32, #tpu.memory_space<vmem>>, vector<8x8192xf32>,
    return
  }
  func.func @transform_0(%arg0: i32) -> (i32, i32) {
    %c0_i32 = arith.constant 0 : i32
    %c0_i32_0 = arith.constant 0 : i32
    %c0_i32_1 = arith.constant 0 : i32
    return %c0_i32, %c0_i32_0 : i32, i32
  }
  func.func @transform_1(%arg0: i32) -> (i32, i32) {
    %add3A = arith.constant 16 : i32
    %add3A_0 = arith.addi %arg0, %add3A : i32
    %c0_i32 = arith.constant 0 : i32
    %c0_i32_1 = arith.constant 0 : i32
    return %add3A_0, %c0_i32 : i32, i32
  }
  func.func @transform_2(%arg0: i32) -> (i32, i32) {
    %c0_i32 = arith.constant 0 : i32
    %c0_i32_0 = arith.constant 0 : i32
    return %c0_i32, %arg0 : i32, i32
  }
}

module attributes {stable_mosaic.version = 14 : i64} {
  func.func @_integrate_body(%arg0: i32, %arg1: memref<1x512x256xf32, #tpu.memory_space<vmem>>, %arg2: memref<8x256xf32, #tpu.memory_space<vmem>>, %arg3: memref<8x256xi32, #tpu.memory_space<vmem>>, %arg4: memref<1x256x256xf32, #tpu.memory_space<vmem>>, %arg5: memref<8x256xf32, #tpu.memory_space<vmem>>, %arg6: memref<8x256xi32, #tpu.memory_space<vmem>>, %arg7: memref<1x256x256xf32, #tpu.memory_space<vmem>>, %arg8: memref<8x128xf32, #tpu.memory_space<vmem>>, %arg9: memref<512x8xf32, #tpu.memory_space<vmem>>, %arg10: memref<512x8xf32, #tpu.memory_space<vmem>>, %arg11: memref<256x256xf32, #tpu.memory_space<vmem>>, %arg12: memref<256x256xf32, #tpu.memory_space<vmem>>, %arg13: memref<1x256xf32, #tpu.memory_space<vmem>>, %arg14: memref<256x256xf32, #tpu.memory_space<vmem>>, %arg15: memref<1x256xf32, #tpu.memory_space<vmem>>, %arg16: memref<1x256xf32, #tpu.memory_space<vmem>>, %arg17: memref<1x256xf32, #tpu.memory_space<vmem>>, %arg18: memref<1x256xf32, #tpu.memory_space<vmem>>, %arg19: memref<1x128xf32, #tpu.memory_space<vmem>>, %arg20: memref<1x256xf32, #tpu.memory_space<vmem>>, %arg21: memref<1x128xf32, #tpu.memory_space<vmem>>, %arg22: memref<1x512x256xf32, #tpu.memory_space<vmem>>, %arg23: memref<512x8xf32, #tpu.memory_space<vmem>>, %arg24: memref<512x8xf32, #tpu.memory_space<vmem>>, %arg25: memref<8x256xf32, #tpu.memory_space<vmem>>, %arg26: memref<8x128xf32, #tpu.memory_space<vmem>>) attributes {dimension_semantics = [#tpu.dimension_semantics<arbitrary>], iteration_bounds = array<i64: 8>, scalar_prefetch = 0 : i64, scratch_operands = 0 : i64, tpu.core_type = #tpu.core_type<tc>, window_params = [{transform_indices = @transform_0, window_bounds = array<i64: 1, 512, 256>}, {pipeline_mode = #tpu.pipeline_mode<synchronous>, transform_indices = @transform_1, window_bounds = array<i64: 8, 256>}, {pipeline_mode = #tpu.pipeline_mode<synchronous>, transform_indices = @transform_2, window_bounds = array<i64: 8, 256>}, {transform_indices = @transform_3, window_bounds = array<i64: 1, 256, 256>}, {pipeline_mode = #tpu.pipeline_mode<synchronous>, transform_indices = @transform_4, window_bounds = array<i64: 8, 256>}, {pipeline_mode = #tpu.pipeline_mode<synchronous>, transform_indices = @transform_5, window_bounds = array<i64: 8, 256>}, {transform_indices = @transform_6, window_bounds = array<i64: 1, 256, 256>}, {pipeline_mode = #tpu.pipeline_mode<synchronous>, transform_indices = @transform_7, window_bounds = array<i64: 8, 128>}, {pipeline_mode = #tpu.pipeline_mode<synchronous>, transform_indices = @transform_8, window_bounds = array<i64: 512, 8>}, {pipeline_mode = #tpu.pipeline_mode<synchronous>, transform_indices = @transform_9, window_bounds = array<i64: 512, 8>}, {pipeline_mode = #tpu.pipeline_mode<synchronous>, transform_indices = @transform_10, window_bounds = array<i64: 256, 256>}, {pipeline_mode = #tpu.pipeline_mode<synchronous>, transform_indices = @transform_11, window_bounds = array<i64: 256, 256>}, {pipeline_mode = #tpu.pipeline_mode<synchronous>, transform_indices = @transform_12, window_bounds = array<i64: 1, 256>}, {pipeline_mode = #tpu.pipeline_mode<synchronous>, transform_indices = @transform_13, window_bounds = array<i64: 256, 256>}, {pipeline_mode = #tpu.pipeline_mode<synchronous>, transform_indices = @transform_14, window_bounds = array<i64: 1, 256>}, {pipeline_mode = #tpu.pipeline_mode<synchronous>, transform_indices = @transform_15, window_bounds = array<i64: 1, 256>}, {pipeline_mode = #tpu.pipeline_mode<synchronous>, transform_indices = @transform_16, window_bounds = array<i64: 1, 256>}, {pipeline_mode = #tpu.pipeline_mode<synchronous>, transform_indices = @transform_17, window_bounds = array<i64: 1, 256>}, {pipeline_mode = #tpu.pipeline_mode<synchronous>, transform_indices = @transform_18, window_bounds = array<i64: 1, 128>}, {pipeline_mode = #tpu.pipeline_mode<synchronous>, transform_indices = @transform_19, window_bounds = array<i64: 1, 256>}, {pipeline_mode = #tpu.pipeline_mode<synchronous>, transform_indices = @transform_20, window_bounds = array<i64: 1, 128>}, {transform_indices = @transform_21, window_bounds = array<i64: 1, 512, 256>}, {pipeline_mode = #tpu.pipeline_mode<synchronous>, transform_indices = @transform_22, window_bounds = array<i64: 512, 8>}, {pipeline_mode = #tpu.pipeline_mode<synchronous>, transform_indices = @transform_23, window_bounds = array<i64: 512, 8>}, {pipeline_mode = #tpu.pipeline_mode<synchronous>, transform_indices = @transform_24, window_bounds = array<i64: 8, 256>}, {pipeline_mode = #tpu.pipeline_mode<synchronous>, transform_indices = @transform_25, window_bounds = array<i64: 8, 128>}]} {
    %get3A = arith.constant 0 : index
    %get3A_0 = arith.constant 0 : index
    %get3A_1 = arith.constant 0 : index
    %get3A_2 = vector.load %arg1[%get3A, %get3A_0, %get3A_1] : memref<1x512x256xf32, #tpu.memory_space<vmem>>, vector<1x512x256xf32>
    %get3A_3 = vector.shape_cast %get3A_2 : vector<1x512x256xf32> to vector<512x256xf32>
    %get3A_4 = arith.index_cast %arg0 : i32 to index
    %get3A_5 = arith.constant 0 : index
    %get3A_6 = vector.load %arg2[%get3A_4, %get3A_5] : memref<8x256xf32, #tpu.memory_space<vmem>>, vector<1x256xf32>
    %get3A_7 = arith.index_cast %arg0 : i32 to index
    %get3A_8 = arith.constant 0 : index
    %get3A_9 = vector.load %arg5[%get3A_7, %get3A_8] : memref<8x256xf32, #tpu.memory_space<vmem>>, vector<1x256xf32>
    %concatenate3A = tpu.concatenate %get3A_6, %get3A_9 in 1 : vector<1x256xf32>, vector<1x256xf32> -> vector<1x512xf32>
    %get3A_10 = arith.index_cast %arg0 : i32 to index
    %get3A_11 = arith.constant 0 : index
    %get3A_12 = vector.load %arg3[%get3A_10, %get3A_11] : memref<8x256xi32, #tpu.memory_space<vmem>>, vector<1x256xi32>
    %get3A_13 = arith.index_cast %arg0 : i32 to index
    %get3A_14 = arith.constant 0 : index
    %get3A_15 = vector.load %arg6[%get3A_13, %get3A_14] : memref<8x256xi32, #tpu.memory_space<vmem>>, vector<1x256xi32>
    %concatenate3A_16 = tpu.concatenate %get3A_12, %get3A_15 in 1 : vector<1x256xi32>, vector<1x256xi32> -> vector<1x512xi32>
    %convert_element_type3A = arith.sitofp %concatenate3A_16 : vector<1x512xi32> to vector<1x512xf32>
    %iota3A = tpu.iota {dimensions = array<i32: 0>} : vector<512x512xi32>
    %iota3A_17 = tpu.iota {dimensions = array<i32: 1>} : vector<512x512xi32>
    %eq3A = arith.cmpi eq, %iota3A, %iota3A_17 : vector<512x512xi32>
    %convert_element_type3A_18 = arith.extui %eq3A : vector<512x512xi1> to vector<512x512xi32>
    %convert_element_type3A_19 = arith.sitofp %convert_element_type3A_18 : vector<512x512xi32> to vector<512x512xf32>
    %dot_general3A = arith.constant dense<0.000000e+00> : vector<512x1xf32>
    %dot_general3A_20 = tpu.matmul %convert_element_type3A_19, %concatenate3A, %dot_general3A {dimension_numbers = #tpu.dot_dimension_numbers<[1], [1], [0], [0], [0, 0, 1, 0], [], []>, transpose_lhs_hint = false} : vector<512x512xf32>, vector<1x512xf32>, vector<512x1xf32> -> vector<512x1xf32>
    %dot_general3A_21 = arith.constant dense<0.000000e+00> : vector<512x1xf32>
    %dot_general3A_22 = tpu.matmul %convert_element_type3A_19, %convert_element_type3A, %dot_general3A_21 {dimension_numbers = #tpu.dot_dimension_numbers<[1], [1], [0], [0], [0, 0, 1, 0], [], []>, transpose_lhs_hint = false} : vector<512x512xf32>, vector<1x512xf32>, vector<512x1xf32> -> vector<512x1xf32>
    %gt3A = vector.broadcast %concatenate3A : vector<1x512xf32> to vector<512x512xf32>
    %gt3A_23 = vector.broadcast %dot_general3A_20 : vector<512x1xf32> to vector<512x512xf32>
    %gt3A_24 = arith.cmpf ogt, %gt3A, %gt3A_23 : vector<512x512xf32>
    %eq3A_25 = vector.broadcast %concatenate3A : vector<1x512xf32> to vector<512x512xf32>
    %eq3A_26 = vector.broadcast %dot_general3A_20 : vector<512x1xf32> to vector<512x512xf32>
    %eq3A_27 = arith.cmpf oeq, %eq3A_25, %eq3A_26 : vector<512x512xf32>
    %lt3A = vector.broadcast %convert_element_type3A : vector<1x512xf32> to vector<512x512xf32>
    %lt3A_28 = vector.broadcast %dot_general3A_22 : vector<512x1xf32> to vector<512x512xf32>
    %lt3A_29 = arith.cmpf olt, %lt3A, %lt3A_28 : vector<512x512xf32>
    %and3A = arith.andi %eq3A_27, %lt3A_29 : vector<512x512xi1>
    %or3A = arith.ori %gt3A_24, %and3A : vector<512x512xi1>
    %convert_element_type3A_30 = arith.extui %or3A : vector<512x512xi1> to vector<512x512xi32>
    %convert_element_type3A_31 = arith.sitofp %convert_element_type3A_30 : vector<512x512xi32> to vector<512x512xf32>
    %reduce_sum3A = arith.constant dense<0.000000e+00> : vector<512xf32>
    %reduce_sum3A_32 = vector.multi_reduction <add>, %convert_element_type3A_31, %reduce_sum3A [1] : vector<512x512xf32> to vector<512xf32>
    %broadcast_in_dim3A = vector.shape_cast %reduce_sum3A_32 : vector<512xf32> to vector<512x1xf32>
    %get3A_33 = arith.index_cast %arg0 : i32 to index
    %get3A_34 = arith.constant 0 : index
    %get3A_35 = vector.load %arg8[%get3A_33, %get3A_34] : memref<8x128xf32, #tpu.memory_space<vmem>>, vector<1x1xf32>
    %lt3A_36 = vector.broadcast %get3A_35 : vector<1x1xf32> to vector<512x1xf32>
    %lt3A_37 = arith.cmpf olt, %broadcast_in_dim3A, %lt3A_36 : vector<512x1xf32>
    %jit3A = arith.constant -1.000000e+09 : f32
    %broadcast_in_dim3A_38 = vector.broadcast %jit3A : f32 to vector<512x1xf32>
    %select_n3A = arith.select %lt3A_37, %dot_general3A_20, %broadcast_in_dim3A_38 : vector<512x1xi1>, vector<512x1xf32>
    %reduce_max3A = arith.constant dense<0xFF800000> : vector<1xf32>
    %reduce_max3A_39 = vector.multi_reduction <maximumf>, %select_n3A, %reduce_max3A [0] : vector<512x1xf32> to vector<1xf32>
    %broadcast_in_dim3A_40 = vector.shape_cast %reduce_max3A_39 : vector<1xf32> to vector<1x1xf32>
    %sub3A = vector.broadcast %broadcast_in_dim3A_40 : vector<1x1xf32> to vector<512x1xf32>
    %sub3A_41 = arith.subf %select_n3A, %sub3A : vector<512x1xf32>
    %exp3A = math.exp %sub3A_41 : vector<512x1xf32>
    %reduce_sum3A_42 = arith.constant dense<0.000000e+00> : vector<1xf32>
    %reduce_sum3A_43 = vector.multi_reduction <add>, %exp3A, %reduce_sum3A_42 [0] : vector<512x1xf32> to vector<1xf32>
    %broadcast_in_dim3A_44 = vector.shape_cast %reduce_sum3A_43 : vector<1xf32> to vector<1x1xf32>
    %div3A = vector.broadcast %broadcast_in_dim3A_44 : vector<1x1xf32> to vector<512x1xf32>
    %div3A_45 = arith.divf %exp3A, %div3A : vector<512x1xf32>
    %slice3A = vector.extract_strided_slice %div3A_45 {offsets = [0, 0], sizes = [256, 1], strides = [1, 1]} : vector<512x1xf32> to vector<256x1xf32>
    %get3A_46 = arith.constant 0 : index
    %get3A_47 = arith.constant 0 : index
    %get3A_48 = arith.constant 0 : index
    %get3A_49 = vector.load %arg4[%get3A_46, %get3A_47, %get3A_48] : memref<1x256x256xf32, #tpu.memory_space<vmem>>, vector<1x256x256xf32>
    %get3A_50 = vector.shape_cast %get3A_49 : vector<1x256x256xf32> to vector<256x256xf32>
    %dot_general3A_51 = arith.constant dense<0.000000e+00> : vector<1x256xf32>
    %dot_general3A_52 = tpu.matmul %slice3A, %get3A_50, %dot_general3A_51 {dimension_numbers = #tpu.dot_dimension_numbers<[0], [0], [1], [1], [0, 1, 1, 1], [], []>, transpose_lhs_hint = false} : vector<256x1xf32>, vector<256x256xf32>, vector<1x256xf32> -> vector<1x256xf32>
    %slice3A_53 = vector.extract_strided_slice %div3A_45 {offsets = [256, 0], sizes = [256, 1], strides = [1, 1]} : vector<512x1xf32> to vector<256x1xf32>
    %get3A_54 = arith.constant 0 : index
    %get3A_55 = arith.constant 0 : index
    %get3A_56 = arith.constant 0 : index
    %get3A_57 = vector.load %arg7[%get3A_54, %get3A_55, %get3A_56] : memref<1x256x256xf32, #tpu.memory_space<vmem>>, vector<1x256x256xf32>
    %get3A_58 = vector.shape_cast %get3A_57 : vector<1x256x256xf32> to vector<256x256xf32>
    %dot_general3A_59 = arith.constant dense<0.000000e+00> : vector<1x256xf32>
    %dot_general3A_60 = tpu.matmul %slice3A_53, %get3A_58, %dot_general3A_59 {dimension_numbers = #tpu.dot_dimension_numbers<[0], [0], [1], [1], [0, 1, 1, 1], [], []>, transpose_lhs_hint = false} : vector<256x1xf32>, vector<256x256xf32>, vector<1x256xf32> -> vector<1x256xf32>
    %add3A = arith.addf %dot_general3A_52, %dot_general3A_60 : vector<1x256xf32>
    %get3A_61 = arith.constant 0 : index
    %get3A_62 = arith.constant 0 : index
    %get3A_63 = vector.load %arg11[%get3A_61, %get3A_62] : memref<256x256xf32, #tpu.memory_space<vmem>>, vector<256x256xf32>
    %dot_general3A_64 = arith.constant dense<0.000000e+00> : vector<512x256xf32>
    %dot_general3A_65 = tpu.matmul %get3A_3, %get3A_63, %dot_general3A_64 {dimension_numbers = #tpu.dot_dimension_numbers<[1], [0], [0], [1], [0, 0, 1, 1], [], []>, transpose_lhs_hint = false} : vector<512x256xf32>, vector<256x256xf32>, vector<512x256xf32> -> vector<512x256xf32>
    %get3A_66 = arith.constant 0 : index
    %get3A_67 = arith.constant 0 : index
    %get3A_68 = vector.load %arg12[%get3A_66, %get3A_67] : memref<256x256xf32, #tpu.memory_space<vmem>>, vector<256x256xf32>
    %dot_general3A_69 = arith.constant dense<0.000000e+00> : vector<1x256xf32>
    %dot_general3A_70 = tpu.matmul %add3A, %get3A_68, %dot_general3A_69 {dimension_numbers = #tpu.dot_dimension_numbers<[1], [0], [0], [1], [0, 0, 1, 1], [], []>, transpose_lhs_hint = false} : vector<1x256xf32>, vector<256x256xf32>, vector<1x256xf32> -> vector<1x256xf32>
    %add3A_71 = vector.broadcast %dot_general3A_70 : vector<1x256xf32> to vector<512x256xf32>
    %add3A_72 = arith.addf %dot_general3A_65, %add3A_71 : vector<512x256xf32>
    %get3A_73 = arith.constant 0 : index
    %get3A_74 = arith.constant 0 : index
    %get3A_75 = vector.load %arg13[%get3A_73, %get3A_74] : memref<1x256xf32, #tpu.memory_space<vmem>>, vector<1x256xf32>
    %add3A_76 = vector.broadcast %get3A_75 : vector<1x256xf32> to vector<512x256xf32>
    %add3A_77 = arith.addf %add3A_72, %add3A_76 : vector<512x256xf32>
    %integer_pow3A = arith.mulf %add3A_77, %add3A_77 : vector<512x256xf32>
    %integer_pow3A_78 = arith.mulf %add3A_77, %integer_pow3A : vector<512x256xf32>
    %mul3A = arith.constant 4.471500e-02 : f32
    %mul3A_79 = vector.broadcast %mul3A : f32 to vector<512x256xf32>
    %mul3A_80 = arith.mulf %mul3A_79, %integer_pow3A_78 : vector<512x256xf32>
    %add3A_81 = arith.addf %add3A_77, %mul3A_80 : vector<512x256xf32>
    %mul3A_82 = arith.constant 0.797884583 : f32
    %mul3A_83 = vector.broadcast %mul3A_82 : f32 to vector<512x256xf32>
    %mul3A_84 = arith.mulf %mul3A_83, %add3A_81 : vector<512x256xf32>
    %tanh3A = math.tanh %mul3A_84 : vector<512x256xf32>
    %add3A_85 = arith.constant 1.000000e+00 : f32
    %add3A_86 = vector.broadcast %add3A_85 : f32 to vector<512x256xf32>
    %add3A_87 = arith.addf %add3A_86, %tanh3A : vector<512x256xf32>
    %mul3A_88 = arith.constant 5.000000e-01 : f32
    %mul3A_89 = vector.broadcast %mul3A_88 : f32 to vector<512x256xf32>
    %mul3A_90 = arith.mulf %mul3A_89, %add3A_87 : vector<512x256xf32>
    %mul3A_91 = arith.mulf %add3A_77, %mul3A_90 : vector<512x256xf32>
    %get3A_92 = arith.constant 0 : index
    %get3A_93 = arith.constant 0 : index
    %get3A_94 = vector.load %arg14[%get3A_92, %get3A_93] : memref<256x256xf32, #tpu.memory_space<vmem>>, vector<256x256xf32>
    %dot_general3A_95 = arith.constant dense<0.000000e+00> : vector<512x256xf32>
    %dot_general3A_96 = tpu.matmul %mul3A_91, %get3A_94, %dot_general3A_95 {dimension_numbers = #tpu.dot_dimension_numbers<[1], [0], [0], [1], [0, 0, 1, 1], [], []>, transpose_lhs_hint = false} : vector<512x256xf32>, vector<256x256xf32>, vector<512x256xf32> -> vector<512x256xf32>
    %get3A_97 = arith.constant 0 : index
    %get3A_98 = arith.constant 0 : index
    %get3A_99 = vector.load %arg15[%get3A_97, %get3A_98] : memref<1x256xf32, #tpu.memory_space<vmem>>, vector<1x256xf32>
    %add3A_100 = vector.broadcast %get3A_99 : vector<1x256xf32> to vector<512x256xf32>
    %add3A_101 = arith.addf %dot_general3A_96, %add3A_100 : vector<512x256xf32>
    %reduce_sum3A_102 = arith.constant dense<0.000000e+00> : vector<512xf32>
    %reduce_sum3A_103 = vector.multi_reduction <add>, %add3A_101, %reduce_sum3A_102 [1] : vector<512x256xf32> to vector<512xf32>
    %broadcast_in_dim3A_104 = vector.shape_cast %reduce_sum3A_103 : vector<512xf32> to vector<512x1xf32>
    %div3A_105 = arith.constant 2.560000e+02 : f32
    %div3A_106 = vector.broadcast %div3A_105 : f32 to vector<512x1xf32>
    %div3A_107 = arith.divf %broadcast_in_dim3A_104, %div3A_106 : vector<512x1xf32>
    %sub3A_108 = vector.broadcast %div3A_107 : vector<512x1xf32> to vector<512x256xf32>
    %sub3A_109 = arith.subf %add3A_101, %sub3A_108 : vector<512x256xf32>
    %sub3A_110 = vector.broadcast %div3A_107 : vector<512x1xf32> to vector<512x256xf32>
    %sub3A_111 = arith.subf %add3A_101, %sub3A_110 : vector<512x256xf32>
    %mul3A_112 = arith.mulf %sub3A_109, %sub3A_111 : vector<512x256xf32>
    %reduce_sum3A_113 = arith.constant dense<0.000000e+00> : vector<512xf32>
    %reduce_sum3A_114 = vector.multi_reduction <add>, %mul3A_112, %reduce_sum3A_113 [1] : vector<512x256xf32> to vector<512xf32>
    %broadcast_in_dim3A_115 = vector.shape_cast %reduce_sum3A_114 : vector<512xf32> to vector<512x1xf32>
    %div3A_116 = arith.constant 2.560000e+02 : f32
    %div3A_117 = vector.broadcast %div3A_116 : f32 to vector<512x1xf32>
    %div3A_118 = arith.divf %broadcast_in_dim3A_115, %div3A_117 : vector<512x1xf32>
    %sub3A_119 = vector.broadcast %div3A_107 : vector<512x1xf32> to vector<512x256xf32>
    %sub3A_120 = arith.subf %add3A_101, %sub3A_119 : vector<512x256xf32>
    %add3A_121 = arith.constant 9.99999997E-7 : f32
    %add3A_122 = vector.broadcast %add3A_121 : f32 to vector<512x1xf32>
    %add3A_123 = arith.addf %div3A_118, %add3A_122 : vector<512x1xf32>
    %sqrt3A = math.sqrt %add3A_123 : vector<512x1xf32>
    %div3A_124 = vector.broadcast %sqrt3A : vector<512x1xf32> to vector<512x256xf32>
    %div3A_125 = arith.divf %sub3A_120, %div3A_124 : vector<512x256xf32>
    %get3A_126 = arith.constant 0 : index
    %get3A_127 = arith.constant 0 : index
    %get3A_128 = vector.load %arg16[%get3A_126, %get3A_127] : memref<1x256xf32, #tpu.memory_space<vmem>>, vector<1x256xf32>
    %mul3A_129 = vector.broadcast %get3A_128 : vector<1x256xf32> to vector<512x256xf32>
    %mul3A_130 = arith.mulf %div3A_125, %mul3A_129 : vector<512x256xf32>
    %get3A_131 = arith.constant 0 : index
    %get3A_132 = arith.constant 0 : index
    %get3A_133 = vector.load %arg17[%get3A_131, %get3A_132] : memref<1x256xf32, #tpu.memory_space<vmem>>, vector<1x256xf32>
    %add3A_134 = vector.broadcast %get3A_133 : vector<1x256xf32> to vector<512x256xf32>
    %add3A_135 = arith.addf %mul3A_130, %add3A_134 : vector<512x256xf32>
    %add3A_136 = arith.addf %get3A_3, %add3A_135 : vector<512x256xf32>
    %get3A_137 = arith.constant 0 : index
    %get3A_138 = arith.constant 0 : index
    %get3A_139 = vector.load %arg18[%get3A_137, %get3A_138] : memref<1x256xf32, #tpu.memory_space<vmem>>, vector<1x256xf32>
    %mul3A_140 = vector.broadcast %get3A_139 : vector<1x256xf32> to vector<512x256xf32>
    %mul3A_141 = arith.mulf %add3A_136, %mul3A_140 : vector<512x256xf32>
    %reduce_sum3A_142 = arith.constant dense<0.000000e+00> : vector<512xf32>
    %reduce_sum3A_143 = vector.multi_reduction <add>, %mul3A_141, %reduce_sum3A_142 [1] : vector<512x256xf32> to vector<512xf32>
    %broadcast_in_dim3A_144 = vector.shape_cast %reduce_sum3A_143 : vector<512xf32> to vector<512x1xf32>
    %get3A_145 = arith.constant 0 : index
    %get3A_146 = arith.constant 0 : index
    %get3A_147 = vector.load %arg19[%get3A_145, %get3A_146] : memref<1x128xf32, #tpu.memory_space<vmem>>, vector<1x1xf32>
    %get3A_148 = vector.extract %get3A_147[0, 0] : f32 from vector<1x1xf32>
    %add3A_149 = vector.broadcast %get3A_148 : f32 to vector<512x1xf32>
    %add3A_150 = arith.addf %broadcast_in_dim3A_144, %add3A_149 : vector<512x1xf32>
    %logistic3A = arith.negf %add3A_150 : vector<512x1xf32>
    %logistic3A_151 = math.exp %logistic3A : vector<512x1xf32>
    %logistic3A_152 = arith.constant 1.000000e+00 : f32
    %logistic3A_153 = vector.broadcast %logistic3A_152 : f32 to vector<512x1xf32>
    %logistic3A_154 = arith.addf %logistic3A_153, %logistic3A_151 : vector<512x1xf32>
    %logistic3A_155 = arith.divf %logistic3A_153, %logistic3A_154 : vector<512x1xf32>
    %iota3A_156 = tpu.iota {dimensions = array<i32: 1>} : vector<1x8xi32>
    %eq3A_157 = vector.broadcast %arg0 : i32 to vector<1x8xi32>
    %eq3A_158 = arith.cmpi eq, %iota3A_156, %eq3A_157 : vector<1x8xi32>
    %convert_element_type3A_159 = arith.extui %eq3A_158 : vector<1x8xi1> to vector<1x8xi32>
    %convert_element_type3A_160 = arith.sitofp %convert_element_type3A_159 : vector<1x8xi32> to vector<1x8xf32>
    %get3A_161 = arith.constant 0 : index
    %get3A_162 = arith.constant 0 : index
    %get3A_163 = vector.load %arg10[%get3A_161, %get3A_162] : memref<512x8xf32, #tpu.memory_space<vmem>>, vector<512x8xf32>
    %get3A_164 = arith.constant 0 : index
    %get3A_165 = arith.constant 0 : index
    %get3A_166 = vector.load %arg9[%get3A_164, %get3A_165] : memref<512x8xf32, #tpu.memory_space<vmem>>, vector<512x8xf32>
    %mul3A_167 = vector.broadcast %convert_element_type3A_160 : vector<1x8xf32> to vector<512x8xf32>
    %mul3A_168 = arith.mulf %get3A_163, %mul3A_167 : vector<512x8xf32>
    %reduce_sum3A_169 = arith.constant dense<0.000000e+00> : vector<512xf32>
    %reduce_sum3A_170 = vector.multi_reduction <add>, %mul3A_168, %reduce_sum3A_169 [1] : vector<512x8xf32> to vector<512xf32>
    %broadcast_in_dim3A_171 = vector.shape_cast %reduce_sum3A_170 : vector<512xf32> to vector<512x1xf32>
    %mul3A_172 = vector.broadcast %convert_element_type3A_160 : vector<1x8xf32> to vector<512x8xf32>
    %mul3A_173 = arith.mulf %get3A_166, %mul3A_172 : vector<512x8xf32>
    %reduce_sum3A_174 = arith.constant dense<0.000000e+00> : vector<512xf32>
    %reduce_sum3A_175 = vector.multi_reduction <add>, %mul3A_173, %reduce_sum3A_174 [1] : vector<512x8xf32> to vector<512xf32>
    %broadcast_in_dim3A_176 = vector.shape_cast %reduce_sum3A_175 : vector<512xf32> to vector<512x1xf32>
    %sub3A_177 = arith.constant 1.000000e+00 : f32
    %sub3A_178 = vector.broadcast %sub3A_177 : f32 to vector<512x1xf32>
    %sub3A_179 = arith.subf %sub3A_178, %broadcast_in_dim3A_171 : vector<512x1xf32>
    %mul3A_180 = arith.mulf %logistic3A_155, %sub3A_179 : vector<512x1xf32>
    %add3A_181 = arith.addf %broadcast_in_dim3A_176, %mul3A_180 : vector<512x1xf32>
    %sub3A_182 = arith.constant 1.000000e+00 : f32
    %sub3A_183 = vector.broadcast %sub3A_182 : f32 to vector<512x1xf32>
    %sub3A_184 = arith.subf %sub3A_183, %broadcast_in_dim3A_171 : vector<512x1xf32>
    %mul3A_185 = vector.broadcast %sub3A_184 : vector<512x1xf32> to vector<512x256xf32>
    %mul3A_186 = arith.mulf %mul3A_185, %add3A_136 : vector<512x256xf32>
    %mul3A_187 = vector.broadcast %broadcast_in_dim3A_171 : vector<512x1xf32> to vector<512x256xf32>
    %mul3A_188 = arith.mulf %mul3A_187, %get3A_3 : vector<512x256xf32>
    %add3A_189 = arith.addf %mul3A_186, %mul3A_188 : vector<512x256xf32>
    %swap3A = arith.constant 0 : index
    %swap3A_190 = arith.constant 0 : index
    %swap3A_191 = arith.constant 0 : index
    %swap3A_192 = vector.load %arg22[%swap3A, %swap3A_190, %swap3A_191] : memref<1x512x256xf32, #tpu.memory_space<vmem>>, vector<1x512x256xf32>
    %swap3A_193 = vector.shape_cast %swap3A_192 : vector<1x512x256xf32> to vector<512x256xf32>
    %swap3A_194 = vector.shape_cast %add3A_189 : vector<512x256xf32> to vector<1x512x256xf32>
    tpu.vector_store %arg22[%swap3A, %swap3A_190, %swap3A_191], %swap3A_194 {strides = array<i32>} : memref<1x512x256xf32, #tpu.memory_space<vmem>>, vector<1x512x256xf32>,
    %reduce_sum3A_195 = arith.constant dense<0.000000e+00> : vector<256xf32>
    %reduce_sum3A_196 = vector.multi_reduction <add>, %add3A_189, %reduce_sum3A_195 [0] : vector<512x256xf32> to vector<256xf32>
    %broadcast_in_dim3A_197 = vector.shape_cast %reduce_sum3A_196 : vector<256xf32> to vector<1x256xf32>
    %div3A_198 = arith.constant 5.120000e+02 : f32
    %div3A_199 = vector.broadcast %div3A_198 : f32 to vector<1x256xf32>
    %div3A_200 = arith.divf %broadcast_in_dim3A_197, %div3A_199 : vector<1x256xf32>
    %get3A_201 = arith.constant 0 : index
    %get3A_202 = arith.constant 0 : index
    %get3A_203 = vector.load %arg20[%get3A_201, %get3A_202] : memref<1x256xf32, #tpu.memory_space<vmem>>, vector<1x256xf32>
    %mul3A_204 = arith.mulf %div3A_200, %get3A_203 : vector<1x256xf32>
    %reduce_sum3A_205 = vector.shape_cast %mul3A_204 : vector<1x256xf32> to vector<1x1x256xf32>
    %reduce_sum3A_206 = arith.constant dense<0.000000e+00> : vector<1xf32>
    %reduce_sum3A_207 = vector.multi_reduction <add>, %reduce_sum3A_205, %reduce_sum3A_206 [1, 2] : vector<1x1x256xf32> to vector<1xf32>
    %reduce_sum3A_208 = vector.shape_cast %reduce_sum3A_207 : vector<1xf32> to vector<1x1x1xf32>
    %reduce_sum3A_209 = vector.extract %reduce_sum3A_208[0, 0, 0] : f32 from vector<1x1x1xf32>
    %get3A_210 = arith.constant 0 : index
    %get3A_211 = arith.constant 0 : index
    %get3A_212 = vector.load %arg21[%get3A_210, %get3A_211] : memref<1x128xf32, #tpu.memory_space<vmem>>, vector<1x1xf32>
    %get3A_213 = vector.extract %get3A_212[0, 0] : f32 from vector<1x1xf32>
    %add3A_214 = arith.addf %reduce_sum3A_209, %get3A_213 : f32
    %logistic3A_215 = arith.negf %add3A_214 : f32
    %logistic3A_216 = math.exp %logistic3A_215 : f32
    %logistic3A_217 = arith.constant 1.000000e+00 : f32
    %logistic3A_218 = arith.addf %logistic3A_217, %logistic3A_216 : f32
    %logistic3A_219 = arith.divf %logistic3A_217, %logistic3A_218 : f32
    %mul3A_220 = arith.constant 5.600000e+01 : f32
    %mul3A_221 = arith.mulf %logistic3A_219, %mul3A_220 : f32
    %floor3A = math.floor %mul3A_221 : f32
    %add3A_222 = arith.constant 8.000000e+00 : f32
    %add3A_223 = arith.addf %add3A_222, %floor3A : f32
    %swap3A_224 = arith.index_cast %arg0 : i32 to index
    %swap3A_225 = arith.constant 0 : index
    %swap3A_226 = vector.load %arg25[%swap3A_224, %swap3A_225] : memref<8x256xf32, #tpu.memory_space<vmem>>, vector<1x256xf32>
    tpu.vector_store %arg25[%swap3A_224, %swap3A_225], %div3A_200 {strides = array<i32>} : memref<8x256xf32, #tpu.memory_space<vmem>>, vector<1x256xf32>,
    %iota3A_227 = tpu.iota {dimensions = array<i32: 0>} : vector<8x128xi32>
    %eq3A_228 = vector.broadcast %arg0 : i32 to vector<8x128xi32>
    %eq3A_229 = arith.cmpi eq, %iota3A_227, %eq3A_228 : vector<8x128xi32>
    %eq3A_230 = arith.constant 0 : i32
    %eq3A_231 = arith.cmpi eq, %arg0, %eq3A_230 : i32
    %convert_element_type3A_232 = arith.extui %eq3A_231 : i1 to i32
    %cond3A = arith.constant 0 : i32
    %cond3A_233 = arith.cmpi ne, %convert_element_type3A_232, %cond3A : i32
    scf.if %cond3A_233 {
      %broadcast_in_dim3A_269 = arith.constant 0.000000e+00 : f32
      %broadcast_in_dim3A_270 = vector.broadcast %broadcast_in_dim3A_269 : f32 to vector<8x128xf32>
      %swap3A_271 = arith.constant 0 : index
      %swap3A_272 = arith.constant 0 : index
      %swap3A_273 = vector.load %arg26[%swap3A_271, %swap3A_272] : memref<8x128xf32, #tpu.memory_space<vmem>>, vector<8x128xf32>
      tpu.vector_store %arg26[%swap3A_271, %swap3A_272], %broadcast_in_dim3A_270 {strides = array<i32>} : memref<8x128xf32, #tpu.memory_space<vmem>>, vector<8x128xf32>,
    } else {
    }
    %get3A_234 = arith.constant 0 : index
    %get3A_235 = arith.constant 0 : index
    %get3A_236 = vector.load %arg26[%get3A_234, %get3A_235] : memref<8x128xf32, #tpu.memory_space<vmem>>, vector<8x128xf32>
    %broadcast_in_dim3A_237 = vector.broadcast %add3A_223 : f32 to vector<8x128xf32>
    %select_n3A_238 = arith.select %eq3A_229, %broadcast_in_dim3A_237, %get3A_236 : vector<8x128xi1>, vector<8x128xf32>
    %swap3A_239 = arith.constant 0 : index
    %swap3A_240 = arith.constant 0 : index
    %swap3A_241 = vector.load %arg26[%swap3A_239, %swap3A_240] : memref<8x128xf32, #tpu.memory_space<vmem>>, vector<8x128xf32>
    tpu.vector_store %arg26[%swap3A_239, %swap3A_240], %select_n3A_238 {strides = array<i32>} : memref<8x128xf32, #tpu.memory_space<vmem>>, vector<8x128xf32>,
    %eq3A_242 = arith.constant 0 : i32
    %eq3A_243 = arith.cmpi eq, %arg0, %eq3A_242 : i32
    %convert_element_type3A_244 = arith.extui %eq3A_243 : i1 to i32
    %cond3A_245 = arith.constant 0 : i32
    %cond3A_246 = arith.cmpi ne, %convert_element_type3A_244, %cond3A_245 : i32
    scf.if %cond3A_246 {
      %swap3A_269 = arith.constant 0 : index
      %swap3A_270 = arith.constant 0 : index
      %swap3A_271 = vector.load %arg23[%swap3A_269, %swap3A_270] : memref<512x8xf32, #tpu.memory_space<vmem>>, vector<512x8xf32>
      tpu.vector_store %arg23[%swap3A_269, %swap3A_270], %get3A_166 {strides = array<i32>} : memref<512x8xf32, #tpu.memory_space<vmem>>, vector<512x8xf32>,
      %swap3A_272 = arith.constant 0 : index
      %swap3A_273 = arith.constant 0 : index
      %swap3A_274 = vector.load %arg24[%swap3A_272, %swap3A_273] : memref<512x8xf32, #tpu.memory_space<vmem>>, vector<512x8xf32>
      tpu.vector_store %arg24[%swap3A_272, %swap3A_273], %get3A_163 {strides = array<i32>} : memref<512x8xf32, #tpu.memory_space<vmem>>, vector<512x8xf32>,
    } else {
    }
    %broadcast_in_dim3A_247 = vector.shape_cast %add3A_181 : vector<512x1xf32> to vector<512x1xf32>
    %broadcast_in_dim3A_248 = vector.broadcast %broadcast_in_dim3A_247 : vector<512x1xf32> to vector<512x8xf32>
    %ge3A = arith.constant 9.900000e-01 : f32
    %ge3A_249 = vector.broadcast %ge3A : f32 to vector<512x8xf32>
    %ge3A_250 = arith.cmpf oge, %broadcast_in_dim3A_248, %ge3A_249 : vector<512x8xf32>
    %convert_element_type3A_251 = arith.extui %ge3A_250 : vector<512x8xi1> to vector<512x8xi32>
    %convert_element_type3A_252 = arith.sitofp %convert_element_type3A_251 : vector<512x8xi32> to vector<512x8xf32>
    %broadcast_in_dim3A_253 = vector.shape_cast %eq3A_158 : vector<1x8xi1> to vector<1x8xi1>
    %broadcast_in_dim3A_254 = vector.broadcast %broadcast_in_dim3A_253 : vector<1x8xi1> to vector<512x8xi1>
    %get3A_255 = arith.constant 0 : index
    %get3A_256 = arith.constant 0 : index
    %get3A_257 = vector.load %arg23[%get3A_255, %get3A_256] : memref<512x8xf32, #tpu.memory_space<vmem>>, vector<512x8xf32>
    %select_n3A_258 = arith.select %broadcast_in_dim3A_254, %broadcast_in_dim3A_248, %get3A_257 : vector<512x8xi1>, vector<512x8xf32>
    %swap3A_259 = arith.constant 0 : index
    %swap3A_260 = arith.constant 0 : index
    %swap3A_261 = vector.load %arg23[%swap3A_259, %swap3A_260] : memref<512x8xf32, #tpu.memory_space<vmem>>, vector<512x8xf32>
    tpu.vector_store %arg23[%swap3A_259, %swap3A_260], %select_n3A_258 {strides = array<i32>} : memref<512x8xf32, #tpu.memory_space<vmem>>, vector<512x8xf32>,
    %get3A_262 = arith.constant 0 : index
    %get3A_263 = arith.constant 0 : index
    %get3A_264 = vector.load %arg24[%get3A_262, %get3A_263] : memref<512x8xf32, #tpu.memory_space<vmem>>, vector<512x8xf32>
    %select_n3A_265 = arith.select %broadcast_in_dim3A_254, %convert_element_type3A_252, %get3A_264 : vector<512x8xi1>, vector<512x8xf32>
    %swap3A_266 = arith.constant 0 : index
    %swap3A_267 = arith.constant 0 : index
    %swap3A_268 = vector.load %arg24[%swap3A_266, %swap3A_267] : memref<512x8xf32, #tpu.memory_space<vmem>>, vector<512x8xf32>
    tpu.vector_store %arg24[%swap3A_266, %swap3A_267], %select_n3A_265 {strides = array<i32>} : memref<512x8xf32, #tpu.memory_space<vmem>>, vector<512x8xf32>,
    return
  }
  func.func @transform_0(%arg0: i32) -> (i32, i32, i32) {
    %c0_i32 = arith.constant 0 : i32
    %c0_i32_0 = arith.constant 0 : i32
    %c0_i32_1 = arith.constant 0 : i32
    return %arg0, %c0_i32, %c0_i32_0 : i32, i32, i32
  }
  func.func @transform_1(%arg0: i32) -> (i32, i32) {
    %c0_i32 = arith.constant 0 : i32
    %c0_i32_0 = arith.constant 0 : i32
    %c0_i32_1 = arith.constant 0 : i32
    return %c0_i32, %c0_i32_0 : i32, i32
  }
  func.func @transform_2(%arg0: i32) -> (i32, i32) {
    %c0_i32 = arith.constant 0 : i32
    %c0_i32_0 = arith.constant 0 : i32
    %c0_i32_1 = arith.constant 0 : i32
    return %c0_i32, %c0_i32_0 : i32, i32
  }
  func.func @transform_3(%arg0: i32) -> (i32, i32, i32) {
    %c0_i32 = arith.constant 0 : i32
    %c0_i32_0 = arith.constant 0 : i32
    %c0_i32_1 = arith.constant 0 : i32
    return %arg0, %c0_i32, %c0_i32_0 : i32, i32, i32
  }
  func.func @transform_4(%arg0: i32) -> (i32, i32) {
    %c0_i32 = arith.constant 0 : i32
    %c0_i32_0 = arith.constant 0 : i32
    %c0_i32_1 = arith.constant 0 : i32
    return %c0_i32, %c0_i32_0 : i32, i32
  }
  func.func @transform_5(%arg0: i32) -> (i32, i32) {
    %c0_i32 = arith.constant 0 : i32
    %c0_i32_0 = arith.constant 0 : i32
    %c0_i32_1 = arith.constant 0 : i32
    return %c0_i32, %c0_i32_0 : i32, i32
  }
  func.func @transform_6(%arg0: i32) -> (i32, i32, i32) {
    %c0_i32 = arith.constant 0 : i32
    %c0_i32_0 = arith.constant 0 : i32
    %c0_i32_1 = arith.constant 0 : i32
    return %arg0, %c0_i32, %c0_i32_0 : i32, i32, i32
  }
  func.func @transform_7(%arg0: i32) -> (i32, i32) {
    %c0_i32 = arith.constant 0 : i32
    %c0_i32_0 = arith.constant 0 : i32
    %c0_i32_1 = arith.constant 0 : i32
    return %c0_i32, %c0_i32_0 : i32, i32
  }
  func.func @transform_8(%arg0: i32) -> (i32, i32) {
    %c0_i32 = arith.constant 0 : i32
    %c0_i32_0 = arith.constant 0 : i32
    %c0_i32_1 = arith.constant 0 : i32
    return %c0_i32, %c0_i32_0 : i32, i32
  }
  func.func @transform_9(%arg0: i32) -> (i32, i32) {
    %c0_i32 = arith.constant 0 : i32
    %c0_i32_0 = arith.constant 0 : i32
    %c0_i32_1 = arith.constant 0 : i32
    return %c0_i32, %c0_i32_0 : i32, i32
  }
  func.func @transform_10(%arg0: i32) -> (i32, i32) {
    %c0_i32 = arith.constant 0 : i32
    %c0_i32_0 = arith.constant 0 : i32
    %c0_i32_1 = arith.constant 0 : i32
    return %c0_i32, %c0_i32_0 : i32, i32
  }
  func.func @transform_11(%arg0: i32) -> (i32, i32) {
    %c0_i32 = arith.constant 0 : i32
    %c0_i32_0 = arith.constant 0 : i32
    %c0_i32_1 = arith.constant 0 : i32
    return %c0_i32, %c0_i32_0 : i32, i32
  }
  func.func @transform_12(%arg0: i32) -> (i32, i32) {
    %c0_i32 = arith.constant 0 : i32
    %c0_i32_0 = arith.constant 0 : i32
    %c0_i32_1 = arith.constant 0 : i32
    return %c0_i32, %c0_i32_0 : i32, i32
  }
  func.func @transform_13(%arg0: i32) -> (i32, i32) {
    %c0_i32 = arith.constant 0 : i32
    %c0_i32_0 = arith.constant 0 : i32
    %c0_i32_1 = arith.constant 0 : i32
    return %c0_i32, %c0_i32_0 : i32, i32
  }
  func.func @transform_14(%arg0: i32) -> (i32, i32) {
    %c0_i32 = arith.constant 0 : i32
    %c0_i32_0 = arith.constant 0 : i32
    %c0_i32_1 = arith.constant 0 : i32
    return %c0_i32, %c0_i32_0 : i32, i32
  }
  func.func @transform_15(%arg0: i32) -> (i32, i32) {
    %c0_i32 = arith.constant 0 : i32
    %c0_i32_0 = arith.constant 0 : i32
    %c0_i32_1 = arith.constant 0 : i32
    return %c0_i32, %c0_i32_0 : i32, i32
  }
  func.func @transform_16(%arg0: i32) -> (i32, i32) {
    %c0_i32 = arith.constant 0 : i32
    %c0_i32_0 = arith.constant 0 : i32
    %c0_i32_1 = arith.constant 0 : i32
    return %c0_i32, %c0_i32_0 : i32, i32
  }
  func.func @transform_17(%arg0: i32) -> (i32, i32) {
    %c0_i32 = arith.constant 0 : i32
    %c0_i32_0 = arith.constant 0 : i32
    %c0_i32_1 = arith.constant 0 : i32
    return %c0_i32, %c0_i32_0 : i32, i32
  }
  func.func @transform_18(%arg0: i32) -> (i32, i32) {
    %c0_i32 = arith.constant 0 : i32
    %c0_i32_0 = arith.constant 0 : i32
    %c0_i32_1 = arith.constant 0 : i32
    return %c0_i32, %c0_i32_0 : i32, i32
  }
  func.func @transform_19(%arg0: i32) -> (i32, i32) {
    %c0_i32 = arith.constant 0 : i32
    %c0_i32_0 = arith.constant 0 : i32
    %c0_i32_1 = arith.constant 0 : i32
    return %c0_i32, %c0_i32_0 : i32, i32
  }
  func.func @transform_20(%arg0: i32) -> (i32, i32) {
    %c0_i32 = arith.constant 0 : i32
    %c0_i32_0 = arith.constant 0 : i32
    %c0_i32_1 = arith.constant 0 : i32
    return %c0_i32, %c0_i32_0 : i32, i32
  }
  func.func @transform_21(%arg0: i32) -> (i32, i32, i32) {
    %c0_i32 = arith.constant 0 : i32
    %c0_i32_0 = arith.constant 0 : i32
    %c0_i32_1 = arith.constant 0 : i32
    return %arg0, %c0_i32, %c0_i32_0 : i32, i32, i32
  }
  func.func @transform_22(%arg0: i32) -> (i32, i32) {
    %c0_i32 = arith.constant 0 : i32
    %c0_i32_0 = arith.constant 0 : i32
    %c0_i32_1 = arith.constant 0 : i32
    return %c0_i32, %c0_i32_0 : i32, i32
  }
  func.func @transform_23(%arg0: i32) -> (i32, i32) {
    %c0_i32 = arith.constant 0 : i32
    %c0_i32_0 = arith.constant 0 : i32
    %c0_i32_1 = arith.constant 0 : i32
    return %c0_i32, %c0_i32_0 : i32, i32
  }
  func.func @transform_24(%arg0: i32) -> (i32, i32) {
    %c0_i32 = arith.constant 0 : i32
    %c0_i32_0 = arith.constant 0 : i32
    %c0_i32_1 = arith.constant 0 : i32
    return %c0_i32, %c0_i32_0 : i32, i32
  }
  func.func @transform_25(%arg0: i32) -> (i32, i32) {
    %c0_i32 = arith.constant 0 : i32
    %c0_i32_0 = arith.constant 0 : i32
    %c0_i32_1 = arith.constant 0 : i32
    return %c0_i32, %c0_i32_0 : i32, i32
  }
}

module attributes {stable_mosaic.version = 14 : i64} {
  func.func @_integrate_body(%arg0: i32, %arg1: memref<1x512x256xf32, #tpu.memory_space<vmem>>, %arg2: memref<8x256xf32, #tpu.memory_space<vmem>>, %arg3: memref<8x256xi32, #tpu.memory_space<vmem>>, %arg4: memref<1x256x256xf32, #tpu.memory_space<vmem>>, %arg5: memref<8x256xf32, #tpu.memory_space<vmem>>, %arg6: memref<8x256xi32, #tpu.memory_space<vmem>>, %arg7: memref<1x256x256xf32, #tpu.memory_space<vmem>>, %arg8: memref<8x128xf32, #tpu.memory_space<vmem>>, %arg9: memref<512x8xf32, #tpu.memory_space<vmem>>, %arg10: memref<512x8xf32, #tpu.memory_space<vmem>>, %arg11: memref<256x256xf32, #tpu.memory_space<vmem>>, %arg12: memref<256x256xf32, #tpu.memory_space<vmem>>, %arg13: memref<1x256xf32, #tpu.memory_space<vmem>>, %arg14: memref<256x256xf32, #tpu.memory_space<vmem>>, %arg15: memref<1x256xf32, #tpu.memory_space<vmem>>, %arg16: memref<1x256xf32, #tpu.memory_space<vmem>>, %arg17: memref<1x256xf32, #tpu.memory_space<vmem>>, %arg18: memref<1x256xf32, #tpu.memory_space<vmem>>, %arg19: memref<1x128xf32, #tpu.memory_space<vmem>>, %arg20: memref<1x256xf32, #tpu.memory_space<vmem>>, %arg21: memref<1x128xf32, #tpu.memory_space<vmem>>, %arg22: memref<1x512x256xf32, #tpu.memory_space<vmem>>, %arg23: memref<512x8xf32, #tpu.memory_space<vmem>>, %arg24: memref<512x8xf32, #tpu.memory_space<vmem>>, %arg25: memref<8x256xf32, #tpu.memory_space<vmem>>, %arg26: memref<8x128xf32, #tpu.memory_space<vmem>>) attributes {dimension_semantics = [#tpu.dimension_semantics<arbitrary>], iteration_bounds = array<i64: 8>, scalar_prefetch = 0 : i64, scratch_operands = 0 : i64, tpu.core_type = #tpu.core_type<tc>, window_params = [{transform_indices = @transform_0, window_bounds = array<i64: 1, 512, 256>}, {pipeline_mode = #tpu.pipeline_mode<synchronous>, transform_indices = @transform_1, window_bounds = array<i64: 8, 256>}, {pipeline_mode = #tpu.pipeline_mode<synchronous>, transform_indices = @transform_2, window_bounds = array<i64: 8, 256>}, {transform_indices = @transform_3, window_bounds = array<i64: 1, 256, 256>}, {pipeline_mode = #tpu.pipeline_mode<synchronous>, transform_indices = @transform_4, window_bounds = array<i64: 8, 256>}, {pipeline_mode = #tpu.pipeline_mode<synchronous>, transform_indices = @transform_5, window_bounds = array<i64: 8, 256>}, {transform_indices = @transform_6, window_bounds = array<i64: 1, 256, 256>}, {pipeline_mode = #tpu.pipeline_mode<synchronous>, transform_indices = @transform_7, window_bounds = array<i64: 8, 128>}, {pipeline_mode = #tpu.pipeline_mode<synchronous>, transform_indices = @transform_8, window_bounds = array<i64: 512, 8>}, {pipeline_mode = #tpu.pipeline_mode<synchronous>, transform_indices = @transform_9, window_bounds = array<i64: 512, 8>}, {pipeline_mode = #tpu.pipeline_mode<synchronous>, transform_indices = @transform_10, window_bounds = array<i64: 256, 256>}, {pipeline_mode = #tpu.pipeline_mode<synchronous>, transform_indices = @transform_11, window_bounds = array<i64: 256, 256>}, {pipeline_mode = #tpu.pipeline_mode<synchronous>, transform_indices = @transform_12, window_bounds = array<i64: 1, 256>}, {pipeline_mode = #tpu.pipeline_mode<synchronous>, transform_indices = @transform_13, window_bounds = array<i64: 256, 256>}, {pipeline_mode = #tpu.pipeline_mode<synchronous>, transform_indices = @transform_14, window_bounds = array<i64: 1, 256>}, {pipeline_mode = #tpu.pipeline_mode<synchronous>, transform_indices = @transform_15, window_bounds = array<i64: 1, 256>}, {pipeline_mode = #tpu.pipeline_mode<synchronous>, transform_indices = @transform_16, window_bounds = array<i64: 1, 256>}, {pipeline_mode = #tpu.pipeline_mode<synchronous>, transform_indices = @transform_17, window_bounds = array<i64: 1, 256>}, {pipeline_mode = #tpu.pipeline_mode<synchronous>, transform_indices = @transform_18, window_bounds = array<i64: 1, 128>}, {pipeline_mode = #tpu.pipeline_mode<synchronous>, transform_indices = @transform_19, window_bounds = array<i64: 1, 256>}, {pipeline_mode = #tpu.pipeline_mode<synchronous>, transform_indices = @transform_20, window_bounds = array<i64: 1, 128>}, {transform_indices = @transform_21, window_bounds = array<i64: 1, 512, 256>}, {pipeline_mode = #tpu.pipeline_mode<synchronous>, transform_indices = @transform_22, window_bounds = array<i64: 512, 8>}, {pipeline_mode = #tpu.pipeline_mode<synchronous>, transform_indices = @transform_23, window_bounds = array<i64: 512, 8>}, {pipeline_mode = #tpu.pipeline_mode<synchronous>, transform_indices = @transform_24, window_bounds = array<i64: 8, 256>}, {pipeline_mode = #tpu.pipeline_mode<synchronous>, transform_indices = @transform_25, window_bounds = array<i64: 8, 128>}]} {
    %get3A = arith.constant 0 : index
    %get3A_0 = arith.constant 0 : index
    %get3A_1 = arith.constant 0 : index
    %get3A_2 = vector.load %arg1[%get3A, %get3A_0, %get3A_1] : memref<1x512x256xf32, #tpu.memory_space<vmem>>, vector<1x512x256xf32>
    %get3A_3 = vector.shape_cast %get3A_2 : vector<1x512x256xf32> to vector<512x256xf32>
    %get3A_4 = arith.index_cast %arg0 : i32 to index
    %get3A_5 = arith.constant 0 : index
    %get3A_6 = vector.load %arg2[%get3A_4, %get3A_5] : memref<8x256xf32, #tpu.memory_space<vmem>>, vector<1x256xf32>
    %get3A_7 = arith.index_cast %arg0 : i32 to index
    %get3A_8 = arith.constant 0 : index
    %get3A_9 = vector.load %arg5[%get3A_7, %get3A_8] : memref<8x256xf32, #tpu.memory_space<vmem>>, vector<1x256xf32>
    %concatenate3A = tpu.concatenate %get3A_6, %get3A_9 in 1 : vector<1x256xf32>, vector<1x256xf32> -> vector<1x512xf32>
    %get3A_10 = arith.index_cast %arg0 : i32 to index
    %get3A_11 = arith.constant 0 : index
    %get3A_12 = vector.load %arg3[%get3A_10, %get3A_11] : memref<8x256xi32, #tpu.memory_space<vmem>>, vector<1x256xi32>
    %get3A_13 = arith.index_cast %arg0 : i32 to index
    %get3A_14 = arith.constant 0 : index
    %get3A_15 = vector.load %arg6[%get3A_13, %get3A_14] : memref<8x256xi32, #tpu.memory_space<vmem>>, vector<1x256xi32>
    %concatenate3A_16 = tpu.concatenate %get3A_12, %get3A_15 in 1 : vector<1x256xi32>, vector<1x256xi32> -> vector<1x512xi32>
    %convert_element_type3A = arith.sitofp %concatenate3A_16 : vector<1x512xi32> to vector<1x512xf32>
    %iota3A = tpu.iota {dimensions = array<i32: 0>} : vector<512x512xi32>
    %iota3A_17 = tpu.iota {dimensions = array<i32: 1>} : vector<512x512xi32>
    %eq3A = arith.cmpi eq, %iota3A, %iota3A_17 : vector<512x512xi32>
    %convert_element_type3A_18 = arith.extui %eq3A : vector<512x512xi1> to vector<512x512xi32>
    %convert_element_type3A_19 = arith.sitofp %convert_element_type3A_18 : vector<512x512xi32> to vector<512x512xf32>
    %dot_general3A = arith.constant dense<0.000000e+00> : vector<512x1xf32>
    %dot_general3A_20 = tpu.matmul %convert_element_type3A_19, %concatenate3A, %dot_general3A {dimension_numbers = #tpu.dot_dimension_numbers<[1], [1], [0], [0], [0, 0, 1, 0], [], []>, transpose_lhs_hint = false} : vector<512x512xf32>, vector<1x512xf32>, vector<512x1xf32> -> vector<512x1xf32>
    %dot_general3A_21 = arith.constant dense<0.000000e+00> : vector<512x1xf32>
    %dot_general3A_22 = tpu.matmul %convert_element_type3A_19, %convert_element_type3A, %dot_general3A_21 {dimension_numbers = #tpu.dot_dimension_numbers<[1], [1], [0], [0], [0, 0, 1, 0], [], []>, transpose_lhs_hint = false} : vector<512x512xf32>, vector<1x512xf32>, vector<512x1xf32> -> vector<512x1xf32>
    %gt3A = vector.broadcast %concatenate3A : vector<1x512xf32> to vector<512x512xf32>
    %gt3A_23 = vector.broadcast %dot_general3A_20 : vector<512x1xf32> to vector<512x512xf32>
    %gt3A_24 = arith.cmpf ogt, %gt3A, %gt3A_23 : vector<512x512xf32>
    %eq3A_25 = vector.broadcast %concatenate3A : vector<1x512xf32> to vector<512x512xf32>
    %eq3A_26 = vector.broadcast %dot_general3A_20 : vector<512x1xf32> to vector<512x512xf32>
    %eq3A_27 = arith.cmpf oeq, %eq3A_25, %eq3A_26 : vector<512x512xf32>
    %lt3A = vector.broadcast %convert_element_type3A : vector<1x512xf32> to vector<512x512xf32>
    %lt3A_28 = vector.broadcast %dot_general3A_22 : vector<512x1xf32> to vector<512x512xf32>
    %lt3A_29 = arith.cmpf olt, %lt3A, %lt3A_28 : vector<512x512xf32>
    %and3A = arith.andi %eq3A_27, %lt3A_29 : vector<512x512xi1>
    %or3A = arith.ori %gt3A_24, %and3A : vector<512x512xi1>
    %convert_element_type3A_30 = arith.extui %or3A : vector<512x512xi1> to vector<512x512xi32>
    %convert_element_type3A_31 = arith.sitofp %convert_element_type3A_30 : vector<512x512xi32> to vector<512x512xf32>
    %reduce_sum3A = arith.constant dense<0.000000e+00> : vector<512xf32>
    %reduce_sum3A_32 = vector.multi_reduction <add>, %convert_element_type3A_31, %reduce_sum3A [1] : vector<512x512xf32> to vector<512xf32>
    %broadcast_in_dim3A = vector.shape_cast %reduce_sum3A_32 : vector<512xf32> to vector<512x1xf32>
    %get3A_33 = arith.index_cast %arg0 : i32 to index
    %get3A_34 = arith.constant 0 : index
    %get3A_35 = vector.load %arg8[%get3A_33, %get3A_34] : memref<8x128xf32, #tpu.memory_space<vmem>>, vector<1x1xf32>
    %lt3A_36 = vector.broadcast %get3A_35 : vector<1x1xf32> to vector<512x1xf32>
    %lt3A_37 = arith.cmpf olt, %broadcast_in_dim3A, %lt3A_36 : vector<512x1xf32>
    %jit3A = arith.constant -1.000000e+09 : f32
    %broadcast_in_dim3A_38 = vector.broadcast %jit3A : f32 to vector<512x1xf32>
    %select_n3A = arith.select %lt3A_37, %dot_general3A_20, %broadcast_in_dim3A_38 : vector<512x1xi1>, vector<512x1xf32>
    %reduce_max3A = arith.constant dense<0xFF800000> : vector<1xf32>
    %reduce_max3A_39 = vector.multi_reduction <maximumf>, %select_n3A, %reduce_max3A [0] : vector<512x1xf32> to vector<1xf32>
    %broadcast_in_dim3A_40 = vector.shape_cast %reduce_max3A_39 : vector<1xf32> to vector<1x1xf32>
    %sub3A = vector.broadcast %broadcast_in_dim3A_40 : vector<1x1xf32> to vector<512x1xf32>
    %sub3A_41 = arith.subf %select_n3A, %sub3A : vector<512x1xf32>
    %exp3A = math.exp %sub3A_41 : vector<512x1xf32>
    %reduce_sum3A_42 = arith.constant dense<0.000000e+00> : vector<1xf32>
    %reduce_sum3A_43 = vector.multi_reduction <add>, %exp3A, %reduce_sum3A_42 [0] : vector<512x1xf32> to vector<1xf32>
    %broadcast_in_dim3A_44 = vector.shape_cast %reduce_sum3A_43 : vector<1xf32> to vector<1x1xf32>
    %div3A = vector.broadcast %broadcast_in_dim3A_44 : vector<1x1xf32> to vector<512x1xf32>
    %div3A_45 = arith.divf %exp3A, %div3A : vector<512x1xf32>
    %slice3A = vector.extract_strided_slice %div3A_45 {offsets = [0, 0], sizes = [256, 1], strides = [1, 1]} : vector<512x1xf32> to vector<256x1xf32>
    %get3A_46 = arith.constant 0 : index
    %get3A_47 = arith.constant 0 : index
    %get3A_48 = arith.constant 0 : index
    %get3A_49 = vector.load %arg4[%get3A_46, %get3A_47, %get3A_48] : memref<1x256x256xf32, #tpu.memory_space<vmem>>, vector<1x256x256xf32>
    %get3A_50 = vector.shape_cast %get3A_49 : vector<1x256x256xf32> to vector<256x256xf32>
    %dot_general3A_51 = arith.constant dense<0.000000e+00> : vector<1x256xf32>
    %dot_general3A_52 = tpu.matmul %slice3A, %get3A_50, %dot_general3A_51 {dimension_numbers = #tpu.dot_dimension_numbers<[0], [0], [1], [1], [0, 1, 1, 1], [], []>, transpose_lhs_hint = false} : vector<256x1xf32>, vector<256x256xf32>, vector<1x256xf32> -> vector<1x256xf32>
    %slice3A_53 = vector.extract_strided_slice %div3A_45 {offsets = [256, 0], sizes = [256, 1], strides = [1, 1]} : vector<512x1xf32> to vector<256x1xf32>
    %get3A_54 = arith.constant 0 : index
    %get3A_55 = arith.constant 0 : index
    %get3A_56 = arith.constant 0 : index
    %get3A_57 = vector.load %arg7[%get3A_54, %get3A_55, %get3A_56] : memref<1x256x256xf32, #tpu.memory_space<vmem>>, vector<1x256x256xf32>
    %get3A_58 = vector.shape_cast %get3A_57 : vector<1x256x256xf32> to vector<256x256xf32>
    %dot_general3A_59 = arith.constant dense<0.000000e+00> : vector<1x256xf32>
    %dot_general3A_60 = tpu.matmul %slice3A_53, %get3A_58, %dot_general3A_59 {dimension_numbers = #tpu.dot_dimension_numbers<[0], [0], [1], [1], [0, 1, 1, 1], [], []>, transpose_lhs_hint = false} : vector<256x1xf32>, vector<256x256xf32>, vector<1x256xf32> -> vector<1x256xf32>
    %add3A = arith.addf %dot_general3A_52, %dot_general3A_60 : vector<1x256xf32>
    %get3A_61 = arith.constant 0 : index
    %get3A_62 = arith.constant 0 : index
    %get3A_63 = vector.load %arg11[%get3A_61, %get3A_62] : memref<256x256xf32, #tpu.memory_space<vmem>>, vector<256x256xf32>
    %dot_general3A_64 = arith.constant dense<0.000000e+00> : vector<512x256xf32>
    %dot_general3A_65 = tpu.matmul %get3A_3, %get3A_63, %dot_general3A_64 {dimension_numbers = #tpu.dot_dimension_numbers<[1], [0], [0], [1], [0, 0, 1, 1], [], []>, transpose_lhs_hint = false} : vector<512x256xf32>, vector<256x256xf32>, vector<512x256xf32> -> vector<512x256xf32>
    %get3A_66 = arith.constant 0 : index
    %get3A_67 = arith.constant 0 : index
    %get3A_68 = vector.load %arg12[%get3A_66, %get3A_67] : memref<256x256xf32, #tpu.memory_space<vmem>>, vector<256x256xf32>
    %dot_general3A_69 = arith.constant dense<0.000000e+00> : vector<1x256xf32>
    %dot_general3A_70 = tpu.matmul %add3A, %get3A_68, %dot_general3A_69 {dimension_numbers = #tpu.dot_dimension_numbers<[1], [0], [0], [1], [0, 0, 1, 1], [], []>, transpose_lhs_hint = false} : vector<1x256xf32>, vector<256x256xf32>, vector<1x256xf32> -> vector<1x256xf32>
    %add3A_71 = vector.broadcast %dot_general3A_70 : vector<1x256xf32> to vector<512x256xf32>
    %add3A_72 = arith.addf %dot_general3A_65, %add3A_71 : vector<512x256xf32>
    %get3A_73 = arith.constant 0 : index
    %get3A_74 = arith.constant 0 : index
    %get3A_75 = vector.load %arg13[%get3A_73, %get3A_74] : memref<1x256xf32, #tpu.memory_space<vmem>>, vector<1x256xf32>
    %add3A_76 = vector.broadcast %get3A_75 : vector<1x256xf32> to vector<512x256xf32>
    %add3A_77 = arith.addf %add3A_72, %add3A_76 : vector<512x256xf32>
    %integer_pow3A = arith.mulf %add3A_77, %add3A_77 : vector<512x256xf32>
    %integer_pow3A_78 = arith.mulf %add3A_77, %integer_pow3A : vector<512x256xf32>
    %mul3A = arith.constant 4.471500e-02 : f32
    %mul3A_79 = vector.broadcast %mul3A : f32 to vector<512x256xf32>
    %mul3A_80 = arith.mulf %mul3A_79, %integer_pow3A_78 : vector<512x256xf32>
    %add3A_81 = arith.addf %add3A_77, %mul3A_80 : vector<512x256xf32>
    %mul3A_82 = arith.constant 0.797884583 : f32
    %mul3A_83 = vector.broadcast %mul3A_82 : f32 to vector<512x256xf32>
    %mul3A_84 = arith.mulf %mul3A_83, %add3A_81 : vector<512x256xf32>
    %tanh3A = math.tanh %mul3A_84 : vector<512x256xf32>
    %add3A_85 = arith.constant 1.000000e+00 : f32
    %add3A_86 = vector.broadcast %add3A_85 : f32 to vector<512x256xf32>
    %add3A_87 = arith.addf %add3A_86, %tanh3A : vector<512x256xf32>
    %mul3A_88 = arith.constant 5.000000e-01 : f32
    %mul3A_89 = vector.broadcast %mul3A_88 : f32 to vector<512x256xf32>
    %mul3A_90 = arith.mulf %mul3A_89, %add3A_87 : vector<512x256xf32>
    %mul3A_91 = arith.mulf %add3A_77, %mul3A_90 : vector<512x256xf32>
    %get3A_92 = arith.constant 0 : index
    %get3A_93 = arith.constant 0 : index
    %get3A_94 = vector.load %arg14[%get3A_92, %get3A_93] : memref<256x256xf32, #tpu.memory_space<vmem>>, vector<256x256xf32>
    %dot_general3A_95 = arith.constant dense<0.000000e+00> : vector<512x256xf32>
    %dot_general3A_96 = tpu.matmul %mul3A_91, %get3A_94, %dot_general3A_95 {dimension_numbers = #tpu.dot_dimension_numbers<[1], [0], [0], [1], [0, 0, 1, 1], [], []>, transpose_lhs_hint = false} : vector<512x256xf32>, vector<256x256xf32>, vector<512x256xf32> -> vector<512x256xf32>
    %get3A_97 = arith.constant 0 : index
    %get3A_98 = arith.constant 0 : index
    %get3A_99 = vector.load %arg15[%get3A_97, %get3A_98] : memref<1x256xf32, #tpu.memory_space<vmem>>, vector<1x256xf32>
    %add3A_100 = vector.broadcast %get3A_99 : vector<1x256xf32> to vector<512x256xf32>
    %add3A_101 = arith.addf %dot_general3A_96, %add3A_100 : vector<512x256xf32>
    %reduce_sum3A_102 = arith.constant dense<0.000000e+00> : vector<512xf32>
    %reduce_sum3A_103 = vector.multi_reduction <add>, %add3A_101, %reduce_sum3A_102 [1] : vector<512x256xf32> to vector<512xf32>
    %broadcast_in_dim3A_104 = vector.shape_cast %reduce_sum3A_103 : vector<512xf32> to vector<512x1xf32>
    %div3A_105 = arith.constant 2.560000e+02 : f32
    %div3A_106 = vector.broadcast %div3A_105 : f32 to vector<512x1xf32>
    %div3A_107 = arith.divf %broadcast_in_dim3A_104, %div3A_106 : vector<512x1xf32>
    %sub3A_108 = vector.broadcast %div3A_107 : vector<512x1xf32> to vector<512x256xf32>
    %sub3A_109 = arith.subf %add3A_101, %sub3A_108 : vector<512x256xf32>
    %sub3A_110 = vector.broadcast %div3A_107 : vector<512x1xf32> to vector<512x256xf32>
    %sub3A_111 = arith.subf %add3A_101, %sub3A_110 : vector<512x256xf32>
    %mul3A_112 = arith.mulf %sub3A_109, %sub3A_111 : vector<512x256xf32>
    %reduce_sum3A_113 = arith.constant dense<0.000000e+00> : vector<512xf32>
    %reduce_sum3A_114 = vector.multi_reduction <add>, %mul3A_112, %reduce_sum3A_113 [1] : vector<512x256xf32> to vector<512xf32>
    %broadcast_in_dim3A_115 = vector.shape_cast %reduce_sum3A_114 : vector<512xf32> to vector<512x1xf32>
    %div3A_116 = arith.constant 2.560000e+02 : f32
    %div3A_117 = vector.broadcast %div3A_116 : f32 to vector<512x1xf32>
    %div3A_118 = arith.divf %broadcast_in_dim3A_115, %div3A_117 : vector<512x1xf32>
    %sub3A_119 = vector.broadcast %div3A_107 : vector<512x1xf32> to vector<512x256xf32>
    %sub3A_120 = arith.subf %add3A_101, %sub3A_119 : vector<512x256xf32>
    %add3A_121 = arith.constant 9.99999997E-7 : f32
    %add3A_122 = vector.broadcast %add3A_121 : f32 to vector<512x1xf32>
    %add3A_123 = arith.addf %div3A_118, %add3A_122 : vector<512x1xf32>
    %sqrt3A = math.sqrt %add3A_123 : vector<512x1xf32>
    %div3A_124 = vector.broadcast %sqrt3A : vector<512x1xf32> to vector<512x256xf32>
    %div3A_125 = arith.divf %sub3A_120, %div3A_124 : vector<512x256xf32>
    %get3A_126 = arith.constant 0 : index
    %get3A_127 = arith.constant 0 : index
    %get3A_128 = vector.load %arg16[%get3A_126, %get3A_127] : memref<1x256xf32, #tpu.memory_space<vmem>>, vector<1x256xf32>
    %mul3A_129 = vector.broadcast %get3A_128 : vector<1x256xf32> to vector<512x256xf32>
    %mul3A_130 = arith.mulf %div3A_125, %mul3A_129 : vector<512x256xf32>
    %get3A_131 = arith.constant 0 : index
    %get3A_132 = arith.constant 0 : index
    %get3A_133 = vector.load %arg17[%get3A_131, %get3A_132] : memref<1x256xf32, #tpu.memory_space<vmem>>, vector<1x256xf32>
    %add3A_134 = vector.broadcast %get3A_133 : vector<1x256xf32> to vector<512x256xf32>
    %add3A_135 = arith.addf %mul3A_130, %add3A_134 : vector<512x256xf32>
    %add3A_136 = arith.addf %get3A_3, %add3A_135 : vector<512x256xf32>
    %get3A_137 = arith.constant 0 : index
    %get3A_138 = arith.constant 0 : index
    %get3A_139 = vector.load %arg18[%get3A_137, %get3A_138] : memref<1x256xf32, #tpu.memory_space<vmem>>, vector<1x256xf32>
    %mul3A_140 = vector.broadcast %get3A_139 : vector<1x256xf32> to vector<512x256xf32>
    %mul3A_141 = arith.mulf %add3A_136, %mul3A_140 : vector<512x256xf32>
    %reduce_sum3A_142 = arith.constant dense<0.000000e+00> : vector<512xf32>
    %reduce_sum3A_143 = vector.multi_reduction <add>, %mul3A_141, %reduce_sum3A_142 [1] : vector<512x256xf32> to vector<512xf32>
    %broadcast_in_dim3A_144 = vector.shape_cast %reduce_sum3A_143 : vector<512xf32> to vector<512x1xf32>
    %get3A_145 = arith.constant 0 : index
    %get3A_146 = arith.constant 0 : index
    %get3A_147 = vector.load %arg19[%get3A_145, %get3A_146] : memref<1x128xf32, #tpu.memory_space<vmem>>, vector<1x1xf32>
    %get3A_148 = vector.extract %get3A_147[0, 0] : f32 from vector<1x1xf32>
    %add3A_149 = vector.broadcast %get3A_148 : f32 to vector<512x1xf32>
    %add3A_150 = arith.addf %broadcast_in_dim3A_144, %add3A_149 : vector<512x1xf32>
    %logistic3A = arith.negf %add3A_150 : vector<512x1xf32>
    %logistic3A_151 = math.exp %logistic3A : vector<512x1xf32>
    %logistic3A_152 = arith.constant 1.000000e+00 : f32
    %logistic3A_153 = vector.broadcast %logistic3A_152 : f32 to vector<512x1xf32>
    %logistic3A_154 = arith.addf %logistic3A_153, %logistic3A_151 : vector<512x1xf32>
    %logistic3A_155 = arith.divf %logistic3A_153, %logistic3A_154 : vector<512x1xf32>
    %iota3A_156 = tpu.iota {dimensions = array<i32: 1>} : vector<1x8xi32>
    %eq3A_157 = vector.broadcast %arg0 : i32 to vector<1x8xi32>
    %eq3A_158 = arith.cmpi eq, %iota3A_156, %eq3A_157 : vector<1x8xi32>
    %convert_element_type3A_159 = arith.extui %eq3A_158 : vector<1x8xi1> to vector<1x8xi32>
    %convert_element_type3A_160 = arith.sitofp %convert_element_type3A_159 : vector<1x8xi32> to vector<1x8xf32>
    %get3A_161 = arith.constant 0 : index
    %get3A_162 = arith.constant 0 : index
    %get3A_163 = vector.load %arg10[%get3A_161, %get3A_162] : memref<512x8xf32, #tpu.memory_space<vmem>>, vector<512x8xf32>
    %get3A_164 = arith.constant 0 : index
    %get3A_165 = arith.constant 0 : index
    %get3A_166 = vector.load %arg9[%get3A_164, %get3A_165] : memref<512x8xf32, #tpu.memory_space<vmem>>, vector<512x8xf32>
    %mul3A_167 = vector.broadcast %convert_element_type3A_160 : vector<1x8xf32> to vector<512x8xf32>
    %mul3A_168 = arith.mulf %get3A_163, %mul3A_167 : vector<512x8xf32>
    %reduce_sum3A_169 = arith.constant dense<0.000000e+00> : vector<512xf32>
    %reduce_sum3A_170 = vector.multi_reduction <add>, %mul3A_168, %reduce_sum3A_169 [1] : vector<512x8xf32> to vector<512xf32>
    %broadcast_in_dim3A_171 = vector.shape_cast %reduce_sum3A_170 : vector<512xf32> to vector<512x1xf32>
    %mul3A_172 = vector.broadcast %convert_element_type3A_160 : vector<1x8xf32> to vector<512x8xf32>
    %mul3A_173 = arith.mulf %get3A_166, %mul3A_172 : vector<512x8xf32>
    %reduce_sum3A_174 = arith.constant dense<0.000000e+00> : vector<512xf32>
    %reduce_sum3A_175 = vector.multi_reduction <add>, %mul3A_173, %reduce_sum3A_174 [1] : vector<512x8xf32> to vector<512xf32>
    %broadcast_in_dim3A_176 = vector.shape_cast %reduce_sum3A_175 : vector<512xf32> to vector<512x1xf32>
    %sub3A_177 = arith.constant 1.000000e+00 : f32
    %sub3A_178 = vector.broadcast %sub3A_177 : f32 to vector<512x1xf32>
    %sub3A_179 = arith.subf %sub3A_178, %broadcast_in_dim3A_171 : vector<512x1xf32>
    %mul3A_180 = arith.mulf %logistic3A_155, %sub3A_179 : vector<512x1xf32>
    %add3A_181 = arith.addf %broadcast_in_dim3A_176, %mul3A_180 : vector<512x1xf32>
    %sub3A_182 = arith.constant 1.000000e+00 : f32
    %sub3A_183 = vector.broadcast %sub3A_182 : f32 to vector<512x1xf32>
    %sub3A_184 = arith.subf %sub3A_183, %broadcast_in_dim3A_171 : vector<512x1xf32>
    %mul3A_185 = vector.broadcast %sub3A_184 : vector<512x1xf32> to vector<512x256xf32>
    %mul3A_186 = arith.mulf %mul3A_185, %add3A_136 : vector<512x256xf32>
    %mul3A_187 = vector.broadcast %broadcast_in_dim3A_171 : vector<512x1xf32> to vector<512x256xf32>
    %mul3A_188 = arith.mulf %mul3A_187, %get3A_3 : vector<512x256xf32>
    %add3A_189 = arith.addf %mul3A_186, %mul3A_188 : vector<512x256xf32>
    %swap3A = arith.constant 0 : index
    %swap3A_190 = arith.constant 0 : index
    %swap3A_191 = arith.constant 0 : index
    %swap3A_192 = vector.load %arg22[%swap3A, %swap3A_190, %swap3A_191] : memref<1x512x256xf32, #tpu.memory_space<vmem>>, vector<1x512x256xf32>
    %swap3A_193 = vector.shape_cast %swap3A_192 : vector<1x512x256xf32> to vector<512x256xf32>
    %swap3A_194 = vector.shape_cast %add3A_189 : vector<512x256xf32> to vector<1x512x256xf32>
    tpu.vector_store %arg22[%swap3A, %swap3A_190, %swap3A_191], %swap3A_194 {strides = array<i32>} : memref<1x512x256xf32, #tpu.memory_space<vmem>>, vector<1x512x256xf32>,
    %reduce_sum3A_195 = arith.constant dense<0.000000e+00> : vector<256xf32>
    %reduce_sum3A_196 = vector.multi_reduction <add>, %add3A_189, %reduce_sum3A_195 [0] : vector<512x256xf32> to vector<256xf32>
    %broadcast_in_dim3A_197 = vector.shape_cast %reduce_sum3A_196 : vector<256xf32> to vector<1x256xf32>
    %div3A_198 = arith.constant 5.120000e+02 : f32
    %div3A_199 = vector.broadcast %div3A_198 : f32 to vector<1x256xf32>
    %div3A_200 = arith.divf %broadcast_in_dim3A_197, %div3A_199 : vector<1x256xf32>
    %get3A_201 = arith.constant 0 : index
    %get3A_202 = arith.constant 0 : index
    %get3A_203 = vector.load %arg20[%get3A_201, %get3A_202] : memref<1x256xf32, #tpu.memory_space<vmem>>, vector<1x256xf32>
    %mul3A_204 = arith.mulf %div3A_200, %get3A_203 : vector<1x256xf32>
    %reduce_sum3A_205 = vector.shape_cast %mul3A_204 : vector<1x256xf32> to vector<1x1x256xf32>
    %reduce_sum3A_206 = arith.constant dense<0.000000e+00> : vector<1xf32>
    %reduce_sum3A_207 = vector.multi_reduction <add>, %reduce_sum3A_205, %reduce_sum3A_206 [1, 2] : vector<1x1x256xf32> to vector<1xf32>
    %reduce_sum3A_208 = vector.shape_cast %reduce_sum3A_207 : vector<1xf32> to vector<1x1x1xf32>
    %reduce_sum3A_209 = vector.extract %reduce_sum3A_208[0, 0, 0] : f32 from vector<1x1x1xf32>
    %get3A_210 = arith.constant 0 : index
    %get3A_211 = arith.constant 0 : index
    %get3A_212 = vector.load %arg21[%get3A_210, %get3A_211] : memref<1x128xf32, #tpu.memory_space<vmem>>, vector<1x1xf32>
    %get3A_213 = vector.extract %get3A_212[0, 0] : f32 from vector<1x1xf32>
    %add3A_214 = arith.addf %reduce_sum3A_209, %get3A_213 : f32
    %logistic3A_215 = arith.negf %add3A_214 : f32
    %logistic3A_216 = math.exp %logistic3A_215 : f32
    %logistic3A_217 = arith.constant 1.000000e+00 : f32
    %logistic3A_218 = arith.addf %logistic3A_217, %logistic3A_216 : f32
    %logistic3A_219 = arith.divf %logistic3A_217, %logistic3A_218 : f32
    %mul3A_220 = arith.constant 5.600000e+01 : f32
    %mul3A_221 = arith.mulf %logistic3A_219, %mul3A_220 : f32
    %floor3A = math.floor %mul3A_221 : f32
    %add3A_222 = arith.constant 8.000000e+00 : f32
    %add3A_223 = arith.addf %add3A_222, %floor3A : f32
    %swap3A_224 = arith.index_cast %arg0 : i32 to index
    %swap3A_225 = arith.constant 0 : index
    %swap3A_226 = vector.load %arg25[%swap3A_224, %swap3A_225] : memref<8x256xf32, #tpu.memory_space<vmem>>, vector<1x256xf32>
    tpu.vector_store %arg25[%swap3A_224, %swap3A_225], %div3A_200 {strides = array<i32>} : memref<8x256xf32, #tpu.memory_space<vmem>>, vector<1x256xf32>,
    %iota3A_227 = tpu.iota {dimensions = array<i32: 0>} : vector<8x128xi32>
    %eq3A_228 = vector.broadcast %arg0 : i32 to vector<8x128xi32>
    %eq3A_229 = arith.cmpi eq, %iota3A_227, %eq3A_228 : vector<8x128xi32>
    %eq3A_230 = arith.constant 0 : i32
    %eq3A_231 = arith.cmpi eq, %arg0, %eq3A_230 : i32
    %convert_element_type3A_232 = arith.extui %eq3A_231 : i1 to i32
    %cond3A = arith.constant 0 : i32
    %cond3A_233 = arith.cmpi ne, %convert_element_type3A_232, %cond3A : i32
    scf.if %cond3A_233 {
      %broadcast_in_dim3A_269 = arith.constant 0.000000e+00 : f32
      %broadcast_in_dim3A_270 = vector.broadcast %broadcast_in_dim3A_269 : f32 to vector<8x128xf32>
      %swap3A_271 = arith.constant 0 : index
      %swap3A_272 = arith.constant 0 : index
      %swap3A_273 = vector.load %arg26[%swap3A_271, %swap3A_272] : memref<8x128xf32, #tpu.memory_space<vmem>>, vector<8x128xf32>
      tpu.vector_store %arg26[%swap3A_271, %swap3A_272], %broadcast_in_dim3A_270 {strides = array<i32>} : memref<8x128xf32, #tpu.memory_space<vmem>>, vector<8x128xf32>,
    } else {
    }
    %get3A_234 = arith.constant 0 : index
    %get3A_235 = arith.constant 0 : index
    %get3A_236 = vector.load %arg26[%get3A_234, %get3A_235] : memref<8x128xf32, #tpu.memory_space<vmem>>, vector<8x128xf32>
    %broadcast_in_dim3A_237 = vector.broadcast %add3A_223 : f32 to vector<8x128xf32>
    %select_n3A_238 = arith.select %eq3A_229, %broadcast_in_dim3A_237, %get3A_236 : vector<8x128xi1>, vector<8x128xf32>
    %swap3A_239 = arith.constant 0 : index
    %swap3A_240 = arith.constant 0 : index
    %swap3A_241 = vector.load %arg26[%swap3A_239, %swap3A_240] : memref<8x128xf32, #tpu.memory_space<vmem>>, vector<8x128xf32>
    tpu.vector_store %arg26[%swap3A_239, %swap3A_240], %select_n3A_238 {strides = array<i32>} : memref<8x128xf32, #tpu.memory_space<vmem>>, vector<8x128xf32>,
    %eq3A_242 = arith.constant 0 : i32
    %eq3A_243 = arith.cmpi eq, %arg0, %eq3A_242 : i32
    %convert_element_type3A_244 = arith.extui %eq3A_243 : i1 to i32
    %cond3A_245 = arith.constant 0 : i32
    %cond3A_246 = arith.cmpi ne, %convert_element_type3A_244, %cond3A_245 : i32
    scf.if %cond3A_246 {
      %swap3A_269 = arith.constant 0 : index
      %swap3A_270 = arith.constant 0 : index
      %swap3A_271 = vector.load %arg23[%swap3A_269, %swap3A_270] : memref<512x8xf32, #tpu.memory_space<vmem>>, vector<512x8xf32>
      tpu.vector_store %arg23[%swap3A_269, %swap3A_270], %get3A_166 {strides = array<i32>} : memref<512x8xf32, #tpu.memory_space<vmem>>, vector<512x8xf32>,
      %swap3A_272 = arith.constant 0 : index
      %swap3A_273 = arith.constant 0 : index
      %swap3A_274 = vector.load %arg24[%swap3A_272, %swap3A_273] : memref<512x8xf32, #tpu.memory_space<vmem>>, vector<512x8xf32>
      tpu.vector_store %arg24[%swap3A_272, %swap3A_273], %get3A_163 {strides = array<i32>} : memref<512x8xf32, #tpu.memory_space<vmem>>, vector<512x8xf32>,
    } else {
    }
    %broadcast_in_dim3A_247 = vector.shape_cast %add3A_181 : vector<512x1xf32> to vector<512x1xf32>
    %broadcast_in_dim3A_248 = vector.broadcast %broadcast_in_dim3A_247 : vector<512x1xf32> to vector<512x8xf32>
    %ge3A = arith.constant 9.900000e-01 : f32
    %ge3A_249 = vector.broadcast %ge3A : f32 to vector<512x8xf32>
    %ge3A_250 = arith.cmpf oge, %broadcast_in_dim3A_248, %ge3A_249 : vector<512x8xf32>
    %convert_element_type3A_251 = arith.extui %ge3A_250 : vector<512x8xi1> to vector<512x8xi32>
    %convert_element_type3A_252 = arith.sitofp %convert_element_type3A_251 : vector<512x8xi32> to vector<512x8xf32>
    %broadcast_in_dim3A_253 = vector.shape_cast %eq3A_158 : vector<1x8xi1> to vector<1x8xi1>
    %broadcast_in_dim3A_254 = vector.broadcast %broadcast_in_dim3A_253 : vector<1x8xi1> to vector<512x8xi1>
    %get3A_255 = arith.constant 0 : index
    %get3A_256 = arith.constant 0 : index
    %get3A_257 = vector.load %arg23[%get3A_255, %get3A_256] : memref<512x8xf32, #tpu.memory_space<vmem>>, vector<512x8xf32>
    %select_n3A_258 = arith.select %broadcast_in_dim3A_254, %broadcast_in_dim3A_248, %get3A_257 : vector<512x8xi1>, vector<512x8xf32>
    %swap3A_259 = arith.constant 0 : index
    %swap3A_260 = arith.constant 0 : index
    %swap3A_261 = vector.load %arg23[%swap3A_259, %swap3A_260] : memref<512x8xf32, #tpu.memory_space<vmem>>, vector<512x8xf32>
    tpu.vector_store %arg23[%swap3A_259, %swap3A_260], %select_n3A_258 {strides = array<i32>} : memref<512x8xf32, #tpu.memory_space<vmem>>, vector<512x8xf32>,
    %get3A_262 = arith.constant 0 : index
    %get3A_263 = arith.constant 0 : index
    %get3A_264 = vector.load %arg24[%get3A_262, %get3A_263] : memref<512x8xf32, #tpu.memory_space<vmem>>, vector<512x8xf32>
    %select_n3A_265 = arith.select %broadcast_in_dim3A_254, %convert_element_type3A_252, %get3A_264 : vector<512x8xi1>, vector<512x8xf32>
    %swap3A_266 = arith.constant 0 : index
    %swap3A_267 = arith.constant 0 : index
    %swap3A_268 = vector.load %arg24[%swap3A_266, %swap3A_267] : memref<512x8xf32, #tpu.memory_space<vmem>>, vector<512x8xf32>
    tpu.vector_store %arg24[%swap3A_266, %swap3A_267], %select_n3A_265 {strides = array<i32>} : memref<512x8xf32, #tpu.memory_space<vmem>>, vector<512x8xf32>,
    return
  }
  func.func @transform_0(%arg0: i32) -> (i32, i32, i32) {
    %c0_i32 = arith.constant 0 : i32
    %c0_i32_0 = arith.constant 0 : i32
    %c0_i32_1 = arith.constant 0 : i32
    return %arg0, %c0_i32, %c0_i32_0 : i32, i32, i32
  }
  func.func @transform_1(%arg0: i32) -> (i32, i32) {
    %c0_i32 = arith.constant 0 : i32
    %c0_i32_0 = arith.constant 0 : i32
    %c0_i32_1 = arith.constant 0 : i32
    return %c0_i32, %c0_i32_0 : i32, i32
  }
  func.func @transform_2(%arg0: i32) -> (i32, i32) {
    %c0_i32 = arith.constant 0 : i32
    %c0_i32_0 = arith.constant 0 : i32
    %c0_i32_1 = arith.constant 0 : i32
    return %c0_i32, %c0_i32_0 : i32, i32
  }
  func.func @transform_3(%arg0: i32) -> (i32, i32, i32) {
    %c0_i32 = arith.constant 0 : i32
    %c0_i32_0 = arith.constant 0 : i32
    %c0_i32_1 = arith.constant 0 : i32
    return %arg0, %c0_i32, %c0_i32_0 : i32, i32, i32
  }
  func.func @transform_4(%arg0: i32) -> (i32, i32) {
    %c0_i32 = arith.constant 0 : i32
    %c0_i32_0 = arith.constant 0 : i32
    %c0_i32_1 = arith.constant 0 : i32
    return %c0_i32, %c0_i32_0 : i32, i32
  }
  func.func @transform_5(%arg0: i32) -> (i32, i32) {
    %c0_i32 = arith.constant 0 : i32
    %c0_i32_0 = arith.constant 0 : i32
    %c0_i32_1 = arith.constant 0 : i32
    return %c0_i32, %c0_i32_0 : i32, i32
  }
  func.func @transform_6(%arg0: i32) -> (i32, i32, i32) {
    %c0_i32 = arith.constant 0 : i32
    %c0_i32_0 = arith.constant 0 : i32
    %c0_i32_1 = arith.constant 0 : i32
    return %arg0, %c0_i32, %c0_i32_0 : i32, i32, i32
  }
  func.func @transform_7(%arg0: i32) -> (i32, i32) {
    %c0_i32 = arith.constant 0 : i32
    %c0_i32_0 = arith.constant 0 : i32
    %c0_i32_1 = arith.constant 0 : i32
    return %c0_i32, %c0_i32_0 : i32, i32
  }
  func.func @transform_8(%arg0: i32) -> (i32, i32) {
    %c0_i32 = arith.constant 0 : i32
    %c0_i32_0 = arith.constant 0 : i32
    %c0_i32_1 = arith.constant 0 : i32
    return %c0_i32, %c0_i32_0 : i32, i32
  }
  func.func @transform_9(%arg0: i32) -> (i32, i32) {
    %c0_i32 = arith.constant 0 : i32
    %c0_i32_0 = arith.constant 0 : i32
    %c0_i32_1 = arith.constant 0 : i32
    return %c0_i32, %c0_i32_0 : i32, i32
  }
  func.func @transform_10(%arg0: i32) -> (i32, i32) {
    %c0_i32 = arith.constant 0 : i32
    %c0_i32_0 = arith.constant 0 : i32
    %c0_i32_1 = arith.constant 0 : i32
    return %c0_i32, %c0_i32_0 : i32, i32
  }
  func.func @transform_11(%arg0: i32) -> (i32, i32) {
    %c0_i32 = arith.constant 0 : i32
    %c0_i32_0 = arith.constant 0 : i32
    %c0_i32_1 = arith.constant 0 : i32
    return %c0_i32, %c0_i32_0 : i32, i32
  }
  func.func @transform_12(%arg0: i32) -> (i32, i32) {
    %c0_i32 = arith.constant 0 : i32
    %c0_i32_0 = arith.constant 0 : i32
    %c0_i32_1 = arith.constant 0 : i32
    return %c0_i32, %c0_i32_0 : i32, i32
  }
  func.func @transform_13(%arg0: i32) -> (i32, i32) {
    %c0_i32 = arith.constant 0 : i32
    %c0_i32_0 = arith.constant 0 : i32
    %c0_i32_1 = arith.constant 0 : i32
    return %c0_i32, %c0_i32_0 : i32, i32
  }
  func.func @transform_14(%arg0: i32) -> (i32, i32) {
    %c0_i32 = arith.constant 0 : i32
    %c0_i32_0 = arith.constant 0 : i32
    %c0_i32_1 = arith.constant 0 : i32
    return %c0_i32, %c0_i32_0 : i32, i32
  }
  func.func @transform_15(%arg0: i32) -> (i32, i32) {
    %c0_i32 = arith.constant 0 : i32
    %c0_i32_0 = arith.constant 0 : i32
    %c0_i32_1 = arith.constant 0 : i32
    return %c0_i32, %c0_i32_0 : i32, i32
  }
  func.func @transform_16(%arg0: i32) -> (i32, i32) {
    %c0_i32 = arith.constant 0 : i32
    %c0_i32_0 = arith.constant 0 : i32
    %c0_i32_1 = arith.constant 0 : i32
    return %c0_i32, %c0_i32_0 : i32, i32
  }
  func.func @transform_17(%arg0: i32) -> (i32, i32) {
    %c0_i32 = arith.constant 0 : i32
    %c0_i32_0 = arith.constant 0 : i32
    %c0_i32_1 = arith.constant 0 : i32
    return %c0_i32, %c0_i32_0 : i32, i32
  }
  func.func @transform_18(%arg0: i32) -> (i32, i32) {
    %c0_i32 = arith.constant 0 : i32
    %c0_i32_0 = arith.constant 0 : i32
    %c0_i32_1 = arith.constant 0 : i32
    return %c0_i32, %c0_i32_0 : i32, i32
  }
  func.func @transform_19(%arg0: i32) -> (i32, i32) {
    %c0_i32 = arith.constant 0 : i32
    %c0_i32_0 = arith.constant 0 : i32
    %c0_i32_1 = arith.constant 0 : i32
    return %c0_i32, %c0_i32_0 : i32, i32
  }
  func.func @transform_20(%arg0: i32) -> (i32, i32) {
    %c0_i32 = arith.constant 0 : i32
    %c0_i32_0 = arith.constant 0 : i32
    %c0_i32_1 = arith.constant 0 : i32
    return %c0_i32, %c0_i32_0 : i32, i32
  }
  func.func @transform_21(%arg0: i32) -> (i32, i32, i32) {
    %c0_i32 = arith.constant 0 : i32
    %c0_i32_0 = arith.constant 0 : i32
    %c0_i32_1 = arith.constant 0 : i32
    return %arg0, %c0_i32, %c0_i32_0 : i32, i32, i32
  }
  func.func @transform_22(%arg0: i32) -> (i32, i32) {
    %c0_i32 = arith.constant 0 : i32
    %c0_i32_0 = arith.constant 0 : i32
    %c0_i32_1 = arith.constant 0 : i32
    return %c0_i32, %c0_i32_0 : i32, i32
  }
  func.func @transform_23(%arg0: i32) -> (i32, i32) {
    %c0_i32 = arith.constant 0 : i32
    %c0_i32_0 = arith.constant 0 : i32
    %c0_i32_1 = arith.constant 0 : i32
    return %c0_i32, %c0_i32_0 : i32, i32
  }
  func.func @transform_24(%arg0: i32) -> (i32, i32) {
    %c0_i32 = arith.constant 0 : i32
    %c0_i32_0 = arith.constant 0 : i32
    %c0_i32_1 = arith.constant 0 : i32
    return %c0_i32, %c0_i32_0 : i32, i32
  }
  func.func @transform_25(%arg0: i32) -> (i32, i32) {
    %c0_i32 = arith.constant 0 : i32
    %c0_i32_0 = arith.constant 0 : i32
    %c0_i32_1 = arith.constant 0 : i32
    return %c0_i32, %c0_i32_0 : i32, i32
  }
}

module attributes {stable_mosaic.version = 14 : i64} {
  func.func @_decode_body(%arg0: i32, %arg1: memref<1x512x256xbf16, #tpu.memory_space<vmem>>, %arg2: memref<256x8192xbf16, #tpu.memory_space<vmem>>, %arg3: memref<1x8192xf32, #tpu.memory_space<vmem>>, %arg4: memref<1x512x8192xf32, #tpu.memory_space<vmem>>) attributes {dimension_semantics = [#tpu.dimension_semantics<arbitrary>], iteration_bounds = array<i64: 8>, scalar_prefetch = 0 : i64, scratch_operands = 0 : i64, tpu.core_type = #tpu.core_type<tc>, window_params = [{transform_indices = @transform_0, window_bounds = array<i64: 1, 512, 256>}, {pipeline_mode = #tpu.pipeline_mode<synchronous>, transform_indices = @transform_1, window_bounds = array<i64: 256, 8192>}, {pipeline_mode = #tpu.pipeline_mode<synchronous>, transform_indices = @transform_2, window_bounds = array<i64: 1, 8192>}, {transform_indices = @transform_3, window_bounds = array<i64: 1, 512, 8192>}]} {
    %get3A = arith.constant 0 : index
    %get3A_0 = arith.constant 0 : index
    %get3A_1 = arith.constant 0 : index
    %get3A_2 = vector.load %arg1[%get3A, %get3A_0, %get3A_1] : memref<1x512x256xbf16, #tpu.memory_space<vmem>>, vector<1x512x256xbf16>
    %get3A_3 = vector.shape_cast %get3A_2 : vector<1x512x256xbf16> to vector<512x256xbf16>
    %get3A_4 = arith.constant 0 : index
    %get3A_5 = arith.constant 0 : index
    %get3A_6 = vector.load %arg2[%get3A_4, %get3A_5] : memref<256x8192xbf16, #tpu.memory_space<vmem>>, vector<256x8192xbf16>
    %dot_general3A = arith.constant dense<0.000000e+00> : vector<512x8192xf32>
    %dot_general3A_7 = tpu.matmul %get3A_3, %get3A_6, %dot_general3A {dimension_numbers = #tpu.dot_dimension_numbers<[1], [0], [0], [1], [0, 0, 1, 1], [], []>, transpose_lhs_hint = false} : vector<512x256xbf16>, vector<256x8192xbf16>, vector<512x8192xf32> -> vector<512x8192xf32>
    %get3A_8 = arith.constant 0 : index
    %get3A_9 = arith.constant 0 : index
    %get3A_10 = vector.load %arg3[%get3A_8, %get3A_9] : memref<1x8192xf32, #tpu.memory_space<vmem>>, vector<1x8192xf32>
    %add3A = vector.broadcast %get3A_10 : vector<1x8192xf32> to vector<512x8192xf32>
    %add3A_11 = arith.addf %dot_general3A_7, %add3A : vector<512x8192xf32>
    %swap3A = arith.constant 0 : index
    %swap3A_12 = arith.constant 0 : index
    %swap3A_13 = arith.constant 0 : index
    %swap3A_14 = vector.load %arg4[%swap3A, %swap3A_12, %swap3A_13] : memref<1x512x8192xf32, #tpu.memory_space<vmem>>, vector<1x512x8192xf32>
    %swap3A_15 = vector.shape_cast %swap3A_14 : vector<1x512x8192xf32> to vector<512x8192xf32>
    %swap3A_16 = vector.shape_cast %add3A_11 : vector<512x8192xf32> to vector<1x512x8192xf32>
    tpu.vector_store %arg4[%swap3A, %swap3A_12, %swap3A_13], %swap3A_16 {strides = array<i32>} : memref<1x512x8192xf32, #tpu.memory_space<vmem>>, vector<1x512x8192xf32>,
    return
  }
  func.func @transform_0(%arg0: i32) -> (i32, i32, i32) {
    %c0_i32 = arith.constant 0 : i32
    %c0_i32_0 = arith.constant 0 : i32
    %c0_i32_1 = arith.constant 0 : i32
    return %arg0, %c0_i32, %c0_i32_0 : i32, i32, i32
  }
  func.func @transform_1(%arg0: i32) -> (i32, i32) {
    %c0_i32 = arith.constant 0 : i32
    %c0_i32_0 = arith.constant 0 : i32
    %c0_i32_1 = arith.constant 0 : i32
    return %c0_i32, %c0_i32_0 : i32, i32
  }
  func.func @transform_2(%arg0: i32) -> (i32, i32) {
    %c0_i32 = arith.constant 0 : i32
    %c0_i32_0 = arith.constant 0 : i32
    %c0_i32_1 = arith.constant 0 : i32
    return %c0_i32, %c0_i32_0 : i32, i32
  }
  func.func @transform_3(%arg0: i32) -> (i32, i32, i32) {
    %c0_i32 = arith.constant 0 : i32
    %c0_i32_0 = arith.constant 0 : i32
    %c0_i32_1 = arith.constant 0 : i32
    return %arg0, %c0_i32, %c0_i32_0 : i32, i32, i32
  }
}

</mosaic_0001>

<sc_bundles>
// kernel: kernel.15.cloned.1.call-start
scs
__scs_entry_jumppad:
0x0: {  	(pc) =	sbr.rel $0x88, $3  }
0x1: {  	(tag) =	ssettag $0x0;
	lr =	simm.s32 $0x1  }
0x2: {  	[smem:$0x3F90] =	sst lr;
	_ =	strace $0xD0000000  }
0x3: {  	_ = 	snop  }
0x4: {  	_ = 	snop  }
0x5: {  	_ = 	snop  }
0x6: {  	_ = 	snop  }
0x7: {  	_ = 	snop  }
__scs_overlays_trampoline_lowered:
0x8: {  	[smem:$0x3F9F] =	sst s0  }
0x9: {  	[smem:$0x3FA0] =	sst s1  }
0xa: {  	[smem:$0x3FA1] =	sst s2  }
0xb: {  	[smem:$0x3FA2] =	sst s3  }
0xc: {  	[smem:$0x3FA3] =	sst s4  }
0xd: {  	[smem:$0x3FA4] =	sst s5  }
0xe: {  	[smem:$0x3FA5] =	sst s6  }
0xf: {  	[smem:$0x3FA6] =	sst s7  }
0x10: {  	[smem:$0x3FA7] =	sst s8  }
0x11: {  	[smem:$0x3FA8] =	sst s9;
	s0 =	simm.s32 @!p0 $0x0  }
0x12: {  	s1 =	sld [smem:$0x3F8E];
	s0 =	simm.s32 @p0 $0x1  }
0x13: {  	[smem:$0x3FA9] =	sst s0;
	s0 =	simm.s32 @!p1 $0x0  }
0x14: {  	s2 =	sld [smem:$0x3F8D];
	s0 =	simm.s32 @p1 $0x1  }
0x15: {  	[smem:$0x3FAA] =	sst s0;
	s0 =	simm.s32 @!p2 $0x0  }
0x16: {  	s3 =	sld [smem:$0x3FDB];
	s0 =	simm.s32 @p2 $0x1  }
0x17: {  	s4 =	simm.s32 $0x1BF5;
	[smem:$0x3FAC] =	sst s0  }
0x18: {  	s0 =	sld [smem:$0x3F8F];
	_ =	swait.ge [sflag:s4], $0x0  }
0x19: {  	s7 =	sld [smem:$0x3F90]  }
0x1a: {  	s8 =	sadd.s32 $0xFFFFE003, lr  }
0x1b: {  	s9 =	sadd.s32 $0xFFFFFEF7, lr;
	s5 =	simm.s32 $0xFFFFFFFF;
	p2 =	slt.u32 s8, $0xFFFFF086  }
0x1c: {  	p1 =	slt.u32 s9, $0xF7A;
	s5 =	simm.s32 @!p2 $0x0  }
0x1d: {  	s5 =	simm.s32 @p1 $0x1;
	p0 =	seq.s32 s7, s2  }
0x1e: {  	s7 =	smul.u32 @!p0 $0xF7A, s2;
	p2 =	seq.s32 @!p0 s5, $0x0  }
0x1f: {  	s9 =	smul.u32 $0xF7A, s1;
	s8 =	simm.s32 @!p0 $0x1BF5;
	p2 =	por !p2, p0  }
0x20: {  	[sflag:s8] =	ssyncset.s32 @!p0 $0xFFFFF086;
	s6 =	sadd.s32 @!p0 s3, s7;
	s7 =	simm.s32 @!p0 $0x108  }
0x21: {  	s3 =	sadd.s32 s3, s9;
	s6 =	sadd.s32 @!p0 $0x88, s6;
	s7 =	simm.s32 @p2 $0x1082  }
0x22: {  	[simem:s7], [sflag:s8] =	dma.local @!p0 [hbm:s6], $0xF7A  }
0x23: {  	s9 =	sor.u32 $0xD0000000, s2;
	s6 =	simm.s32 $0x108;
	_ =	swait.ge @!p0 [sflag:s8], $0x0  }
0x24: {  	s3 =	sadd.s32 $0x88, s3;
	s6 =	simm.s32 @!p1 $0x1082;
	[sflag:s4] =	ssyncset.s32 $0xFFFFF086  }
0x25: {  	[simem:s6], [sflag:s4] =	dma.local [hbm:s3], $0xF7A  }
0x26: {  	[smem:$0x3F90] =	sst s1;
	(tag) =	ssettag s2;
	_ =	strace s9  }
0x27: {  	s1 =	sld [smem:$0x3FA0]  }
0x28: {  	s2 =	sld [smem:$0x3FA1]  }
0x29: {  	s4 =	sld [smem:$0x3FA3]  }
0x2a: {  	p0 =	seq.s32 s5, $0x0;
	s5 =	sld [smem:$0x3FA4]  }
0x2b: {  	s6 =	sld [smem:$0x3FA5]  }
0x2c: {  	s7 =	sld [smem:$0x3FA6]  }
0x2d: {  	s3 =	simm.s32 $0x108;
	s8 =	sld [smem:$0x3FA7]  }
0x2e: {  	s3 =	simm.s32 @!p0 $0x1082;
	s9 =	sld [smem:$0x3FA8]  }
0x2f: {  	lr =	sadd.s32 s0, s3;
	s0 =	sld [smem:$0x3F9F]  }
0x30: {  	s3 =	sld [smem:$0x3FA2]  }
0x31: {  	[smem:$0x3FAB] =	sst s10  }
0x32: {  	s10 =	sld [smem:$0x3FA9];
	_ =	sdelay $0x3  }
0x33: {  	p0 =	seq.s32 s10, $0x1;
	s10 =	sld [smem:$0x3FAB];
	_ =	sdelay $0x3  }
0x34: {  	[smem:$0x3FAB] =	sst s10  }
0x35: {  	s10 =	sld [smem:$0x3FAA];
	_ =	sdelay $0x3  }
0x36: {  	p1 =	seq.s32 s10, $0x1;
	s10 =	sld [smem:$0x3FAB];
	_ =	sdelay $0x3  }
0x37: {  	[smem:$0x3FAB] =	sst s10  }
0x38: {  	s10 =	sld [smem:$0x3FAC]  }
0x39: {  	_ = 	snop;
	(pc) =	sbr.ind lr, $3  }
0x3a: {  	_ = 	snop  }
0x3b: {  	_ = 	snop  }
0x3c: {  	p2 =	seq.s32 s10, $0x1;
	s10 =	sld [smem:$0x3FAB]  }
0x3d: {  	_ =	shalt  }
0x3e: {  	_ =	shalt  }
0x3f: {  	_ =	shalt  }
0x40: {  	_ =	shalt  }
0x41: {  	_ =	shalt  }
0x42: {  	_ =	shalt  }
0x43: {  	_ =	shalt  }
0x44: {  	_ =	shalt  }
0x45: {  	_ =	shalt  }
0x46: {  	_ =	shalt  }
0x47: {  	_ =	shalt  }
0x48: {  	_ =	shalt  }
0x49: {  	_ =	shalt  }
0x4a: {  	_ =	shalt  }
0x4b: {  	_ =	shalt  }
0x4c: {  	_ =	shalt  }
0x4d: {  	_ =	shalt  }
0x4e: {  	_ =	shalt  }
0x4f: {  	_ =	shalt  }
0x50: {  	_ =	shalt  }
0x51: {  	_ =	shalt  }
0x52: {  	_ =	shalt  }
0x53: {  	_ =	shalt  }
0x54: {  	_ =	shalt  }
0x55: {  	_ =	shalt  }
0x56: {  	_ =	shalt  }
0x57: {  	_ =	shalt  }
0x58: {  	_ =	shalt  }
0x59: {  	_ =	shalt  }
0x5a: {  	_ =	shalt  }
0x5b: {  	_ =	shalt  }
0x5c: {  	_ =	shalt  }
0x5d: {  	_ =	shalt  }
0x5e: {  	_ =	shalt  }
0x5f: {  	_ =	shalt  }
0x60: {  	_ =	shalt  }
0x61: {  	_ =	shalt  }
0x62: {  	_ =	shalt  }
0x63: {  	_ =	shalt  }
0x64: {  	_ =	shalt  }
0x65: {  	_ =	shalt  }
0x66: {  	_ =	shalt  }
0x67: {  	_ =	shalt  }
0x68: {  	_ =	shalt  }
0x69: {  	_ =	shalt  }
0x6a: {  	_ =	shalt  }
0x6b: {  	_ =	shalt  }
0x6c: {  	_ =	shalt  }
0x6d: {  	_ =	shalt  }
0x6e: {  	_ =	shalt  }
0x6f: {  	_ =	shalt  }
0x70: {  	_ =	shalt  }
0x71: {  	_ =	shalt  }
0x72: {  	_ =	shalt  }
0x73: {  	_ =	shalt  }
0x74: {  	_ =	shalt  }
0x75: {  	_ =	shalt  }
0x76: {  	_ =	shalt  }
0x77: {  	_ =	shalt  }
0x78: {  	_ =	shalt  }
0x79: {  	_ =	shalt  }
0x7a: {  	_ =	shalt  }
0x7b: {  	_ =	shalt  }
0x7c: {  	_ =	shalt  }
0x7d: {  	_ =	shalt  }
0x7e: {  	_ =	shalt  }
0x7f: {  	_ =	shalt  }
0x80: {  	_ =	shalt  }
0x81: {  	_ =	shalt  }
0x82: {  	_ =	shalt  }
0x83: {  	_ =	shalt  }
0x84: {  	_ =	shalt  }
0x85: {  	_ =	shalt  }
0x86: {  	_ =	shalt  }
0x87: {  	_ =	shalt  }
.Lfunc_end0:
.L_simem_size_0:
called_computation_lowered:
.L_overlay_start_0:
0x88: {  	s2 =	sld [smem:$0x3FD9]  }
0x89: {  	s3 =	sld [smem:$0x3FFE];
	_ =	sdelay $0x1  }
0x8a: {  	s1 =	srdreg.scid  }
0x8b: {  	s0 =	sand.u32 $0x1, s1  }
0x8c: {  	s14 =	sshll.u32 s0, $0xA;
	s2 =	sadd.s32 s3, s2  }
0x8d: {  	s2 =	sadd.s32 s2, s14  }
0x8e: {  	[smem:$0x3FB7] =	sst s2  }
0x8f: {  	_ = 	snop  }
0x90: {  	s2 =	sld [smem:$0x3FD0];
	_ =	sdelay $0x2  }
0x91: {  	s4 =	simm.s32 $0xB;
	s5 =	simm.s32 $0x10;
	s15 =	sld [smem:$0x3FC8]  }
0x92: {  	[smem:s5], [sflag:s4] =	dma.local [hbm:s2], $0x1  }
0x93: {  	_ =	swait.eq [sflag:s4], $0x1  }
0x94: {  	[sflag:s4] =	ssyncset.done $0x0  }
0x95: {  	[sflag:s4] =	ssyncadd.s32 $0xFFFFFFFF  }
0x96: {  	s16 =	sld [smem:$0x10];
	(tm) =	ssettm $0x1  }
0x97: {  	s17 =	sld [smem:$0x3FFB];
	_ =	sdelay $0x3  }
0x98: {  	_ =	strace s17  }
0x99: {  	s4 =	sld [smem:$0x3FFC];
	_ =	sdelay $0x3  }
0x9a: {  	_ =	strace s4  }
0x9b: {  	s4 =	sld [smem:$0x3FFD];
	_ =	sdelay $0x3  }
0x9c: {  	_ =	strace s4  }
0x9d: {  	_ =	strace $0x8FFFFFFF  }
0x9e: {  	s18 =	sld [smem:$0x3FDB];
	_ =	sdelay $0x1  }
0x9f: {  	s19 =	simm.s32 $_scs_section_size  }
0xa0: {  	s6 =	simm.s32 $_size__tile_overlayer_lowered;
	s7 =	simm.s32 $_tile_overlayer_lowered  }
0xa1: {  	s22 =	simm.s32 $0x1BFF;
	s21 =	sshll.u32 s7, $0x1;
	s4 =	sadd.s32 s19, s18  }
0xa2: {  	s8 =	simm.s32 $0x0;
	s20 =	sshll.u32 s6, $0x1;
	s6 =	sadd.s32 s21, s4  }
0xa3: {  	[timem:s8], [sflag:s22] =	dma.local [hbm:s6], s20  }
0xa4: {  	_ =	swait.ge [sflag:s22], s20  }
0xa5: {  	s5 =	ssub.s32 $0x0, s20;
	[sflag:s22] =	ssyncset.done $0x0  }
0xa6: {  	[sflag:s22] =	ssyncadd.s32 s5;
	_ =	sdelay $0x1  }
0xa7: {  	s23 =	simm.s32 $0x1B8B  }
0xa8: {  	_ =	swait.ge [sflag:s23], $0x1  }
0xa9: {  	[sflag:s23] =	ssyncset.done $0x0  }
0xaa: {  	s25 =	simm.s32 $0x1B8E;
	s24 =	sld [smem:$0x3FFE];
	[sflag:s23] =	ssyncadd.s32 $0xFFFFFFFF  }
0xab: {  	s26 =	simm.s32 $execute0_lowered;
	[smem:$0x3FD2] =	sst s25  }
0xac: {  	s6 =	sshll.u32 s26, $0x1;
	_ =	strace $0x80000046;
	[dreg:$0x1] =	wrdreg $0xFFFFFFFF  }
0xad: {  	s28 =	simm.s32 $_size_execute0_lowered;
	s4 =	sadd.s32 s4, s6;
	[dreg:$0x0] =	wrdreg $0x0  }
0xae: {  	s6 =	sshll.u32 s28, $0x1;
	[dreg:$0x2] =	wrdreg s4  }
0xaf: {  	[dreg:$0x3] =	wrdreg s6  }
0xb0: {  	[dreg:$0x4] =	wrdreg $0xC0  }
0xb1: {  	_ =	task [dreg:s8], $0x5FFFF  }
0xb2: {  	[dreg:$0x1] =	wrdreg $0xFFFFFFFF  }
0xb3: {  	[dreg:$0x0] =	wrdreg $0x60  }
0xb4: {  	[dreg:$0x2] =	wrdreg s15  }
0xb5: {  	[dreg:$0x3] =	wrdreg s24  }
0xb6: {  	[dreg:$0x4] =	wrdreg s16  }
0xb7: {  	[dreg:$0x5] =	wrdreg $0x9  }
0xb8: {  	_ =	task.clear_ibuf [dreg:s8], $0x6FFFF;
	_ =	strace $0x90000046  }
0xb9: {  	s29 =	simm.s32 $0x9;
	_ =	strace $0x80000048  }
0xba: {  	_ =	swait.ge [sflag:s29], $0x1  }
0xbb: {  	[sflag:s29] =	ssyncadd.s32 $0xFFFFFFFF  }
0xbc: {  	_ =	strace $0x90000048  }
0xbd: {  	_ =	sfence  }
0xbe: {  	s30 =	sld [smem:$0x0];
	_ =	sdelay $0x2  }
0xbf: {  	s31 =	sshll.u32 s1, $0xD;
	s1 =	sshrl.u32 s1, $0x2  }
0xc0: {  	s3 =	sand.u32 $0x4000, s31;
	s1 =	sadd.s32 s1, s30  }
0xc1: {  	s0 =	sor.u32 s3, s0;
	s1 =	sshll.u32 s1, $0x11  }
0xc2: {  	s0 =	sor.u32 s1, s0  }
0xc3: {  	s0 =	sadd.s32 $0x8F2B, s0  }
0xc4: {  	[sflag:s0] =	ssyncadd.remote.s32 $0x1  }
0xc5: {  	_ =	sfence.sel $0xFFFF  }
0xc6: {  	[dreg:$0x0] =	wrdreg $0xFFFFFFFF;
	(pc) =	sbr.abs _section_cstart, $3  }
0xc7: {  	[dreg:$0x1] =	wrdreg $0xFFFFFFFF  }
0xc8: {  	_ =	task.clear_ibuf [dreg:s8], $0x2FFFF;
	_ =	strace $0x9FFFFFFF  }
0xc9: {  	(tm) =	ssettm $0x7FFFFFFF  }
tec
execute0_lowered:
.L_overlay_start_1:
0x0: {  	(tag) =	ssettag $0x1  }
0x1: {  	s1 =	rddreg [dreg:$0x0]  }
0x2: {  	s4 =	rddreg [dreg:$0x1]  }
0x3: {  	s5 =	rddreg [dreg:$0x2];
	s3 =	srdreg.scid  }
0x4: {  	s0 =	rddreg [dreg:$0x3];
	s2 =	stileid.u32;
	s10 =	simm.s32 $0x1080  }
0x5: {  	s11 =	simm.s32 $0x1880;
	s12 =	simm.s32 $0x2080;
	s13 =	simm.s32 $0x2880  }
0x6: {  	s14 =	simm.s32 $0x3080;
	s15 =	simm.s32 $0x3880;
	s16 =	simm.s32 $0x4080  }
0x7: {  	s17 =	simm.s32 $0x4880;
	s18 =	simm.s32 $0x5080;
	s19 =	simm.s32 $0x5880  }
0x8: {  	s20 =	simm.s32 $0x6080;
	s21 =	simm.s32 $0x6880;
	s22 =	simm.s32 $0x7080  }
0x9: {  	s23 =	simm.s32 $0x7880;
	s24 =	simm.s32 $0x1;
	s6 =	sand.u32 $0x1, s3  }
0xa: {  	s3 =	simm.s32 $0x0;
	s7 =	sshll.u32 s2, $0x8;
	s8 =	sshll.u32 s6, $0x7  }
0xb: {  	[smem:$0x7FF] =	sst s3;
	s6 =	ssub.s32 $0x2, s6;
	s7 =	sor.u32 s8, s7  }
0xc: {  	_ =	strace $0x80000047;
	s9 =	sshrl.u32 s6, $0x1;
	s8 =	sshrl.u32 s7, $0x3  }
0xd: {  	v2 =	vlaneseq.u32;
	s6 =	ssub.s32 s6, s9;
	s7 =	sshll.u32 s7, $0x5;
	s9 =	simm.s32 $0x880  }
0xe: {  	vm0 =	vmmov $0xffff;
	v1 =	vshrl.u32 v2, $0x3;
	s4 =	sadd.s32 s8, s4;
	s5 =	sadd.s32 s5, s7;
	s6 =	smax.u32 s6, $0x1  }
0xf: {  	v0 =	vand.u32 $0x7, v2;
	v2 =	vor.u32 $0x8, v2;
	v1 =	vmul.u32 $0x8, v1;
	s7 =	simm.s32 $0x2;
	s8 =	simm.s32 $0x80;
	s4 =	sadd.s32 $0x9800, s4  }
.LBB2_1:
0x10: {  	[tilespmem:s3], [sflag:$0x2] =	stream.linear.gather [hbm4b:s4+s3], $0x80, $0x38;
	[tilespmem:$0x8080] =	vst v63  }
0x11: {  	_ =	swait.ge [sflag:s7], $0x80  }
0x12: {  	[sflag:s7] =	ssyncset.done $0x0  }
0x13: {  	[sflag:s7] =	ssyncadd.s32 $0xFFFFFF80  }
0x14: {  	v3 =	vld [tilespmem:$0x0];
	_ =	sdelay $0x4  }
0x15: {  	v4 =	vshll.u32 v3, $0x1  }
0x16: {  	v3 =	vand.u32 $0x7, v3;
	v4 =	vand.u32 $0xFFFFFFF0, v4  }
0x17: {  	v3 =	vor.u32 v3, v4  }
0x18: {  	v4 =	vperm.xlane v3, v0;
	_ =	sdelay $0x1  }
0x19: {  	v3 =	vperm.xlane v3, v2;
	v4 =	vadd.s32 v1, v4;
	_ =	sdelay $0x1  }
0x1a: {  	v3 =	vadd.s32 v1, v3;
	_ =	sdelay $0x2  }
0x1b: {  	[tilespmem:s8], [sflag:$0x1] =	stream.indirect_vreg.gather [hbm4b:s1+s3], $0x80, v4, vm0, $0xb8;
	[tilespmem:$0x8080] =	vst v63  }
0x1c: {  	_ = 	snop  }
0x1d: {  	[tilespmem:s9], [sflag:$0x1] =	stream.indirect_vreg.gather [hbm4b:s1+s3], $0x80, v3, vm0, $0xb8;
	[tilespmem:$0x8080] =	vst v63  }
0x1e: {  	v3 =	vld [tilespmem:$0x10];
	_ =	sdelay $0x4  }
0x1f: {  	v57 =	vshll.u32 v3, $0x1  }
0x20: {  	v3 =	vand.u32 $0x7, v3;
	v4 =	vand.u32 $0xFFFFFFF0, v57  }
0x21: {  	v3 =	vor.u32 v3, v4  }
0x22: {  	v4 =	vperm.xlane v3, v0;
	_ =	sdelay $0x1  }
0x23: {  	v3 =	vperm.xlane v3, v2;
	v4 =	vadd.s32 v1, v4;
	_ =	sdelay $0x1  }
0x24: {  	v3 =	vadd.s32 v1, v3;
	_ =	sdelay $0x2  }
0x25: {  	[tilespmem:s10], [sflag:$0x1] =	stream.indirect_vreg.gather [hbm4b:s1+s3], $0x80, v4, vm0, $0xb8;
	[tilespmem:$0x8080] =	vst v63  }
0x26: {  	_ = 	snop  }
0x27: {  	[tilespmem:s11], [sflag:$0x1] =	stream.indirect_vreg.gather [hbm4b:s1+s3], $0x80, v3, vm0, $0xb8;
	[tilespmem:$0x8080] =	vst v63  }
0x28: {  	v3 =	vld [tilespmem:$0x20];
	_ =	sdelay $0x4  }
0x29: {  	v58 =	vshll.u32 v3, $0x1  }
0x2a: {  	v3 =	vand.u32 $0x7, v3;
	v4 =	vand.u32 $0xFFFFFFF0, v58  }
0x2b: {  	v3 =	vor.u32 v3, v4  }
0x2c: {  	v4 =	vperm.xlane v3, v0;
	_ =	sdelay $0x1  }
0x2d: {  	v3 =	vperm.xlane v3, v2;
	v4 =	vadd.s32 v1, v4;
	_ =	sdelay $0x1  }
0x2e: {  	v3 =	vadd.s32 v1, v3;
	_ =	sdelay $0x2  }
0x2f: {  	[tilespmem:s12], [sflag:$0x1] =	stream.indirect_vreg.gather [hbm4b:s1+s3], $0x80, v4, vm0, $0xb8;
	[tilespmem:$0x8080] =	vst v63  }
0x30: {  	_ = 	snop  }
0x31: {  	[tilespmem:s13], [sflag:$0x1] =	stream.indirect_vreg.gather [hbm4b:s1+s3], $0x80, v3, vm0, $0xb8;
	[tilespmem:$0x8080] =	vst v63  }
0x32: {  	v3 =	vld [tilespmem:$0x30];
	_ =	sdelay $0x4  }
0x33: {  	v59 =	vshll.u32 v3, $0x1  }
0x34: {  	v3 =	vand.u32 $0x7, v3;
	v4 =	vand.u32 $0xFFFFFFF0, v59  }
0x35: {  	v3 =	vor.u32 v3, v4  }
0x36: {  	v4 =	vperm.xlane v3, v0;
	_ =	sdelay $0x1  }
0x37: {  	v3 =	vperm.xlane v3, v2;
	v4 =	vadd.s32 v1, v4;
	_ =	sdelay $0x1  }
0x38: {  	v3 =	vadd.s32 v1, v3;
	_ =	sdelay $0x2  }
0x39: {  	[tilespmem:s14], [sflag:$0x1] =	stream.indirect_vreg.gather [hbm4b:s1+s3], $0x80, v4, vm0, $0xb8;
	[tilespmem:$0x8080] =	vst v63  }
0x3a: {  	_ = 	snop  }
0x3b: {  	[tilespmem:s15], [sflag:$0x1] =	stream.indirect_vreg.gather [hbm4b:s1+s3], $0x80, v3, vm0, $0xb8;
	[tilespmem:$0x8080] =	vst v63  }
0x3c: {  	v3 =	vld [tilespmem:$0x40];
	_ =	sdelay $0x4  }
0x3d: {  	v60 =	vshll.u32 v3, $0x1  }
0x3e: {  	v3 =	vand.u32 $0x7, v3;
	v4 =	vand.u32 $0xFFFFFFF0, v60  }
0x3f: {  	v3 =	vor.u32 v3, v4  }
0x40: {  	v4 =	vperm.xlane v3, v0;
	_ =	sdelay $0x1  }
0x41: {  	v3 =	vperm.xlane v3, v2;
	v4 =	vadd.s32 v1, v4;
	_ =	sdelay $0x1  }
0x42: {  	v3 =	vadd.s32 v1, v3;
	_ =	sdelay $0x2  }
0x43: {  	[tilespmem:s16], [sflag:$0x1] =	stream.indirect_vreg.gather [hbm4b:s1+s3], $0x80, v4, vm0, $0xb8;
	[tilespmem:$0x8080] =	vst v63  }
0x44: {  	_ = 	snop  }
0x45: {  	[tilespmem:s17], [sflag:$0x1] =	stream.indirect_vreg.gather [hbm4b:s1+s3], $0x80, v3, vm0, $0xb8;
	[tilespmem:$0x8080] =	vst v63  }
0x46: {  	v3 =	vld [tilespmem:$0x50];
	_ =	sdelay $0x4  }
0x47: {  	v61 =	vshll.u32 v3, $0x1  }
0x48: {  	v3 =	vand.u32 $0x7, v3;
	v4 =	vand.u32 $0xFFFFFFF0, v61  }
0x49: {  	v3 =	vor.u32 v3, v4  }
0x4a: {  	v4 =	vperm.xlane v3, v0;
	_ =	sdelay $0x1  }
0x4b: {  	v3 =	vperm.xlane v3, v2;
	v4 =	vadd.s32 v1, v4;
	_ =	sdelay $0x1  }
0x4c: {  	v3 =	vadd.s32 v1, v3;
	_ =	sdelay $0x2  }
0x4d: {  	[tilespmem:s18], [sflag:$0x1] =	stream.indirect_vreg.gather [hbm4b:s1+s3], $0x80, v4, vm0, $0xb8;
	[tilespmem:$0x8080] =	vst v63  }
0x4e: {  	_ = 	snop  }
0x4f: {  	[tilespmem:s19], [sflag:$0x1] =	stream.indirect_vreg.gather [hbm4b:s1+s3], $0x80, v3, vm0, $0xb8;
	[tilespmem:$0x8080] =	vst v63  }
0x50: {  	v3 =	vld [tilespmem:$0x60];
	_ =	sdelay $0x4  }
0x51: {  	v62 =	vshll.u32 v3, $0x1  }
0x52: {  	v3 =	vand.u32 $0x7, v3;
	v4 =	vand.u32 $0xFFFFFFF0, v62  }
0x53: {  	v3 =	vor.u32 v3, v4  }
0x54: {  	v4 =	vperm.xlane v3, v0;
	_ =	sdelay $0x1  }
0x55: {  	v3 =	vperm.xlane v3, v2;
	v4 =	vadd.s32 v1, v4;
	_ =	sdelay $0x1  }
0x56: {  	v3 =	vadd.s32 v1, v3;
	_ =	sdelay $0x2  }
0x57: {  	[tilespmem:s20], [sflag:$0x1] =	stream.indirect_vreg.gather [hbm4b:s1+s3], $0x80, v4, vm0, $0xb8;
	[tilespmem:$0x8080] =	vst v63  }
0x58: {  	_ = 	snop  }
0x59: {  	[tilespmem:s21], [sflag:$0x1] =	stream.indirect_vreg.gather [hbm4b:s1+s3], $0x80, v3, vm0, $0xb8;
	[tilespmem:$0x8080] =	vst v63  }
0x5a: {  	v3 =	vld [tilespmem:$0x70];
	_ =	sdelay $0x4  }
0x5b: {  	v63 =	vshll.u32 v3, $0x1  }
0x5c: {  	v3 =	vand.u32 $0x7, v3;
	v4 =	vand.u32 $0xFFFFFFF0, v63  }
0x5d: {  	v3 =	vor.u32 v3, v4  }
0x5e: {  	v4 =	vperm.xlane v3, v0;
	_ =	sdelay $0x1  }
0x5f: {  	v3 =	vperm.xlane v3, v2;
	v4 =	vadd.s32 v1, v4;
	_ =	sdelay $0x1  }
0x60: {  	v3 =	vadd.s32 v1, v3;
	_ =	sdelay $0x2  }
0x61: {  	[tilespmem:s22], [sflag:$0x1] =	stream.indirect_vreg.gather [hbm4b:s1+s3], $0x80, v4, vm0, $0xb8;
	[tilespmem:$0x8080] =	vst v63  }
0x62: {  	_ = 	snop  }
0x63: {  	[tilespmem:s23], [sflag:$0x1] =	stream.indirect_vreg.gather [hbm4b:s1+s3], $0x80, v3, vm0, $0xb8;
	[tilespmem:$0x8080] =	vst v63  }
0x64: {  	_ =	swait.ge [sflag:s24], $0x8000  }
0x65: {  	p0 =	sne.s32 s6, $0x1;
	[sflag:s24] =	ssyncset.done $0x0  }
.Ltmp0:
0x66: {  	[sflag:s24] =	ssyncadd.s32 $0xFFFF8000;
	(pc) =	sbr.rel @p0 .LBB2_1-.Ltmp0, $4  }
0x67: {  	[hbm4b:s5+s3] =	stream.linear.scatter [tilespmem:s8], [sflag:$0x2], $0x8000, $0x38;
	[tilespmem:$0x8080] =	vst v63  }
0x68: {  	_ =	swait.ge [sflag:s7], $0x8000  }
0x69: {  	[sflag:s7] =	ssyncset.done $0x0  }
0x6a: {  	s6 =	sadd.s32 $0xFFFFFFFF, s6;
	[sflag:s7] =	ssyncadd.s32 $0xFFFF8000  }
0x6b: {  	_ =	sfence.sel $0x180000  }
0x6c: {  	[bflag:$0x0] =	sbarrier.arrive $0xFFFF  }
0x6d: {  	p0 =	sne.s32 s2, $0x0;
	_ =	strace $0x90000047  }
0x6e: {  	s0 =	sadd.s32 @!p0 $0x100000, s0;
	[bflag:$0x2] =	sbarrier.arrive $0xFFFF  }
0x6f: {  	[sflag:s0] =	ssyncadd.tile.s32 @!p0 $0x1;
	_ =	shalt  }
.Lfunc_end2:
_tile_overlayer_lowered:
.L_overlay_start_2:
0x70: {  	(tag) =	ssettag $0x2  }
0x71: {  	s0 =	rddreg [dreg:$0x0];
	s2 =	stileid.u32  }
0x72: {  	s1 =	rddreg [dreg:$0x1];
	p0 =	sne.s32 s2, $0x0  }
0x73: {  	s3 =	rddreg [dreg:$0x2];
	[bflag:$0x3] =	sbarrier.arrive $0xFFFF;
	s2 =	simm.s32 @!p0 $0x1C02  }
0x74: {  	[timem:s3], [sflag:s2] =	dma.local @!p0 [hbm:s0], s1  }
0x75: {  	s0 =	simm.s32 @!p0 $0x2  }
0x76: {  	_ =	swait.ge @!p0 [sflag:s0], s1  }
0x77: {  	s1 =	ssub.s32 @!p0 $0x0, s1;
	[sflag:s0] =	ssyncset.done @!p0 $0x0  }
0x78: {  	[sflag:s0] =	ssyncadd.s32 @!p0 s1  }
0x79: {  	[bflag:$0x3] =	sbarrier.arrive $0xFFFF  }
0x7a: {  	_ =	shalt  }

// kernel: kernel.18.cloned.1.call-start
scs
__scs_entry_jumppad:
0x0: {  	(pc) =	sbr.rel $0x88, $3  }
0x1: {  	(tag) =	ssettag $0x0;
	lr =	simm.s32 $0x1  }
0x2: {  	[smem:$0x3F90] =	sst lr;
	_ =	strace $0xD0000000  }
0x3: {  	_ = 	snop  }
0x4: {  	_ = 	snop  }
0x5: {  	_ = 	snop  }
0x6: {  	_ = 	snop  }
0x7: {  	_ = 	snop  }
__scs_overlays_trampoline_lowered:
0x8: {  	[smem:$0x3F9F] =	sst s0  }
0x9: {  	[smem:$0x3FA0] =	sst s1  }
0xa: {  	[smem:$0x3FA1] =	sst s2  }
0xb: {  	[smem:$0x3FA2] =	sst s3  }
0xc: {  	[smem:$0x3FA3] =	sst s4  }
0xd: {  	[smem:$0x3FA4] =	sst s5  }
0xe: {  	[smem:$0x3FA5] =	sst s6  }
0xf: {  	[smem:$0x3FA6] =	sst s7  }
0x10: {  	[smem:$0x3FA7] =	sst s8  }
0x11: {  	[smem:$0x3FA8] =	sst s9;
	s0 =	simm.s32 @!p0 $0x0  }
0x12: {  	s1 =	sld [smem:$0x3F8E];
	s0 =	simm.s32 @p0 $0x1  }
0x13: {  	[smem:$0x3FA9] =	sst s0;
	s0 =	simm.s32 @!p1 $0x0  }
0x14: {  	s2 =	sld [smem:$0x3F8D];
	s0 =	simm.s32 @p1 $0x1  }
0x15: {  	[smem:$0x3FAA] =	sst s0;
	s0 =	simm.s32 @!p2 $0x0  }
0x16: {  	s3 =	sld [smem:$0x3FDB];
	s0 =	simm.s32 @p2 $0x1  }
0x17: {  	s4 =	simm.s32 $0x1BF5;
	[smem:$0x3FAC] =	sst s0  }
0x18: {  	s0 =	sld [smem:$0x3F8F];
	_ =	swait.ge [sflag:s4], $0x0  }
0x19: {  	s7 =	sld [smem:$0x3F90]  }
0x1a: {  	s8 =	sadd.s32 $0xFFFFE003, lr  }
0x1b: {  	s9 =	sadd.s32 $0xFFFFFEF7, lr;
	s5 =	simm.s32 $0xFFFFFFFF;
	p2 =	slt.u32 s8, $0xFFFFF086  }
0x1c: {  	p1 =	slt.u32 s9, $0xF7A;
	s5 =	simm.s32 @!p2 $0x0  }
0x1d: {  	s5 =	simm.s32 @p1 $0x1;
	p0 =	seq.s32 s7, s2  }
0x1e: {  	s7 =	smul.u32 @!p0 $0xF7A, s2;
	p2 =	seq.s32 @!p0 s5, $0x0  }
0x1f: {  	s9 =	smul.u32 $0xF7A, s1;
	s8 =	simm.s32 @!p0 $0x1BF5;
	p2 =	por !p2, p0  }
0x20: {  	[sflag:s8] =	ssyncset.s32 @!p0 $0xFFFFF086;
	s6 =	sadd.s32 @!p0 s3, s7;
	s7 =	simm.s32 @!p0 $0x108  }
0x21: {  	s3 =	sadd.s32 s3, s9;
	s6 =	sadd.s32 @!p0 $0x88, s6;
	s7 =	simm.s32 @p2 $0x1082  }
0x22: {  	[simem:s7], [sflag:s8] =	dma.local @!p0 [hbm:s6], $0xF7A  }
0x23: {  	s9 =	sor.u32 $0xD0000000, s2;
	s6 =	simm.s32 $0x108;
	_ =	swait.ge @!p0 [sflag:s8], $0x0  }
0x24: {  	s3 =	sadd.s32 $0x88, s3;
	s6 =	simm.s32 @!p1 $0x1082;
	[sflag:s4] =	ssyncset.s32 $0xFFFFF086  }
0x25: {  	[simem:s6], [sflag:s4] =	dma.local [hbm:s3], $0xF7A  }
0x26: {  	[smem:$0x3F90] =	sst s1;
	(tag) =	ssettag s2;
	_ =	strace s9  }
0x27: {  	s1 =	sld [smem:$0x3FA0]  }
0x28: {  	s2 =	sld [smem:$0x3FA1]  }
0x29: {  	s4 =	sld [smem:$0x3FA3]  }
0x2a: {  	p0 =	seq.s32 s5, $0x0;
	s5 =	sld [smem:$0x3FA4]  }
0x2b: {  	s6 =	sld [smem:$0x3FA5]  }
0x2c: {  	s7 =	sld [smem:$0x3FA6]  }
0x2d: {  	s3 =	simm.s32 $0x108;
	s8 =	sld [smem:$0x3FA7]  }
0x2e: {  	s3 =	simm.s32 @!p0 $0x1082;
	s9 =	sld [smem:$0x3FA8]  }
0x2f: {  	lr =	sadd.s32 s0, s3;
	s0 =	sld [smem:$0x3F9F]  }
0x30: {  	s3 =	sld [smem:$0x3FA2]  }
0x31: {  	[smem:$0x3FAB] =	sst s10  }
0x32: {  	s10 =	sld [smem:$0x3FA9];
	_ =	sdelay $0x3  }
0x33: {  	p0 =	seq.s32 s10, $0x1;
	s10 =	sld [smem:$0x3FAB];
	_ =	sdelay $0x3  }
0x34: {  	[smem:$0x3FAB] =	sst s10  }
0x35: {  	s10 =	sld [smem:$0x3FAA];
	_ =	sdelay $0x3  }
0x36: {  	p1 =	seq.s32 s10, $0x1;
	s10 =	sld [smem:$0x3FAB];
	_ =	sdelay $0x3  }
0x37: {  	[smem:$0x3FAB] =	sst s10  }
0x38: {  	s10 =	sld [smem:$0x3FAC]  }
0x39: {  	_ = 	snop;
	(pc) =	sbr.ind lr, $3  }
0x3a: {  	_ = 	snop  }
0x3b: {  	_ = 	snop  }
0x3c: {  	p2 =	seq.s32 s10, $0x1;
	s10 =	sld [smem:$0x3FAB]  }
0x3d: {  	_ =	shalt  }
0x3e: {  	_ =	shalt  }
0x3f: {  	_ =	shalt  }
0x40: {  	_ =	shalt  }
0x41: {  	_ =	shalt  }
0x42: {  	_ =	shalt  }
0x43: {  	_ =	shalt  }
0x44: {  	_ =	shalt  }
0x45: {  	_ =	shalt  }
0x46: {  	_ =	shalt  }
0x47: {  	_ =	shalt  }
0x48: {  	_ =	shalt  }
0x49: {  	_ =	shalt  }
0x4a: {  	_ =	shalt  }
0x4b: {  	_ =	shalt  }
0x4c: {  	_ =	shalt  }
0x4d: {  	_ =	shalt  }
0x4e: {  	_ =	shalt  }
0x4f: {  	_ =	shalt  }
0x50: {  	_ =	shalt  }
0x51: {  	_ =	shalt  }
0x52: {  	_ =	shalt  }
0x53: {  	_ =	shalt  }
0x54: {  	_ =	shalt  }
0x55: {  	_ =	shalt  }
0x56: {  	_ =	shalt  }
0x57: {  	_ =	shalt  }
0x58: {  	_ =	shalt  }
0x59: {  	_ =	shalt  }
0x5a: {  	_ =	shalt  }
0x5b: {  	_ =	shalt  }
0x5c: {  	_ =	shalt  }
0x5d: {  	_ =	shalt  }
0x5e: {  	_ =	shalt  }
0x5f: {  	_ =	shalt  }
0x60: {  	_ =	shalt  }
0x61: {  	_ =	shalt  }
0x62: {  	_ =	shalt  }
0x63: {  	_ =	shalt  }
0x64: {  	_ =	shalt  }
0x65: {  	_ =	shalt  }
0x66: {  	_ =	shalt  }
0x67: {  	_ =	shalt  }
0x68: {  	_ =	shalt  }
0x69: {  	_ =	shalt  }
0x6a: {  	_ =	shalt  }
0x6b: {  	_ =	shalt  }
0x6c: {  	_ =	shalt  }
0x6d: {  	_ =	shalt  }
0x6e: {  	_ =	shalt  }
0x6f: {  	_ =	shalt  }
0x70: {  	_ =	shalt  }
0x71: {  	_ =	shalt  }
0x72: {  	_ =	shalt  }
0x73: {  	_ =	shalt  }
0x74: {  	_ =	shalt  }
0x75: {  	_ =	shalt  }
0x76: {  	_ =	shalt  }
0x77: {  	_ =	shalt  }
0x78: {  	_ =	shalt  }
0x79: {  	_ =	shalt  }
0x7a: {  	_ =	shalt  }
0x7b: {  	_ =	shalt  }
0x7c: {  	_ =	shalt  }
0x7d: {  	_ =	shalt  }
0x7e: {  	_ =	shalt  }
0x7f: {  	_ =	shalt  }
0x80: {  	_ =	shalt  }
0x81: {  	_ =	shalt  }
0x82: {  	_ =	shalt  }
0x83: {  	_ =	shalt  }
0x84: {  	_ =	shalt  }
0x85: {  	_ =	shalt  }
0x86: {  	_ =	shalt  }
0x87: {  	_ =	shalt  }
.Lfunc_end0:
.L_simem_size_0:
called_computation.1_lowered:
.L_overlay_start_0:
0x88: {  	s2 =	sld [smem:$0x3FD9]  }
0x89: {  	s3 =	sld [smem:$0x3FFE];
	_ =	sdelay $0x1  }
0x8a: {  	s1 =	srdreg.scid  }
0x8b: {  	s0 =	sand.u32 $0x1, s1  }
0x8c: {  	s17 =	sshll.u32 s0, $0xA;
	s2 =	sadd.s32 s3, s2  }
0x8d: {  	s2 =	sadd.s32 s2, s17  }
0x8e: {  	[smem:$0x3FB7] =	sst s2  }
0x8f: {  	_ = 	snop  }
0x90: {  	s2 =	sld [smem:$0x3FC5];
	(tm) =	ssettm $0x1  }
0x91: {  	s18 =	sld [smem:$0x3FFB];
	_ =	sdelay $0x3  }
0x92: {  	_ =	strace s18  }
0x93: {  	s3 =	sld [smem:$0x3FFC];
	_ =	sdelay $0x3  }
0x94: {  	_ =	strace s3  }
0x95: {  	s3 =	sld [smem:$0x3FFD];
	_ =	sdelay $0x3  }
0x96: {  	_ =	strace s3  }
0x97: {  	_ =	strace $0x8FFFFFFF  }
0x98: {  	s19 =	sld [smem:$0x3FDB];
	_ =	sdelay $0x1  }
0x99: {  	s4 =	simm.s32 $_scs_section_size  }
0x9a: {  	s5 =	simm.s32 $_size__tile_overlayer_lowered;
	s6 =	simm.s32 $_tile_overlayer_lowered  }
0x9b: {  	s22 =	simm.s32 $0x1BFF;
	s21 =	sshll.u32 s6, $0x1;
	s3 =	sadd.s32 s4, s19  }
0x9c: {  	s7 =	simm.s32 $0x0;
	s20 =	sshll.u32 s5, $0x1;
	s5 =	sadd.s32 s21, s3  }
0x9d: {  	[timem:s7], [sflag:s22] =	dma.local [hbm:s5], s20  }
0x9e: {  	_ =	swait.ge [sflag:s22], s20  }
0x9f: {  	s4 =	ssub.s32 $0x0, s20;
	[sflag:s22] =	ssyncset.done $0x0  }
0xa0: {  	[sflag:s22] =	ssyncadd.s32 s4;
	_ =	sdelay $0x1  }
0xa1: {  	s23 =	simm.s32 $0x1B8B  }
0xa2: {  	_ =	swait.ge [sflag:s23], $0x1  }
0xa3: {  	[sflag:s23] =	ssyncset.done $0x0  }
0xa4: {  	s25 =	simm.s32 $0x1B8E;
	s24 =	sld [smem:$0x3FFE];
	[sflag:s23] =	ssyncadd.s32 $0xFFFFFFFF  }
0xa5: {  	s26 =	simm.s32 $execute0_lowered;
	[smem:$0x3FD2] =	sst s25  }
0xa6: {  	s5 =	sshll.u32 s26, $0x1;
	_ =	strace $0x80000049;
	[dreg:$0x1] =	wrdreg $0xFFFFFFFF  }
0xa7: {  	s28 =	simm.s32 $_size_execute0_lowered;
	s3 =	sadd.s32 s3, s5;
	[dreg:$0x0] =	wrdreg $0x0  }
0xa8: {  	s5 =	sshll.u32 s28, $0x1;
	[dreg:$0x2] =	wrdreg s3  }
0xa9: {  	[dreg:$0x3] =	wrdreg s5  }
0xaa: {  	[dreg:$0x4] =	wrdreg $0xC0  }
0xab: {  	_ =	task [dreg:s7], $0x5FFFF  }
0xac: {  	[dreg:$0x1] =	wrdreg $0xFFFFFFFF  }
0xad: {  	[dreg:$0x0] =	wrdreg $0x60  }
0xae: {  	[dreg:$0x2] =	wrdreg s24  }
0xaf: {  	[dreg:$0x3] =	wrdreg s2  }
0xb0: {  	[dreg:$0x4] =	wrdreg $0x9  }
0xb1: {  	_ =	task.clear_ibuf [dreg:s7], $0x5FFFF;
	_ =	strace $0x90000049  }
0xb2: {  	s29 =	simm.s32 $0x9;
	_ =	strace $0x8000004B  }
0xb3: {  	_ =	swait.ge [sflag:s29], $0x1  }
0xb4: {  	[sflag:s29] =	ssyncadd.s32 $0xFFFFFFFF  }
0xb5: {  	_ =	strace $0x9000004B  }
0xb6: {  	_ =	sfence  }
0xb7: {  	s30 =	sld [smem:$0x0];
	_ =	sdelay $0x2  }
0xb8: {  	s31 =	sshll.u32 s1, $0xD;
	s1 =	sshrl.u32 s1, $0x2  }
0xb9: {  	s3 =	sand.u32 $0x4000, s31;
	s1 =	sadd.s32 s1, s30  }
0xba: {  	s0 =	sor.u32 s3, s0;
	s1 =	sshll.u32 s1, $0x11  }
0xbb: {  	s0 =	sor.u32 s1, s0  }
0xbc: {  	s0 =	sadd.s32 $0x8F2B, s0  }
0xbd: {  	[sflag:s0] =	ssyncadd.remote.s32 $0x1  }
0xbe: {  	_ =	sfence.sel $0xFFFF  }
0xbf: {  	[dreg:$0x0] =	wrdreg $0xFFFFFFFF;
	(pc) =	sbr.abs _section_cstart, $3  }
0xc0: {  	[dreg:$0x1] =	wrdreg $0xFFFFFFFF  }
0xc1: {  	_ =	task.clear_ibuf [dreg:s7], $0x2FFFF;
	_ =	strace $0x9FFFFFFF  }
0xc2: {  	(tm) =	ssettm $0x7FFFFFFF  }
0xc3: {  	_ =	shalt  }
tec
execute0_lowered:
.L_overlay_start_1:
0x0: {  	(tag) =	ssettag $0x1  }
0x1: {  	s0 =	srdreg.scid;
	s1 =	rddreg [dreg:$0x0]  }
0x2: {  	s5 =	stileid.u32;
	s2 =	rddreg [dreg:$0x1];
	s12 =	simm.s32 $0x2  }
0x3: {  	s13 =	simm.s32 $0x1;
	s14 =	simm.s32 $0x8800;
	s15 =	simm.s32 $0x9000  }
0x4: {  	s16 =	simm.s32 $0x9080;
	s17 =	simm.s32 $0x8000;
	s18 =	simm.s32 $0x9100  }
0x5: {  	s22 =	simm.s32 $0xB100;
	s23 =	simm.s32 $0xB900;
	s24 =	simm.s32 $0xC100  }
0x6: {  	s25 =	simm.s32 $0xC900;
	s26 =	simm.s32 $0x0;
	s0 =	sand.u32 $0x1, s0  }
0x7: {  	s4 =	sshrl.u32 s5, $0x2;
	s5 =	sand.u32 $0x3, s5;
	s3 =	sshll.u32 s0, $0x2  }
0x8: {  	s8 =	sshll.u32 s5, $0x6;
	s0 =	ssub.s32 $0x2, s0;
	s6 =	sor.u32 s4, s3  }
0x9: {  	s3 =	simm.s32 $0x0;
	s4 =	sshll.u32 s5, $0xF;
	s9 =	sshrl.u32 s0, $0x1  }
0xa: {  	s7 =	sshll.u32 s6, $0x8;
	[smem:$0x7FF] =	sst s3;
	s31 =	sadd.s32 s4, s1  }
.Ltmp0:
0xb: {  	s6 =	sshll.u32 s6, $0x4;
	s0 =	ssub.s32 s0, s9;
	(pc) =	sbr.rel .LBB2_1-.Ltmp0, $4  }
0xc: {  	s30 =	sor.u32 s8, s7;
	_ =	strace $0x8000004A;
	s6 =	sadd.s32 s6, s31  }
0xd: {  	v0 =	vlaneseq.u32;
	v2 =	vimm.f32 $-3.000000010e+38;
	v3 =	vimm.s32 $0x0;
	s9 =	smax.u32 s0, $0x1;
	s8 =	sshrl.u32 s30, $0x3;
	s5 =	sshll.u32 s30, $0x5  }
0xe: {  	vm0 =	vmmov $0xffff;
	v1 =	vor.u32 $0x80000000, v0;
	v5 =	vshrl.u32 v0, $0x3;
	s8 =	sadd.s32 s8, s1;
	s1 =	sadd.s32 s5, s1;
	s5 =	sadd.s32 $0x9E00, s6  }
0xf: {  	v4 =	vand.u32 $0x7, v0;
	v6 =	vor.u32 $0x8, v0;
	v5 =	vmul.u32 $0x8, v5;
	s6 =	sadd.s32 $0x29E00, s8;
	s7 =	sadd.s32 $0x2A000, s8;
	s8 =	sadd.s32 $0x2A200, s1  }
.LBB2_23:
0x10: {  	v7 =	vld [tilespmem:$0x9080];
	_ =	sdelay $0x4  }
0x11: {  	v8 =	vshll.u32 v7, $0x1  }
0x12: {  	v7 =	vand.u32 $0x7, v7;
	v8 =	vand.u32 $0xFFFFFFF0, v8  }
0x13: {  	v7 =	vor.u32 v7, v8  }
0x14: {  	v8 =	vperm.xlane v7, v4;
	_ =	sdelay $0x1  }
0x15: {  	v7 =	vperm.xlane v7, v6;
	v8 =	vadd.s32 v5, v8;
	_ =	sdelay $0x1  }
0x16: {  	v7 =	vadd.s32 v5, v7;
	_ =	sdelay $0x2  }
0x17: {  	[tilespmem:s18], [sflag:$0x1] =	stream.indirect_vreg.gather [hbm4b:s2+s3], $0x80, v8, vm0, $0xb8;
	[tilespmem:$0xD100] =	vst v63  }
0x18: {  	s0 =	simm.s32 $0x9900  }
0x19: {  	[tilespmem:s0], [sflag:$0x1] =	stream.indirect_vreg.gather [hbm4b:s2+s3], $0x80, v7, vm0, $0xb8;
	[tilespmem:$0xD100] =	vst v63  }
0x1a: {  	v7 =	vld [tilespmem:$0x9090];
	_ =	sdelay $0x4  }
0x1b: {  	v8 =	vshll.u32 v7, $0x1  }
0x1c: {  	v7 =	vand.u32 $0x7, v7;
	v8 =	vand.u32 $0xFFFFFFF0, v8  }
0x1d: {  	v7 =	vor.u32 v7, v8  }
0x1e: {  	v8 =	vperm.xlane v7, v4;
	_ =	sdelay $0x1  }
0x1f: {  	v7 =	vperm.xlane v7, v6;
	v8 =	vadd.s32 v5, v8;
	_ =	sdelay $0x1  }
0x20: {  	v7 =	vadd.s32 v5, v7;
	_ =	sdelay $0x1  }
0x21: {  	s30 =	simm.s32 $0xA100  }
0x22: {  	[tilespmem:s30], [sflag:$0x1] =	stream.indirect_vreg.gather [hbm4b:s2+s3], $0x80, v8, vm0, $0xb8;
	[tilespmem:$0xD100] =	vst v63  }
0x23: {  	s31 =	simm.s32 $0xA900  }
0x24: {  	[tilespmem:s31], [sflag:$0x1] =	stream.indirect_vreg.gather [hbm4b:s2+s3], $0x80, v7, vm0, $0xb8;
	[tilespmem:$0xD100] =	vst v63  }
0x25: {  	v7 =	vld [tilespmem:$0x90A0];
	_ =	sdelay $0x4  }
0x26: {  	v8 =	vshll.u32 v7, $0x1  }
0x27: {  	v7 =	vand.u32 $0x7, v7;
	v8 =	vand.u32 $0xFFFFFFF0, v8  }
0x28: {  	v7 =	vor.u32 v7, v8  }
0x29: {  	v8 =	vperm.xlane v7, v4;
	_ =	sdelay $0x1  }
0x2a: {  	v7 =	vperm.xlane v7, v6;
	v8 =	vadd.s32 v5, v8;
	_ =	sdelay $0x1  }
0x2b: {  	v7 =	vadd.s32 v5, v7;
	_ =	sdelay $0x2  }
0x2c: {  	[tilespmem:s22], [sflag:$0x1] =	stream.indirect_vreg.gather [hbm4b:s2+s3], $0x80, v8, vm0, $0xb8;
	[tilespmem:$0xD100] =	vst v63  }
0x2d: {  	_ = 	snop  }
0x2e: {  	[tilespmem:s23], [sflag:$0x1] =	stream.indirect_vreg.gather [hbm4b:s2+s3], $0x80, v7, vm0, $0xb8;
	[tilespmem:$0xD100] =	vst v63  }
0x2f: {  	v7 =	vld [tilespmem:$0x90B0];
	_ =	sdelay $0x4  }
0x30: {  	v8 =	vshll.u32 v7, $0x1  }
0x31: {  	v7 =	vand.u32 $0x7, v7;
	v8 =	vand.u32 $0xFFFFFFF0, v8  }
0x32: {  	v7 =	vor.u32 v7, v8  }
0x33: {  	v8 =	vperm.xlane v7, v4;
	_ =	sdelay $0x1  }
0x34: {  	v7 =	vperm.xlane v7, v6;
	v8 =	vadd.s32 v5, v8;
	_ =	sdelay $0x1  }
0x35: {  	v7 =	vadd.s32 v5, v7;
	_ =	sdelay $0x2  }
0x36: {  	[tilespmem:s24], [sflag:$0x1] =	stream.indirect_vreg.gather [hbm4b:s2+s3], $0x80, v8, vm0, $0xb8;
	[tilespmem:$0xD100] =	vst v63  }
0x37: {  	_ = 	snop  }
0x38: {  	[tilespmem:s25], [sflag:$0x1] =	stream.indirect_vreg.gather [hbm4b:s2+s3], $0x80, v7, vm0, $0xb8;
	[tilespmem:$0xD100] =	vst v63  }
0x39: {  	_ =	swait.ge [sflag:s13], $0x4000  }
0x3a: {  	[sflag:s13] =	ssyncset.done $0x0  }
0x3b: {  	[sflag:s13] =	ssyncadd.s32 $0xFFFFC000  }
0x3c: {  	[hbm4b:s6+s3] =	stream.linear.scatter [tilespmem:s15], [sflag:$0x2], $0x40, $0x38;
	[tilespmem:$0xD100] =	vst v63  }
0x3d: {  	_ =	swait.ge [sflag:s12], $0x40  }
0x3e: {  	[sflag:s12] =	ssyncset.done $0x0  }
0x3f: {  	[sflag:s12] =	ssyncadd.s32 $0xFFFFFFC0  }
0x40: {  	[hbm4b:s7+s3] =	stream.linear.scatter [tilespmem:s16], [sflag:$0x2], $0x40, $0x38;
	[tilespmem:$0xD100] =	vst v63  }
0x41: {  	s26 =	sadd.s32 $0x1, s26;
	_ =	swait.ge [sflag:s12], $0x40  }
0x42: {  	p0 =	sne.s32 s26, s9;
	[sflag:s12] =	ssyncset.done $0x0  }
.Ltmp1:
0x43: {  	[sflag:s12] =	ssyncadd.s32 $0xFFFFFFC0;
	(pc) =	sbr.rel @!p0 .LBB2_24-.Ltmp1, $4  }
0x44: {  	[hbm4b:s8+s3] =	stream.linear.scatter [tilespmem:s18], [sflag:$0x2], $0x4000, $0x38;
	[tilespmem:$0xD100] =	vst v63  }
0x45: {  	_ =	swait.ge [sflag:s12], $0x4000  }
0x46: {  	[sflag:s12] =	ssyncset.done $0x0  }
0x47: {  	[sflag:s12] =	ssyncadd.s32 $0xFFFFC000  }
.LBB2_1:
0x48: {  	s0 =	simm.s32 $0x80;
	s1 =	simm.s32 $0x400  }
0x49: {  	[tilespmem:s3], [sflag:$0x2] =	stream.strided.gather [hbm4b:s5+s0], $0x8000, s1, s0, $0x38;
	[tilespmem:$0xD100] =	vst v63  }
0x4a: {  	_ =	swait.ge [sflag:s12], $0x8000  }
0x4b: {  	[sflag:s12] =	ssyncset.done $0x0  }
0x4c: {  	s0 =	simm.s32 $0x0;
	[sflag:s12] =	ssyncadd.s32 $0xFFFF8000  }
0x4d: {  	v16 =	vld [tilespmem:s0+$0x40]  }
0x4e: {  	v8 =	vld [tilespmem:s0+$0x50]  }
0x4f: {  	v7 =	vld [tilespmem:s0+$0x60]  }
0x50: {  	v11 =	vld [tilespmem:s0+$0x0]  }
0x51: {  	v10 =	vimm.f32 $-3.000000010e+38;
	v9 =	vld [tilespmem:s0+$0x10]  }
0x52: {  	v12 =	vimm.f32 $-3.000000010e+38;
	v13 =	vimm.f32 $-3.000000010e+38;
	v15 =	vimm.f32 $-3.000000010e+38;
	s1 =	simm.s32 $0x200;
	v14 =	vld [tilespmem:s0+$0x20]  }
.LBB2_2:
0x53: {  	p0 =	sne.s32 s1, $0x1FE00;
	v17 =	vld [tilespmem:s0+$0x30];
	v18 =	vmov v8  }
0x54: {  	v19 =	vld [tilespmem:s0+$0x70];
	s0 =	sshra.s32 s1, $0x2;
	v20 =	vmov v7  }
0x55: {  	v21 =	vld [tilespmem:s0+$0x40]  }
.Ltmp2:
0x56: {  	v10 =	vmax.f32 v10, v11;
	v8 =	vld [tilespmem:s0+$0x50];
	(pc) =	sbr.rel @p0 .LBB2_2-.Ltmp2, $4  }
0x57: {  	v10 =	vmax.f32 v10, v16;
	v7 =	vld [tilespmem:s0+$0x60]  }
0x58: {  	v12 =	vmax.f32 v12, v9;
	v13 =	vmax.f32 v13, v14;
	v11 =	vld [tilespmem:s0+$0x0];
	v14 =	vmax.f32 v15, v17  }
0x59: {  	v12 =	vmax.f32 v12, v18;
	v13 =	vmax.f32 v13, v20;
	v9 =	vld [tilespmem:s0+$0x10];
	v15 =	vmax.f32 v14, v19  }
0x5a: {  	s1 =	sadd.s32 $0x200, s1;
	v14 =	vld [tilespmem:s0+$0x20];
	v16 =	vmov v21  }
0x5b: {  	v17 =	vld [tilespmem:s0+$0x30]  }
0x5c: {  	v18 =	vld [tilespmem:s0+$0x70];
	_ =	sdelay $0x1  }
0x5d: {  	v10 =	vmax.f32 v10, v11  }
0x5e: {  	v10 =	vmax.f32 v10, v16  }
0x5f: {  	v9 =	vmax.f32 v12, v9;
	v11 =	vmax.f32 v13, v14;
	v63 =	vmax.f32 v15, v17  }
0x60: {  	v8 =	vmax.f32 v9, v8;
	v7 =	vmax.f32 v11, v7;
	v9 =	vmax.f32 v63, v18  }
0x61: {  	v8 =	vmin.f32 v10, v8;
	v7 =	vmin.f32 v7, v9  }
0x62: {  	v7 =	vmin.f32 v8, v7  }
0x63: {  	(xrf0) =	vmin.scan.msk.f32 $0xffff, v7;
	_ =	sdelay $0x5  }
0x64: {  	v7, _, _ =	vpop (xrf0)  }
0x65: {  	v7 =	vadd.f32 $0.0e+00, v7;
	_ =	sdelay $0x1  }
0x66: {  	s28 =	simm.s32 $0x0;
	s29 =	simm.s32 $0x20;
	s30 =	smov.u32 s4;
	v8 =	vbroadcast v7, $0xF;
	v7 =	vimm.s32 $0x0  }
.LBB2_5:
0x67: {  	v9 =	vxor.u32 $0x80000000, v7  }
0x68: {  	(xrf0) =	vmax.scan.msk.u32 $0xffff, v9;
	_ =	sdelay $0x5  }
0x69: {  	v9, _, _ =	vpop (xrf0)  }
0x6a: {  	(v2sf) =	vpush v9, $0xF;
	_ =	sdelay $0xe  }
0x6b: {  	s31 =	spop (v2sf)  }
0x6c: {  	p0 =	slt.u32 s31, $0x80000041  }
.Ltmp3:
0x6d: {  	_ = 	snop;
	(pc) =	sbr.rel @p0 .LBB2_14-.Ltmp3, $1  }
0x6e: {  	_ =	sdelay $0x3  }
0x6f: {  	s0 =	sadd.s32 $0x80000001, s31;
	p0 =	sne.s32 s31, $0xFFFFFFFF;
	s1 =	simm.s32 $0x1  }
0x70: {  	s1 =	simm.s32 @!p0 $0x0;
	s10 =	sshra.s32 s0, $0x1F  }
0x71: {  	s20 =	sand.u32 $0x1, s0;
	s1 =	sadd.s32 s1, s10  }
0x72: {  	p1 =	seq.s32 s20, $0x1;
	p6 =	sne.s32 s1, $0x1  }
.Ltmp4:
0x73: {  	s21 =	sshrl.u32 s0, $0x1F;
	p0 =	por !p6, !p1;
	(pc) =	sbr.rel .LBB2_7-.Ltmp4, $4  }
0x74: {  	s0 =	sadd.s32 s21, s0;
	s1 =	simm.s32 $0x1;
	p0 =	por !p0, !p0  }
0x75: {  	s0 =	sshra.s32 s0, $0x1;
	s1 =	simm.s32 @!p0 $0x0  }
0x76: {  	s1 =	ssub.s32 s0, s1  }
0x77: {  	s0 =	simm.s32 $0x0;
	p0 =	slt.s32 s1, $0x1  }
.LBB2_8:
0x78: {  	v10 =	vmov v1  }
.LBB2_12:
0x79: {  	(xrf0) =	vmax.scan.msk.f32 $0xffff, v8;
	_ =	sdelay $0x5  }
0x7a: {  	v9, _, _ =	vpop (xrf0)  }
0x7b: {  	v11 =	vbroadcast v9, $0xF;
	_ =	sdelay $0x1  }
0x7c: {  	vm1 =	veq.f32 v8, v11  }
0x7d: {  	v8 =	vnsel vm1, $0xC0000000, v10  }
0x7e: {  	(xrf0) =	vmin.scan.msk.u32 $0xffff, v8;
	_ =	sdelay $0x5  }
0x7f: {  	v8, _, _ =	vpop (xrf0)  }
0x80: {  	(v2sf) =	vpush v8, $0xF;
	_ =	sdelay $0xe  }
0x81: {  	s10 =	spop (v2sf)  }
0x82: {  	s10 =	sxor.u32 $0x80000000, s10  }
0x83: {  	v8 =	vmov s10;
	_ =	sdelay $0x3  }
0x84: {  	v10 =	vmov s0  }
0x85: {  	s0 =	sadd.s32 $0x1, s0;
	v12 =	vld.idx.msk [tilespmem:v8+s14+$0x0], $0xffff  }
0x86: {  	p1 =	sne.s32 s0, $0x40  }
.Ltmp5:
0x87: {  	v11 =	vadd.f32 $0.0e+00, v11;
	(pc) =	sbr.rel @!p1 .LBB2_13-.Ltmp5, $4  }
0x88: {  	_ = 	snop  }
0x89: {  	[tilespmem:v10+s15+$0x0] =	vst.idx.msk $0x1, v11  }
0x8a: {  	[tilespmem:v10+s16+$0x0] =	vst.idx.msk $0x1, v12  }
0x8b: {  	[tilespmem:v8+s17+$0x0] =	vst.idx.msk $0x1, v2  }
.LBB2_7:
.Ltmp6:
0x8c: {  	(pc) =	sbr.rel @p0 .LBB2_8-.Ltmp6, $2  }
0x8d: {  	_ =	sdelay $0x2  }
0x8e: {  	v8 =	vimm.f32 $-3.000000010e+38  }
0x8f: {  	s20 =	simm.s32 $0x8010  }
0x90: {  	s11 =	simm.s32 $0x0;
	p1 =	sne.s32 s1, $0x1;
	v11 =	vld [tilespmem:s20+$0xFFFFFFF0]  }
.Ltmp7:
0x91: {  	v9 =	vmov s11;
	(pc) =	sbr.rel @!p1 .LBB2_11-.Ltmp7, $3  }
0x92: {  	vm1 =	vlt.s32 v9, v7;
	v9 =	vld [tilespmem:s20+$0x0];
	_ =	sdelay $0x1  }
0x93: {  	s10 =	simm.s32 $0x1  }
0x94: {  	v10 =	vimm.s32 $0x0;
	s19 =	sadd.s32 $0xFFFFFFFF, s1;
	s21 =	simm.s32 $0x1;
	v12 =	vmov s10;
	s20 =	simm.s32 $0x8030;
	v11 =	vnsel vm1, $0xFF61B1E6, v11  }
.LBB2_10:
0x95: {  	v13 =	vld [tilespmem:s20+$0xFFFFFFF0];
	p1 =	sne.s32 s19, $0x1;
	s19 =	sadd.s32 $0xFFFFFFFF, s19;
	vm1 =	vgt.f32 v11, v8;
	vm2 =	vlt.s32 v12, v7  }
.Ltmp8:
0x96: {  	s21 =	sadd.s32 $0x2, s21;
	v8 =	vsel vm1, v11, v8;
	v10 =	vsel vm1, s11, v10;
	v11 =	vnsel vm2, $0xFF61B1E6, v9;
	(pc) =	sbr.rel @p1 .LBB2_10-.Ltmp8, $4  }
0x97: {  	s11 =	sadd.s32 $0xFFFFFFFF, s21;
	v9 =	vld [tilespmem:s20+$0x0];
	vm1 =	vgt.f32 v11, v8  }
0x98: {  	v12 =	vmov s11;
	v8 =	vsel vm1, v11, v8;
	v10 =	vsel vm1, s10, v10;
	s10 =	smov.u32 s21  }
0x99: {  	vm1 =	vlt.s32 v12, v7  }
0x9a: {  	s20 =	sadd.s32 $0x20, s20;
	v12 =	vmov s21;
	v11 =	vnsel vm1, $0xFF61B1E6, v13  }
.LBB2_11:
0x9b: {  	vm1 =	vgt.f32 v11, v8;
	vm2 =	vlt.s32 v12, v7  }
.Ltmp9:
0x9c: {  	v8 =	vsel vm1, v11, v8;
	v9 =	vnsel vm2, $0xFF61B1E6, v9;
	(pc) =	sbr.rel .LBB2_12-.Ltmp9, $4  }
0x9d: {  	v10 =	vsel vm1, s11, v10;
	vm1 =	vgt.f32 v9, v8  }
0x9e: {  	v10 =	vsel vm1, s10, v10  }
0x9f: {  	v10 =	vshll.u32 v10, $0x4  }
0xa0: {  	v8 =	vsel vm1, v9, v8;
	v10 =	vxor.u32 v1, v10  }
.LBB2_13:
0xa1: {  	v8 =	vld [tilespmem:$0x9000]  }
0xa2: {  	v10 =	vld [tilespmem:$0x9080]  }
0xa3: {  	v11 =	vld [tilespmem:$0x9010]  }
0xa4: {  	v12 =	vld [tilespmem:$0x9090]  }
0xa5: {  	v13 =	vld [tilespmem:$0x9020]  }
0xa6: {  	[tilespmem:$0x8000] =	vst v8;
	v8 =	vld [tilespmem:$0x90A0]  }
0xa7: {  	[tilespmem:$0x8800] =	vst v10;
	v10 =	vld [tilespmem:$0x9030]  }
0xa8: {  	[tilespmem:$0x8010] =	vst v11;
	v11 =	vld [tilespmem:$0x90B0]  }
0xa9: {  	[tilespmem:$0x8810] =	vst v12  }
0xaa: {  	[tilespmem:$0x8020] =	vst v13  }
0xab: {  	[tilespmem:$0x8820] =	vst v8;
	v8 =	vadd.f32 $0.0e+00, v9  }
0xac: {  	[tilespmem:$0x8030] =	vst v10  }
0xad: {  	[tilespmem:$0x8830] =	vst v11;
	v8 =	vbroadcast v8, $0xF  }
.LBB2_14:
0xae: {  	p0 =	sgt.u32 s31, $0x80000040  }
0xaf: {  	s0 =	simm.s32 $0x0;
	s1 =	smov.u32 s29;
	v7 =	vpsel p0, $0x4, v7  }
.LBB2_15:
0xb0: {  	v9 =	vld [tilespmem:s1+$0xFFFFFFE0];
	_ =	sdelay $0x4  }
0xb1: {  	v10 =	vshll.u32 v7, $0x4;
	vm1 =	vge.f32 v9, v8  }
0xb2: {  	v10 =	vor.u32 v0, v10;
	_ =	sdelay $0x3  }
0xb3: {  	s10 =	sadd.s32 s0, s30  }
0xb4: {  	[tilespmem:v10+s17+$0x0] =	vst.idx.msk vm1, v9;
	v9 =	vor.u32 s10, v0  }
0xb5: {  	[tilespmem:v10+s14+$0x0] =	vst.idx.msk vm1, v9  }
0xb6: {  	v9 =	vld [tilespmem:s1+$0xFFFFFFF0];
	_ =	sdelay $0x2  }
0xb7: {  	v10 =	vsel vm1, $0x1, v3  }
0xb8: {  	v7 =	vadd.s32 v10, v7  }
0xb9: {  	v10 =	vshll.u32 v7, $0x4;
	vm1 =	vge.f32 v9, v8  }
0xba: {  	v10 =	vor.u32 v0, v10;
	_ =	sdelay $0x3  }
0xbb: {  	s11 =	sadd.s32 $0x10, s10  }
0xbc: {  	[tilespmem:v10+s17+$0x0] =	vst.idx.msk vm1, v9;
	v9 =	vor.u32 s11, v0  }
0xbd: {  	[tilespmem:v10+s14+$0x0] =	vst.idx.msk vm1, v9  }
0xbe: {  	v9 =	vld [tilespmem:s1+$0x0];
	_ =	sdelay $0x2  }
0xbf: {  	v10 =	vsel vm1, $0x1, v3  }
0xc0: {  	v7 =	vadd.s32 v10, v7  }
0xc1: {  	v10 =	vshll.u32 v7, $0x4;
	vm1 =	vge.f32 v9, v8  }
0xc2: {  	v10 =	vor.u32 v0, v10;
	_ =	sdelay $0x3  }
0xc3: {  	s31 =	sadd.s32 $0x20, s10  }
0xc4: {  	[tilespmem:v10+s17+$0x0] =	vst.idx.msk vm1, v9;
	v9 =	vor.u32 s31, v0  }
0xc5: {  	[tilespmem:v10+s14+$0x0] =	vst.idx.msk vm1, v9  }
0xc6: {  	v9 =	vld [tilespmem:s1+$0x10];
	_ =	sdelay $0x2  }
0xc7: {  	v10 =	vsel vm1, $0x1, v3  }
0xc8: {  	v7 =	vadd.s32 v10, v7  }
0xc9: {  	v10 =	vshll.u32 v7, $0x4;
	vm1 =	vge.f32 v9, v8  }
0xca: {  	v10 =	vor.u32 v0, v10  }
0xcb: {  	p0 =	seq.s32 s0, $0x3C0  }
.Ltmp10:
0xcc: {  	_ = 	snop;
	(pc) =	sbr.rel @!p0 .LBB2_15-.Ltmp10, $4  }
0xcd: {  	_ = 	snop  }
0xce: {  	s10 =	sadd.s32 $0x30, s10  }
0xcf: {  	v11 =	vsel vm1, $0x1, v3;
	[tilespmem:v10+s17+$0x0] =	vst.idx.msk vm1, v9;
	v9 =	vor.u32 s10, v0  }
0xd0: {  	s0 =	sadd.s32 $0x40, s0;
	s1 =	sadd.s32 $0x40, s1;
	v7 =	vadd.s32 v11, v7;
	[tilespmem:v10+s14+$0x0] =	vst.idx.msk vm1, v9  }
0xd1: {  	s28 =	sadd.s32 $0x1, s28  }
0xd2: {  	p0 =	seq.s32 s28, $0x20  }
.Ltmp11:
0xd3: {  	_ = 	snop;
	(pc) =	sbr.rel @!p0 .LBB2_5-.Ltmp11, $2  }
0xd4: {  	_ =	sdelay $0x2  }
0xd5: {  	s30 =	sadd.s32 $0x400, s30;
	s29 =	sadd.s32 $0x400, s29  }
0xd6: {  	v8 =	vxor.u32 $0x80000000, v7  }
0xd7: {  	(xrf0) =	vmax.scan.msk.u32 $0xffff, v8;
	_ =	sdelay $0x5  }
0xd8: {  	v8, _, _ =	vpop (xrf0)  }
0xd9: {  	(v2sf) =	vpush v8, $0xF;
	_ =	sdelay $0xe  }
0xda: {  	s0 =	spop (v2sf)  }
0xdb: {  	s1 =	sadd.s32 $0x80000001, s0;
	p0 =	slt.s32 s0, $0xFFFFFFFF;
	s0 =	simm.s32 $0x1  }
0xdc: {  	s0 =	simm.s32 @!p0 $0x0;
	s10 =	sshra.s32 s1, $0x1F  }
0xdd: {  	s30 =	sand.u32 $0x1, s1;
	s0 =	sadd.s32 s0, s10  }
0xde: {  	p1 =	seq.s32 s30, $0x1;
	p6 =	sne.s32 s0, $0x1  }
.Ltmp12:
0xdf: {  	s31 =	sshrl.u32 s1, $0x1F;
	p0 =	por !p6, !p1;
	(pc) =	sbr.rel .LBB2_17-.Ltmp12, $4  }
0xe0: {  	s0 =	sadd.s32 s31, s1;
	s1 =	simm.s32 $0x1;
	p0 =	por !p0, !p0  }
0xe1: {  	s0 =	sshra.s32 s0, $0x1;
	s1 =	simm.s32 @!p0 $0x0  }
0xe2: {  	s1 =	ssub.s32 s0, s1  }
0xe3: {  	s0 =	simm.s32 $0x0;
	p0 =	slt.s32 s1, $0x1  }
.LBB2_18:
0xe4: {  	v9 =	vmov v1  }
.LBB2_22:
0xe5: {  	(xrf0) =	vmax.scan.msk.f32 $0xffff, v8;
	_ =	sdelay $0x5  }
0xe6: {  	v10, _, _ =	vpop (xrf0)  }
0xe7: {  	v10 =	vbroadcast v10, $0xF;
	_ =	sdelay $0x1  }
0xe8: {  	vm1 =	veq.f32 v8, v10  }
0xe9: {  	v8 =	vnsel vm1, $0xC0000000, v9  }
0xea: {  	(xrf0) =	vmin.scan.msk.u32 $0xffff, v8;
	_ =	sdelay $0x5  }
0xeb: {  	v8, _, _ =	vpop (xrf0)  }
0xec: {  	(v2sf) =	vpush v8, $0xF;
	_ =	sdelay $0xe  }
0xed: {  	s10 =	spop (v2sf)  }
0xee: {  	s10 =	sxor.u32 $0x80000000, s10  }
0xef: {  	v8 =	vmov s10;
	_ =	sdelay $0x3  }
0xf0: {  	v63 =	vmov s0  }
0xf1: {  	s0 =	sadd.s32 $0x1, s0;
	v11 =	vld.idx.msk [tilespmem:v8+s14+$0x0], $0xffff  }
0xf2: {  	p1 =	sne.s32 s0, $0x40  }
.Ltmp13:
0xf3: {  	v10 =	vadd.f32 $0.0e+00, v10;
	(pc) =	sbr.rel @!p1 .LBB2_23-.Ltmp13, $4  }
0xf4: {  	_ = 	snop  }
0xf5: {  	[tilespmem:v63+s15+$0x0] =	vst.idx.msk $0x1, v10  }
0xf6: {  	[tilespmem:v63+s16+$0x0] =	vst.idx.msk $0x1, v11  }
0xf7: {  	[tilespmem:v8+s17+$0x0] =	vst.idx.msk $0x1, v2  }
.LBB2_17:
.Ltmp14:
0xf8: {  	(pc) =	sbr.rel @p0 .LBB2_18-.Ltmp14, $2  }
0xf9: {  	_ =	sdelay $0x2  }
0xfa: {  	v8 =	vimm.f32 $-3.000000010e+38  }
0xfb: {  	s20 =	simm.s32 $0x8010  }
0xfc: {  	s11 =	simm.s32 $0x0;
	p1 =	sne.s32 s1, $0x1;
	v11 =	vld [tilespmem:s20+$0xFFFFFFF0]  }
.Ltmp15:
0xfd: {  	v9 =	vmov s11;
	(pc) =	sbr.rel @!p1 .LBB2_21-.Ltmp15, $3  }
0xfe: {  	vm1 =	vlt.s32 v9, v7;
	v9 =	vld [tilespmem:s20+$0x0];
	_ =	sdelay $0x1  }
0xff: {  	s10 =	simm.s32 $0x1  }
0x100: {  	v10 =	vimm.s32 $0x0;
	s19 =	sadd.s32 $0xFFFFFFFF, s1;
	s21 =	simm.s32 $0x1;
	v12 =	vmov s10;
	s20 =	simm.s32 $0x8030;
	v11 =	vnsel vm1, $0xFF61B1E6, v11  }
.LBB2_20:
0x101: {  	v13 =	vld [tilespmem:s20+$0xFFFFFFF0];
	p1 =	sne.s32 s19, $0x1;
	s19 =	sadd.s32 $0xFFFFFFFF, s19;
	vm1 =	vgt.f32 v11, v8;
	vm2 =	vlt.s32 v12, v7  }
.Ltmp16:
0x102: {  	s21 =	sadd.s32 $0x2, s21;
	v8 =	vsel vm1, v11, v8;
	v10 =	vsel vm1, s11, v10;
	v11 =	vnsel vm2, $0xFF61B1E6, v9;
	(pc) =	sbr.rel @p1 .LBB2_20-.Ltmp16, $4  }
0x103: {  	s11 =	sadd.s32 $0xFFFFFFFF, s21;
	v9 =	vld [tilespmem:s20+$0x0];
	vm1 =	vgt.f32 v11, v8  }
0x104: {  	v12 =	vmov s11;
	v8 =	vsel vm1, v11, v8;
	v10 =	vsel vm1, s10, v10;
	s10 =	smov.u32 s21  }
0x105: {  	vm1 =	vlt.s32 v12, v7  }
0x106: {  	s20 =	sadd.s32 $0x20, s20;
	v12 =	vmov s21;
	v11 =	vnsel vm1, $0xFF61B1E6, v13  }
.LBB2_21:
0x107: {  	vm1 =	vgt.f32 v11, v8;
	vm2 =	vlt.s32 v12, v7  }
.Ltmp17:
0x108: {  	v8 =	vsel vm1, v11, v8;
	v9 =	vnsel vm2, $0xFF61B1E6, v9;
	(pc) =	sbr.rel .LBB2_22-.Ltmp17, $4  }
0x109: {  	v10 =	vsel vm1, s11, v10;
	vm1 =	vgt.f32 v9, v8  }
0x10a: {  	v10 =	vsel vm1, s10, v10  }
0x10b: {  	v10 =	vshll.u32 v10, $0x4  }
0x10c: {  	v8 =	vsel vm1, v9, v8;
	v9 =	vxor.u32 v1, v10  }
.LBB2_24:
0x10d: {  	_ =	sfence.sel $0x180000  }
0x10e: {  	[bflag:$0x0] =	sbarrier.arrive $0xFFFF  }
0x10f: {  	_ =	strace $0x9000004A  }
0x110: {  	s0 =	stileid.u32;
	[bflag:$0x2] =	sbarrier.arrive $0xFFFF  }
0x111: {  	p0 =	sne.s32 s0, $0x0;
	s0 =	rddreg [dreg:$0x2]  }
0x112: {  	s0 =	sadd.s32 @!p0 $0x100000, s0  }
0x113: {  	[sflag:s0] =	ssyncadd.tile.s32 @!p0 $0x1;
	_ =	shalt  }
.Lfunc_end2:
_tile_overlayer_lowered:
.L_overlay_start_2:
0x114: {  	(tag) =	ssettag $0x2  }
0x115: {  	s0 =	rddreg [dreg:$0x0];
	s2 =	stileid.u32  }
0x116: {  	s1 =	rddreg [dreg:$0x1];
	p0 =	sne.s32 s2, $0x0  }
0x117: {  	s3 =	rddreg [dreg:$0x2];
	[bflag:$0x3] =	sbarrier.arrive $0xFFFF;
	s2 =	simm.s32 @!p0 $0x1C02  }
0x118: {  	[timem:s3], [sflag:s2] =	dma.local @!p0 [hbm:s0], s1  }
0x119: {  	s0 =	simm.s32 @!p0 $0x2  }
0x11a: {  	_ =	swait.ge @!p0 [sflag:s0], s1  }
0x11b: {  	s1 =	ssub.s32 @!p0 $0x0, s1;
	[sflag:s0] =	ssyncset.done @!p0 $0x0  }
0x11c: {  	[sflag:s0] =	ssyncadd.s32 @!p0 s1  }
0x11d: {  	[bflag:$0x3] =	sbarrier.arrive $0xFFFF  }
0x11e: {  	_ =	shalt  }

// kernel: kernel.21.cloned.1.call-start
scs
__scs_entry_jumppad:
0x0: {  	(pc) =	sbr.rel $0x88, $3  }
0x1: {  	(tag) =	ssettag $0x0;
	lr =	simm.s32 $0x1  }
0x2: {  	[smem:$0x3F90] =	sst lr;
	_ =	strace $0xD0000000  }
0x3: {  	_ = 	snop  }
0x4: {  	_ = 	snop  }
0x5: {  	_ = 	snop  }
0x6: {  	_ = 	snop  }
0x7: {  	_ = 	snop  }
__scs_overlays_trampoline_lowered:
0x8: {  	[smem:$0x3F9F] =	sst s0  }
0x9: {  	[smem:$0x3FA0] =	sst s1  }
0xa: {  	[smem:$0x3FA1] =	sst s2  }
0xb: {  	[smem:$0x3FA2] =	sst s3  }
0xc: {  	[smem:$0x3FA3] =	sst s4  }
0xd: {  	[smem:$0x3FA4] =	sst s5  }
0xe: {  	[smem:$0x3FA5] =	sst s6  }
0xf: {  	[smem:$0x3FA6] =	sst s7  }
0x10: {  	[smem:$0x3FA7] =	sst s8  }
0x11: {  	[smem:$0x3FA8] =	sst s9;
	s0 =	simm.s32 @!p0 $0x0  }
0x12: {  	s1 =	sld [smem:$0x3F8E];
	s0 =	simm.s32 @p0 $0x1  }
0x13: {  	[smem:$0x3FA9] =	sst s0;
	s0 =	simm.s32 @!p1 $0x0  }
0x14: {  	s2 =	sld [smem:$0x3F8D];
	s0 =	simm.s32 @p1 $0x1  }
0x15: {  	[smem:$0x3FAA] =	sst s0;
	s0 =	simm.s32 @!p2 $0x0  }
0x16: {  	s3 =	sld [smem:$0x3FDB];
	s0 =	simm.s32 @p2 $0x1  }
0x17: {  	s4 =	simm.s32 $0x1BF5;
	[smem:$0x3FAC] =	sst s0  }
0x18: {  	s0 =	sld [smem:$0x3F8F];
	_ =	swait.ge [sflag:s4], $0x0  }
0x19: {  	s7 =	sld [smem:$0x3F90]  }
0x1a: {  	s8 =	sadd.s32 $0xFFFFE003, lr  }
0x1b: {  	s9 =	sadd.s32 $0xFFFFFEF7, lr;
	s5 =	simm.s32 $0xFFFFFFFF;
	p2 =	slt.u32 s8, $0xFFFFF086  }
0x1c: {  	p1 =	slt.u32 s9, $0xF7A;
	s5 =	simm.s32 @!p2 $0x0  }
0x1d: {  	s5 =	simm.s32 @p1 $0x1;
	p0 =	seq.s32 s7, s2  }
0x1e: {  	s7 =	smul.u32 @!p0 $0xF7A, s2;
	p2 =	seq.s32 @!p0 s5, $0x0  }
0x1f: {  	s9 =	smul.u32 $0xF7A, s1;
	s8 =	simm.s32 @!p0 $0x1BF5;
	p2 =	por !p2, p0  }
0x20: {  	[sflag:s8] =	ssyncset.s32 @!p0 $0xFFFFF086;
	s6 =	sadd.s32 @!p0 s3, s7;
	s7 =	simm.s32 @!p0 $0x108  }
0x21: {  	s3 =	sadd.s32 s3, s9;
	s6 =	sadd.s32 @!p0 $0x88, s6;
	s7 =	simm.s32 @p2 $0x1082  }
0x22: {  	[simem:s7], [sflag:s8] =	dma.local @!p0 [hbm:s6], $0xF7A  }
0x23: {  	s9 =	sor.u32 $0xD0000000, s2;
	s6 =	simm.s32 $0x108;
	_ =	swait.ge @!p0 [sflag:s8], $0x0  }
0x24: {  	s3 =	sadd.s32 $0x88, s3;
	s6 =	simm.s32 @!p1 $0x1082;
	[sflag:s4] =	ssyncset.s32 $0xFFFFF086  }
0x25: {  	[simem:s6], [sflag:s4] =	dma.local [hbm:s3], $0xF7A  }
0x26: {  	[smem:$0x3F90] =	sst s1;
	(tag) =	ssettag s2;
	_ =	strace s9  }
0x27: {  	s1 =	sld [smem:$0x3FA0]  }
0x28: {  	s2 =	sld [smem:$0x3FA1]  }
0x29: {  	s4 =	sld [smem:$0x3FA3]  }
0x2a: {  	p0 =	seq.s32 s5, $0x0;
	s5 =	sld [smem:$0x3FA4]  }
0x2b: {  	s6 =	sld [smem:$0x3FA5]  }
0x2c: {  	s7 =	sld [smem:$0x3FA6]  }
0x2d: {  	s3 =	simm.s32 $0x108;
	s8 =	sld [smem:$0x3FA7]  }
0x2e: {  	s3 =	simm.s32 @!p0 $0x1082;
	s9 =	sld [smem:$0x3FA8]  }
0x2f: {  	lr =	sadd.s32 s0, s3;
	s0 =	sld [smem:$0x3F9F]  }
0x30: {  	s3 =	sld [smem:$0x3FA2]  }
0x31: {  	[smem:$0x3FAB] =	sst s10  }
0x32: {  	s10 =	sld [smem:$0x3FA9];
	_ =	sdelay $0x3  }
0x33: {  	p0 =	seq.s32 s10, $0x1;
	s10 =	sld [smem:$0x3FAB];
	_ =	sdelay $0x3  }
0x34: {  	[smem:$0x3FAB] =	sst s10  }
0x35: {  	s10 =	sld [smem:$0x3FAA];
	_ =	sdelay $0x3  }
0x36: {  	p1 =	seq.s32 s10, $0x1;
	s10 =	sld [smem:$0x3FAB];
	_ =	sdelay $0x3  }
0x37: {  	[smem:$0x3FAB] =	sst s10  }
0x38: {  	s10 =	sld [smem:$0x3FAC]  }
0x39: {  	_ = 	snop;
	(pc) =	sbr.ind lr, $3  }
0x3a: {  	_ = 	snop  }
0x3b: {  	_ = 	snop  }
0x3c: {  	p2 =	seq.s32 s10, $0x1;
	s10 =	sld [smem:$0x3FAB]  }
0x3d: {  	_ =	shalt  }
0x3e: {  	_ =	shalt  }
0x3f: {  	_ =	shalt  }
0x40: {  	_ =	shalt  }
0x41: {  	_ =	shalt  }
0x42: {  	_ =	shalt  }
0x43: {  	_ =	shalt  }
0x44: {  	_ =	shalt  }
0x45: {  	_ =	shalt  }
0x46: {  	_ =	shalt  }
0x47: {  	_ =	shalt  }
0x48: {  	_ =	shalt  }
0x49: {  	_ =	shalt  }
0x4a: {  	_ =	shalt  }
0x4b: {  	_ =	shalt  }
0x4c: {  	_ =	shalt  }
0x4d: {  	_ =	shalt  }
0x4e: {  	_ =	shalt  }
0x4f: {  	_ =	shalt  }
0x50: {  	_ =	shalt  }
0x51: {  	_ =	shalt  }
0x52: {  	_ =	shalt  }
0x53: {  	_ =	shalt  }
0x54: {  	_ =	shalt  }
0x55: {  	_ =	shalt  }
0x56: {  	_ =	shalt  }
0x57: {  	_ =	shalt  }
0x58: {  	_ =	shalt  }
0x59: {  	_ =	shalt  }
0x5a: {  	_ =	shalt  }
0x5b: {  	_ =	shalt  }
0x5c: {  	_ =	shalt  }
0x5d: {  	_ =	shalt  }
0x5e: {  	_ =	shalt  }
0x5f: {  	_ =	shalt  }
0x60: {  	_ =	shalt  }
0x61: {  	_ =	shalt  }
0x62: {  	_ =	shalt  }
0x63: {  	_ =	shalt  }
0x64: {  	_ =	shalt  }
0x65: {  	_ =	shalt  }
0x66: {  	_ =	shalt  }
0x67: {  	_ =	shalt  }
0x68: {  	_ =	shalt  }
0x69: {  	_ =	shalt  }
0x6a: {  	_ =	shalt  }
0x6b: {  	_ =	shalt  }
0x6c: {  	_ =	shalt  }
0x6d: {  	_ =	shalt  }
0x6e: {  	_ =	shalt  }
0x6f: {  	_ =	shalt  }
0x70: {  	_ =	shalt  }
0x71: {  	_ =	shalt  }
0x72: {  	_ =	shalt  }
0x73: {  	_ =	shalt  }
0x74: {  	_ =	shalt  }
0x75: {  	_ =	shalt  }
0x76: {  	_ =	shalt  }
0x77: {  	_ =	shalt  }
0x78: {  	_ =	shalt  }
0x79: {  	_ =	shalt  }
0x7a: {  	_ =	shalt  }
0x7b: {  	_ =	shalt  }
0x7c: {  	_ =	shalt  }
0x7d: {  	_ =	shalt  }
0x7e: {  	_ =	shalt  }
0x7f: {  	_ =	shalt  }
0x80: {  	_ =	shalt  }
0x81: {  	_ =	shalt  }
0x82: {  	_ =	shalt  }
0x83: {  	_ =	shalt  }
0x84: {  	_ =	shalt  }
0x85: {  	_ =	shalt  }
0x86: {  	_ =	shalt  }
0x87: {  	_ =	shalt  }
.Lfunc_end0:
.L_simem_size_0:
called_computation.2_lowered:
.L_overlay_start_0:
0x88: {  	s2 =	sld [smem:$0x3FD9]  }
0x89: {  	s3 =	sld [smem:$0x3FFE];
	_ =	sdelay $0x1  }
0x8a: {  	s1 =	srdreg.scid  }
0x8b: {  	s0 =	sand.u32 $0x1, s1  }
0x8c: {  	s17 =	sshll.u32 s0, $0xA;
	s2 =	sadd.s32 s3, s2  }
0x8d: {  	s2 =	sadd.s32 s2, s17  }
0x8e: {  	[smem:$0x3FB7] =	sst s2  }
0x8f: {  	_ = 	snop  }
0x90: {  	s18 =	sld [smem:$0x3FC5];
	(tm) =	ssettm $0x1  }
0x91: {  	s19 =	sld [smem:$0x3FFB];
	_ =	sdelay $0x3  }
0x92: {  	_ =	strace s19  }
0x93: {  	s2 =	sld [smem:$0x3FFC];
	_ =	sdelay $0x3  }
0x94: {  	_ =	strace s2  }
0x95: {  	s2 =	sld [smem:$0x3FFD];
	_ =	sdelay $0x3  }
0x96: {  	_ =	strace s2  }
0x97: {  	_ =	strace $0x8FFFFFFF  }
0x98: {  	s20 =	sld [smem:$0x3FDB];
	_ =	sdelay $0x1  }
0x99: {  	s4 =	simm.s32 $_scs_section_size  }
0x9a: {  	s5 =	simm.s32 $_size__tile_overlayer_lowered;
	s6 =	simm.s32 $_tile_overlayer_lowered  }
0x9b: {  	s7 =	simm.s32 $0x1BFF;
	s21 =	sshll.u32 s6, $0x1;
	s4 =	sadd.s32 s4, s20  }
0x9c: {  	s22 =	simm.s32 $0x0;
	s5 =	sshll.u32 s5, $0x1;
	s6 =	sadd.s32 s21, s4  }
0x9d: {  	[timem:s22], [sflag:s7] =	dma.local [hbm:s6], s5  }
0x9e: {  	_ =	swait.ge [sflag:s7], s5  }
0x9f: {  	s5 =	ssub.s32 $0x0, s5;
	[sflag:s7] =	ssyncset.done $0x0  }
0xa0: {  	[sflag:s7] =	ssyncadd.s32 s5;
	_ =	sdelay $0x1  }
0xa1: {  	s23 =	simm.s32 $0x1B8B  }
0xa2: {  	_ =	swait.ge [sflag:s23], $0x1  }
0xa3: {  	[sflag:s23] =	ssyncset.done $0x0  }
0xa4: {  	[sflag:s23] =	ssyncadd.s32 $0xFFFFFFFF  }
0xa5: {  	s5 =	sld [smem:$0x0]  }
0xa6: {  	s6 =	sand.u32 $0xFFFFFFFE, s1  }
0xa7: {  	p0 =	sne.s32 s1, s6  }
0xa8: {  	s6 =	sshll.u32 @p0 s6, $0xE  }
0xa9: {  	s6 =	sadd.s32 @p0 $0x11B8D, s6;
	s7 =	sshll.u32 @p0 s5, $0x11  }
0xaa: {  	s6 =	sor.u32 @p0 s7, s6  }
0xab: {  	[sflag:s6] =	ssyncadd.remote.s32 @p0 $0x1;
	_ =	sdelay $0x1  }
0xac: {  	s6 =	simm.s32 @p0 $0x1B8D  }
0xad: {  	_ =	swait.eq @p0 [sflag:s6], $0x1  }
0xae: {  	[sflag:s6] =	ssyncadd.s32 @p0 $0xFFFFFFFF  }
0xaf: {  	s7 =	sshll.u32 @!p0 s1, $0xE  }
0xb0: {  	s7 =	sor.u32 @!p0 $0x4000, s7;
	s6 =	simm.s32 @!p0 $0x1B8D  }
0xb1: {  	s5 =	sshll.u32 @!p0 s5, $0x11;
	s7 =	sadd.s32 @!p0 $0x11B8D, s7;
	_ =	swait.eq @!p0 [sflag:s6], $0x1  }
0xb2: {  	s5 =	sor.u32 @!p0 s5, s7;
	[sflag:s6] =	ssyncadd.s32 @!p0 $0xFFFFFFFF  }
0xb3: {  	s25 =	simm.s32 $0x1B8E;
	s24 =	sld [smem:$0x3FFE];
	[sflag:s5] =	ssyncadd.remote.s32 @!p0 $0x1  }
0xb4: {  	s26 =	simm.s32 $execute0_lowered;
	[smem:$0x3FD2] =	sst s25  }
0xb5: {  	s6 =	sshll.u32 s26, $0x1;
	_ =	strace $0x8000004C;
	[dreg:$0x1] =	wrdreg $0xFFFFFFFF  }
0xb6: {  	s28 =	simm.s32 $_size_execute0_lowered;
	s4 =	sadd.s32 s4, s6;
	[dreg:$0x0] =	wrdreg $0x0  }
0xb7: {  	s6 =	sshll.u32 s28, $0x1;
	[dreg:$0x2] =	wrdreg s4  }
0xb8: {  	[dreg:$0x3] =	wrdreg s6  }
0xb9: {  	[dreg:$0x4] =	wrdreg $0xC0  }
0xba: {  	_ =	task [dreg:s22], $0x5FFFF  }
0xbb: {  	[dreg:$0x1] =	wrdreg $0xFFFFFFFF  }
0xbc: {  	[dreg:$0x0] =	wrdreg $0x60  }
0xbd: {  	[dreg:$0x2] =	wrdreg s24  }
0xbe: {  	[dreg:$0x3] =	wrdreg s18  }
0xbf: {  	[dreg:$0x4] =	wrdreg $0xA  }
0xc0: {  	_ =	task.clear_ibuf [dreg:s22], $0x5FFFF;
	_ =	strace $0x9000004C  }
0xc1: {  	s29 =	simm.s32 $0xA;
	_ =	strace $0x8000004E  }
0xc2: {  	_ =	swait.ge [sflag:s29], $0x1  }
0xc3: {  	[sflag:s29] =	ssyncadd.s32 $0xFFFFFFFF  }
0xc4: {  	_ =	strace $0x9000004E  }
0xc5: {  	_ =	sfence  }
0xc6: {  	s30 =	sld [smem:$0x0];
	_ =	sdelay $0x2  }
0xc7: {  	s31 =	sshll.u32 s1, $0xD;
	s1 =	sshrl.u32 s1, $0x2  }
0xc8: {  	s4 =	sand.u32 $0x4000, s31;
	s1 =	sadd.s32 s1, s30  }
0xc9: {  	s0 =	sor.u32 s4, s0;
	s1 =	sshll.u32 s1, $0x11  }
0xca: {  	s0 =	sor.u32 s1, s0  }
0xcb: {  	s0 =	sadd.s32 $0x8F2B, s0  }
0xcc: {  	[sflag:s0] =	ssyncadd.remote.s32 $0x1  }
0xcd: {  	_ =	sfence.sel $0xFFFF  }
0xce: {  	[dreg:$0x0] =	wrdreg $0xFFFFFFFF;
	(pc) =	sbr.abs _section_cstart, $3  }
0xcf: {  	[dreg:$0x1] =	wrdreg $0xFFFFFFFF  }
0xd0: {  	_ =	task.clear_ibuf [dreg:s22], $0x2FFFF;
	_ =	strace $0x9FFFFFFF  }
0xd1: {  	(tm) =	ssettm $0x7FFFFFFF  }
tec
execute0_lowered:
.L_overlay_start_1:
0x0: {  	(tag) =	ssettag $0x1  }
0x1: {  	s0 =	srdreg.scid;
	s1 =	rddreg [dreg:$0x0]  }
0x2: {  	s5 =	stileid.u32;
	s2 =	rddreg [dreg:$0x1];
	s12 =	simm.s32 $0x2  }
0x3: {  	s13 =	simm.s32 $0x1;
	s14 =	simm.s32 $0x8800;
	s15 =	simm.s32 $0x9000  }
0x4: {  	s16 =	simm.s32 $0x9080;
	s17 =	simm.s32 $0x8000;
	s18 =	simm.s32 $0x9100  }
0x5: {  	s22 =	simm.s32 $0xB100;
	s23 =	simm.s32 $0xB900;
	s24 =	simm.s32 $0xC100  }
0x6: {  	s25 =	simm.s32 $0xC900;
	s26 =	simm.s32 $0x0;
	s0 =	sand.u32 $0x1, s0  }
0x7: {  	s4 =	sshrl.u32 s5, $0x2;
	s5 =	sand.u32 $0x3, s5;
	s3 =	sshll.u32 s0, $0x2  }
0x8: {  	s8 =	sshll.u32 s5, $0x6;
	s0 =	ssub.s32 $0x2, s0;
	s6 =	sor.u32 s4, s3  }
0x9: {  	s3 =	simm.s32 $0x0;
	s4 =	sshll.u32 s5, $0xF;
	s9 =	sshrl.u32 s0, $0x1  }
0xa: {  	s7 =	sshll.u32 s6, $0x8;
	[smem:$0x7FF] =	sst s3;
	s31 =	sadd.s32 s4, s1  }
.Ltmp0:
0xb: {  	s6 =	sshll.u32 s6, $0x4;
	s0 =	ssub.s32 s0, s9;
	(pc) =	sbr.rel .LBB2_1-.Ltmp0, $4  }
0xc: {  	s30 =	sor.u32 s8, s7;
	_ =	strace $0x8000004D;
	s6 =	sadd.s32 s6, s31  }
0xd: {  	v0 =	vlaneseq.u32;
	v2 =	vimm.f32 $-3.000000010e+38;
	v3 =	vimm.s32 $0x0;
	s9 =	smax.u32 s0, $0x1;
	s8 =	sshrl.u32 s30, $0x3;
	s5 =	sshll.u32 s30, $0x5  }
0xe: {  	vm0 =	vmmov $0xffff;
	v1 =	vor.u32 $0x80000000, v0;
	v5 =	vshrl.u32 v0, $0x3;
	s8 =	sadd.s32 s8, s1;
	s1 =	sadd.s32 s5, s1;
	s5 =	sadd.s32 $0x3A200, s6  }
0xf: {  	v4 =	vand.u32 $0x7, v0;
	v6 =	vor.u32 $0x8, v0;
	v5 =	vmul.u32 $0x8, v5;
	s6 =	sadd.s32 $0x9800, s8;
	s7 =	sadd.s32 $0x5A200, s8;
	s8 =	sadd.s32 $0x5A400, s1  }
.LBB2_23:
0x10: {  	v7 =	vld [tilespmem:$0x9080];
	_ =	sdelay $0x4  }
0x11: {  	v8 =	vshll.u32 v7, $0x1  }
0x12: {  	v7 =	vand.u32 $0x7, v7;
	v8 =	vand.u32 $0xFFFFFFF0, v8  }
0x13: {  	v7 =	vor.u32 v7, v8  }
0x14: {  	v8 =	vperm.xlane v7, v4;
	_ =	sdelay $0x1  }
0x15: {  	v7 =	vperm.xlane v7, v6;
	v8 =	vadd.s32 v5, v8;
	_ =	sdelay $0x1  }
0x16: {  	v7 =	vadd.s32 v5, v7;
	_ =	sdelay $0x2  }
0x17: {  	[tilespmem:s18], [sflag:$0x1] =	stream.indirect_vreg.gather [hbm4b:s2+s3], $0x80, v8, vm0, $0xb8;
	[tilespmem:$0xD100] =	vst v63  }
0x18: {  	s0 =	simm.s32 $0x9900  }
0x19: {  	[tilespmem:s0], [sflag:$0x1] =	stream.indirect_vreg.gather [hbm4b:s2+s3], $0x80, v7, vm0, $0xb8;
	[tilespmem:$0xD100] =	vst v63  }
0x1a: {  	v7 =	vld [tilespmem:$0x9090];
	_ =	sdelay $0x4  }
0x1b: {  	v8 =	vshll.u32 v7, $0x1  }
0x1c: {  	v7 =	vand.u32 $0x7, v7;
	v8 =	vand.u32 $0xFFFFFFF0, v8  }
0x1d: {  	v7 =	vor.u32 v7, v8  }
0x1e: {  	v8 =	vperm.xlane v7, v4;
	_ =	sdelay $0x1  }
0x1f: {  	v7 =	vperm.xlane v7, v6;
	v8 =	vadd.s32 v5, v8;
	_ =	sdelay $0x1  }
0x20: {  	v7 =	vadd.s32 v5, v7;
	_ =	sdelay $0x1  }
0x21: {  	s30 =	simm.s32 $0xA100  }
0x22: {  	[tilespmem:s30], [sflag:$0x1] =	stream.indirect_vreg.gather [hbm4b:s2+s3], $0x80, v8, vm0, $0xb8;
	[tilespmem:$0xD100] =	vst v63  }
0x23: {  	s31 =	simm.s32 $0xA900  }
0x24: {  	[tilespmem:s31], [sflag:$0x1] =	stream.indirect_vreg.gather [hbm4b:s2+s3], $0x80, v7, vm0, $0xb8;
	[tilespmem:$0xD100] =	vst v63  }
0x25: {  	v7 =	vld [tilespmem:$0x90A0];
	_ =	sdelay $0x4  }
0x26: {  	v8 =	vshll.u32 v7, $0x1  }
0x27: {  	v7 =	vand.u32 $0x7, v7;
	v8 =	vand.u32 $0xFFFFFFF0, v8  }
0x28: {  	v7 =	vor.u32 v7, v8  }
0x29: {  	v8 =	vperm.xlane v7, v4;
	_ =	sdelay $0x1  }
0x2a: {  	v7 =	vperm.xlane v7, v6;
	v8 =	vadd.s32 v5, v8;
	_ =	sdelay $0x1  }
0x2b: {  	v7 =	vadd.s32 v5, v7;
	_ =	sdelay $0x2  }
0x2c: {  	[tilespmem:s22], [sflag:$0x1] =	stream.indirect_vreg.gather [hbm4b:s2+s3], $0x80, v8, vm0, $0xb8;
	[tilespmem:$0xD100] =	vst v63  }
0x2d: {  	_ = 	snop  }
0x2e: {  	[tilespmem:s23], [sflag:$0x1] =	stream.indirect_vreg.gather [hbm4b:s2+s3], $0x80, v7, vm0, $0xb8;
	[tilespmem:$0xD100] =	vst v63  }
0x2f: {  	v7 =	vld [tilespmem:$0x90B0];
	_ =	sdelay $0x4  }
0x30: {  	v8 =	vshll.u32 v7, $0x1  }
0x31: {  	v7 =	vand.u32 $0x7, v7;
	v8 =	vand.u32 $0xFFFFFFF0, v8  }
0x32: {  	v7 =	vor.u32 v7, v8  }
0x33: {  	v8 =	vperm.xlane v7, v4;
	_ =	sdelay $0x1  }
0x34: {  	v7 =	vperm.xlane v7, v6;
	v8 =	vadd.s32 v5, v8;
	_ =	sdelay $0x1  }
0x35: {  	v7 =	vadd.s32 v5, v7;
	_ =	sdelay $0x2  }
0x36: {  	[tilespmem:s24], [sflag:$0x1] =	stream.indirect_vreg.gather [hbm4b:s2+s3], $0x80, v8, vm0, $0xb8;
	[tilespmem:$0xD100] =	vst v63  }
0x37: {  	_ = 	snop  }
0x38: {  	[tilespmem:s25], [sflag:$0x1] =	stream.indirect_vreg.gather [hbm4b:s2+s3], $0x80, v7, vm0, $0xb8;
	[tilespmem:$0xD100] =	vst v63  }
0x39: {  	_ =	swait.ge [sflag:s13], $0x4000  }
0x3a: {  	[sflag:s13] =	ssyncset.done $0x0  }
0x3b: {  	[sflag:s13] =	ssyncadd.s32 $0xFFFFC000  }
0x3c: {  	[hbm4b:s6+s3] =	stream.linear.scatter [tilespmem:s15], [sflag:$0x2], $0x40, $0x38;
	[tilespmem:$0xD100] =	vst v63  }
0x3d: {  	_ =	swait.ge [sflag:s12], $0x40  }
0x3e: {  	[sflag:s12] =	ssyncset.done $0x0  }
0x3f: {  	[sflag:s12] =	ssyncadd.s32 $0xFFFFFFC0  }
0x40: {  	[hbm4b:s7+s3] =	stream.linear.scatter [tilespmem:s16], [sflag:$0x2], $0x40, $0x38;
	[tilespmem:$0xD100] =	vst v63  }
0x41: {  	s26 =	sadd.s32 $0x1, s26;
	_ =	swait.ge [sflag:s12], $0x40  }
0x42: {  	p0 =	sne.s32 s26, s9;
	[sflag:s12] =	ssyncset.done $0x0  }
.Ltmp1:
0x43: {  	[sflag:s12] =	ssyncadd.s32 $0xFFFFFFC0;
	(pc) =	sbr.rel @!p0 .LBB2_24-.Ltmp1, $4  }
0x44: {  	[hbm4b:s8+s3] =	stream.linear.scatter [tilespmem:s18], [sflag:$0x2], $0x4000, $0x38;
	[tilespmem:$0xD100] =	vst v63  }
0x45: {  	_ =	swait.ge [sflag:s12], $0x4000  }
0x46: {  	[sflag:s12] =	ssyncset.done $0x0  }
0x47: {  	[sflag:s12] =	ssyncadd.s32 $0xFFFFC000  }
.LBB2_1:
0x48: {  	s0 =	simm.s32 $0x80;
	s1 =	simm.s32 $0x400  }
0x49: {  	[tilespmem:s3], [sflag:$0x2] =	stream.strided.gather [hbm4b:s5+s0], $0x8000, s1, s0, $0x38;
	[tilespmem:$0xD100] =	vst v63  }
0x4a: {  	_ =	swait.ge [sflag:s12], $0x8000  }
0x4b: {  	[sflag:s12] =	ssyncset.done $0x0  }
0x4c: {  	s0 =	simm.s32 $0x0;
	[sflag:s12] =	ssyncadd.s32 $0xFFFF8000  }
0x4d: {  	v16 =	vld [tilespmem:s0+$0x40]  }
0x4e: {  	v8 =	vld [tilespmem:s0+$0x50]  }
0x4f: {  	v7 =	vld [tilespmem:s0+$0x60]  }
0x50: {  	v11 =	vld [tilespmem:s0+$0x0]  }
0x51: {  	v10 =	vimm.f32 $-3.000000010e+38;
	v9 =	vld [tilespmem:s0+$0x10]  }
0x52: {  	v12 =	vimm.f32 $-3.000000010e+38;
	v13 =	vimm.f32 $-3.000000010e+38;
	v15 =	vimm.f32 $-3.000000010e+38;
	s1 =	simm.s32 $0x200;
	v14 =	vld [tilespmem:s0+$0x20]  }
.LBB2_2:
0x53: {  	p0 =	sne.s32 s1, $0x1FE00;
	v17 =	vld [tilespmem:s0+$0x30];
	v18 =	vmov v8  }
0x54: {  	v19 =	vld [tilespmem:s0+$0x70];
	s0 =	sshra.s32 s1, $0x2;
	v20 =	vmov v7  }
0x55: {  	v21 =	vld [tilespmem:s0+$0x40]  }
.Ltmp2:
0x56: {  	v10 =	vmax.f32 v10, v11;
	v8 =	vld [tilespmem:s0+$0x50];
	(pc) =	sbr.rel @p0 .LBB2_2-.Ltmp2, $4  }
0x57: {  	v10 =	vmax.f32 v10, v16;
	v7 =	vld [tilespmem:s0+$0x60]  }
0x58: {  	v12 =	vmax.f32 v12, v9;
	v13 =	vmax.f32 v13, v14;
	v11 =	vld [tilespmem:s0+$0x0];
	v14 =	vmax.f32 v15, v17  }
0x59: {  	v12 =	vmax.f32 v12, v18;
	v13 =	vmax.f32 v13, v20;
	v9 =	vld [tilespmem:s0+$0x10];
	v15 =	vmax.f32 v14, v19  }
0x5a: {  	s1 =	sadd.s32 $0x200, s1;
	v14 =	vld [tilespmem:s0+$0x20];
	v16 =	vmov v21  }
0x5b: {  	v17 =	vld [tilespmem:s0+$0x30]  }
0x5c: {  	v18 =	vld [tilespmem:s0+$0x70];
	_ =	sdelay $0x1  }
0x5d: {  	v10 =	vmax.f32 v10, v11  }
0x5e: {  	v10 =	vmax.f32 v10, v16  }
0x5f: {  	v9 =	vmax.f32 v12, v9;
	v11 =	vmax.f32 v13, v14;
	v63 =	vmax.f32 v15, v17  }
0x60: {  	v8 =	vmax.f32 v9, v8;
	v7 =	vmax.f32 v11, v7;
	v9 =	vmax.f32 v63, v18  }
0x61: {  	v8 =	vmin.f32 v10, v8;
	v7 =	vmin.f32 v7, v9  }
0x62: {  	v7 =	vmin.f32 v8, v7  }
0x63: {  	(xrf0) =	vmin.scan.msk.f32 $0xffff, v7;
	_ =	sdelay $0x5  }
0x64: {  	v7, _, _ =	vpop (xrf0)  }
0x65: {  	v7 =	vadd.f32 $0.0e+00, v7;
	_ =	sdelay $0x1  }
0x66: {  	s28 =	simm.s32 $0x0;
	s29 =	simm.s32 $0x20;
	s30 =	smov.u32 s4;
	v8 =	vbroadcast v7, $0xF;
	v7 =	vimm.s32 $0x0  }
.LBB2_5:
0x67: {  	v9 =	vxor.u32 $0x80000000, v7  }
0x68: {  	(xrf0) =	vmax.scan.msk.u32 $0xffff, v9;
	_ =	sdelay $0x5  }
0x69: {  	v9, _, _ =	vpop (xrf0)  }
0x6a: {  	(v2sf) =	vpush v9, $0xF;
	_ =	sdelay $0xe  }
0x6b: {  	s31 =	spop (v2sf)  }
0x6c: {  	p0 =	slt.u32 s31, $0x80000041  }
.Ltmp3:
0x6d: {  	_ = 	snop;
	(pc) =	sbr.rel @p0 .LBB2_14-.Ltmp3, $1  }
0x6e: {  	_ =	sdelay $0x3  }
0x6f: {  	s0 =	sadd.s32 $0x80000001, s31;
	p0 =	sne.s32 s31, $0xFFFFFFFF;
	s1 =	simm.s32 $0x1  }
0x70: {  	s1 =	simm.s32 @!p0 $0x0;
	s10 =	sshra.s32 s0, $0x1F  }
0x71: {  	s20 =	sand.u32 $0x1, s0;
	s1 =	sadd.s32 s1, s10  }
0x72: {  	p1 =	seq.s32 s20, $0x1;
	p6 =	sne.s32 s1, $0x1  }
.Ltmp4:
0x73: {  	s21 =	sshrl.u32 s0, $0x1F;
	p0 =	por !p6, !p1;
	(pc) =	sbr.rel .LBB2_7-.Ltmp4, $4  }
0x74: {  	s0 =	sadd.s32 s21, s0;
	s1 =	simm.s32 $0x1;
	p0 =	por !p0, !p0  }
0x75: {  	s0 =	sshra.s32 s0, $0x1;
	s1 =	simm.s32 @!p0 $0x0  }
0x76: {  	s1 =	ssub.s32 s0, s1  }
0x77: {  	s0 =	simm.s32 $0x0;
	p0 =	slt.s32 s1, $0x1  }
.LBB2_8:
0x78: {  	v10 =	vmov v1  }
.LBB2_12:
0x79: {  	(xrf0) =	vmax.scan.msk.f32 $0xffff, v8;
	_ =	sdelay $0x5  }
0x7a: {  	v9, _, _ =	vpop (xrf0)  }
0x7b: {  	v11 =	vbroadcast v9, $0xF;
	_ =	sdelay $0x1  }
0x7c: {  	vm1 =	veq.f32 v8, v11  }
0x7d: {  	v8 =	vnsel vm1, $0xC0000000, v10  }
0x7e: {  	(xrf0) =	vmin.scan.msk.u32 $0xffff, v8;
	_ =	sdelay $0x5  }
0x7f: {  	v8, _, _ =	vpop (xrf0)  }
0x80: {  	(v2sf) =	vpush v8, $0xF;
	_ =	sdelay $0xe  }
0x81: {  	s10 =	spop (v2sf)  }
0x82: {  	s10 =	sxor.u32 $0x80000000, s10  }
0x83: {  	v8 =	vmov s10;
	_ =	sdelay $0x3  }
0x84: {  	v10 =	vmov s0  }
0x85: {  	s0 =	sadd.s32 $0x1, s0;
	v12 =	vld.idx.msk [tilespmem:v8+s14+$0x0], $0xffff  }
0x86: {  	p1 =	sne.s32 s0, $0x40  }
.Ltmp5:
0x87: {  	v11 =	vadd.f32 $0.0e+00, v11;
	(pc) =	sbr.rel @!p1 .LBB2_13-.Ltmp5, $4  }
0x88: {  	_ = 	snop  }
0x89: {  	[tilespmem:v10+s15+$0x0] =	vst.idx.msk $0x1, v11  }
0x8a: {  	[tilespmem:v10+s16+$0x0] =	vst.idx.msk $0x1, v12  }
0x8b: {  	[tilespmem:v8+s17+$0x0] =	vst.idx.msk $0x1, v2  }
.LBB2_7:
.Ltmp6:
0x8c: {  	(pc) =	sbr.rel @p0 .LBB2_8-.Ltmp6, $2  }
0x8d: {  	_ =	sdelay $0x2  }
0x8e: {  	v8 =	vimm.f32 $-3.000000010e+38  }
0x8f: {  	s20 =	simm.s32 $0x8010  }
0x90: {  	s11 =	simm.s32 $0x0;
	p1 =	sne.s32 s1, $0x1;
	v11 =	vld [tilespmem:s20+$0xFFFFFFF0]  }
.Ltmp7:
0x91: {  	v9 =	vmov s11;
	(pc) =	sbr.rel @!p1 .LBB2_11-.Ltmp7, $3  }
0x92: {  	vm1 =	vlt.s32 v9, v7;
	v9 =	vld [tilespmem:s20+$0x0];
	_ =	sdelay $0x1  }
0x93: {  	s10 =	simm.s32 $0x1  }
0x94: {  	v10 =	vimm.s32 $0x0;
	s19 =	sadd.s32 $0xFFFFFFFF, s1;
	s21 =	simm.s32 $0x1;
	v12 =	vmov s10;
	s20 =	simm.s32 $0x8030;
	v11 =	vnsel vm1, $0xFF61B1E6, v11  }
.LBB2_10:
0x95: {  	v13 =	vld [tilespmem:s20+$0xFFFFFFF0];
	p1 =	sne.s32 s19, $0x1;
	s19 =	sadd.s32 $0xFFFFFFFF, s19;
	vm1 =	vgt.f32 v11, v8;
	vm2 =	vlt.s32 v12, v7  }
.Ltmp8:
0x96: {  	s21 =	sadd.s32 $0x2, s21;
	v8 =	vsel vm1, v11, v8;
	v10 =	vsel vm1, s11, v10;
	v11 =	vnsel vm2, $0xFF61B1E6, v9;
	(pc) =	sbr.rel @p1 .LBB2_10-.Ltmp8, $4  }
0x97: {  	s11 =	sadd.s32 $0xFFFFFFFF, s21;
	v9 =	vld [tilespmem:s20+$0x0];
	vm1 =	vgt.f32 v11, v8  }
0x98: {  	v12 =	vmov s11;
	v8 =	vsel vm1, v11, v8;
	v10 =	vsel vm1, s10, v10;
	s10 =	smov.u32 s21  }
0x99: {  	vm1 =	vlt.s32 v12, v7  }
0x9a: {  	s20 =	sadd.s32 $0x20, s20;
	v12 =	vmov s21;
	v11 =	vnsel vm1, $0xFF61B1E6, v13  }
.LBB2_11:
0x9b: {  	vm1 =	vgt.f32 v11, v8;
	vm2 =	vlt.s32 v12, v7  }
.Ltmp9:
0x9c: {  	v8 =	vsel vm1, v11, v8;
	v9 =	vnsel vm2, $0xFF61B1E6, v9;
	(pc) =	sbr.rel .LBB2_12-.Ltmp9, $4  }
0x9d: {  	v10 =	vsel vm1, s11, v10;
	vm1 =	vgt.f32 v9, v8  }
0x9e: {  	v10 =	vsel vm1, s10, v10  }
0x9f: {  	v10 =	vshll.u32 v10, $0x4  }
0xa0: {  	v8 =	vsel vm1, v9, v8;
	v10 =	vxor.u32 v1, v10  }
.LBB2_13:
0xa1: {  	v8 =	vld [tilespmem:$0x9000]  }
0xa2: {  	v10 =	vld [tilespmem:$0x9080]  }
0xa3: {  	v11 =	vld [tilespmem:$0x9010]  }
0xa4: {  	v12 =	vld [tilespmem:$0x9090]  }
0xa5: {  	v13 =	vld [tilespmem:$0x9020]  }
0xa6: {  	[tilespmem:$0x8000] =	vst v8;
	v8 =	vld [tilespmem:$0x90A0]  }
0xa7: {  	[tilespmem:$0x8800] =	vst v10;
	v10 =	vld [tilespmem:$0x9030]  }
0xa8: {  	[tilespmem:$0x8010] =	vst v11;
	v11 =	vld [tilespmem:$0x90B0]  }
0xa9: {  	[tilespmem:$0x8810] =	vst v12  }
0xaa: {  	[tilespmem:$0x8020] =	vst v13  }
0xab: {  	[tilespmem:$0x8820] =	vst v8;
	v8 =	vadd.f32 $0.0e+00, v9  }
0xac: {  	[tilespmem:$0x8030] =	vst v10  }
0xad: {  	[tilespmem:$0x8830] =	vst v11;
	v8 =	vbroadcast v8, $0xF  }
.LBB2_14:
0xae: {  	p0 =	sgt.u32 s31, $0x80000040  }
0xaf: {  	s0 =	simm.s32 $0x0;
	s1 =	smov.u32 s29;
	v7 =	vpsel p0, $0x4, v7  }
.LBB2_15:
0xb0: {  	v9 =	vld [tilespmem:s1+$0xFFFFFFE0];
	_ =	sdelay $0x4  }
0xb1: {  	v10 =	vshll.u32 v7, $0x4;
	vm1 =	vge.f32 v9, v8  }
0xb2: {  	v10 =	vor.u32 v0, v10;
	_ =	sdelay $0x2  }
0xb3: {  	s10 =	sadd.s32 s0, s30  }
0xb4: {  	s11 =	sadd.s32 $0x20000, s10  }
0xb5: {  	[tilespmem:v10+s17+$0x0] =	vst.idx.msk vm1, v9;
	v9 =	vor.u32 s11, v0  }
0xb6: {  	[tilespmem:v10+s14+$0x0] =	vst.idx.msk vm1, v9  }
0xb7: {  	v9 =	vld [tilespmem:s1+$0xFFFFFFF0];
	_ =	sdelay $0x2  }
0xb8: {  	v10 =	vsel vm1, $0x1, v3  }
0xb9: {  	v7 =	vadd.s32 v10, v7  }
0xba: {  	v10 =	vshll.u32 v7, $0x4;
	vm1 =	vge.f32 v9, v8  }
0xbb: {  	v10 =	vor.u32 v0, v10;
	_ =	sdelay $0x3  }
0xbc: {  	s21 =	sadd.s32 $0x20010, s10  }
0xbd: {  	[tilespmem:v10+s17+$0x0] =	vst.idx.msk vm1, v9;
	v9 =	vor.u32 s21, v0  }
0xbe: {  	[tilespmem:v10+s14+$0x0] =	vst.idx.msk vm1, v9  }
0xbf: {  	v9 =	vld [tilespmem:s1+$0x0];
	_ =	sdelay $0x2  }
0xc0: {  	v10 =	vsel vm1, $0x1, v3  }
0xc1: {  	v7 =	vadd.s32 v10, v7  }
0xc2: {  	v10 =	vshll.u32 v7, $0x4;
	vm1 =	vge.f32 v9, v8  }
0xc3: {  	v10 =	vor.u32 v0, v10;
	_ =	sdelay $0x3  }
0xc4: {  	s31 =	sadd.s32 $0x20020, s10  }
0xc5: {  	[tilespmem:v10+s17+$0x0] =	vst.idx.msk vm1, v9;
	v9 =	vor.u32 s31, v0  }
0xc6: {  	[tilespmem:v10+s14+$0x0] =	vst.idx.msk vm1, v9  }
0xc7: {  	v9 =	vld [tilespmem:s1+$0x10];
	_ =	sdelay $0x2  }
0xc8: {  	v10 =	vsel vm1, $0x1, v3  }
0xc9: {  	v7 =	vadd.s32 v10, v7  }
0xca: {  	v10 =	vshll.u32 v7, $0x4;
	vm1 =	vge.f32 v9, v8  }
0xcb: {  	v10 =	vor.u32 v0, v10  }
0xcc: {  	p0 =	seq.s32 s0, $0x3C0  }
.Ltmp10:
0xcd: {  	_ = 	snop;
	(pc) =	sbr.rel @!p0 .LBB2_15-.Ltmp10, $4  }
0xce: {  	_ = 	snop  }
0xcf: {  	s10 =	sadd.s32 $0x20030, s10  }
0xd0: {  	v11 =	vsel vm1, $0x1, v3;
	[tilespmem:v10+s17+$0x0] =	vst.idx.msk vm1, v9;
	v9 =	vor.u32 s10, v0  }
0xd1: {  	s0 =	sadd.s32 $0x40, s0;
	s1 =	sadd.s32 $0x40, s1;
	v7 =	vadd.s32 v11, v7;
	[tilespmem:v10+s14+$0x0] =	vst.idx.msk vm1, v9  }
0xd2: {  	s28 =	sadd.s32 $0x1, s28  }
0xd3: {  	p0 =	seq.s32 s28, $0x20  }
.Ltmp11:
0xd4: {  	_ = 	snop;
	(pc) =	sbr.rel @!p0 .LBB2_5-.Ltmp11, $2  }
0xd5: {  	_ =	sdelay $0x2  }
0xd6: {  	s30 =	sadd.s32 $0x400, s30;
	s29 =	sadd.s32 $0x400, s29  }
0xd7: {  	v8 =	vxor.u32 $0x80000000, v7  }
0xd8: {  	(xrf0) =	vmax.scan.msk.u32 $0xffff, v8;
	_ =	sdelay $0x5  }
0xd9: {  	v8, _, _ =	vpop (xrf0)  }
0xda: {  	(v2sf) =	vpush v8, $0xF;
	_ =	sdelay $0xe  }
0xdb: {  	s0 =	spop (v2sf)  }
0xdc: {  	s1 =	sadd.s32 $0x80000001, s0;
	p0 =	slt.s32 s0, $0xFFFFFFFF;
	s0 =	simm.s32 $0x1  }
0xdd: {  	s0 =	simm.s32 @!p0 $0x0;
	s10 =	sshra.s32 s1, $0x1F  }
0xde: {  	s30 =	sand.u32 $0x1, s1;
	s0 =	sadd.s32 s0, s10  }
0xdf: {  	p1 =	seq.s32 s30, $0x1;
	p6 =	sne.s32 s0, $0x1  }
.Ltmp12:
0xe0: {  	s31 =	sshrl.u32 s1, $0x1F;
	p0 =	por !p6, !p1;
	(pc) =	sbr.rel .LBB2_17-.Ltmp12, $4  }
0xe1: {  	s0 =	sadd.s32 s31, s1;
	s1 =	simm.s32 $0x1;
	p0 =	por !p0, !p0  }
0xe2: {  	s0 =	sshra.s32 s0, $0x1;
	s1 =	simm.s32 @!p0 $0x0  }
0xe3: {  	s1 =	ssub.s32 s0, s1  }
0xe4: {  	s0 =	simm.s32 $0x0;
	p0 =	slt.s32 s1, $0x1  }
.LBB2_18:
0xe5: {  	v9 =	vmov v1  }
.LBB2_22:
0xe6: {  	(xrf0) =	vmax.scan.msk.f32 $0xffff, v8;
	_ =	sdelay $0x5  }
0xe7: {  	v10, _, _ =	vpop (xrf0)  }
0xe8: {  	v10 =	vbroadcast v10, $0xF;
	_ =	sdelay $0x1  }
0xe9: {  	vm1 =	veq.f32 v8, v10  }
0xea: {  	v8 =	vnsel vm1, $0xC0000000, v9  }
0xeb: {  	(xrf0) =	vmin.scan.msk.u32 $0xffff, v8;
	_ =	sdelay $0x5  }
0xec: {  	v8, _, _ =	vpop (xrf0)  }
0xed: {  	(v2sf) =	vpush v8, $0xF;
	_ =	sdelay $0xe  }
0xee: {  	s10 =	spop (v2sf)  }
0xef: {  	s10 =	sxor.u32 $0x80000000, s10  }
0xf0: {  	v8 =	vmov s10;
	_ =	sdelay $0x3  }
0xf1: {  	v63 =	vmov s0  }
0xf2: {  	s0 =	sadd.s32 $0x1, s0;
	v11 =	vld.idx.msk [tilespmem:v8+s14+$0x0], $0xffff  }
0xf3: {  	p1 =	sne.s32 s0, $0x40  }
.Ltmp13:
0xf4: {  	v10 =	vadd.f32 $0.0e+00, v10;
	(pc) =	sbr.rel @!p1 .LBB2_23-.Ltmp13, $4  }
0xf5: {  	_ = 	snop  }
0xf6: {  	[tilespmem:v63+s15+$0x0] =	vst.idx.msk $0x1, v10  }
0xf7: {  	[tilespmem:v63+s16+$0x0] =	vst.idx.msk $0x1, v11  }
0xf8: {  	[tilespmem:v8+s17+$0x0] =	vst.idx.msk $0x1, v2  }
.LBB2_17:
.Ltmp14:
0xf9: {  	(pc) =	sbr.rel @p0 .LBB2_18-.Ltmp14, $2  }
0xfa: {  	_ =	sdelay $0x2  }
0xfb: {  	v8 =	vimm.f32 $-3.000000010e+38  }
0xfc: {  	s20 =	simm.s32 $0x8010  }
0xfd: {  	s11 =	simm.s32 $0x0;
	p1 =	sne.s32 s1, $0x1;
	v11 =	vld [tilespmem:s20+$0xFFFFFFF0]  }
.Ltmp15:
0xfe: {  	v9 =	vmov s11;
	(pc) =	sbr.rel @!p1 .LBB2_21-.Ltmp15, $3  }
0xff: {  	vm1 =	vlt.s32 v9, v7;
	v9 =	vld [tilespmem:s20+$0x0];
	_ =	sdelay $0x1  }
0x100: {  	s10 =	simm.s32 $0x1  }
0x101: {  	v10 =	vimm.s32 $0x0;
	s19 =	sadd.s32 $0xFFFFFFFF, s1;
	s21 =	simm.s32 $0x1;
	v12 =	vmov s10;
	s20 =	simm.s32 $0x8030;
	v11 =	vnsel vm1, $0xFF61B1E6, v11  }
.LBB2_20:
0x102: {  	v13 =	vld [tilespmem:s20+$0xFFFFFFF0];
	p1 =	sne.s32 s19, $0x1;
	s19 =	sadd.s32 $0xFFFFFFFF, s19;
	vm1 =	vgt.f32 v11, v8;
	vm2 =	vlt.s32 v12, v7  }
.Ltmp16:
0x103: {  	s21 =	sadd.s32 $0x2, s21;
	v8 =	vsel vm1, v11, v8;
	v10 =	vsel vm1, s11, v10;
	v11 =	vnsel vm2, $0xFF61B1E6, v9;
	(pc) =	sbr.rel @p1 .LBB2_20-.Ltmp16, $4  }
0x104: {  	s11 =	sadd.s32 $0xFFFFFFFF, s21;
	v9 =	vld [tilespmem:s20+$0x0];
	vm1 =	vgt.f32 v11, v8  }
0x105: {  	v12 =	vmov s11;
	v8 =	vsel vm1, v11, v8;
	v10 =	vsel vm1, s10, v10;
	s10 =	smov.u32 s21  }
0x106: {  	vm1 =	vlt.s32 v12, v7  }
0x107: {  	s20 =	sadd.s32 $0x20, s20;
	v12 =	vmov s21;
	v11 =	vnsel vm1, $0xFF61B1E6, v13  }
.LBB2_21:
0x108: {  	vm1 =	vgt.f32 v11, v8;
	vm2 =	vlt.s32 v12, v7  }
.Ltmp17:
0x109: {  	v8 =	vsel vm1, v11, v8;
	v9 =	vnsel vm2, $0xFF61B1E6, v9;
	(pc) =	sbr.rel .LBB2_22-.Ltmp17, $4  }
0x10a: {  	v10 =	vsel vm1, s11, v10;
	vm1 =	vgt.f32 v9, v8  }
0x10b: {  	v10 =	vsel vm1, s10, v10  }
0x10c: {  	v10 =	vshll.u32 v10, $0x4  }
0x10d: {  	v8 =	vsel vm1, v9, v8;
	v9 =	vxor.u32 v1, v10  }
.LBB2_24:
0x10e: {  	_ =	sfence.sel $0x180000  }
0x10f: {  	[bflag:$0x0] =	sbarrier.arrive $0xFFFF  }
0x110: {  	_ =	strace $0x9000004D  }
0x111: {  	s0 =	stileid.u32;
	[bflag:$0x2] =	sbarrier.arrive $0xFFFF  }
0x112: {  	p0 =	sne.s32 s0, $0x0;
	s0 =	rddreg [dreg:$0x2]  }
0x113: {  	s0 =	sadd.s32 @!p0 $0x100000, s0  }
0x114: {  	[sflag:s0] =	ssyncadd.tile.s32 @!p0 $0x1;
	_ =	shalt  }
.Lfunc_end2:
_tile_overlayer_lowered:
.L_overlay_start_2:
0x115: {  	(tag) =	ssettag $0x2  }
0x116: {  	s0 =	rddreg [dreg:$0x0];
	s2 =	stileid.u32  }
0x117: {  	s1 =	rddreg [dreg:$0x1];
	p0 =	sne.s32 s2, $0x0  }
0x118: {  	s3 =	rddreg [dreg:$0x2];
	[bflag:$0x3] =	sbarrier.arrive $0xFFFF;
	s2 =	simm.s32 @!p0 $0x1C02  }
0x119: {  	[timem:s3], [sflag:s2] =	dma.local @!p0 [hbm:s0], s1  }
0x11a: {  	s0 =	simm.s32 @!p0 $0x2  }
0x11b: {  	_ =	swait.ge @!p0 [sflag:s0], s1  }
0x11c: {  	s1 =	ssub.s32 @!p0 $0x0, s1;
	[sflag:s0] =	ssyncset.done @!p0 $0x0  }
0x11d: {  	[sflag:s0] =	ssyncadd.s32 @!p0 s1  }
0x11e: {  	[bflag:$0x3] =	sbarrier.arrive $0xFFFF  }
0x11f: {  	_ =	shalt  }

// kernel: kernel.24.cloned.1.call-start
scs
__scs_entry_jumppad:
0x0: {  	(pc) =	sbr.rel $0x88, $3  }
0x1: {  	(tag) =	ssettag $0x0;
	lr =	simm.s32 $0x1  }
0x2: {  	[smem:$0x3F90] =	sst lr;
	_ =	strace $0xD0000000  }
0x3: {  	_ = 	snop  }
0x4: {  	_ = 	snop  }
0x5: {  	_ = 	snop  }
0x6: {  	_ = 	snop  }
0x7: {  	_ = 	snop  }
__scs_overlays_trampoline_lowered:
0x8: {  	[smem:$0x3F9F] =	sst s0  }
0x9: {  	[smem:$0x3FA0] =	sst s1  }
0xa: {  	[smem:$0x3FA1] =	sst s2  }
0xb: {  	[smem:$0x3FA2] =	sst s3  }
0xc: {  	[smem:$0x3FA3] =	sst s4  }
0xd: {  	[smem:$0x3FA4] =	sst s5  }
0xe: {  	[smem:$0x3FA5] =	sst s6  }
0xf: {  	[smem:$0x3FA6] =	sst s7  }
0x10: {  	[smem:$0x3FA7] =	sst s8  }
0x11: {  	[smem:$0x3FA8] =	sst s9;
	s0 =	simm.s32 @!p0 $0x0  }
0x12: {  	s1 =	sld [smem:$0x3F8E];
	s0 =	simm.s32 @p0 $0x1  }
0x13: {  	[smem:$0x3FA9] =	sst s0;
	s0 =	simm.s32 @!p1 $0x0  }
0x14: {  	s2 =	sld [smem:$0x3F8D];
	s0 =	simm.s32 @p1 $0x1  }
0x15: {  	[smem:$0x3FAA] =	sst s0;
	s0 =	simm.s32 @!p2 $0x0  }
0x16: {  	s3 =	sld [smem:$0x3FDB];
	s0 =	simm.s32 @p2 $0x1  }
0x17: {  	s4 =	simm.s32 $0x1BF5;
	[smem:$0x3FAC] =	sst s0  }
0x18: {  	s0 =	sld [smem:$0x3F8F];
	_ =	swait.ge [sflag:s4], $0x0  }
0x19: {  	s7 =	sld [smem:$0x3F90]  }
0x1a: {  	s8 =	sadd.s32 $0xFFFFE003, lr  }
0x1b: {  	s9 =	sadd.s32 $0xFFFFFEF7, lr;
	s5 =	simm.s32 $0xFFFFFFFF;
	p2 =	slt.u32 s8, $0xFFFFF086  }
0x1c: {  	p1 =	slt.u32 s9, $0xF7A;
	s5 =	simm.s32 @!p2 $0x0  }
0x1d: {  	s5 =	simm.s32 @p1 $0x1;
	p0 =	seq.s32 s7, s2  }
0x1e: {  	s7 =	smul.u32 @!p0 $0xF7A, s2;
	p2 =	seq.s32 @!p0 s5, $0x0  }
0x1f: {  	s9 =	smul.u32 $0xF7A, s1;
	s8 =	simm.s32 @!p0 $0x1BF5;
	p2 =	por !p2, p0  }
0x20: {  	[sflag:s8] =	ssyncset.s32 @!p0 $0xFFFFF086;
	s6 =	sadd.s32 @!p0 s3, s7;
	s7 =	simm.s32 @!p0 $0x108  }
0x21: {  	s3 =	sadd.s32 s3, s9;
	s6 =	sadd.s32 @!p0 $0x88, s6;
	s7 =	simm.s32 @p2 $0x1082  }
0x22: {  	[simem:s7], [sflag:s8] =	dma.local @!p0 [hbm:s6], $0xF7A  }
0x23: {  	s9 =	sor.u32 $0xD0000000, s2;
	s6 =	simm.s32 $0x108;
	_ =	swait.ge @!p0 [sflag:s8], $0x0  }
0x24: {  	s3 =	sadd.s32 $0x88, s3;
	s6 =	simm.s32 @!p1 $0x1082;
	[sflag:s4] =	ssyncset.s32 $0xFFFFF086  }
0x25: {  	[simem:s6], [sflag:s4] =	dma.local [hbm:s3], $0xF7A  }
0x26: {  	[smem:$0x3F90] =	sst s1;
	(tag) =	ssettag s2;
	_ =	strace s9  }
0x27: {  	s1 =	sld [smem:$0x3FA0]  }
0x28: {  	s2 =	sld [smem:$0x3FA1]  }
0x29: {  	s4 =	sld [smem:$0x3FA3]  }
0x2a: {  	p0 =	seq.s32 s5, $0x0;
	s5 =	sld [smem:$0x3FA4]  }
0x2b: {  	s6 =	sld [smem:$0x3FA5]  }
0x2c: {  	s7 =	sld [smem:$0x3FA6]  }
0x2d: {  	s3 =	simm.s32 $0x108;
	s8 =	sld [smem:$0x3FA7]  }
0x2e: {  	s3 =	simm.s32 @!p0 $0x1082;
	s9 =	sld [smem:$0x3FA8]  }
0x2f: {  	lr =	sadd.s32 s0, s3;
	s0 =	sld [smem:$0x3F9F]  }
0x30: {  	s3 =	sld [smem:$0x3FA2]  }
0x31: {  	[smem:$0x3FAB] =	sst s10  }
0x32: {  	s10 =	sld [smem:$0x3FA9];
	_ =	sdelay $0x3  }
0x33: {  	p0 =	seq.s32 s10, $0x1;
	s10 =	sld [smem:$0x3FAB];
	_ =	sdelay $0x3  }
0x34: {  	[smem:$0x3FAB] =	sst s10  }
0x35: {  	s10 =	sld [smem:$0x3FAA];
	_ =	sdelay $0x3  }
0x36: {  	p1 =	seq.s32 s10, $0x1;
	s10 =	sld [smem:$0x3FAB];
	_ =	sdelay $0x3  }
0x37: {  	[smem:$0x3FAB] =	sst s10  }
0x38: {  	s10 =	sld [smem:$0x3FAC]  }
0x39: {  	_ = 	snop;
	(pc) =	sbr.ind lr, $3  }
0x3a: {  	_ = 	snop  }
0x3b: {  	_ = 	snop  }
0x3c: {  	p2 =	seq.s32 s10, $0x1;
	s10 =	sld [smem:$0x3FAB]  }
0x3d: {  	_ =	shalt  }
0x3e: {  	_ =	shalt  }
0x3f: {  	_ =	shalt  }
0x40: {  	_ =	shalt  }
0x41: {  	_ =	shalt  }
0x42: {  	_ =	shalt  }
0x43: {  	_ =	shalt  }
0x44: {  	_ =	shalt  }
0x45: {  	_ =	shalt  }
0x46: {  	_ =	shalt  }
0x47: {  	_ =	shalt  }
0x48: {  	_ =	shalt  }
0x49: {  	_ =	shalt  }
0x4a: {  	_ =	shalt  }
0x4b: {  	_ =	shalt  }
0x4c: {  	_ =	shalt  }
0x4d: {  	_ =	shalt  }
0x4e: {  	_ =	shalt  }
0x4f: {  	_ =	shalt  }
0x50: {  	_ =	shalt  }
0x51: {  	_ =	shalt  }
0x52: {  	_ =	shalt  }
0x53: {  	_ =	shalt  }
0x54: {  	_ =	shalt  }
0x55: {  	_ =	shalt  }
0x56: {  	_ =	shalt  }
0x57: {  	_ =	shalt  }
0x58: {  	_ =	shalt  }
0x59: {  	_ =	shalt  }
0x5a: {  	_ =	shalt  }
0x5b: {  	_ =	shalt  }
0x5c: {  	_ =	shalt  }
0x5d: {  	_ =	shalt  }
0x5e: {  	_ =	shalt  }
0x5f: {  	_ =	shalt  }
0x60: {  	_ =	shalt  }
0x61: {  	_ =	shalt  }
0x62: {  	_ =	shalt  }
0x63: {  	_ =	shalt  }
0x64: {  	_ =	shalt  }
0x65: {  	_ =	shalt  }
0x66: {  	_ =	shalt  }
0x67: {  	_ =	shalt  }
0x68: {  	_ =	shalt  }
0x69: {  	_ =	shalt  }
0x6a: {  	_ =	shalt  }
0x6b: {  	_ =	shalt  }
0x6c: {  	_ =	shalt  }
0x6d: {  	_ =	shalt  }
0x6e: {  	_ =	shalt  }
0x6f: {  	_ =	shalt  }
0x70: {  	_ =	shalt  }
0x71: {  	_ =	shalt  }
0x72: {  	_ =	shalt  }
0x73: {  	_ =	shalt  }
0x74: {  	_ =	shalt  }
0x75: {  	_ =	shalt  }
0x76: {  	_ =	shalt  }
0x77: {  	_ =	shalt  }
0x78: {  	_ =	shalt  }
0x79: {  	_ =	shalt  }
0x7a: {  	_ =	shalt  }
0x7b: {  	_ =	shalt  }
0x7c: {  	_ =	shalt  }
0x7d: {  	_ =	shalt  }
0x7e: {  	_ =	shalt  }
0x7f: {  	_ =	shalt  }
0x80: {  	_ =	shalt  }
0x81: {  	_ =	shalt  }
0x82: {  	_ =	shalt  }
0x83: {  	_ =	shalt  }
0x84: {  	_ =	shalt  }
0x85: {  	_ =	shalt  }
0x86: {  	_ =	shalt  }
0x87: {  	_ =	shalt  }
.Lfunc_end0:
.L_simem_size_0:
called_computation.3_lowered:
.L_overlay_start_0:
0x88: {  	s2 =	sld [smem:$0x3FD9]  }
0x89: {  	s3 =	sld [smem:$0x3FFE];
	_ =	sdelay $0x1  }
0x8a: {  	s1 =	srdreg.scid  }
0x8b: {  	s0 =	sand.u32 $0x1, s1  }
0x8c: {  	s17 =	sshll.u32 s0, $0xA;
	s2 =	sadd.s32 s3, s2  }
0x8d: {  	s2 =	sadd.s32 s2, s17  }
0x8e: {  	[smem:$0x3FB7] =	sst s2  }
0x8f: {  	_ = 	snop  }
0x90: {  	s2 =	sld [smem:$0x3FC5];
	(tm) =	ssettm $0x1  }
0x91: {  	s18 =	sld [smem:$0x3FFB];
	_ =	sdelay $0x3  }
0x92: {  	_ =	strace s18  }
0x93: {  	s3 =	sld [smem:$0x3FFC];
	_ =	sdelay $0x3  }
0x94: {  	_ =	strace s3  }
0x95: {  	s3 =	sld [smem:$0x3FFD];
	_ =	sdelay $0x3  }
0x96: {  	_ =	strace s3  }
0x97: {  	_ =	strace $0x8FFFFFFF  }
0x98: {  	s19 =	sld [smem:$0x3FDB];
	_ =	sdelay $0x1  }
0x99: {  	s4 =	simm.s32 $_scs_section_size  }
0x9a: {  	s5 =	simm.s32 $_size__tile_overlayer_lowered;
	s6 =	simm.s32 $_tile_overlayer_lowered  }
0x9b: {  	s22 =	simm.s32 $0x1BFF;
	s21 =	sshll.u32 s6, $0x1;
	s3 =	sadd.s32 s4, s19  }
0x9c: {  	s7 =	simm.s32 $0x0;
	s20 =	sshll.u32 s5, $0x1;
	s5 =	sadd.s32 s21, s3  }
0x9d: {  	[timem:s7], [sflag:s22] =	dma.local [hbm:s5], s20  }
0x9e: {  	_ =	swait.ge [sflag:s22], s20  }
0x9f: {  	s4 =	ssub.s32 $0x0, s20;
	[sflag:s22] =	ssyncset.done $0x0  }
0xa0: {  	[sflag:s22] =	ssyncadd.s32 s4;
	_ =	sdelay $0x1  }
0xa1: {  	s23 =	simm.s32 $0x1B8B  }
0xa2: {  	_ =	swait.ge [sflag:s23], $0x1  }
0xa3: {  	[sflag:s23] =	ssyncset.done $0x0  }
0xa4: {  	s25 =	simm.s32 $0x1B8E;
	s24 =	sld [smem:$0x3FFE];
	[sflag:s23] =	ssyncadd.s32 $0xFFFFFFFF  }
0xa5: {  	s26 =	simm.s32 $execute0_lowered;
	[smem:$0x3FD2] =	sst s25  }
0xa6: {  	s5 =	sshll.u32 s26, $0x1;
	_ =	strace $0x8000004F;
	[dreg:$0x1] =	wrdreg $0xFFFFFFFF  }
0xa7: {  	s28 =	simm.s32 $_size_execute0_lowered;
	s3 =	sadd.s32 s3, s5;
	[dreg:$0x0] =	wrdreg $0x0  }
0xa8: {  	s5 =	sshll.u32 s28, $0x1;
	[dreg:$0x2] =	wrdreg s3  }
0xa9: {  	[dreg:$0x3] =	wrdreg s5  }
0xaa: {  	[dreg:$0x4] =	wrdreg $0xC0  }
0xab: {  	_ =	task [dreg:s7], $0x5FFFF  }
0xac: {  	[dreg:$0x1] =	wrdreg $0xFFFFFFFF  }
0xad: {  	[dreg:$0x0] =	wrdreg $0x60  }
0xae: {  	[dreg:$0x2] =	wrdreg s24  }
0xaf: {  	[dreg:$0x3] =	wrdreg s2  }
0xb0: {  	[dreg:$0x4] =	wrdreg $0x9  }
0xb1: {  	_ =	task.clear_ibuf [dreg:s7], $0x5FFFF;
	_ =	strace $0x9000004F  }
0xb2: {  	s29 =	simm.s32 $0x9;
	_ =	strace $0x80000051  }
0xb3: {  	_ =	swait.ge [sflag:s29], $0x1  }
0xb4: {  	[sflag:s29] =	ssyncadd.s32 $0xFFFFFFFF  }
0xb5: {  	_ =	strace $0x90000051  }
0xb6: {  	_ =	sfence  }
0xb7: {  	s30 =	sld [smem:$0x0];
	_ =	sdelay $0x2  }
0xb8: {  	s31 =	sshll.u32 s1, $0xD;
	s1 =	sshrl.u32 s1, $0x2  }
0xb9: {  	s3 =	sand.u32 $0x4000, s31;
	s1 =	sadd.s32 s1, s30  }
0xba: {  	s0 =	sor.u32 s3, s0;
	s1 =	sshll.u32 s1, $0x11  }
0xbb: {  	s0 =	sor.u32 s1, s0  }
0xbc: {  	s0 =	sadd.s32 $0x8F2B, s0  }
0xbd: {  	[sflag:s0] =	ssyncadd.remote.s32 $0x1  }
0xbe: {  	_ =	sfence.sel $0xFFFF  }
0xbf: {  	[dreg:$0x0] =	wrdreg $0xFFFFFFFF;
	(pc) =	sbr.abs _section_cstart, $3  }
0xc0: {  	[dreg:$0x1] =	wrdreg $0xFFFFFFFF  }
0xc1: {  	_ =	task.clear_ibuf [dreg:s7], $0x2FFFF;
	_ =	strace $0x9FFFFFFF  }
0xc2: {  	(tm) =	ssettm $0x7FFFFFFF  }
0xc3: {  	_ =	shalt  }
tec
execute0_lowered:
.L_overlay_start_1:
0x0: {  	(tag) =	ssettag $0x1  }
0x1: {  	s0 =	srdreg.scid;
	s1 =	rddreg [dreg:$0x0]  }
0x2: {  	s5 =	stileid.u32;
	s2 =	rddreg [dreg:$0x1];
	s12 =	simm.s32 $0x2  }
0x3: {  	s13 =	simm.s32 $0x1;
	s14 =	simm.s32 $0x8800;
	s15 =	simm.s32 $0x9000  }
0x4: {  	s16 =	simm.s32 $0x9080;
	s17 =	simm.s32 $0x8000;
	s18 =	simm.s32 $0x9100  }
0x5: {  	s22 =	simm.s32 $0xB100;
	s23 =	simm.s32 $0xB900;
	s24 =	simm.s32 $0xC100  }
0x6: {  	s25 =	simm.s32 $0xC900;
	s26 =	simm.s32 $0x0;
	s0 =	sand.u32 $0x1, s0  }
0x7: {  	s4 =	sshrl.u32 s5, $0x2;
	s5 =	sand.u32 $0x3, s5;
	s3 =	sshll.u32 s0, $0x2  }
0x8: {  	s8 =	sshll.u32 s5, $0x6;
	s0 =	ssub.s32 $0x2, s0;
	s6 =	sor.u32 s4, s3  }
0x9: {  	s3 =	simm.s32 $0x0;
	s4 =	sshll.u32 s5, $0xF;
	s9 =	sshrl.u32 s0, $0x1  }
0xa: {  	s7 =	sshll.u32 s6, $0x8;
	[smem:$0x7FF] =	sst s3;
	s31 =	sadd.s32 s4, s1  }
.Ltmp0:
0xb: {  	s6 =	sshll.u32 s6, $0x4;
	s0 =	ssub.s32 s0, s9;
	(pc) =	sbr.rel .LBB2_1-.Ltmp0, $4  }
0xc: {  	s30 =	sor.u32 s8, s7;
	_ =	strace $0x80000050;
	s6 =	sadd.s32 s6, s31  }
0xd: {  	v0 =	vlaneseq.u32;
	v2 =	vimm.f32 $-3.000000010e+38;
	v3 =	vimm.s32 $0x0;
	s9 =	smax.u32 s0, $0x1;
	s8 =	sshrl.u32 s30, $0x3;
	s5 =	sshll.u32 s30, $0x5  }
0xe: {  	vm0 =	vmmov $0xffff;
	v1 =	vor.u32 $0x80000000, v0;
	v5 =	vshrl.u32 v0, $0x3;
	s8 =	sadd.s32 s8, s1;
	s1 =	sadd.s32 s5, s1;
	s5 =	sadd.s32 $0xDE00, s6  }
0xf: {  	v4 =	vand.u32 $0x7, v0;
	v6 =	vor.u32 $0x8, v0;
	v5 =	vmul.u32 $0x8, v5;
	s6 =	sadd.s32 $0x2DE00, s8;
	s7 =	sadd.s32 $0x2E000, s8;
	s8 =	sadd.s32 $0x2E200, s1  }
.LBB2_23:
0x10: {  	v7 =	vld [tilespmem:$0x9080];
	_ =	sdelay $0x4  }
0x11: {  	v8 =	vshll.u32 v7, $0x1  }
0x12: {  	v7 =	vand.u32 $0x7, v7;
	v8 =	vand.u32 $0xFFFFFFF0, v8  }
0x13: {  	v7 =	vor.u32 v7, v8  }
0x14: {  	v8 =	vperm.xlane v7, v4;
	_ =	sdelay $0x1  }
0x15: {  	v7 =	vperm.xlane v7, v6;
	v8 =	vadd.s32 v5, v8;
	_ =	sdelay $0x1  }
0x16: {  	v7 =	vadd.s32 v5, v7;
	_ =	sdelay $0x2  }
0x17: {  	[tilespmem:s18], [sflag:$0x1] =	stream.indirect_vreg.gather [hbm4b:s2+s3], $0x80, v8, vm0, $0xb8;
	[tilespmem:$0xD100] =	vst v63  }
0x18: {  	s0 =	simm.s32 $0x9900  }
0x19: {  	[tilespmem:s0], [sflag:$0x1] =	stream.indirect_vreg.gather [hbm4b:s2+s3], $0x80, v7, vm0, $0xb8;
	[tilespmem:$0xD100] =	vst v63  }
0x1a: {  	v7 =	vld [tilespmem:$0x9090];
	_ =	sdelay $0x4  }
0x1b: {  	v8 =	vshll.u32 v7, $0x1  }
0x1c: {  	v7 =	vand.u32 $0x7, v7;
	v8 =	vand.u32 $0xFFFFFFF0, v8  }
0x1d: {  	v7 =	vor.u32 v7, v8  }
0x1e: {  	v8 =	vperm.xlane v7, v4;
	_ =	sdelay $0x1  }
0x1f: {  	v7 =	vperm.xlane v7, v6;
	v8 =	vadd.s32 v5, v8;
	_ =	sdelay $0x1  }
0x20: {  	v7 =	vadd.s32 v5, v7;
	_ =	sdelay $0x1  }
0x21: {  	s30 =	simm.s32 $0xA100  }
0x22: {  	[tilespmem:s30], [sflag:$0x1] =	stream.indirect_vreg.gather [hbm4b:s2+s3], $0x80, v8, vm0, $0xb8;
	[tilespmem:$0xD100] =	vst v63  }
0x23: {  	s31 =	simm.s32 $0xA900  }
0x24: {  	[tilespmem:s31], [sflag:$0x1] =	stream.indirect_vreg.gather [hbm4b:s2+s3], $0x80, v7, vm0, $0xb8;
	[tilespmem:$0xD100] =	vst v63  }
0x25: {  	v7 =	vld [tilespmem:$0x90A0];
	_ =	sdelay $0x4  }
0x26: {  	v8 =	vshll.u32 v7, $0x1  }
0x27: {  	v7 =	vand.u32 $0x7, v7;
	v8 =	vand.u32 $0xFFFFFFF0, v8  }
0x28: {  	v7 =	vor.u32 v7, v8  }
0x29: {  	v8 =	vperm.xlane v7, v4;
	_ =	sdelay $0x1  }
0x2a: {  	v7 =	vperm.xlane v7, v6;
	v8 =	vadd.s32 v5, v8;
	_ =	sdelay $0x1  }
0x2b: {  	v7 =	vadd.s32 v5, v7;
	_ =	sdelay $0x2  }
0x2c: {  	[tilespmem:s22], [sflag:$0x1] =	stream.indirect_vreg.gather [hbm4b:s2+s3], $0x80, v8, vm0, $0xb8;
	[tilespmem:$0xD100] =	vst v63  }
0x2d: {  	_ = 	snop  }
0x2e: {  	[tilespmem:s23], [sflag:$0x1] =	stream.indirect_vreg.gather [hbm4b:s2+s3], $0x80, v7, vm0, $0xb8;
	[tilespmem:$0xD100] =	vst v63  }
0x2f: {  	v7 =	vld [tilespmem:$0x90B0];
	_ =	sdelay $0x4  }
0x30: {  	v8 =	vshll.u32 v7, $0x1  }
0x31: {  	v7 =	vand.u32 $0x7, v7;
	v8 =	vand.u32 $0xFFFFFFF0, v8  }
0x32: {  	v7 =	vor.u32 v7, v8  }
0x33: {  	v8 =	vperm.xlane v7, v4;
	_ =	sdelay $0x1  }
0x34: {  	v7 =	vperm.xlane v7, v6;
	v8 =	vadd.s32 v5, v8;
	_ =	sdelay $0x1  }
0x35: {  	v7 =	vadd.s32 v5, v7;
	_ =	sdelay $0x2  }
0x36: {  	[tilespmem:s24], [sflag:$0x1] =	stream.indirect_vreg.gather [hbm4b:s2+s3], $0x80, v8, vm0, $0xb8;
	[tilespmem:$0xD100] =	vst v63  }
0x37: {  	_ = 	snop  }
0x38: {  	[tilespmem:s25], [sflag:$0x1] =	stream.indirect_vreg.gather [hbm4b:s2+s3], $0x80, v7, vm0, $0xb8;
	[tilespmem:$0xD100] =	vst v63  }
0x39: {  	_ =	swait.ge [sflag:s13], $0x4000  }
0x3a: {  	[sflag:s13] =	ssyncset.done $0x0  }
0x3b: {  	[sflag:s13] =	ssyncadd.s32 $0xFFFFC000  }
0x3c: {  	[hbm4b:s6+s3] =	stream.linear.scatter [tilespmem:s15], [sflag:$0x2], $0x40, $0x38;
	[tilespmem:$0xD100] =	vst v63  }
0x3d: {  	_ =	swait.ge [sflag:s12], $0x40  }
0x3e: {  	[sflag:s12] =	ssyncset.done $0x0  }
0x3f: {  	[sflag:s12] =	ssyncadd.s32 $0xFFFFFFC0  }
0x40: {  	[hbm4b:s7+s3] =	stream.linear.scatter [tilespmem:s16], [sflag:$0x2], $0x40, $0x38;
	[tilespmem:$0xD100] =	vst v63  }
0x41: {  	s26 =	sadd.s32 $0x1, s26;
	_ =	swait.ge [sflag:s12], $0x40  }
0x42: {  	p0 =	sne.s32 s26, s9;
	[sflag:s12] =	ssyncset.done $0x0  }
.Ltmp1:
0x43: {  	[sflag:s12] =	ssyncadd.s32 $0xFFFFFFC0;
	(pc) =	sbr.rel @!p0 .LBB2_24-.Ltmp1, $4  }
0x44: {  	[hbm4b:s8+s3] =	stream.linear.scatter [tilespmem:s18], [sflag:$0x2], $0x4000, $0x38;
	[tilespmem:$0xD100] =	vst v63  }
0x45: {  	_ =	swait.ge [sflag:s12], $0x4000  }
0x46: {  	[sflag:s12] =	ssyncset.done $0x0  }
0x47: {  	[sflag:s12] =	ssyncadd.s32 $0xFFFFC000  }
.LBB2_1:
0x48: {  	s0 =	simm.s32 $0x80;
	s1 =	simm.s32 $0x400  }
0x49: {  	[tilespmem:s3], [sflag:$0x2] =	stream.strided.gather [hbm4b:s5+s0], $0x8000, s1, s0, $0x38;
	[tilespmem:$0xD100] =	vst v63  }
0x4a: {  	_ =	swait.ge [sflag:s12], $0x8000  }
0x4b: {  	[sflag:s12] =	ssyncset.done $0x0  }
0x4c: {  	s0 =	simm.s32 $0x0;
	[sflag:s12] =	ssyncadd.s32 $0xFFFF8000  }
0x4d: {  	v16 =	vld [tilespmem:s0+$0x40]  }
0x4e: {  	v8 =	vld [tilespmem:s0+$0x50]  }
0x4f: {  	v7 =	vld [tilespmem:s0+$0x60]  }
0x50: {  	v11 =	vld [tilespmem:s0+$0x0]  }
0x51: {  	v10 =	vimm.f32 $-3.000000010e+38;
	v9 =	vld [tilespmem:s0+$0x10]  }
0x52: {  	v12 =	vimm.f32 $-3.000000010e+38;
	v13 =	vimm.f32 $-3.000000010e+38;
	v15 =	vimm.f32 $-3.000000010e+38;
	s1 =	simm.s32 $0x200;
	v14 =	vld [tilespmem:s0+$0x20]  }
.LBB2_2:
0x53: {  	p0 =	sne.s32 s1, $0x1FE00;
	v17 =	vld [tilespmem:s0+$0x30];
	v18 =	vmov v8  }
0x54: {  	v19 =	vld [tilespmem:s0+$0x70];
	s0 =	sshra.s32 s1, $0x2;
	v20 =	vmov v7  }
0x55: {  	v21 =	vld [tilespmem:s0+$0x40]  }
.Ltmp2:
0x56: {  	v10 =	vmax.f32 v10, v11;
	v8 =	vld [tilespmem:s0+$0x50];
	(pc) =	sbr.rel @p0 .LBB2_2-.Ltmp2, $4  }
0x57: {  	v10 =	vmax.f32 v10, v16;
	v7 =	vld [tilespmem:s0+$0x60]  }
0x58: {  	v12 =	vmax.f32 v12, v9;
	v13 =	vmax.f32 v13, v14;
	v11 =	vld [tilespmem:s0+$0x0];
	v14 =	vmax.f32 v15, v17  }
0x59: {  	v12 =	vmax.f32 v12, v18;
	v13 =	vmax.f32 v13, v20;
	v9 =	vld [tilespmem:s0+$0x10];
	v15 =	vmax.f32 v14, v19  }
0x5a: {  	s1 =	sadd.s32 $0x200, s1;
	v14 =	vld [tilespmem:s0+$0x20];
	v16 =	vmov v21  }
0x5b: {  	v17 =	vld [tilespmem:s0+$0x30]  }
0x5c: {  	v18 =	vld [tilespmem:s0+$0x70];
	_ =	sdelay $0x1  }
0x5d: {  	v10 =	vmax.f32 v10, v11  }
0x5e: {  	v10 =	vmax.f32 v10, v16  }
0x5f: {  	v9 =	vmax.f32 v12, v9;
	v11 =	vmax.f32 v13, v14;
	v63 =	vmax.f32 v15, v17  }
0x60: {  	v8 =	vmax.f32 v9, v8;
	v7 =	vmax.f32 v11, v7;
	v9 =	vmax.f32 v63, v18  }
0x61: {  	v8 =	vmin.f32 v10, v8;
	v7 =	vmin.f32 v7, v9  }
0x62: {  	v7 =	vmin.f32 v8, v7  }
0x63: {  	(xrf0) =	vmin.scan.msk.f32 $0xffff, v7;
	_ =	sdelay $0x5  }
0x64: {  	v7, _, _ =	vpop (xrf0)  }
0x65: {  	v7 =	vadd.f32 $0.0e+00, v7;
	_ =	sdelay $0x1  }
0x66: {  	s28 =	simm.s32 $0x0;
	s29 =	simm.s32 $0x20;
	s30 =	smov.u32 s4;
	v8 =	vbroadcast v7, $0xF;
	v7 =	vimm.s32 $0x0  }
.LBB2_5:
0x67: {  	v9 =	vxor.u32 $0x80000000, v7  }
0x68: {  	(xrf0) =	vmax.scan.msk.u32 $0xffff, v9;
	_ =	sdelay $0x5  }
0x69: {  	v9, _, _ =	vpop (xrf0)  }
0x6a: {  	(v2sf) =	vpush v9, $0xF;
	_ =	sdelay $0xe  }
0x6b: {  	s31 =	spop (v2sf)  }
0x6c: {  	p0 =	slt.u32 s31, $0x80000041  }
.Ltmp3:
0x6d: {  	_ = 	snop;
	(pc) =	sbr.rel @p0 .LBB2_14-.Ltmp3, $1  }
0x6e: {  	_ =	sdelay $0x3  }
0x6f: {  	s0 =	sadd.s32 $0x80000001, s31;
	p0 =	sne.s32 s31, $0xFFFFFFFF;
	s1 =	simm.s32 $0x1  }
0x70: {  	s1 =	simm.s32 @!p0 $0x0;
	s10 =	sshra.s32 s0, $0x1F  }
0x71: {  	s20 =	sand.u32 $0x1, s0;
	s1 =	sadd.s32 s1, s10  }
0x72: {  	p1 =	seq.s32 s20, $0x1;
	p6 =	sne.s32 s1, $0x1  }
.Ltmp4:
0x73: {  	s21 =	sshrl.u32 s0, $0x1F;
	p0 =	por !p6, !p1;
	(pc) =	sbr.rel .LBB2_7-.Ltmp4, $4  }
0x74: {  	s0 =	sadd.s32 s21, s0;
	s1 =	simm.s32 $0x1;
	p0 =	por !p0, !p0  }
0x75: {  	s0 =	sshra.s32 s0, $0x1;
	s1 =	simm.s32 @!p0 $0x0  }
0x76: {  	s1 =	ssub.s32 s0, s1  }
0x77: {  	s0 =	simm.s32 $0x0;
	p0 =	slt.s32 s1, $0x1  }
.LBB2_8:
0x78: {  	v10 =	vmov v1  }
.LBB2_12:
0x79: {  	(xrf0) =	vmax.scan.msk.f32 $0xffff, v8;
	_ =	sdelay $0x5  }
0x7a: {  	v9, _, _ =	vpop (xrf0)  }
0x7b: {  	v11 =	vbroadcast v9, $0xF;
	_ =	sdelay $0x1  }
0x7c: {  	vm1 =	veq.f32 v8, v11  }
0x7d: {  	v8 =	vnsel vm1, $0xC0000000, v10  }
0x7e: {  	(xrf0) =	vmin.scan.msk.u32 $0xffff, v8;
	_ =	sdelay $0x5  }
0x7f: {  	v8, _, _ =	vpop (xrf0)  }
0x80: {  	(v2sf) =	vpush v8, $0xF;
	_ =	sdelay $0xe  }
0x81: {  	s10 =	spop (v2sf)  }
0x82: {  	s10 =	sxor.u32 $0x80000000, s10  }
0x83: {  	v8 =	vmov s10;
	_ =	sdelay $0x3  }
0x84: {  	v10 =	vmov s0  }
0x85: {  	s0 =	sadd.s32 $0x1, s0;
	v12 =	vld.idx.msk [tilespmem:v8+s14+$0x0], $0xffff  }
0x86: {  	p1 =	sne.s32 s0, $0x40  }
.Ltmp5:
0x87: {  	v11 =	vadd.f32 $0.0e+00, v11;
	(pc) =	sbr.rel @!p1 .LBB2_13-.Ltmp5, $4  }
0x88: {  	_ = 	snop  }
0x89: {  	[tilespmem:v10+s15+$0x0] =	vst.idx.msk $0x1, v11  }
0x8a: {  	[tilespmem:v10+s16+$0x0] =	vst.idx.msk $0x1, v12  }
0x8b: {  	[tilespmem:v8+s17+$0x0] =	vst.idx.msk $0x1, v2  }
.LBB2_7:
.Ltmp6:
0x8c: {  	(pc) =	sbr.rel @p0 .LBB2_8-.Ltmp6, $2  }
0x8d: {  	_ =	sdelay $0x2  }
0x8e: {  	v8 =	vimm.f32 $-3.000000010e+38  }
0x8f: {  	s20 =	simm.s32 $0x8010  }
0x90: {  	s11 =	simm.s32 $0x0;
	p1 =	sne.s32 s1, $0x1;
	v11 =	vld [tilespmem:s20+$0xFFFFFFF0]  }
.Ltmp7:
0x91: {  	v9 =	vmov s11;
	(pc) =	sbr.rel @!p1 .LBB2_11-.Ltmp7, $3  }
0x92: {  	vm1 =	vlt.s32 v9, v7;
	v9 =	vld [tilespmem:s20+$0x0];
	_ =	sdelay $0x1  }
0x93: {  	s10 =	simm.s32 $0x1  }
0x94: {  	v10 =	vimm.s32 $0x0;
	s19 =	sadd.s32 $0xFFFFFFFF, s1;
	s21 =	simm.s32 $0x1;
	v12 =	vmov s10;
	s20 =	simm.s32 $0x8030;
	v11 =	vnsel vm1, $0xFF61B1E6, v11  }
.LBB2_10:
0x95: {  	v13 =	vld [tilespmem:s20+$0xFFFFFFF0];
	p1 =	sne.s32 s19, $0x1;
	s19 =	sadd.s32 $0xFFFFFFFF, s19;
	vm1 =	vgt.f32 v11, v8;
	vm2 =	vlt.s32 v12, v7  }
.Ltmp8:
0x96: {  	s21 =	sadd.s32 $0x2, s21;
	v8 =	vsel vm1, v11, v8;
	v10 =	vsel vm1, s11, v10;
	v11 =	vnsel vm2, $0xFF61B1E6, v9;
	(pc) =	sbr.rel @p1 .LBB2_10-.Ltmp8, $4  }
0x97: {  	s11 =	sadd.s32 $0xFFFFFFFF, s21;
	v9 =	vld [tilespmem:s20+$0x0];
	vm1 =	vgt.f32 v11, v8  }
0x98: {  	v12 =	vmov s11;
	v8 =	vsel vm1, v11, v8;
	v10 =	vsel vm1, s10, v10;
	s10 =	smov.u32 s21  }
0x99: {  	vm1 =	vlt.s32 v12, v7  }
0x9a: {  	s20 =	sadd.s32 $0x20, s20;
	v12 =	vmov s21;
	v11 =	vnsel vm1, $0xFF61B1E6, v13  }
.LBB2_11:
0x9b: {  	vm1 =	vgt.f32 v11, v8;
	vm2 =	vlt.s32 v12, v7  }
.Ltmp9:
0x9c: {  	v8 =	vsel vm1, v11, v8;
	v9 =	vnsel vm2, $0xFF61B1E6, v9;
	(pc) =	sbr.rel .LBB2_12-.Ltmp9, $4  }
0x9d: {  	v10 =	vsel vm1, s11, v10;
	vm1 =	vgt.f32 v9, v8  }
0x9e: {  	v10 =	vsel vm1, s10, v10  }
0x9f: {  	v10 =	vshll.u32 v10, $0x4  }
0xa0: {  	v8 =	vsel vm1, v9, v8;
	v10 =	vxor.u32 v1, v10  }
.LBB2_13:
0xa1: {  	v8 =	vld [tilespmem:$0x9000]  }
0xa2: {  	v10 =	vld [tilespmem:$0x9080]  }
0xa3: {  	v11 =	vld [tilespmem:$0x9010]  }
0xa4: {  	v12 =	vld [tilespmem:$0x9090]  }
0xa5: {  	v13 =	vld [tilespmem:$0x9020]  }
0xa6: {  	[tilespmem:$0x8000] =	vst v8;
	v8 =	vld [tilespmem:$0x90A0]  }
0xa7: {  	[tilespmem:$0x8800] =	vst v10;
	v10 =	vld [tilespmem:$0x9030]  }
0xa8: {  	[tilespmem:$0x8010] =	vst v11;
	v11 =	vld [tilespmem:$0x90B0]  }
0xa9: {  	[tilespmem:$0x8810] =	vst v12  }
0xaa: {  	[tilespmem:$0x8020] =	vst v13  }
0xab: {  	[tilespmem:$0x8820] =	vst v8;
	v8 =	vadd.f32 $0.0e+00, v9  }
0xac: {  	[tilespmem:$0x8030] =	vst v10  }
0xad: {  	[tilespmem:$0x8830] =	vst v11;
	v8 =	vbroadcast v8, $0xF  }
.LBB2_14:
0xae: {  	p0 =	sgt.u32 s31, $0x80000040  }
0xaf: {  	s0 =	simm.s32 $0x0;
	s1 =	smov.u32 s29;
	v7 =	vpsel p0, $0x4, v7  }
.LBB2_15:
0xb0: {  	v9 =	vld [tilespmem:s1+$0xFFFFFFE0];
	_ =	sdelay $0x4  }
0xb1: {  	v10 =	vshll.u32 v7, $0x4;
	vm1 =	vge.f32 v9, v8  }
0xb2: {  	v10 =	vor.u32 v0, v10;
	_ =	sdelay $0x3  }
0xb3: {  	s10 =	sadd.s32 s0, s30  }
0xb4: {  	[tilespmem:v10+s17+$0x0] =	vst.idx.msk vm1, v9;
	v9 =	vor.u32 s10, v0  }
0xb5: {  	[tilespmem:v10+s14+$0x0] =	vst.idx.msk vm1, v9  }
0xb6: {  	v9 =	vld [tilespmem:s1+$0xFFFFFFF0];
	_ =	sdelay $0x2  }
0xb7: {  	v10 =	vsel vm1, $0x1, v3  }
0xb8: {  	v7 =	vadd.s32 v10, v7  }
0xb9: {  	v10 =	vshll.u32 v7, $0x4;
	vm1 =	vge.f32 v9, v8  }
0xba: {  	v10 =	vor.u32 v0, v10;
	_ =	sdelay $0x3  }
0xbb: {  	s11 =	sadd.s32 $0x10, s10  }
0xbc: {  	[tilespmem:v10+s17+$0x0] =	vst.idx.msk vm1, v9;
	v9 =	vor.u32 s11, v0  }
0xbd: {  	[tilespmem:v10+s14+$0x0] =	vst.idx.msk vm1, v9  }
0xbe: {  	v9 =	vld [tilespmem:s1+$0x0];
	_ =	sdelay $0x2  }
0xbf: {  	v10 =	vsel vm1, $0x1, v3  }
0xc0: {  	v7 =	vadd.s32 v10, v7  }
0xc1: {  	v10 =	vshll.u32 v7, $0x4;
	vm1 =	vge.f32 v9, v8  }
0xc2: {  	v10 =	vor.u32 v0, v10;
	_ =	sdelay $0x3  }
0xc3: {  	s31 =	sadd.s32 $0x20, s10  }
0xc4: {  	[tilespmem:v10+s17+$0x0] =	vst.idx.msk vm1, v9;
	v9 =	vor.u32 s31, v0  }
0xc5: {  	[tilespmem:v10+s14+$0x0] =	vst.idx.msk vm1, v9  }
0xc6: {  	v9 =	vld [tilespmem:s1+$0x10];
	_ =	sdelay $0x2  }
0xc7: {  	v10 =	vsel vm1, $0x1, v3  }
0xc8: {  	v7 =	vadd.s32 v10, v7  }
0xc9: {  	v10 =	vshll.u32 v7, $0x4;
	vm1 =	vge.f32 v9, v8  }
0xca: {  	v10 =	vor.u32 v0, v10  }
0xcb: {  	p0 =	seq.s32 s0, $0x3C0  }
.Ltmp10:
0xcc: {  	_ = 	snop;
	(pc) =	sbr.rel @!p0 .LBB2_15-.Ltmp10, $4  }
0xcd: {  	_ = 	snop  }
0xce: {  	s10 =	sadd.s32 $0x30, s10  }
0xcf: {  	v11 =	vsel vm1, $0x1, v3;
	[tilespmem:v10+s17+$0x0] =	vst.idx.msk vm1, v9;
	v9 =	vor.u32 s10, v0  }
0xd0: {  	s0 =	sadd.s32 $0x40, s0;
	s1 =	sadd.s32 $0x40, s1;
	v7 =	vadd.s32 v11, v7;
	[tilespmem:v10+s14+$0x0] =	vst.idx.msk vm1, v9  }
0xd1: {  	s28 =	sadd.s32 $0x1, s28  }
0xd2: {  	p0 =	seq.s32 s28, $0x20  }
.Ltmp11:
0xd3: {  	_ = 	snop;
	(pc) =	sbr.rel @!p0 .LBB2_5-.Ltmp11, $2  }
0xd4: {  	_ =	sdelay $0x2  }
0xd5: {  	s30 =	sadd.s32 $0x400, s30;
	s29 =	sadd.s32 $0x400, s29  }
0xd6: {  	v8 =	vxor.u32 $0x80000000, v7  }
0xd7: {  	(xrf0) =	vmax.scan.msk.u32 $0xffff, v8;
	_ =	sdelay $0x5  }
0xd8: {  	v8, _, _ =	vpop (xrf0)  }
0xd9: {  	(v2sf) =	vpush v8, $0xF;
	_ =	sdelay $0xe  }
0xda: {  	s0 =	spop (v2sf)  }
0xdb: {  	s1 =	sadd.s32 $0x80000001, s0;
	p0 =	slt.s32 s0, $0xFFFFFFFF;
	s0 =	simm.s32 $0x1  }
0xdc: {  	s0 =	simm.s32 @!p0 $0x0;
	s10 =	sshra.s32 s1, $0x1F  }
0xdd: {  	s30 =	sand.u32 $0x1, s1;
	s0 =	sadd.s32 s0, s10  }
0xde: {  	p1 =	seq.s32 s30, $0x1;
	p6 =	sne.s32 s0, $0x1  }
.Ltmp12:
0xdf: {  	s31 =	sshrl.u32 s1, $0x1F;
	p0 =	por !p6, !p1;
	(pc) =	sbr.rel .LBB2_17-.Ltmp12, $4  }
0xe0: {  	s0 =	sadd.s32 s31, s1;
	s1 =	simm.s32 $0x1;
	p0 =	por !p0, !p0  }
0xe1: {  	s0 =	sshra.s32 s0, $0x1;
	s1 =	simm.s32 @!p0 $0x0  }
0xe2: {  	s1 =	ssub.s32 s0, s1  }
0xe3: {  	s0 =	simm.s32 $0x0;
	p0 =	slt.s32 s1, $0x1  }
.LBB2_18:
0xe4: {  	v9 =	vmov v1  }
.LBB2_22:
0xe5: {  	(xrf0) =	vmax.scan.msk.f32 $0xffff, v8;
	_ =	sdelay $0x5  }
0xe6: {  	v10, _, _ =	vpop (xrf0)  }
0xe7: {  	v10 =	vbroadcast v10, $0xF;
	_ =	sdelay $0x1  }
0xe8: {  	vm1 =	veq.f32 v8, v10  }
0xe9: {  	v8 =	vnsel vm1, $0xC0000000, v9  }
0xea: {  	(xrf0) =	vmin.scan.msk.u32 $0xffff, v8;
	_ =	sdelay $0x5  }
0xeb: {  	v8, _, _ =	vpop (xrf0)  }
0xec: {  	(v2sf) =	vpush v8, $0xF;
	_ =	sdelay $0xe  }
0xed: {  	s10 =	spop (v2sf)  }
0xee: {  	s10 =	sxor.u32 $0x80000000, s10  }
0xef: {  	v8 =	vmov s10;
	_ =	sdelay $0x3  }
0xf0: {  	v63 =	vmov s0  }
0xf1: {  	s0 =	sadd.s32 $0x1, s0;
	v11 =	vld.idx.msk [tilespmem:v8+s14+$0x0], $0xffff  }
0xf2: {  	p1 =	sne.s32 s0, $0x40  }
.Ltmp13:
0xf3: {  	v10 =	vadd.f32 $0.0e+00, v10;
	(pc) =	sbr.rel @!p1 .LBB2_23-.Ltmp13, $4  }
0xf4: {  	_ = 	snop  }
0xf5: {  	[tilespmem:v63+s15+$0x0] =	vst.idx.msk $0x1, v10  }
0xf6: {  	[tilespmem:v63+s16+$0x0] =	vst.idx.msk $0x1, v11  }
0xf7: {  	[tilespmem:v8+s17+$0x0] =	vst.idx.msk $0x1, v2  }
.LBB2_17:
.Ltmp14:
0xf8: {  	(pc) =	sbr.rel @p0 .LBB2_18-.Ltmp14, $2  }
0xf9: {  	_ =	sdelay $0x2  }
0xfa: {  	v8 =	vimm.f32 $-3.000000010e+38  }
0xfb: {  	s20 =	simm.s32 $0x8010  }
0xfc: {  	s11 =	simm.s32 $0x0;
	p1 =	sne.s32 s1, $0x1;
	v11 =	vld [tilespmem:s20+$0xFFFFFFF0]  }
.Ltmp15:
0xfd: {  	v9 =	vmov s11;
	(pc) =	sbr.rel @!p1 .LBB2_21-.Ltmp15, $3  }
0xfe: {  	vm1 =	vlt.s32 v9, v7;
	v9 =	vld [tilespmem:s20+$0x0];
	_ =	sdelay $0x1  }
0xff: {  	s10 =	simm.s32 $0x1  }
0x100: {  	v10 =	vimm.s32 $0x0;
	s19 =	sadd.s32 $0xFFFFFFFF, s1;
	s21 =	simm.s32 $0x1;
	v12 =	vmov s10;
	s20 =	simm.s32 $0x8030;
	v11 =	vnsel vm1, $0xFF61B1E6, v11  }
.LBB2_20:
0x101: {  	v13 =	vld [tilespmem:s20+$0xFFFFFFF0];
	p1 =	sne.s32 s19, $0x1;
	s19 =	sadd.s32 $0xFFFFFFFF, s19;
	vm1 =	vgt.f32 v11, v8;
	vm2 =	vlt.s32 v12, v7  }
.Ltmp16:
0x102: {  	s21 =	sadd.s32 $0x2, s21;
	v8 =	vsel vm1, v11, v8;
	v10 =	vsel vm1, s11, v10;
	v11 =	vnsel vm2, $0xFF61B1E6, v9;
	(pc) =	sbr.rel @p1 .LBB2_20-.Ltmp16, $4  }
0x103: {  	s11 =	sadd.s32 $0xFFFFFFFF, s21;
	v9 =	vld [tilespmem:s20+$0x0];
	vm1 =	vgt.f32 v11, v8  }
0x104: {  	v12 =	vmov s11;
	v8 =	vsel vm1, v11, v8;
	v10 =	vsel vm1, s10, v10;
	s10 =	smov.u32 s21  }
0x105: {  	vm1 =	vlt.s32 v12, v7  }
0x106: {  	s20 =	sadd.s32 $0x20, s20;
	v12 =	vmov s21;
	v11 =	vnsel vm1, $0xFF61B1E6, v13  }
.LBB2_21:
0x107: {  	vm1 =	vgt.f32 v11, v8;
	vm2 =	vlt.s32 v12, v7  }
.Ltmp17:
0x108: {  	v8 =	vsel vm1, v11, v8;
	v9 =	vnsel vm2, $0xFF61B1E6, v9;
	(pc) =	sbr.rel .LBB2_22-.Ltmp17, $4  }
0x109: {  	v10 =	vsel vm1, s11, v10;
	vm1 =	vgt.f32 v9, v8  }
0x10a: {  	v10 =	vsel vm1, s10, v10  }
0x10b: {  	v10 =	vshll.u32 v10, $0x4  }
0x10c: {  	v8 =	vsel vm1, v9, v8;
	v9 =	vxor.u32 v1, v10  }
.LBB2_24:
0x10d: {  	_ =	sfence.sel $0x180000  }
0x10e: {  	[bflag:$0x0] =	sbarrier.arrive $0xFFFF  }
0x10f: {  	_ =	strace $0x90000050  }
0x110: {  	s0 =	stileid.u32;
	[bflag:$0x2] =	sbarrier.arrive $0xFFFF  }
0x111: {  	p0 =	sne.s32 s0, $0x0;
	s0 =	rddreg [dreg:$0x2]  }
0x112: {  	s0 =	sadd.s32 @!p0 $0x100000, s0  }
0x113: {  	[sflag:s0] =	ssyncadd.tile.s32 @!p0 $0x1;
	_ =	shalt  }
.Lfunc_end2:
_tile_overlayer_lowered:
.L_overlay_start_2:
0x114: {  	(tag) =	ssettag $0x2  }
0x115: {  	s0 =	rddreg [dreg:$0x0];
	s2 =	stileid.u32  }
0x116: {  	s1 =	rddreg [dreg:$0x1];
	p0 =	sne.s32 s2, $0x0  }
0x117: {  	s3 =	rddreg [dreg:$0x2];
	[bflag:$0x3] =	sbarrier.arrive $0xFFFF;
	s2 =	simm.s32 @!p0 $0x1C02  }
0x118: {  	[timem:s3], [sflag:s2] =	dma.local @!p0 [hbm:s0], s1  }
0x119: {  	s0 =	simm.s32 @!p0 $0x2  }
0x11a: {  	_ =	swait.ge @!p0 [sflag:s0], s1  }
0x11b: {  	s1 =	ssub.s32 @!p0 $0x0, s1;
	[sflag:s0] =	ssyncset.done @!p0 $0x0  }
0x11c: {  	[sflag:s0] =	ssyncadd.s32 @!p0 s1  }
0x11d: {  	[bflag:$0x3] =	sbarrier.arrive $0xFFFF  }
0x11e: {  	_ =	shalt  }

// kernel: kernel.27.cloned.1.call-start
scs
__scs_entry_jumppad:
0x0: {  	(pc) =	sbr.rel $0x88, $3  }
0x1: {  	(tag) =	ssettag $0x0;
	lr =	simm.s32 $0x1  }
0x2: {  	[smem:$0x3F90] =	sst lr;
	_ =	strace $0xD0000000  }
0x3: {  	_ = 	snop  }
0x4: {  	_ = 	snop  }
0x5: {  	_ = 	snop  }
0x6: {  	_ = 	snop  }
0x7: {  	_ = 	snop  }
__scs_overlays_trampoline_lowered:
0x8: {  	[smem:$0x3F9F] =	sst s0  }
0x9: {  	[smem:$0x3FA0] =	sst s1  }
0xa: {  	[smem:$0x3FA1] =	sst s2  }
0xb: {  	[smem:$0x3FA2] =	sst s3  }
0xc: {  	[smem:$0x3FA3] =	sst s4  }
0xd: {  	[smem:$0x3FA4] =	sst s5  }
0xe: {  	[smem:$0x3FA5] =	sst s6  }
0xf: {  	[smem:$0x3FA6] =	sst s7  }
0x10: {  	[smem:$0x3FA7] =	sst s8  }
0x11: {  	[smem:$0x3FA8] =	sst s9;
	s0 =	simm.s32 @!p0 $0x0  }
0x12: {  	s1 =	sld [smem:$0x3F8E];
	s0 =	simm.s32 @p0 $0x1  }
0x13: {  	[smem:$0x3FA9] =	sst s0;
	s0 =	simm.s32 @!p1 $0x0  }
0x14: {  	s2 =	sld [smem:$0x3F8D];
	s0 =	simm.s32 @p1 $0x1  }
0x15: {  	[smem:$0x3FAA] =	sst s0;
	s0 =	simm.s32 @!p2 $0x0  }
0x16: {  	s3 =	sld [smem:$0x3FDB];
	s0 =	simm.s32 @p2 $0x1  }
0x17: {  	s4 =	simm.s32 $0x1BF5;
	[smem:$0x3FAC] =	sst s0  }
0x18: {  	s0 =	sld [smem:$0x3F8F];
	_ =	swait.ge [sflag:s4], $0x0  }
0x19: {  	s7 =	sld [smem:$0x3F90]  }
0x1a: {  	s8 =	sadd.s32 $0xFFFFE003, lr  }
0x1b: {  	s9 =	sadd.s32 $0xFFFFFEF7, lr;
	s5 =	simm.s32 $0xFFFFFFFF;
	p2 =	slt.u32 s8, $0xFFFFF086  }
0x1c: {  	p1 =	slt.u32 s9, $0xF7A;
	s5 =	simm.s32 @!p2 $0x0  }
0x1d: {  	s5 =	simm.s32 @p1 $0x1;
	p0 =	seq.s32 s7, s2  }
0x1e: {  	s7 =	smul.u32 @!p0 $0xF7A, s2;
	p2 =	seq.s32 @!p0 s5, $0x0  }
0x1f: {  	s9 =	smul.u32 $0xF7A, s1;
	s8 =	simm.s32 @!p0 $0x1BF5;
	p2 =	por !p2, p0  }
0x20: {  	[sflag:s8] =	ssyncset.s32 @!p0 $0xFFFFF086;
	s6 =	sadd.s32 @!p0 s3, s7;
	s7 =	simm.s32 @!p0 $0x108  }
0x21: {  	s3 =	sadd.s32 s3, s9;
	s6 =	sadd.s32 @!p0 $0x88, s6;
	s7 =	simm.s32 @p2 $0x1082  }
0x22: {  	[simem:s7], [sflag:s8] =	dma.local @!p0 [hbm:s6], $0xF7A  }
0x23: {  	s9 =	sor.u32 $0xD0000000, s2;
	s6 =	simm.s32 $0x108;
	_ =	swait.ge @!p0 [sflag:s8], $0x0  }
0x24: {  	s3 =	sadd.s32 $0x88, s3;
	s6 =	simm.s32 @!p1 $0x1082;
	[sflag:s4] =	ssyncset.s32 $0xFFFFF086  }
0x25: {  	[simem:s6], [sflag:s4] =	dma.local [hbm:s3], $0xF7A  }
0x26: {  	[smem:$0x3F90] =	sst s1;
	(tag) =	ssettag s2;
	_ =	strace s9  }
0x27: {  	s1 =	sld [smem:$0x3FA0]  }
0x28: {  	s2 =	sld [smem:$0x3FA1]  }
0x29: {  	s4 =	sld [smem:$0x3FA3]  }
0x2a: {  	p0 =	seq.s32 s5, $0x0;
	s5 =	sld [smem:$0x3FA4]  }
0x2b: {  	s6 =	sld [smem:$0x3FA5]  }
0x2c: {  	s7 =	sld [smem:$0x3FA6]  }
0x2d: {  	s3 =	simm.s32 $0x108;
	s8 =	sld [smem:$0x3FA7]  }
0x2e: {  	s3 =	simm.s32 @!p0 $0x1082;
	s9 =	sld [smem:$0x3FA8]  }
0x2f: {  	lr =	sadd.s32 s0, s3;
	s0 =	sld [smem:$0x3F9F]  }
0x30: {  	s3 =	sld [smem:$0x3FA2]  }
0x31: {  	[smem:$0x3FAB] =	sst s10  }
0x32: {  	s10 =	sld [smem:$0x3FA9];
	_ =	sdelay $0x3  }
0x33: {  	p0 =	seq.s32 s10, $0x1;
	s10 =	sld [smem:$0x3FAB];
	_ =	sdelay $0x3  }
0x34: {  	[smem:$0x3FAB] =	sst s10  }
0x35: {  	s10 =	sld [smem:$0x3FAA];
	_ =	sdelay $0x3  }
0x36: {  	p1 =	seq.s32 s10, $0x1;
	s10 =	sld [smem:$0x3FAB];
	_ =	sdelay $0x3  }
0x37: {  	[smem:$0x3FAB] =	sst s10  }
0x38: {  	s10 =	sld [smem:$0x3FAC]  }
0x39: {  	_ = 	snop;
	(pc) =	sbr.ind lr, $3  }
0x3a: {  	_ = 	snop  }
0x3b: {  	_ = 	snop  }
0x3c: {  	p2 =	seq.s32 s10, $0x1;
	s10 =	sld [smem:$0x3FAB]  }
0x3d: {  	_ =	shalt  }
0x3e: {  	_ =	shalt  }
0x3f: {  	_ =	shalt  }
0x40: {  	_ =	shalt  }
0x41: {  	_ =	shalt  }
0x42: {  	_ =	shalt  }
0x43: {  	_ =	shalt  }
0x44: {  	_ =	shalt  }
0x45: {  	_ =	shalt  }
0x46: {  	_ =	shalt  }
0x47: {  	_ =	shalt  }
0x48: {  	_ =	shalt  }
0x49: {  	_ =	shalt  }
0x4a: {  	_ =	shalt  }
0x4b: {  	_ =	shalt  }
0x4c: {  	_ =	shalt  }
0x4d: {  	_ =	shalt  }
0x4e: {  	_ =	shalt  }
0x4f: {  	_ =	shalt  }
0x50: {  	_ =	shalt  }
0x51: {  	_ =	shalt  }
0x52: {  	_ =	shalt  }
0x53: {  	_ =	shalt  }
0x54: {  	_ =	shalt  }
0x55: {  	_ =	shalt  }
0x56: {  	_ =	shalt  }
0x57: {  	_ =	shalt  }
0x58: {  	_ =	shalt  }
0x59: {  	_ =	shalt  }
0x5a: {  	_ =	shalt  }
0x5b: {  	_ =	shalt  }
0x5c: {  	_ =	shalt  }
0x5d: {  	_ =	shalt  }
0x5e: {  	_ =	shalt  }
0x5f: {  	_ =	shalt  }
0x60: {  	_ =	shalt  }
0x61: {  	_ =	shalt  }
0x62: {  	_ =	shalt  }
0x63: {  	_ =	shalt  }
0x64: {  	_ =	shalt  }
0x65: {  	_ =	shalt  }
0x66: {  	_ =	shalt  }
0x67: {  	_ =	shalt  }
0x68: {  	_ =	shalt  }
0x69: {  	_ =	shalt  }
0x6a: {  	_ =	shalt  }
0x6b: {  	_ =	shalt  }
0x6c: {  	_ =	shalt  }
0x6d: {  	_ =	shalt  }
0x6e: {  	_ =	shalt  }
0x6f: {  	_ =	shalt  }
0x70: {  	_ =	shalt  }
0x71: {  	_ =	shalt  }
0x72: {  	_ =	shalt  }
0x73: {  	_ =	shalt  }
0x74: {  	_ =	shalt  }
0x75: {  	_ =	shalt  }
0x76: {  	_ =	shalt  }
0x77: {  	_ =	shalt  }
0x78: {  	_ =	shalt  }
0x79: {  	_ =	shalt  }
0x7a: {  	_ =	shalt  }
0x7b: {  	_ =	shalt  }
0x7c: {  	_ =	shalt  }
0x7d: {  	_ =	shalt  }
0x7e: {  	_ =	shalt  }
0x7f: {  	_ =	shalt  }
0x80: {  	_ =	shalt  }
0x81: {  	_ =	shalt  }
0x82: {  	_ =	shalt  }
0x83: {  	_ =	shalt  }
0x84: {  	_ =	shalt  }
0x85: {  	_ =	shalt  }
0x86: {  	_ =	shalt  }
0x87: {  	_ =	shalt  }
.Lfunc_end0:
.L_simem_size_0:
called_computation.4_lowered:
.L_overlay_start_0:
0x88: {  	s2 =	sld [smem:$0x3FD9]  }
0x89: {  	s3 =	sld [smem:$0x3FFE];
	_ =	sdelay $0x1  }
0x8a: {  	s1 =	srdreg.scid  }
0x8b: {  	s0 =	sand.u32 $0x1, s1  }
0x8c: {  	s17 =	sshll.u32 s0, $0xA;
	s2 =	sadd.s32 s3, s2  }
0x8d: {  	s2 =	sadd.s32 s2, s17  }
0x8e: {  	[smem:$0x3FB7] =	sst s2  }
0x8f: {  	_ = 	snop  }
0x90: {  	s18 =	sld [smem:$0x3FC5];
	(tm) =	ssettm $0x1  }
0x91: {  	s19 =	sld [smem:$0x3FFB];
	_ =	sdelay $0x3  }
0x92: {  	_ =	strace s19  }
0x93: {  	s2 =	sld [smem:$0x3FFC];
	_ =	sdelay $0x3  }
0x94: {  	_ =	strace s2  }
0x95: {  	s2 =	sld [smem:$0x3FFD];
	_ =	sdelay $0x3  }
0x96: {  	_ =	strace s2  }
0x97: {  	_ =	strace $0x8FFFFFFF  }
0x98: {  	s20 =	sld [smem:$0x3FDB];
	_ =	sdelay $0x1  }
0x99: {  	s4 =	simm.s32 $_scs_section_size  }
0x9a: {  	s5 =	simm.s32 $_size__tile_overlayer_lowered;
	s6 =	simm.s32 $_tile_overlayer_lowered  }
0x9b: {  	s7 =	simm.s32 $0x1BFF;
	s21 =	sshll.u32 s6, $0x1;
	s4 =	sadd.s32 s4, s20  }
0x9c: {  	s22 =	simm.s32 $0x0;
	s5 =	sshll.u32 s5, $0x1;
	s6 =	sadd.s32 s21, s4  }
0x9d: {  	[timem:s22], [sflag:s7] =	dma.local [hbm:s6], s5  }
0x9e: {  	_ =	swait.ge [sflag:s7], s5  }
0x9f: {  	s5 =	ssub.s32 $0x0, s5;
	[sflag:s7] =	ssyncset.done $0x0  }
0xa0: {  	[sflag:s7] =	ssyncadd.s32 s5;
	_ =	sdelay $0x1  }
0xa1: {  	s23 =	simm.s32 $0x1B8B  }
0xa2: {  	_ =	swait.ge [sflag:s23], $0x1  }
0xa3: {  	[sflag:s23] =	ssyncset.done $0x0  }
0xa4: {  	[sflag:s23] =	ssyncadd.s32 $0xFFFFFFFF  }
0xa5: {  	s5 =	sld [smem:$0x0]  }
0xa6: {  	s6 =	sand.u32 $0xFFFFFFFE, s1  }
0xa7: {  	p0 =	sne.s32 s1, s6  }
0xa8: {  	s6 =	sshll.u32 @p0 s6, $0xE  }
0xa9: {  	s6 =	sadd.s32 @p0 $0x11B8D, s6;
	s7 =	sshll.u32 @p0 s5, $0x11  }
0xaa: {  	s6 =	sor.u32 @p0 s7, s6  }
0xab: {  	[sflag:s6] =	ssyncadd.remote.s32 @p0 $0x1;
	_ =	sdelay $0x1  }
0xac: {  	s6 =	simm.s32 @p0 $0x1B8D  }
0xad: {  	_ =	swait.eq @p0 [sflag:s6], $0x1  }
0xae: {  	[sflag:s6] =	ssyncadd.s32 @p0 $0xFFFFFFFF  }
0xaf: {  	s7 =	sshll.u32 @!p0 s1, $0xE  }
0xb0: {  	s7 =	sor.u32 @!p0 $0x4000, s7;
	s6 =	simm.s32 @!p0 $0x1B8D  }
0xb1: {  	s5 =	sshll.u32 @!p0 s5, $0x11;
	s7 =	sadd.s32 @!p0 $0x11B8D, s7;
	_ =	swait.eq @!p0 [sflag:s6], $0x1  }
0xb2: {  	s5 =	sor.u32 @!p0 s5, s7;
	[sflag:s6] =	ssyncadd.s32 @!p0 $0xFFFFFFFF  }
0xb3: {  	s25 =	simm.s32 $0x1B8E;
	s24 =	sld [smem:$0x3FFE];
	[sflag:s5] =	ssyncadd.remote.s32 @!p0 $0x1  }
0xb4: {  	s26 =	simm.s32 $execute0_lowered;
	[smem:$0x3FD2] =	sst s25  }
0xb5: {  	s6 =	sshll.u32 s26, $0x1;
	_ =	strace $0x80000052;
	[dreg:$0x1] =	wrdreg $0xFFFFFFFF  }
0xb6: {  	s28 =	simm.s32 $_size_execute0_lowered;
	s4 =	sadd.s32 s4, s6;
	[dreg:$0x0] =	wrdreg $0x0  }
0xb7: {  	s6 =	sshll.u32 s28, $0x1;
	[dreg:$0x2] =	wrdreg s4  }
0xb8: {  	[dreg:$0x3] =	wrdreg s6  }
0xb9: {  	[dreg:$0x4] =	wrdreg $0xC0  }
0xba: {  	_ =	task [dreg:s22], $0x5FFFF  }
0xbb: {  	[dreg:$0x1] =	wrdreg $0xFFFFFFFF  }
0xbc: {  	[dreg:$0x0] =	wrdreg $0x60  }
0xbd: {  	[dreg:$0x2] =	wrdreg s24  }
0xbe: {  	[dreg:$0x3] =	wrdreg s18  }
0xbf: {  	[dreg:$0x4] =	wrdreg $0xA  }
0xc0: {  	_ =	task.clear_ibuf [dreg:s22], $0x5FFFF;
	_ =	strace $0x90000052  }
0xc1: {  	s29 =	simm.s32 $0xA;
	_ =	strace $0x80000054  }
0xc2: {  	_ =	swait.ge [sflag:s29], $0x1  }
0xc3: {  	[sflag:s29] =	ssyncadd.s32 $0xFFFFFFFF  }
0xc4: {  	_ =	strace $0x90000054  }
0xc5: {  	_ =	sfence  }
0xc6: {  	s30 =	sld [smem:$0x0];
	_ =	sdelay $0x2  }
0xc7: {  	s31 =	sshll.u32 s1, $0xD;
	s1 =	sshrl.u32 s1, $0x2  }
0xc8: {  	s4 =	sand.u32 $0x4000, s31;
	s1 =	sadd.s32 s1, s30  }
0xc9: {  	s0 =	sor.u32 s4, s0;
	s1 =	sshll.u32 s1, $0x11  }
0xca: {  	s0 =	sor.u32 s1, s0  }
0xcb: {  	s0 =	sadd.s32 $0x8F2B, s0  }
0xcc: {  	[sflag:s0] =	ssyncadd.remote.s32 $0x1  }
0xcd: {  	_ =	sfence.sel $0xFFFF  }
0xce: {  	[dreg:$0x0] =	wrdreg $0xFFFFFFFF;
	(pc) =	sbr.abs _section_cstart, $3  }
0xcf: {  	[dreg:$0x1] =	wrdreg $0xFFFFFFFF  }
0xd0: {  	_ =	task.clear_ibuf [dreg:s22], $0x2FFFF;
	_ =	strace $0x9FFFFFFF  }
0xd1: {  	(tm) =	ssettm $0x7FFFFFFF  }
tec
execute0_lowered:
.L_overlay_start_1:
0x0: {  	(tag) =	ssettag $0x1  }
0x1: {  	s0 =	srdreg.scid;
	s1 =	rddreg [dreg:$0x0]  }
0x2: {  	s5 =	stileid.u32;
	s2 =	rddreg [dreg:$0x1];
	s12 =	simm.s32 $0x2  }
0x3: {  	s13 =	simm.s32 $0x1;
	s14 =	simm.s32 $0x8800;
	s15 =	simm.s32 $0x9000  }
0x4: {  	s16 =	simm.s32 $0x9080;
	s17 =	simm.s32 $0x8000;
	s18 =	simm.s32 $0x9100  }
0x5: {  	s22 =	simm.s32 $0xB100;
	s23 =	simm.s32 $0xB900;
	s24 =	simm.s32 $0xC100  }
0x6: {  	s25 =	simm.s32 $0xC900;
	s26 =	simm.s32 $0x0;
	s0 =	sand.u32 $0x1, s0  }
0x7: {  	s4 =	sshrl.u32 s5, $0x2;
	s5 =	sand.u32 $0x3, s5;
	s3 =	sshll.u32 s0, $0x2  }
0x8: {  	s8 =	sshll.u32 s5, $0x6;
	s0 =	ssub.s32 $0x2, s0;
	s6 =	sor.u32 s4, s3  }
0x9: {  	s3 =	simm.s32 $0x0;
	s4 =	sshll.u32 s5, $0xF;
	s9 =	sshrl.u32 s0, $0x1  }
0xa: {  	s7 =	sshll.u32 s6, $0x8;
	[smem:$0x7FF] =	sst s3;
	s31 =	sadd.s32 s4, s1  }
.Ltmp0:
0xb: {  	s6 =	sshll.u32 s6, $0x4;
	s0 =	ssub.s32 s0, s9;
	(pc) =	sbr.rel .LBB2_1-.Ltmp0, $4  }
0xc: {  	s30 =	sor.u32 s8, s7;
	_ =	strace $0x80000053;
	s6 =	sadd.s32 s6, s31  }
0xd: {  	v0 =	vlaneseq.u32;
	v2 =	vimm.f32 $-3.000000010e+38;
	v3 =	vimm.s32 $0x0;
	s9 =	smax.u32 s0, $0x1;
	s8 =	sshrl.u32 s30, $0x3;
	s5 =	sshll.u32 s30, $0x5  }
0xe: {  	vm0 =	vmmov $0xffff;
	v1 =	vor.u32 $0x80000000, v0;
	v5 =	vshrl.u32 v0, $0x3;
	s8 =	sadd.s32 s8, s1;
	s1 =	sadd.s32 s5, s1;
	s5 =	sadd.s32 $0x3E200, s6  }
0xf: {  	v4 =	vand.u32 $0x7, v0;
	v6 =	vor.u32 $0x8, v0;
	v5 =	vmul.u32 $0x8, v5;
	s6 =	sadd.s32 $0x9800, s8;
	s7 =	sadd.s32 $0x5E200, s8;
	s8 =	sadd.s32 $0x6E400, s1  }
.LBB2_23:
0x10: {  	v7 =	vld [tilespmem:$0x9080];
	_ =	sdelay $0x4  }
0x11: {  	v8 =	vshll.u32 v7, $0x1  }
0x12: {  	v7 =	vand.u32 $0x7, v7;
	v8 =	vand.u32 $0xFFFFFFF0, v8  }
0x13: {  	v7 =	vor.u32 v7, v8  }
0x14: {  	v8 =	vperm.xlane v7, v4;
	_ =	sdelay $0x1  }
0x15: {  	v7 =	vperm.xlane v7, v6;
	v8 =	vadd.s32 v5, v8;
	_ =	sdelay $0x1  }
0x16: {  	v7 =	vadd.s32 v5, v7;
	_ =	sdelay $0x2  }
0x17: {  	[tilespmem:s18], [sflag:$0x1] =	stream.indirect_vreg.gather [hbm4b:s2+s3], $0x80, v8, vm0, $0xb8;
	[tilespmem:$0xD100] =	vst v63  }
0x18: {  	s0 =	simm.s32 $0x9900  }
0x19: {  	[tilespmem:s0], [sflag:$0x1] =	stream.indirect_vreg.gather [hbm4b:s2+s3], $0x80, v7, vm0, $0xb8;
	[tilespmem:$0xD100] =	vst v63  }
0x1a: {  	v7 =	vld [tilespmem:$0x9090];
	_ =	sdelay $0x4  }
0x1b: {  	v8 =	vshll.u32 v7, $0x1  }
0x1c: {  	v7 =	vand.u32 $0x7, v7;
	v8 =	vand.u32 $0xFFFFFFF0, v8  }
0x1d: {  	v7 =	vor.u32 v7, v8  }
0x1e: {  	v8 =	vperm.xlane v7, v4;
	_ =	sdelay $0x1  }
0x1f: {  	v7 =	vperm.xlane v7, v6;
	v8 =	vadd.s32 v5, v8;
	_ =	sdelay $0x1  }
0x20: {  	v7 =	vadd.s32 v5, v7;
	_ =	sdelay $0x1  }
0x21: {  	s30 =	simm.s32 $0xA100  }
0x22: {  	[tilespmem:s30], [sflag:$0x1] =	stream.indirect_vreg.gather [hbm4b:s2+s3], $0x80, v8, vm0, $0xb8;
	[tilespmem:$0xD100] =	vst v63  }
0x23: {  	s31 =	simm.s32 $0xA900  }
0x24: {  	[tilespmem:s31], [sflag:$0x1] =	stream.indirect_vreg.gather [hbm4b:s2+s3], $0x80, v7, vm0, $0xb8;
	[tilespmem:$0xD100] =	vst v63  }
0x25: {  	v7 =	vld [tilespmem:$0x90A0];
	_ =	sdelay $0x4  }
0x26: {  	v8 =	vshll.u32 v7, $0x1  }
0x27: {  	v7 =	vand.u32 $0x7, v7;
	v8 =	vand.u32 $0xFFFFFFF0, v8  }
0x28: {  	v7 =	vor.u32 v7, v8  }
0x29: {  	v8 =	vperm.xlane v7, v4;
	_ =	sdelay $0x1  }
0x2a: {  	v7 =	vperm.xlane v7, v6;
	v8 =	vadd.s32 v5, v8;
	_ =	sdelay $0x1  }
0x2b: {  	v7 =	vadd.s32 v5, v7;
	_ =	sdelay $0x2  }
0x2c: {  	[tilespmem:s22], [sflag:$0x1] =	stream.indirect_vreg.gather [hbm4b:s2+s3], $0x80, v8, vm0, $0xb8;
	[tilespmem:$0xD100] =	vst v63  }
0x2d: {  	_ = 	snop  }
0x2e: {  	[tilespmem:s23], [sflag:$0x1] =	stream.indirect_vreg.gather [hbm4b:s2+s3], $0x80, v7, vm0, $0xb8;
	[tilespmem:$0xD100] =	vst v63  }
0x2f: {  	v7 =	vld [tilespmem:$0x90B0];
	_ =	sdelay $0x4  }
0x30: {  	v8 =	vshll.u32 v7, $0x1  }
0x31: {  	v7 =	vand.u32 $0x7, v7;
	v8 =	vand.u32 $0xFFFFFFF0, v8  }
0x32: {  	v7 =	vor.u32 v7, v8  }
0x33: {  	v8 =	vperm.xlane v7, v4;
	_ =	sdelay $0x1  }
0x34: {  	v7 =	vperm.xlane v7, v6;
	v8 =	vadd.s32 v5, v8;
	_ =	sdelay $0x1  }
0x35: {  	v7 =	vadd.s32 v5, v7;
	_ =	sdelay $0x2  }
0x36: {  	[tilespmem:s24], [sflag:$0x1] =	stream.indirect_vreg.gather [hbm4b:s2+s3], $0x80, v8, vm0, $0xb8;
	[tilespmem:$0xD100] =	vst v63  }
0x37: {  	_ = 	snop  }
0x38: {  	[tilespmem:s25], [sflag:$0x1] =	stream.indirect_vreg.gather [hbm4b:s2+s3], $0x80, v7, vm0, $0xb8;
	[tilespmem:$0xD100] =	vst v63  }
0x39: {  	_ =	swait.ge [sflag:s13], $0x4000  }
0x3a: {  	[sflag:s13] =	ssyncset.done $0x0  }
0x3b: {  	[sflag:s13] =	ssyncadd.s32 $0xFFFFC000  }
0x3c: {  	[hbm4b:s6+s3] =	stream.linear.scatter [tilespmem:s15], [sflag:$0x2], $0x40, $0x38;
	[tilespmem:$0xD100] =	vst v63  }
0x3d: {  	_ =	swait.ge [sflag:s12], $0x40  }
0x3e: {  	[sflag:s12] =	ssyncset.done $0x0  }
0x3f: {  	[sflag:s12] =	ssyncadd.s32 $0xFFFFFFC0  }
0x40: {  	[hbm4b:s7+s3] =	stream.linear.scatter [tilespmem:s16], [sflag:$0x2], $0x40, $0x38;
	[tilespmem:$0xD100] =	vst v63  }
0x41: {  	s26 =	sadd.s32 $0x1, s26;
	_ =	swait.ge [sflag:s12], $0x40  }
0x42: {  	p0 =	sne.s32 s26, s9;
	[sflag:s12] =	ssyncset.done $0x0  }
.Ltmp1:
0x43: {  	[sflag:s12] =	ssyncadd.s32 $0xFFFFFFC0;
	(pc) =	sbr.rel @!p0 .LBB2_24-.Ltmp1, $4  }
0x44: {  	[hbm4b:s8+s3] =	stream.linear.scatter [tilespmem:s18], [sflag:$0x2], $0x4000, $0x38;
	[tilespmem:$0xD100] =	vst v63  }
0x45: {  	_ =	swait.ge [sflag:s12], $0x4000  }
0x46: {  	[sflag:s12] =	ssyncset.done $0x0  }
0x47: {  	[sflag:s12] =	ssyncadd.s32 $0xFFFFC000  }
.LBB2_1:
0x48: {  	s0 =	simm.s32 $0x80;
	s1 =	simm.s32 $0x400  }
0x49: {  	[tilespmem:s3], [sflag:$0x2] =	stream.strided.gather [hbm4b:s5+s0], $0x8000, s1, s0, $0x38;
	[tilespmem:$0xD100] =	vst v63  }
0x4a: {  	_ =	swait.ge [sflag:s12], $0x8000  }
0x4b: {  	[sflag:s12] =	ssyncset.done $0x0  }
0x4c: {  	s0 =	simm.s32 $0x0;
	[sflag:s12] =	ssyncadd.s32 $0xFFFF8000  }
0x4d: {  	v16 =	vld [tilespmem:s0+$0x40]  }
0x4e: {  	v8 =	vld [tilespmem:s0+$0x50]  }
0x4f: {  	v7 =	vld [tilespmem:s0+$0x60]  }
0x50: {  	v11 =	vld [tilespmem:s0+$0x0]  }
0x51: {  	v10 =	vimm.f32 $-3.000000010e+38;
	v9 =	vld [tilespmem:s0+$0x10]  }
0x52: {  	v12 =	vimm.f32 $-3.000000010e+38;
	v13 =	vimm.f32 $-3.000000010e+38;
	v15 =	vimm.f32 $-3.000000010e+38;
	s1 =	simm.s32 $0x200;
	v14 =	vld [tilespmem:s0+$0x20]  }
.LBB2_2:
0x53: {  	p0 =	sne.s32 s1, $0x1FE00;
	v17 =	vld [tilespmem:s0+$0x30];
	v18 =	vmov v8  }
0x54: {  	v19 =	vld [tilespmem:s0+$0x70];
	s0 =	sshra.s32 s1, $0x2;
	v20 =	vmov v7  }
0x55: {  	v21 =	vld [tilespmem:s0+$0x40]  }
.Ltmp2:
0x56: {  	v10 =	vmax.f32 v10, v11;
	v8 =	vld [tilespmem:s0+$0x50];
	(pc) =	sbr.rel @p0 .LBB2_2-.Ltmp2, $4  }
0x57: {  	v10 =	vmax.f32 v10, v16;
	v7 =	vld [tilespmem:s0+$0x60]  }
0x58: {  	v12 =	vmax.f32 v12, v9;
	v13 =	vmax.f32 v13, v14;
	v11 =	vld [tilespmem:s0+$0x0];
	v14 =	vmax.f32 v15, v17  }
0x59: {  	v12 =	vmax.f32 v12, v18;
	v13 =	vmax.f32 v13, v20;
	v9 =	vld [tilespmem:s0+$0x10];
	v15 =	vmax.f32 v14, v19  }
0x5a: {  	s1 =	sadd.s32 $0x200, s1;
	v14 =	vld [tilespmem:s0+$0x20];
	v16 =	vmov v21  }
0x5b: {  	v17 =	vld [tilespmem:s0+$0x30]  }
0x5c: {  	v18 =	vld [tilespmem:s0+$0x70];
	_ =	sdelay $0x1  }
0x5d: {  	v10 =	vmax.f32 v10, v11  }
0x5e: {  	v10 =	vmax.f32 v10, v16  }
0x5f: {  	v9 =	vmax.f32 v12, v9;
	v11 =	vmax.f32 v13, v14;
	v63 =	vmax.f32 v15, v17  }
0x60: {  	v8 =	vmax.f32 v9, v8;
	v7 =	vmax.f32 v11, v7;
	v9 =	vmax.f32 v63, v18  }
0x61: {  	v8 =	vmin.f32 v10, v8;
	v7 =	vmin.f32 v7, v9  }
0x62: {  	v7 =	vmin.f32 v8, v7  }
0x63: {  	(xrf0) =	vmin.scan.msk.f32 $0xffff, v7;
	_ =	sdelay $0x5  }
0x64: {  	v7, _, _ =	vpop (xrf0)  }
0x65: {  	v7 =	vadd.f32 $0.0e+00, v7;
	_ =	sdelay $0x1  }
0x66: {  	s28 =	simm.s32 $0x0;
	s29 =	simm.s32 $0x20;
	s30 =	smov.u32 s4;
	v8 =	vbroadcast v7, $0xF;
	v7 =	vimm.s32 $0x0  }
.LBB2_5:
0x67: {  	v9 =	vxor.u32 $0x80000000, v7  }
0x68: {  	(xrf0) =	vmax.scan.msk.u32 $0xffff, v9;
	_ =	sdelay $0x5  }
0x69: {  	v9, _, _ =	vpop (xrf0)  }
0x6a: {  	(v2sf) =	vpush v9, $0xF;
	_ =	sdelay $0xe  }
0x6b: {  	s31 =	spop (v2sf)  }
0x6c: {  	p0 =	slt.u32 s31, $0x80000041  }
.Ltmp3:
0x6d: {  	_ = 	snop;
	(pc) =	sbr.rel @p0 .LBB2_14-.Ltmp3, $1  }
0x6e: {  	_ =	sdelay $0x3  }
0x6f: {  	s0 =	sadd.s32 $0x80000001, s31;
	p0 =	sne.s32 s31, $0xFFFFFFFF;
	s1 =	simm.s32 $0x1  }
0x70: {  	s1 =	simm.s32 @!p0 $0x0;
	s10 =	sshra.s32 s0, $0x1F  }
0x71: {  	s20 =	sand.u32 $0x1, s0;
	s1 =	sadd.s32 s1, s10  }
0x72: {  	p1 =	seq.s32 s20, $0x1;
	p6 =	sne.s32 s1, $0x1  }
.Ltmp4:
0x73: {  	s21 =	sshrl.u32 s0, $0x1F;
	p0 =	por !p6, !p1;
	(pc) =	sbr.rel .LBB2_7-.Ltmp4, $4  }
0x74: {  	s0 =	sadd.s32 s21, s0;
	s1 =	simm.s32 $0x1;
	p0 =	por !p0, !p0  }
0x75: {  	s0 =	sshra.s32 s0, $0x1;
	s1 =	simm.s32 @!p0 $0x0  }
0x76: {  	s1 =	ssub.s32 s0, s1  }
0x77: {  	s0 =	simm.s32 $0x0;
	p0 =	slt.s32 s1, $0x1  }
.LBB2_8:
0x78: {  	v10 =	vmov v1  }
.LBB2_12:
0x79: {  	(xrf0) =	vmax.scan.msk.f32 $0xffff, v8;
	_ =	sdelay $0x5  }
0x7a: {  	v9, _, _ =	vpop (xrf0)  }
0x7b: {  	v11 =	vbroadcast v9, $0xF;
	_ =	sdelay $0x1  }
0x7c: {  	vm1 =	veq.f32 v8, v11  }
0x7d: {  	v8 =	vnsel vm1, $0xC0000000, v10  }
0x7e: {  	(xrf0) =	vmin.scan.msk.u32 $0xffff, v8;
	_ =	sdelay $0x5  }
0x7f: {  	v8, _, _ =	vpop (xrf0)  }
0x80: {  	(v2sf) =	vpush v8, $0xF;
	_ =	sdelay $0xe  }
0x81: {  	s10 =	spop (v2sf)  }
0x82: {  	s10 =	sxor.u32 $0x80000000, s10  }
0x83: {  	v8 =	vmov s10;
	_ =	sdelay $0x3  }
0x84: {  	v10 =	vmov s0  }
0x85: {  	s0 =	sadd.s32 $0x1, s0;
	v12 =	vld.idx.msk [tilespmem:v8+s14+$0x0], $0xffff  }
0x86: {  	p1 =	sne.s32 s0, $0x40  }
.Ltmp5:
0x87: {  	v11 =	vadd.f32 $0.0e+00, v11;
	(pc) =	sbr.rel @!p1 .LBB2_13-.Ltmp5, $4  }
0x88: {  	_ = 	snop  }
0x89: {  	[tilespmem:v10+s15+$0x0] =	vst.idx.msk $0x1, v11  }
0x8a: {  	[tilespmem:v10+s16+$0x0] =	vst.idx.msk $0x1, v12  }
0x8b: {  	[tilespmem:v8+s17+$0x0] =	vst.idx.msk $0x1, v2  }
.LBB2_7:
.Ltmp6:
0x8c: {  	(pc) =	sbr.rel @p0 .LBB2_8-.Ltmp6, $2  }
0x8d: {  	_ =	sdelay $0x2  }
0x8e: {  	v8 =	vimm.f32 $-3.000000010e+38  }
0x8f: {  	s20 =	simm.s32 $0x8010  }
0x90: {  	s11 =	simm.s32 $0x0;
	p1 =	sne.s32 s1, $0x1;
	v11 =	vld [tilespmem:s20+$0xFFFFFFF0]  }
.Ltmp7:
0x91: {  	v9 =	vmov s11;
	(pc) =	sbr.rel @!p1 .LBB2_11-.Ltmp7, $3  }
0x92: {  	vm1 =	vlt.s32 v9, v7;
	v9 =	vld [tilespmem:s20+$0x0];
	_ =	sdelay $0x1  }
0x93: {  	s10 =	simm.s32 $0x1  }
0x94: {  	v10 =	vimm.s32 $0x0;
	s19 =	sadd.s32 $0xFFFFFFFF, s1;
	s21 =	simm.s32 $0x1;
	v12 =	vmov s10;
	s20 =	simm.s32 $0x8030;
	v11 =	vnsel vm1, $0xFF61B1E6, v11  }
.LBB2_10:
0x95: {  	v13 =	vld [tilespmem:s20+$0xFFFFFFF0];
	p1 =	sne.s32 s19, $0x1;
	s19 =	sadd.s32 $0xFFFFFFFF, s19;
	vm1 =	vgt.f32 v11, v8;
	vm2 =	vlt.s32 v12, v7  }
.Ltmp8:
0x96: {  	s21 =	sadd.s32 $0x2, s21;
	v8 =	vsel vm1, v11, v8;
	v10 =	vsel vm1, s11, v10;
	v11 =	vnsel vm2, $0xFF61B1E6, v9;
	(pc) =	sbr.rel @p1 .LBB2_10-.Ltmp8, $4  }
0x97: {  	s11 =	sadd.s32 $0xFFFFFFFF, s21;
	v9 =	vld [tilespmem:s20+$0x0];
	vm1 =	vgt.f32 v11, v8  }
0x98: {  	v12 =	vmov s11;
	v8 =	vsel vm1, v11, v8;
	v10 =	vsel vm1, s10, v10;
	s10 =	smov.u32 s21  }
0x99: {  	vm1 =	vlt.s32 v12, v7  }
0x9a: {  	s20 =	sadd.s32 $0x20, s20;
	v12 =	vmov s21;
	v11 =	vnsel vm1, $0xFF61B1E6, v13  }
.LBB2_11:
0x9b: {  	vm1 =	vgt.f32 v11, v8;
	vm2 =	vlt.s32 v12, v7  }
.Ltmp9:
0x9c: {  	v8 =	vsel vm1, v11, v8;
	v9 =	vnsel vm2, $0xFF61B1E6, v9;
	(pc) =	sbr.rel .LBB2_12-.Ltmp9, $4  }
0x9d: {  	v10 =	vsel vm1, s11, v10;
	vm1 =	vgt.f32 v9, v8  }
0x9e: {  	v10 =	vsel vm1, s10, v10  }
0x9f: {  	v10 =	vshll.u32 v10, $0x4  }
0xa0: {  	v8 =	vsel vm1, v9, v8;
	v10 =	vxor.u32 v1, v10  }
.LBB2_13:
0xa1: {  	v8 =	vld [tilespmem:$0x9000]  }
0xa2: {  	v10 =	vld [tilespmem:$0x9080]  }
0xa3: {  	v11 =	vld [tilespmem:$0x9010]  }
0xa4: {  	v12 =	vld [tilespmem:$0x9090]  }
0xa5: {  	v13 =	vld [tilespmem:$0x9020]  }
0xa6: {  	[tilespmem:$0x8000] =	vst v8;
	v8 =	vld [tilespmem:$0x90A0]  }
0xa7: {  	[tilespmem:$0x8800] =	vst v10;
	v10 =	vld [tilespmem:$0x9030]  }
0xa8: {  	[tilespmem:$0x8010] =	vst v11;
	v11 =	vld [tilespmem:$0x90B0]  }
0xa9: {  	[tilespmem:$0x8810] =	vst v12  }
0xaa: {  	[tilespmem:$0x8020] =	vst v13  }
0xab: {  	[tilespmem:$0x8820] =	vst v8;
	v8 =	vadd.f32 $0.0e+00, v9  }
0xac: {  	[tilespmem:$0x8030] =	vst v10  }
0xad: {  	[tilespmem:$0x8830] =	vst v11;
	v8 =	vbroadcast v8, $0xF  }
.LBB2_14:
0xae: {  	p0 =	sgt.u32 s31, $0x80000040  }
0xaf: {  	s0 =	simm.s32 $0x0;
	s1 =	smov.u32 s29;
	v7 =	vpsel p0, $0x4, v7  }
.LBB2_15:
0xb0: {  	v9 =	vld [tilespmem:s1+$0xFFFFFFE0];
	_ =	sdelay $0x4  }
0xb1: {  	v10 =	vshll.u32 v7, $0x4;
	vm1 =	vge.f32 v9, v8  }
0xb2: {  	v10 =	vor.u32 v0, v10;
	_ =	sdelay $0x2  }
0xb3: {  	s10 =	sadd.s32 s0, s30  }
0xb4: {  	s11 =	sadd.s32 $0x20000, s10  }
0xb5: {  	[tilespmem:v10+s17+$0x0] =	vst.idx.msk vm1, v9;
	v9 =	vor.u32 s11, v0  }
0xb6: {  	[tilespmem:v10+s14+$0x0] =	vst.idx.msk vm1, v9  }
0xb7: {  	v9 =	vld [tilespmem:s1+$0xFFFFFFF0];
	_ =	sdelay $0x2  }
0xb8: {  	v10 =	vsel vm1, $0x1, v3  }
0xb9: {  	v7 =	vadd.s32 v10, v7  }
0xba: {  	v10 =	vshll.u32 v7, $0x4;
	vm1 =	vge.f32 v9, v8  }
0xbb: {  	v10 =	vor.u32 v0, v10;
	_ =	sdelay $0x3  }
0xbc: {  	s21 =	sadd.s32 $0x20010, s10  }
0xbd: {  	[tilespmem:v10+s17+$0x0] =	vst.idx.msk vm1, v9;
	v9 =	vor.u32 s21, v0  }
0xbe: {  	[tilespmem:v10+s14+$0x0] =	vst.idx.msk vm1, v9  }
0xbf: {  	v9 =	vld [tilespmem:s1+$0x0];
	_ =	sdelay $0x2  }
0xc0: {  	v10 =	vsel vm1, $0x1, v3  }
0xc1: {  	v7 =	vadd.s32 v10, v7  }
0xc2: {  	v10 =	vshll.u32 v7, $0x4;
	vm1 =	vge.f32 v9, v8  }
0xc3: {  	v10 =	vor.u32 v0, v10;
	_ =	sdelay $0x3  }
0xc4: {  	s31 =	sadd.s32 $0x20020, s10  }
0xc5: {  	[tilespmem:v10+s17+$0x0] =	vst.idx.msk vm1, v9;
	v9 =	vor.u32 s31, v0  }
0xc6: {  	[tilespmem:v10+s14+$0x0] =	vst.idx.msk vm1, v9  }
0xc7: {  	v9 =	vld [tilespmem:s1+$0x10];
	_ =	sdelay $0x2  }
0xc8: {  	v10 =	vsel vm1, $0x1, v3  }
0xc9: {  	v7 =	vadd.s32 v10, v7  }
0xca: {  	v10 =	vshll.u32 v7, $0x4;
	vm1 =	vge.f32 v9, v8  }
0xcb: {  	v10 =	vor.u32 v0, v10  }
0xcc: {  	p0 =	seq.s32 s0, $0x3C0  }
.Ltmp10:
0xcd: {  	_ = 	snop;
	(pc) =	sbr.rel @!p0 .LBB2_15-.Ltmp10, $4  }
0xce: {  	_ = 	snop  }
0xcf: {  	s10 =	sadd.s32 $0x20030, s10  }
0xd0: {  	v11 =	vsel vm1, $0x1, v3;
	[tilespmem:v10+s17+$0x0] =	vst.idx.msk vm1, v9;
	v9 =	vor.u32 s10, v0  }
0xd1: {  	s0 =	sadd.s32 $0x40, s0;
	s1 =	sadd.s32 $0x40, s1;
	v7 =	vadd.s32 v11, v7;
	[tilespmem:v10+s14+$0x0] =	vst.idx.msk vm1, v9  }
0xd2: {  	s28 =	sadd.s32 $0x1, s28  }
0xd3: {  	p0 =	seq.s32 s28, $0x20  }
.Ltmp11:
0xd4: {  	_ = 	snop;
	(pc) =	sbr.rel @!p0 .LBB2_5-.Ltmp11, $2  }
0xd5: {  	_ =	sdelay $0x2  }
0xd6: {  	s30 =	sadd.s32 $0x400, s30;
	s29 =	sadd.s32 $0x400, s29  }
0xd7: {  	v8 =	vxor.u32 $0x80000000, v7  }
0xd8: {  	(xrf0) =	vmax.scan.msk.u32 $0xffff, v8;
	_ =	sdelay $0x5  }
0xd9: {  	v8, _, _ =	vpop (xrf0)  }
0xda: {  	(v2sf) =	vpush v8, $0xF;
	_ =	sdelay $0xe  }
0xdb: {  	s0 =	spop (v2sf)  }
0xdc: {  	s1 =	sadd.s32 $0x80000001, s0;
	p0 =	slt.s32 s0, $0xFFFFFFFF;
	s0 =	simm.s32 $0x1  }
0xdd: {  	s0 =	simm.s32 @!p0 $0x0;
	s10 =	sshra.s32 s1, $0x1F  }
0xde: {  	s30 =	sand.u32 $0x1, s1;
	s0 =	sadd.s32 s0, s10  }
0xdf: {  	p1 =	seq.s32 s30, $0x1;
	p6 =	sne.s32 s0, $0x1  }
.Ltmp12:
0xe0: {  	s31 =	sshrl.u32 s1, $0x1F;
	p0 =	por !p6, !p1;
	(pc) =	sbr.rel .LBB2_17-.Ltmp12, $4  }
0xe1: {  	s0 =	sadd.s32 s31, s1;
	s1 =	simm.s32 $0x1;
	p0 =	por !p0, !p0  }
0xe2: {  	s0 =	sshra.s32 s0, $0x1;
	s1 =	simm.s32 @!p0 $0x0  }
0xe3: {  	s1 =	ssub.s32 s0, s1  }
0xe4: {  	s0 =	simm.s32 $0x0;
	p0 =	slt.s32 s1, $0x1  }
.LBB2_18:
0xe5: {  	v9 =	vmov v1  }
.LBB2_22:
0xe6: {  	(xrf0) =	vmax.scan.msk.f32 $0xffff, v8;
	_ =	sdelay $0x5  }
0xe7: {  	v10, _, _ =	vpop (xrf0)  }
0xe8: {  	v10 =	vbroadcast v10, $0xF;
	_ =	sdelay $0x1  }
0xe9: {  	vm1 =	veq.f32 v8, v10  }
0xea: {  	v8 =	vnsel vm1, $0xC0000000, v9  }
0xeb: {  	(xrf0) =	vmin.scan.msk.u32 $0xffff, v8;
	_ =	sdelay $0x5  }
0xec: {  	v8, _, _ =	vpop (xrf0)  }
0xed: {  	(v2sf) =	vpush v8, $0xF;
	_ =	sdelay $0xe  }
0xee: {  	s10 =	spop (v2sf)  }
0xef: {  	s10 =	sxor.u32 $0x80000000, s10  }
0xf0: {  	v8 =	vmov s10;
	_ =	sdelay $0x3  }
0xf1: {  	v63 =	vmov s0  }
0xf2: {  	s0 =	sadd.s32 $0x1, s0;
	v11 =	vld.idx.msk [tilespmem:v8+s14+$0x0], $0xffff  }
0xf3: {  	p1 =	sne.s32 s0, $0x40  }
.Ltmp13:
0xf4: {  	v10 =	vadd.f32 $0.0e+00, v10;
	(pc) =	sbr.rel @!p1 .LBB2_23-.Ltmp13, $4  }
0xf5: {  	_ = 	snop  }
0xf6: {  	[tilespmem:v63+s15+$0x0] =	vst.idx.msk $0x1, v10  }
0xf7: {  	[tilespmem:v63+s16+$0x0] =	vst.idx.msk $0x1, v11  }
0xf8: {  	[tilespmem:v8+s17+$0x0] =	vst.idx.msk $0x1, v2  }
.LBB2_17:
.Ltmp14:
0xf9: {  	(pc) =	sbr.rel @p0 .LBB2_18-.Ltmp14, $2  }
0xfa: {  	_ =	sdelay $0x2  }
0xfb: {  	v8 =	vimm.f32 $-3.000000010e+38  }
0xfc: {  	s20 =	simm.s32 $0x8010  }
0xfd: {  	s11 =	simm.s32 $0x0;
	p1 =	sne.s32 s1, $0x1;
	v11 =	vld [tilespmem:s20+$0xFFFFFFF0]  }
.Ltmp15:
0xfe: {  	v9 =	vmov s11;
	(pc) =	sbr.rel @!p1 .LBB2_21-.Ltmp15, $3  }
0xff: {  	vm1 =	vlt.s32 v9, v7;
	v9 =	vld [tilespmem:s20+$0x0];
	_ =	sdelay $0x1  }
0x100: {  	s10 =	simm.s32 $0x1  }
0x101: {  	v10 =	vimm.s32 $0x0;
	s19 =	sadd.s32 $0xFFFFFFFF, s1;
	s21 =	simm.s32 $0x1;
	v12 =	vmov s10;
	s20 =	simm.s32 $0x8030;
	v11 =	vnsel vm1, $0xFF61B1E6, v11  }
.LBB2_20:
0x102: {  	v13 =	vld [tilespmem:s20+$0xFFFFFFF0];
	p1 =	sne.s32 s19, $0x1;
	s19 =	sadd.s32 $0xFFFFFFFF, s19;
	vm1 =	vgt.f32 v11, v8;
	vm2 =	vlt.s32 v12, v7  }
.Ltmp16:
0x103: {  	s21 =	sadd.s32 $0x2, s21;
	v8 =	vsel vm1, v11, v8;
	v10 =	vsel vm1, s11, v10;
	v11 =	vnsel vm2, $0xFF61B1E6, v9;
	(pc) =	sbr.rel @p1 .LBB2_20-.Ltmp16, $4  }
0x104: {  	s11 =	sadd.s32 $0xFFFFFFFF, s21;
	v9 =	vld [tilespmem:s20+$0x0];
	vm1 =	vgt.f32 v11, v8  }
0x105: {  	v12 =	vmov s11;
	v8 =	vsel vm1, v11, v8;
	v10 =	vsel vm1, s10, v10;
	s10 =	smov.u32 s21  }
0x106: {  	vm1 =	vlt.s32 v12, v7  }
0x107: {  	s20 =	sadd.s32 $0x20, s20;
	v12 =	vmov s21;
	v11 =	vnsel vm1, $0xFF61B1E6, v13  }
.LBB2_21:
0x108: {  	vm1 =	vgt.f32 v11, v8;
	vm2 =	vlt.s32 v12, v7  }
.Ltmp17:
0x109: {  	v8 =	vsel vm1, v11, v8;
	v9 =	vnsel vm2, $0xFF61B1E6, v9;
	(pc) =	sbr.rel .LBB2_22-.Ltmp17, $4  }
0x10a: {  	v10 =	vsel vm1, s11, v10;
	vm1 =	vgt.f32 v9, v8  }
0x10b: {  	v10 =	vsel vm1, s10, v10  }
0x10c: {  	v10 =	vshll.u32 v10, $0x4  }
0x10d: {  	v8 =	vsel vm1, v9, v8;
	v9 =	vxor.u32 v1, v10  }
.LBB2_24:
0x10e: {  	_ =	sfence.sel $0x180000  }
0x10f: {  	[bflag:$0x0] =	sbarrier.arrive $0xFFFF  }
0x110: {  	_ =	strace $0x90000053  }
0x111: {  	s0 =	stileid.u32;
	[bflag:$0x2] =	sbarrier.arrive $0xFFFF  }
0x112: {  	p0 =	sne.s32 s0, $0x0;
	s0 =	rddreg [dreg:$0x2]  }
0x113: {  	s0 =	sadd.s32 @!p0 $0x100000, s0  }
0x114: {  	[sflag:s0] =	ssyncadd.tile.s32 @!p0 $0x1;
	_ =	shalt  }
.Lfunc_end2:
_tile_overlayer_lowered:
.L_overlay_start_2:
0x115: {  	(tag) =	ssettag $0x2  }
0x116: {  	s0 =	rddreg [dreg:$0x0];
	s2 =	stileid.u32  }
0x117: {  	s1 =	rddreg [dreg:$0x1];
	p0 =	sne.s32 s2, $0x0  }
0x118: {  	s3 =	rddreg [dreg:$0x2];
	[bflag:$0x3] =	sbarrier.arrive $0xFFFF;
	s2 =	simm.s32 @!p0 $0x1C02  }
0x119: {  	[timem:s3], [sflag:s2] =	dma.local @!p0 [hbm:s0], s1  }
0x11a: {  	s0 =	simm.s32 @!p0 $0x2  }
0x11b: {  	_ =	swait.ge @!p0 [sflag:s0], s1  }
0x11c: {  	s1 =	ssub.s32 @!p0 $0x0, s1;
	[sflag:s0] =	ssyncset.done @!p0 $0x0  }
0x11d: {  	[sflag:s0] =	ssyncadd.s32 @!p0 s1  }
0x11e: {  	[bflag:$0x3] =	sbarrier.arrive $0xFFFF  }
0x11f: {  	_ =	shalt  }

</sc_bundles>
